<compile_context>
chip_gen: v7x
topology: tpu7x:2x2x1
jax: 0.10.2.dev20260603
libtpu: 0.0.44.dev20260713+nightly
codegen_flags: <defaults>
</compile_context>

<pallas_src>
import functools

import jax
import jax.numpy as jnp
from jax import lax
from jax.experimental import pallas as pl
from jax.experimental.pallas import tpu as pltpu
from jax.experimental.pallas import tpu_sc as plsc

_NUM_CORES = 2
_NUM_SUBCORES = 16
_NUM_WORKERS = _NUM_CORES * _NUM_SUBCORES
_LANES = 16

_BATCH = 16384
_SEQ = 50
_DIM = 32
_OUT_DIM = 16

_ROWS_W = _BATCH // _NUM_WORKERS
_CB = 32
_G = _CB * _SEQ
_SUB = 80
_NSUB = _G // _SUB
_NCHUNK = _ROWS_W // _CB
_NROWIDX = _ROWS_W * _SEQ // _SUB
_VOCAB = 1000000

_PROJ_BLK = 32768

_mesh = plsc.VectorSubcoreMesh(core_axis_name="c", subcore_axis_name="s")


@functools.partial(
    pl.kernel,
    out_type=jax.ShapeDtypeStruct((_BATCH, _OUT_DIM), jnp.float32),
    mesh=_mesh,
    scratch_types=[
        pltpu.VMEM((_NROWIDX, _SUB), jnp.int32),
        pltpu.VMEM((2, _G, _OUT_DIM), jnp.float32),
        pltpu.VMEM((_ROWS_W, _OUT_DIM), jnp.float32),
        pltpu.SemaphoreType.DMA,
        pltpu.SemaphoreType.DMA,
    ],
    compiler_params=pltpu.CompilerParams(use_tc_tiling_on_sc=False),
)
def _gather_pool(idx_hbm, table_hbm, out_hbm, idx_v, rows_v, out_v, sem0, sem1):
    wid = lax.axis_index("s") * _NUM_CORES + lax.axis_index("c")
    sems = (sem0, sem1)

    pltpu.sync_copy(idx_hbm.at[wid], idx_v)

    def fire(chunk, b):
        for j in range(_NSUB):
            pltpu.async_copy(
                table_hbm.at[idx_v.at[chunk * _NSUB + j]],
                rows_v.at[b].at[pl.ds(j * _SUB, _SUB)],
                sems[b],
            )

    def drain(b):
        pltpu.make_async_copy(
            table_hbm.at[pl.ds(0, _G)], rows_v.at[b], sems[b]
        ).wait()

    def reduce(chunk, b):
        rows = rows_v.at[b]

        @pl.loop(0, _CB)
        def _row(r):
            base = r * _SEQ
            acc = [None] * 4
            for t in range(_SEQ):
                v = rows[base + t]
                a = t % 4
                acc[a] = v if acc[a] is None else acc[a] + v
            out_v[chunk * _CB + r] = (acc[0] + acc[1]) + (acc[2] + acc[3])

    fire(0, 0)

    @pl.loop(0, _NCHUNK - 2, step=2)
    def _chunks(c):
        for b in range(2):
            fire(c + b + 1, 1 - b)
            drain(b)
            reduce(c + b, b)

    fire(_NCHUNK - 1, 1)
    drain(0)
    reduce(_NCHUNK - 2, 0)
    drain(1)
    reduce(_NCHUNK - 1, 1)

    pltpu.sync_copy(out_v, out_hbm.at[pl.ds(wid * _ROWS_W, _ROWS_W)])


def _project_table(emb_t, projection):
    pack = 128 // _OUT_DIM

    def body(a_ref, p_ref, o_ref, d_ref):
        d_ref[...] = lax.dot_general(
            a_ref[...].astype(jnp.bfloat16),
            p_ref[...].astype(jnp.bfloat16),
            (((0,), (0,)), ((), ())),
            preferred_element_type=jnp.float32,
        )
        lane = lax.broadcasted_iota(jnp.int32, (_PROJ_BLK // pack, 128), 1)
        group = lane // _OUT_DIM
        acc = d_ref[0::pack, :]
        for m in range(1, pack):
            acc = jnp.where(group == m, d_ref[m::pack, :], acc)
        o_ref[...] = acc

    grid = (_VOCAB + _PROJ_BLK - 1) // _PROJ_BLK
    p_tiled = jnp.tile(projection * (1.0 / _SEQ), (1, pack))
    out = pl.pallas_call(
        body,
        grid=(grid,),
        in_specs=[
            pl.BlockSpec((_DIM, _PROJ_BLK), lambda i: (0, i)),
            pl.BlockSpec((_DIM, 128), lambda i: (0, 0)),
        ],
        out_specs=pl.BlockSpec((_PROJ_BLK // pack, 128), lambda i: (i, 0)),
        out_shape=jax.ShapeDtypeStruct((_VOCAB // pack, 128), jnp.float32),
        scratch_shapes=[pltpu.VMEM((_PROJ_BLK, 128), jnp.float32)],
    )(emb_t, p_tiled)
    return out.reshape(_VOCAB, _OUT_DIM)


def kernel(token_ids, embeddings, projection):
    flat = token_ids.astype(jnp.int32).reshape(_NUM_WORKERS, _NROWIDX, _SUB)
    table_p = _project_table(embeddings.T, projection)
    return _gather_pool(flat, table_p)

# --- scband reference (transcript-rebuilt; emitter-appended) ---
"""Pipeline reference for scband-language-encoder-19456201851408 (READ-ONLY COPY).

The authoritative reference and input builder live on the scoring server;
editing this copy changes nothing except your own understanding.
"""

import jax, jax.numpy as jnp
import numpy as np
import math

VOCAB_SIZE = 1000000
EMBED_DIM = 32
OUTPUT_DIM = 16
BATCH = 16384
SEQ_LEN = 50


def setup_inputs(seed: int = 0) -> dict:
    key = jax.random.key(seed)
    k_tok, k_emb, k_proj = jax.random.split(key, 3)
    token_ids = jax.random.randint(k_tok, (BATCH, SEQ_LEN), 0, VOCAB_SIZE, dtype=jnp.int64 if jax.config.jax_enable_x64 else jnp.int32).astype(jnp.int32)
    embeddings = jax.random.normal(k_emb, (VOCAB_SIZE, EMBED_DIM), dtype=jnp.float32) / math.sqrt(EMBED_DIM)
    projection = jax.random.normal(k_proj, (EMBED_DIM, OUTPUT_DIM), dtype=jnp.float32) / math.sqrt(EMBED_DIM)
    return {"token_ids": token_ids, "embeddings": embeddings, "projection": projection}


def reference(token_ids, embeddings, projection):
    # token_ids: [batch, seq_len]
    squeeze = token_ids.ndim == 1
    if squeeze:
        token_ids = token_ids[None, :]
    embeds = jnp.take(embeddings, token_ids, axis=0)  # [B, L, embed_dim]
    pooled = embeds.mean(axis=1)                       # [B, embed_dim]
    output = pooled @ projection                       # [B, output_dim]
    if squeeze:
        output = output[0]
    return output

if __name__ == "__main__":
    import jax
    _d = setup_inputs()
    print(jax.jit(kernel)(*tuple(_d.values())))

</pallas_src>

<mosaic_0001>
#map = affine_map<(d0, d1) -> (0, 0, 0)>
#map1 = affine_map<(d0, d1) -> (0, 0)>
module attributes {stable_mosaic.version = 14 : i64} {
  func.func @_gather_pool(%arg0: i32, %arg1: i32, %arg2: memref<32x320x80xi32, #tpu.memory_space<hbm>>, %arg3: memref<1000000x16xf32, #tpu.memory_space<hbm>>, %arg4: memref<16384x16xf32, #tpu.memory_space<hbm>>, %arg5: memref<320x80xi32, #tpu.memory_space<vmem>>, %arg6: memref<2x1600x16xf32, #tpu.memory_space<vmem>>, %arg7: memref<512x16xf32, #tpu.memory_space<vmem>>, %arg8: memref<!tpu.dma_semaphore, #tpu.memory_space<semaphore_mem>>, %arg9: memref<!tpu.dma_semaphore, #tpu.memory_space<semaphore_mem>>) attributes {dimension_semantics = [#tpu.dimension_semantics<core_parallel>, #tpu.dimension_semantics<subcore_parallel>], iteration_bounds = array<i64: 2, 16>, scalar_prefetch = 0 : i64, scratch_operands = 5 : i64, tpu.core_type = #tpu.core_type<sc_vector_subcore>, window_params = [{transform_indices = #map}, {transform_indices = #map1}, {transform_indices = #map1}]} {
    %mul3A = arith.constant 2 : i32
    %mul3A_0 = arith.muli %arg1, %mul3A : i32
    %add3A = arith.addi %mul3A_0, %arg0 : i32
    "tpu.region"() ({
      %run_scoped3A = tpu.sem_alloc : memref<!tpu.dma_semaphore, #tpu.memory_space<semaphore_mem>>
      %dma_start3A_647 = arith.constant 0 : i32
      %dma_start3A_648 = arith.constant 0 : i32
      %dma_start3A_649 = tpu.memref_slice %arg2[%add3A, %dma_start3A_647, %dma_start3A_648] : memref<32x320x80xi32, #tpu.memory_space<hbm>> -> memref<1x320x80xi32, #tpu.memory_space<hbm>>
      %dma_start3A_650 = tpu.memref_squeeze %dma_start3A_649 : memref<1x320x80xi32, #tpu.memory_space<hbm>> -> memref<320x80xi32, #tpu.memory_space<hbm>>
      %dma_start3A_651 = arith.constant 0 : i32
      %dma_start3A_652 = arith.constant 0 : i32
      %dma_start3A_653 = tpu.memref_slice %arg2[%add3A, %dma_start3A_651, %dma_start3A_652] : memref<32x320x80xi32, #tpu.memory_space<hbm>> -> memref<1x320x80xi32, #tpu.memory_space<hbm>>
      %dma_start3A_654 = tpu.memref_squeeze %dma_start3A_653 : memref<1x320x80xi32, #tpu.memory_space<hbm>> -> memref<320x80xi32, #tpu.memory_space<hbm>>
      tpu.enqueue_dma source(%dma_start3A_654 : memref<320x80xi32, #tpu.memory_space<hbm>>) target(%arg5 : memref<320x80xi32, #tpu.memory_space<vmem>>) target_semaphore(%run_scoped3A : memref<!tpu.dma_semaphore, #tpu.memory_space<semaphore_mem>>)
      %dma_wait3A_655 = arith.constant 0 : i32
      %dma_wait3A_656 = arith.constant 0 : i32
      %dma_wait3A_657 = tpu.memref_slice %arg2[%add3A, %dma_wait3A_655, %dma_wait3A_656] : memref<32x320x80xi32, #tpu.memory_space<hbm>> -> memref<1x320x80xi32, #tpu.memory_space<hbm>>
      %dma_wait3A_658 = tpu.memref_squeeze %dma_wait3A_657 : memref<1x320x80xi32, #tpu.memory_space<hbm>> -> memref<320x80xi32, #tpu.memory_space<hbm>>
      %dma_wait3A_659 = arith.constant 0 : i32
      %dma_wait3A_660 = arith.constant 0 : i32
      %dma_wait3A_661 = tpu.memref_slice %arg2[%add3A, %dma_wait3A_659, %dma_wait3A_660] : memref<32x320x80xi32, #tpu.memory_space<hbm>> -> memref<1x320x80xi32, #tpu.memory_space<hbm>>
      %dma_wait3A_662 = tpu.memref_squeeze %dma_wait3A_661 : memref<1x320x80xi32, #tpu.memory_space<hbm>> -> memref<320x80xi32, #tpu.memory_space<hbm>>
      tpu.wait_dma2 semaphore(%run_scoped3A : memref<!tpu.dma_semaphore, #tpu.memory_space<semaphore_mem>>) src(%dma_wait3A_662 : memref<320x80xi32, #tpu.memory_space<hbm>>) dst(%arg5 : memref<320x80xi32, #tpu.memory_space<vmem>>)
      tpu.yield
    }) : () -> ()
    %dma_start3A = arith.constant 0 : i32
    %dma_start3A_1 = arith.constant 0 : i32
    %dma_start3A_2 = arith.constant 0 : i32
    %dma_start3A_3 = arith.constant 0 : i32
    %dma_start3A_4 = tpu.memref_slice %arg6[%dma_start3A_1, %dma_start3A_2, %dma_start3A_3] : memref<2x1600x16xf32, #tpu.memory_space<vmem>> -> memref<1x1600x16xf32, #tpu.memory_space<vmem>>
    %dma_start3A_5 = tpu.memref_squeeze %dma_start3A_4 : memref<1x1600x16xf32, #tpu.memory_space<vmem>> -> memref<1600x16xf32, #tpu.memory_space<vmem>>
    %dma_start3A_6 = arith.constant 0 : i32
    %dma_start3A_7 = arith.constant 0 : i32
    %dma_start3A_8 = tpu.memref_slice %dma_start3A_5[%dma_start3A_6, %dma_start3A_7] : memref<1600x16xf32, #tpu.memory_space<vmem>> -> memref<80x16xf32, #tpu.memory_space<vmem>>
    %dma_start3A_9 = arith.constant 0 : i32
    %dma_start3A_10 = tpu.memref_slice %arg5[%dma_start3A, %dma_start3A_9] : memref<320x80xi32, #tpu.memory_space<vmem>> -> memref<1x80xi32, #tpu.memory_space<vmem>>
    %dma_start3A_11 = tpu.memref_squeeze %dma_start3A_10 : memref<1x80xi32, #tpu.memory_space<vmem>> -> memref<80xi32, #tpu.memory_space<vmem>>
    %dma_start3A_12 = arith.constant 0 : i32
    %dma_start3A_13 = arith.constant 0 : i32
    %dma_start3A_14 = tpu.memref_slice %arg3[%dma_start3A_12, %dma_start3A_13] : memref<1000000x16xf32, #tpu.memory_space<hbm>> -> memref<1000000x16xf32, #tpu.memory_space<hbm>>
    tpu.enqueue_indirect_dma source(%dma_start3A_14 : memref<1000000x16xf32, #tpu.memory_space<hbm>>) target(%dma_start3A_8 : memref<80x16xf32, #tpu.memory_space<vmem>>) offsets(%dma_start3A_11 : memref<80xi32, #tpu.memory_space<vmem>>) semaphore(%arg8 : memref<!tpu.dma_semaphore, #tpu.memory_space<semaphore_mem>>)
    %dma_start3A_15 = arith.constant 1 : i32
    %dma_start3A_16 = arith.constant 0 : i32
    %dma_start3A_17 = arith.constant 0 : i32
    %dma_start3A_18 = arith.constant 0 : i32
    %dma_start3A_19 = tpu.memref_slice %arg6[%dma_start3A_16, %dma_start3A_17, %dma_start3A_18] : memref<2x1600x16xf32, #tpu.memory_space<vmem>> -> memref<1x1600x16xf32, #tpu.memory_space<vmem>>
    %dma_start3A_20 = tpu.memref_squeeze %dma_start3A_19 : memref<1x1600x16xf32, #tpu.memory_space<vmem>> -> memref<1600x16xf32, #tpu.memory_space<vmem>>
    %dma_start3A_21 = arith.constant 80 : i32
    %dma_start3A_22 = arith.constant 0 : i32
    %dma_start3A_23 = tpu.memref_slice %dma_start3A_20[%dma_start3A_21, %dma_start3A_22] : memref<1600x16xf32, #tpu.memory_space<vmem>> -> memref<80x16xf32, #tpu.memory_space<vmem>>
    %dma_start3A_24 = arith.constant 0 : i32
    %dma_start3A_25 = tpu.memref_slice %arg5[%dma_start3A_15, %dma_start3A_24] : memref<320x80xi32, #tpu.memory_space<vmem>> -> memref<1x80xi32, #tpu.memory_space<vmem>>
    %dma_start3A_26 = tpu.memref_squeeze %dma_start3A_25 : memref<1x80xi32, #tpu.memory_space<vmem>> -> memref<80xi32, #tpu.memory_space<vmem>>
    %dma_start3A_27 = arith.constant 0 : i32
    %dma_start3A_28 = arith.constant 0 : i32
    %dma_start3A_29 = tpu.memref_slice %arg3[%dma_start3A_27, %dma_start3A_28] : memref<1000000x16xf32, #tpu.memory_space<hbm>> -> memref<1000000x16xf32, #tpu.memory_space<hbm>>
    tpu.enqueue_indirect_dma source(%dma_start3A_29 : memref<1000000x16xf32, #tpu.memory_space<hbm>>) target(%dma_start3A_23 : memref<80x16xf32, #tpu.memory_space<vmem>>) offsets(%dma_start3A_26 : memref<80xi32, #tpu.memory_space<vmem>>) semaphore(%arg8 : memref<!tpu.dma_semaphore, #tpu.memory_space<semaphore_mem>>)
    %dma_start3A_30 = arith.constant 2 : i32
    %dma_start3A_31 = arith.constant 0 : i32
    %dma_start3A_32 = arith.constant 0 : i32
    %dma_start3A_33 = arith.constant 0 : i32
    %dma_start3A_34 = tpu.memref_slice %arg6[%dma_start3A_31, %dma_start3A_32, %dma_start3A_33] : memref<2x1600x16xf32, #tpu.memory_space<vmem>> -> memref<1x1600x16xf32, #tpu.memory_space<vmem>>
    %dma_start3A_35 = tpu.memref_squeeze %dma_start3A_34 : memref<1x1600x16xf32, #tpu.memory_space<vmem>> -> memref<1600x16xf32, #tpu.memory_space<vmem>>
    %dma_start3A_36 = arith.constant 160 : i32
    %dma_start3A_37 = arith.constant 0 : i32
    %dma_start3A_38 = tpu.memref_slice %dma_start3A_35[%dma_start3A_36, %dma_start3A_37] : memref<1600x16xf32, #tpu.memory_space<vmem>> -> memref<80x16xf32, #tpu.memory_space<vmem>>
    %dma_start3A_39 = arith.constant 0 : i32
    %dma_start3A_40 = tpu.memref_slice %arg5[%dma_start3A_30, %dma_start3A_39] : memref<320x80xi32, #tpu.memory_space<vmem>> -> memref<1x80xi32, #tpu.memory_space<vmem>>
    %dma_start3A_41 = tpu.memref_squeeze %dma_start3A_40 : memref<1x80xi32, #tpu.memory_space<vmem>> -> memref<80xi32, #tpu.memory_space<vmem>>
    %dma_start3A_42 = arith.constant 0 : i32
    %dma_start3A_43 = arith.constant 0 : i32
    %dma_start3A_44 = tpu.memref_slice %arg3[%dma_start3A_42, %dma_start3A_43] : memref<1000000x16xf32, #tpu.memory_space<hbm>> -> memref<1000000x16xf32, #tpu.memory_space<hbm>>
    tpu.enqueue_indirect_dma source(%dma_start3A_44 : memref<1000000x16xf32, #tpu.memory_space<hbm>>) target(%dma_start3A_38 : memref<80x16xf32, #tpu.memory_space<vmem>>) offsets(%dma_start3A_41 : memref<80xi32, #tpu.memory_space<vmem>>) semaphore(%arg8 : memref<!tpu.dma_semaphore, #tpu.memory_space<semaphore_mem>>)
    %dma_start3A_45 = arith.constant 3 : i32
    %dma_start3A_46 = arith.constant 0 : i32
    %dma_start3A_47 = arith.constant 0 : i32
    %dma_start3A_48 = arith.constant 0 : i32
    %dma_start3A_49 = tpu.memref_slice %arg6[%dma_start3A_46, %dma_start3A_47, %dma_start3A_48] : memref<2x1600x16xf32, #tpu.memory_space<vmem>> -> memref<1x1600x16xf32, #tpu.memory_space<vmem>>
    %dma_start3A_50 = tpu.memref_squeeze %dma_start3A_49 : memref<1x1600x16xf32, #tpu.memory_space<vmem>> -> memref<1600x16xf32, #tpu.memory_space<vmem>>
    %dma_start3A_51 = arith.constant 240 : i32
    %dma_start3A_52 = arith.constant 0 : i32
    %dma_start3A_53 = tpu.memref_slice %dma_start3A_50[%dma_start3A_51, %dma_start3A_52] : memref<1600x16xf32, #tpu.memory_space<vmem>> -> memref<80x16xf32, #tpu.memory_space<vmem>>
    %dma_start3A_54 = arith.constant 0 : i32
    %dma_start3A_55 = tpu.memref_slice %arg5[%dma_start3A_45, %dma_start3A_54] : memref<320x80xi32, #tpu.memory_space<vmem>> -> memref<1x80xi32, #tpu.memory_space<vmem>>
    %dma_start3A_56 = tpu.memref_squeeze %dma_start3A_55 : memref<1x80xi32, #tpu.memory_space<vmem>> -> memref<80xi32, #tpu.memory_space<vmem>>
    %dma_start3A_57 = arith.constant 0 : i32
    %dma_start3A_58 = arith.constant 0 : i32
    %dma_start3A_59 = tpu.memref_slice %arg3[%dma_start3A_57, %dma_start3A_58] : memref<1000000x16xf32, #tpu.memory_space<hbm>> -> memref<1000000x16xf32, #tpu.memory_space<hbm>>
    tpu.enqueue_indirect_dma source(%dma_start3A_59 : memref<1000000x16xf32, #tpu.memory_space<hbm>>) target(%dma_start3A_53 : memref<80x16xf32, #tpu.memory_space<vmem>>) offsets(%dma_start3A_56 : memref<80xi32, #tpu.memory_space<vmem>>) semaphore(%arg8 : memref<!tpu.dma_semaphore, #tpu.memory_space<semaphore_mem>>)
    %dma_start3A_60 = arith.constant 4 : i32
    %dma_start3A_61 = arith.constant 0 : i32
    %dma_start3A_62 = arith.constant 0 : i32
    %dma_start3A_63 = arith.constant 0 : i32
    %dma_start3A_64 = tpu.memref_slice %arg6[%dma_start3A_61, %dma_start3A_62, %dma_start3A_63] : memref<2x1600x16xf32, #tpu.memory_space<vmem>> -> memref<1x1600x16xf32, #tpu.memory_space<vmem>>
    %dma_start3A_65 = tpu.memref_squeeze %dma_start3A_64 : memref<1x1600x16xf32, #tpu.memory_space<vmem>> -> memref<1600x16xf32, #tpu.memory_space<vmem>>
    %dma_start3A_66 = arith.constant 320 : i32
    %dma_start3A_67 = arith.constant 0 : i32
    %dma_start3A_68 = tpu.memref_slice %dma_start3A_65[%dma_start3A_66, %dma_start3A_67] : memref<1600x16xf32, #tpu.memory_space<vmem>> -> memref<80x16xf32, #tpu.memory_space<vmem>>
    %dma_start3A_69 = arith.constant 0 : i32
    %dma_start3A_70 = tpu.memref_slice %arg5[%dma_start3A_60, %dma_start3A_69] : memref<320x80xi32, #tpu.memory_space<vmem>> -> memref<1x80xi32, #tpu.memory_space<vmem>>
    %dma_start3A_71 = tpu.memref_squeeze %dma_start3A_70 : memref<1x80xi32, #tpu.memory_space<vmem>> -> memref<80xi32, #tpu.memory_space<vmem>>
    %dma_start3A_72 = arith.constant 0 : i32
    %dma_start3A_73 = arith.constant 0 : i32
    %dma_start3A_74 = tpu.memref_slice %arg3[%dma_start3A_72, %dma_start3A_73] : memref<1000000x16xf32, #tpu.memory_space<hbm>> -> memref<1000000x16xf32, #tpu.memory_space<hbm>>
    tpu.enqueue_indirect_dma source(%dma_start3A_74 : memref<1000000x16xf32, #tpu.memory_space<hbm>>) target(%dma_start3A_68 : memref<80x16xf32, #tpu.memory_space<vmem>>) offsets(%dma_start3A_71 : memref<80xi32, #tpu.memory_space<vmem>>) semaphore(%arg8 : memref<!tpu.dma_semaphore, #tpu.memory_space<semaphore_mem>>)
    %dma_start3A_75 = arith.constant 5 : i32
    %dma_start3A_76 = arith.constant 0 : i32
    %dma_start3A_77 = arith.constant 0 : i32
    %dma_start3A_78 = arith.constant 0 : i32
    %dma_start3A_79 = tpu.memref_slice %arg6[%dma_start3A_76, %dma_start3A_77, %dma_start3A_78] : memref<2x1600x16xf32, #tpu.memory_space<vmem>> -> memref<1x1600x16xf32, #tpu.memory_space<vmem>>
    %dma_start3A_80 = tpu.memref_squeeze %dma_start3A_79 : memref<1x1600x16xf32, #tpu.memory_space<vmem>> -> memref<1600x16xf32, #tpu.memory_space<vmem>>
    %dma_start3A_81 = arith.constant 400 : i32
    %dma_start3A_82 = arith.constant 0 : i32
    %dma_start3A_83 = tpu.memref_slice %dma_start3A_80[%dma_start3A_81, %dma_start3A_82] : memref<1600x16xf32, #tpu.memory_space<vmem>> -> memref<80x16xf32, #tpu.memory_space<vmem>>
    %dma_start3A_84 = arith.constant 0 : i32
    %dma_start3A_85 = tpu.memref_slice %arg5[%dma_start3A_75, %dma_start3A_84] : memref<320x80xi32, #tpu.memory_space<vmem>> -> memref<1x80xi32, #tpu.memory_space<vmem>>
    %dma_start3A_86 = tpu.memref_squeeze %dma_start3A_85 : memref<1x80xi32, #tpu.memory_space<vmem>> -> memref<80xi32, #tpu.memory_space<vmem>>
    %dma_start3A_87 = arith.constant 0 : i32
    %dma_start3A_88 = arith.constant 0 : i32
    %dma_start3A_89 = tpu.memref_slice %arg3[%dma_start3A_87, %dma_start3A_88] : memref<1000000x16xf32, #tpu.memory_space<hbm>> -> memref<1000000x16xf32, #tpu.memory_space<hbm>>
    tpu.enqueue_indirect_dma source(%dma_start3A_89 : memref<1000000x16xf32, #tpu.memory_space<hbm>>) target(%dma_start3A_83 : memref<80x16xf32, #tpu.memory_space<vmem>>) offsets(%dma_start3A_86 : memref<80xi32, #tpu.memory_space<vmem>>) semaphore(%arg8 : memref<!tpu.dma_semaphore, #tpu.memory_space<semaphore_mem>>)
    %dma_start3A_90 = arith.constant 6 : i32
    %dma_start3A_91 = arith.constant 0 : i32
    %dma_start3A_92 = arith.constant 0 : i32
    %dma_start3A_93 = arith.constant 0 : i32
    %dma_start3A_94 = tpu.memref_slice %arg6[%dma_start3A_91, %dma_start3A_92, %dma_start3A_93] : memref<2x1600x16xf32, #tpu.memory_space<vmem>> -> memref<1x1600x16xf32, #tpu.memory_space<vmem>>
    %dma_start3A_95 = tpu.memref_squeeze %dma_start3A_94 : memref<1x1600x16xf32, #tpu.memory_space<vmem>> -> memref<1600x16xf32, #tpu.memory_space<vmem>>
    %dma_start3A_96 = arith.constant 480 : i32
    %dma_start3A_97 = arith.constant 0 : i32
    %dma_start3A_98 = tpu.memref_slice %dma_start3A_95[%dma_start3A_96, %dma_start3A_97] : memref<1600x16xf32, #tpu.memory_space<vmem>> -> memref<80x16xf32, #tpu.memory_space<vmem>>
    %dma_start3A_99 = arith.constant 0 : i32
    %dma_start3A_100 = tpu.memref_slice %arg5[%dma_start3A_90, %dma_start3A_99] : memref<320x80xi32, #tpu.memory_space<vmem>> -> memref<1x80xi32, #tpu.memory_space<vmem>>
    %dma_start3A_101 = tpu.memref_squeeze %dma_start3A_100 : memref<1x80xi32, #tpu.memory_space<vmem>> -> memref<80xi32, #tpu.memory_space<vmem>>
    %dma_start3A_102 = arith.constant 0 : i32
    %dma_start3A_103 = arith.constant 0 : i32
    %dma_start3A_104 = tpu.memref_slice %arg3[%dma_start3A_102, %dma_start3A_103] : memref<1000000x16xf32, #tpu.memory_space<hbm>> -> memref<1000000x16xf32, #tpu.memory_space<hbm>>
    tpu.enqueue_indirect_dma source(%dma_start3A_104 : memref<1000000x16xf32, #tpu.memory_space<hbm>>) target(%dma_start3A_98 : memref<80x16xf32, #tpu.memory_space<vmem>>) offsets(%dma_start3A_101 : memref<80xi32, #tpu.memory_space<vmem>>) semaphore(%arg8 : memref<!tpu.dma_semaphore, #tpu.memory_space<semaphore_mem>>)
    %dma_start3A_105 = arith.constant 7 : i32
    %dma_start3A_106 = arith.constant 0 : i32
    %dma_start3A_107 = arith.constant 0 : i32
    %dma_start3A_108 = arith.constant 0 : i32
    %dma_start3A_109 = tpu.memref_slice %arg6[%dma_start3A_106, %dma_start3A_107, %dma_start3A_108] : memref<2x1600x16xf32, #tpu.memory_space<vmem>> -> memref<1x1600x16xf32, #tpu.memory_space<vmem>>
    %dma_start3A_110 = tpu.memref_squeeze %dma_start3A_109 : memref<1x1600x16xf32, #tpu.memory_space<vmem>> -> memref<1600x16xf32, #tpu.memory_space<vmem>>
    %dma_start3A_111 = arith.constant 560 : i32
    %dma_start3A_112 = arith.constant 0 : i32
    %dma_start3A_113 = tpu.memref_slice %dma_start3A_110[%dma_start3A_111, %dma_start3A_112] : memref<1600x16xf32, #tpu.memory_space<vmem>> -> memref<80x16xf32, #tpu.memory_space<vmem>>
    %dma_start3A_114 = arith.constant 0 : i32
    %dma_start3A_115 = tpu.memref_slice %arg5[%dma_start3A_105, %dma_start3A_114] : memref<320x80xi32, #tpu.memory_space<vmem>> -> memref<1x80xi32, #tpu.memory_space<vmem>>
    %dma_start3A_116 = tpu.memref_squeeze %dma_start3A_115 : memref<1x80xi32, #tpu.memory_space<vmem>> -> memref<80xi32, #tpu.memory_space<vmem>>
    %dma_start3A_117 = arith.constant 0 : i32
    %dma_start3A_118 = arith.constant 0 : i32
    %dma_start3A_119 = tpu.memref_slice %arg3[%dma_start3A_117, %dma_start3A_118] : memref<1000000x16xf32, #tpu.memory_space<hbm>> -> memref<1000000x16xf32, #tpu.memory_space<hbm>>
    tpu.enqueue_indirect_dma source(%dma_start3A_119 : memref<1000000x16xf32, #tpu.memory_space<hbm>>) target(%dma_start3A_113 : memref<80x16xf32, #tpu.memory_space<vmem>>) offsets(%dma_start3A_116 : memref<80xi32, #tpu.memory_space<vmem>>) semaphore(%arg8 : memref<!tpu.dma_semaphore, #tpu.memory_space<semaphore_mem>>)
    %dma_start3A_120 = arith.constant 8 : i32
    %dma_start3A_121 = arith.constant 0 : i32
    %dma_start3A_122 = arith.constant 0 : i32
    %dma_start3A_123 = arith.constant 0 : i32
    %dma_start3A_124 = tpu.memref_slice %arg6[%dma_start3A_121, %dma_start3A_122, %dma_start3A_123] : memref<2x1600x16xf32, #tpu.memory_space<vmem>> -> memref<1x1600x16xf32, #tpu.memory_space<vmem>>
    %dma_start3A_125 = tpu.memref_squeeze %dma_start3A_124 : memref<1x1600x16xf32, #tpu.memory_space<vmem>> -> memref<1600x16xf32, #tpu.memory_space<vmem>>
    %dma_start3A_126 = arith.constant 640 : i32
    %dma_start3A_127 = arith.constant 0 : i32
    %dma_start3A_128 = tpu.memref_slice %dma_start3A_125[%dma_start3A_126, %dma_start3A_127] : memref<1600x16xf32, #tpu.memory_space<vmem>> -> memref<80x16xf32, #tpu.memory_space<vmem>>
    %dma_start3A_129 = arith.constant 0 : i32
    %dma_start3A_130 = tpu.memref_slice %arg5[%dma_start3A_120, %dma_start3A_129] : memref<320x80xi32, #tpu.memory_space<vmem>> -> memref<1x80xi32, #tpu.memory_space<vmem>>
    %dma_start3A_131 = tpu.memref_squeeze %dma_start3A_130 : memref<1x80xi32, #tpu.memory_space<vmem>> -> memref<80xi32, #tpu.memory_space<vmem>>
    %dma_start3A_132 = arith.constant 0 : i32
    %dma_start3A_133 = arith.constant 0 : i32
    %dma_start3A_134 = tpu.memref_slice %arg3[%dma_start3A_132, %dma_start3A_133] : memref<1000000x16xf32, #tpu.memory_space<hbm>> -> memref<1000000x16xf32, #tpu.memory_space<hbm>>
    tpu.enqueue_indirect_dma source(%dma_start3A_134 : memref<1000000x16xf32, #tpu.memory_space<hbm>>) target(%dma_start3A_128 : memref<80x16xf32, #tpu.memory_space<vmem>>) offsets(%dma_start3A_131 : memref<80xi32, #tpu.memory_space<vmem>>) semaphore(%arg8 : memref<!tpu.dma_semaphore, #tpu.memory_space<semaphore_mem>>)
    %dma_start3A_135 = arith.constant 9 : i32
    %dma_start3A_136 = arith.constant 0 : i32
    %dma_start3A_137 = arith.constant 0 : i32
    %dma_start3A_138 = arith.constant 0 : i32
    %dma_start3A_139 = tpu.memref_slice %arg6[%dma_start3A_136, %dma_start3A_137, %dma_start3A_138] : memref<2x1600x16xf32, #tpu.memory_space<vmem>> -> memref<1x1600x16xf32, #tpu.memory_space<vmem>>
    %dma_start3A_140 = tpu.memref_squeeze %dma_start3A_139 : memref<1x1600x16xf32, #tpu.memory_space<vmem>> -> memref<1600x16xf32, #tpu.memory_space<vmem>>
    %dma_start3A_141 = arith.constant 720 : i32
    %dma_start3A_142 = arith.constant 0 : i32
    %dma_start3A_143 = tpu.memref_slice %dma_start3A_140[%dma_start3A_141, %dma_start3A_142] : memref<1600x16xf32, #tpu.memory_space<vmem>> -> memref<80x16xf32, #tpu.memory_space<vmem>>
    %dma_start3A_144 = arith.constant 0 : i32
    %dma_start3A_145 = tpu.memref_slice %arg5[%dma_start3A_135, %dma_start3A_144] : memref<320x80xi32, #tpu.memory_space<vmem>> -> memref<1x80xi32, #tpu.memory_space<vmem>>
    %dma_start3A_146 = tpu.memref_squeeze %dma_start3A_145 : memref<1x80xi32, #tpu.memory_space<vmem>> -> memref<80xi32, #tpu.memory_space<vmem>>
    %dma_start3A_147 = arith.constant 0 : i32
    %dma_start3A_148 = arith.constant 0 : i32
    %dma_start3A_149 = tpu.memref_slice %arg3[%dma_start3A_147, %dma_start3A_148] : memref<1000000x16xf32, #tpu.memory_space<hbm>> -> memref<1000000x16xf32, #tpu.memory_space<hbm>>
    tpu.enqueue_indirect_dma source(%dma_start3A_149 : memref<1000000x16xf32, #tpu.memory_space<hbm>>) target(%dma_start3A_143 : memref<80x16xf32, #tpu.memory_space<vmem>>) offsets(%dma_start3A_146 : memref<80xi32, #tpu.memory_space<vmem>>) semaphore(%arg8 : memref<!tpu.dma_semaphore, #tpu.memory_space<semaphore_mem>>)
    %dma_start3A_150 = arith.constant 10 : i32
    %dma_start3A_151 = arith.constant 0 : i32
    %dma_start3A_152 = arith.constant 0 : i32
    %dma_start3A_153 = arith.constant 0 : i32
    %dma_start3A_154 = tpu.memref_slice %arg6[%dma_start3A_151, %dma_start3A_152, %dma_start3A_153] : memref<2x1600x16xf32, #tpu.memory_space<vmem>> -> memref<1x1600x16xf32, #tpu.memory_space<vmem>>
    %dma_start3A_155 = tpu.memref_squeeze %dma_start3A_154 : memref<1x1600x16xf32, #tpu.memory_space<vmem>> -> memref<1600x16xf32, #tpu.memory_space<vmem>>
    %dma_start3A_156 = arith.constant 800 : i32
    %dma_start3A_157 = arith.constant 0 : i32
    %dma_start3A_158 = tpu.memref_slice %dma_start3A_155[%dma_start3A_156, %dma_start3A_157] : memref<1600x16xf32, #tpu.memory_space<vmem>> -> memref<80x16xf32, #tpu.memory_space<vmem>>
    %dma_start3A_159 = arith.constant 0 : i32
    %dma_start3A_160 = tpu.memref_slice %arg5[%dma_start3A_150, %dma_start3A_159] : memref<320x80xi32, #tpu.memory_space<vmem>> -> memref<1x80xi32, #tpu.memory_space<vmem>>
    %dma_start3A_161 = tpu.memref_squeeze %dma_start3A_160 : memref<1x80xi32, #tpu.memory_space<vmem>> -> memref<80xi32, #tpu.memory_space<vmem>>
    %dma_start3A_162 = arith.constant 0 : i32
    %dma_start3A_163 = arith.constant 0 : i32
    %dma_start3A_164 = tpu.memref_slice %arg3[%dma_start3A_162, %dma_start3A_163] : memref<1000000x16xf32, #tpu.memory_space<hbm>> -> memref<1000000x16xf32, #tpu.memory_space<hbm>>
    tpu.enqueue_indirect_dma source(%dma_start3A_164 : memref<1000000x16xf32, #tpu.memory_space<hbm>>) target(%dma_start3A_158 : memref<80x16xf32, #tpu.memory_space<vmem>>) offsets(%dma_start3A_161 : memref<80xi32, #tpu.memory_space<vmem>>) semaphore(%arg8 : memref<!tpu.dma_semaphore, #tpu.memory_space<semaphore_mem>>)
    %dma_start3A_165 = arith.constant 11 : i32
    %dma_start3A_166 = arith.constant 0 : i32
    %dma_start3A_167 = arith.constant 0 : i32
    %dma_start3A_168 = arith.constant 0 : i32
    %dma_start3A_169 = tpu.memref_slice %arg6[%dma_start3A_166, %dma_start3A_167, %dma_start3A_168] : memref<2x1600x16xf32, #tpu.memory_space<vmem>> -> memref<1x1600x16xf32, #tpu.memory_space<vmem>>
    %dma_start3A_170 = tpu.memref_squeeze %dma_start3A_169 : memref<1x1600x16xf32, #tpu.memory_space<vmem>> -> memref<1600x16xf32, #tpu.memory_space<vmem>>
    %dma_start3A_171 = arith.constant 880 : i32
    %dma_start3A_172 = arith.constant 0 : i32
    %dma_start3A_173 = tpu.memref_slice %dma_start3A_170[%dma_start3A_171, %dma_start3A_172] : memref<1600x16xf32, #tpu.memory_space<vmem>> -> memref<80x16xf32, #tpu.memory_space<vmem>>
    %dma_start3A_174 = arith.constant 0 : i32
    %dma_start3A_175 = tpu.memref_slice %arg5[%dma_start3A_165, %dma_start3A_174] : memref<320x80xi32, #tpu.memory_space<vmem>> -> memref<1x80xi32, #tpu.memory_space<vmem>>
    %dma_start3A_176 = tpu.memref_squeeze %dma_start3A_175 : memref<1x80xi32, #tpu.memory_space<vmem>> -> memref<80xi32, #tpu.memory_space<vmem>>
    %dma_start3A_177 = arith.constant 0 : i32
    %dma_start3A_178 = arith.constant 0 : i32
    %dma_start3A_179 = tpu.memref_slice %arg3[%dma_start3A_177, %dma_start3A_178] : memref<1000000x16xf32, #tpu.memory_space<hbm>> -> memref<1000000x16xf32, #tpu.memory_space<hbm>>
    tpu.enqueue_indirect_dma source(%dma_start3A_179 : memref<1000000x16xf32, #tpu.memory_space<hbm>>) target(%dma_start3A_173 : memref<80x16xf32, #tpu.memory_space<vmem>>) offsets(%dma_start3A_176 : memref<80xi32, #tpu.memory_space<vmem>>) semaphore(%arg8 : memref<!tpu.dma_semaphore, #tpu.memory_space<semaphore_mem>>)
    %dma_start3A_180 = arith.constant 12 : i32
    %dma_start3A_181 = arith.constant 0 : i32
    %dma_start3A_182 = arith.constant 0 : i32
    %dma_start3A_183 = arith.constant 0 : i32
    %dma_start3A_184 = tpu.memref_slice %arg6[%dma_start3A_181, %dma_start3A_182, %dma_start3A_183] : memref<2x1600x16xf32, #tpu.memory_space<vmem>> -> memref<1x1600x16xf32, #tpu.memory_space<vmem>>
    %dma_start3A_185 = tpu.memref_squeeze %dma_start3A_184 : memref<1x1600x16xf32, #tpu.memory_space<vmem>> -> memref<1600x16xf32, #tpu.memory_space<vmem>>
    %dma_start3A_186 = arith.constant 960 : i32
    %dma_start3A_187 = arith.constant 0 : i32
    %dma_start3A_188 = tpu.memref_slice %dma_start3A_185[%dma_start3A_186, %dma_start3A_187] : memref<1600x16xf32, #tpu.memory_space<vmem>> -> memref<80x16xf32, #tpu.memory_space<vmem>>
    %dma_start3A_189 = arith.constant 0 : i32
    %dma_start3A_190 = tpu.memref_slice %arg5[%dma_start3A_180, %dma_start3A_189] : memref<320x80xi32, #tpu.memory_space<vmem>> -> memref<1x80xi32, #tpu.memory_space<vmem>>
    %dma_start3A_191 = tpu.memref_squeeze %dma_start3A_190 : memref<1x80xi32, #tpu.memory_space<vmem>> -> memref<80xi32, #tpu.memory_space<vmem>>
    %dma_start3A_192 = arith.constant 0 : i32
    %dma_start3A_193 = arith.constant 0 : i32
    %dma_start3A_194 = tpu.memref_slice %arg3[%dma_start3A_192, %dma_start3A_193] : memref<1000000x16xf32, #tpu.memory_space<hbm>> -> memref<1000000x16xf32, #tpu.memory_space<hbm>>
    tpu.enqueue_indirect_dma source(%dma_start3A_194 : memref<1000000x16xf32, #tpu.memory_space<hbm>>) target(%dma_start3A_188 : memref<80x16xf32, #tpu.memory_space<vmem>>) offsets(%dma_start3A_191 : memref<80xi32, #tpu.memory_space<vmem>>) semaphore(%arg8 : memref<!tpu.dma_semaphore, #tpu.memory_space<semaphore_mem>>)
    %dma_start3A_195 = arith.constant 13 : i32
    %dma_start3A_196 = arith.constant 0 : i32
    %dma_start3A_197 = arith.constant 0 : i32
    %dma_start3A_198 = arith.constant 0 : i32
    %dma_start3A_199 = tpu.memref_slice %arg6[%dma_start3A_196, %dma_start3A_197, %dma_start3A_198] : memref<2x1600x16xf32, #tpu.memory_space<vmem>> -> memref<1x1600x16xf32, #tpu.memory_space<vmem>>
    %dma_start3A_200 = tpu.memref_squeeze %dma_start3A_199 : memref<1x1600x16xf32, #tpu.memory_space<vmem>> -> memref<1600x16xf32, #tpu.memory_space<vmem>>
    %dma_start3A_201 = arith.constant 1040 : i32
    %dma_start3A_202 = arith.constant 0 : i32
    %dma_start3A_203 = tpu.memref_slice %dma_start3A_200[%dma_start3A_201, %dma_start3A_202] : memref<1600x16xf32, #tpu.memory_space<vmem>> -> memref<80x16xf32, #tpu.memory_space<vmem>>
    %dma_start3A_204 = arith.constant 0 : i32
    %dma_start3A_205 = tpu.memref_slice %arg5[%dma_start3A_195, %dma_start3A_204] : memref<320x80xi32, #tpu.memory_space<vmem>> -> memref<1x80xi32, #tpu.memory_space<vmem>>
    %dma_start3A_206 = tpu.memref_squeeze %dma_start3A_205 : memref<1x80xi32, #tpu.memory_space<vmem>> -> memref<80xi32, #tpu.memory_space<vmem>>
    %dma_start3A_207 = arith.constant 0 : i32
    %dma_start3A_208 = arith.constant 0 : i32
    %dma_start3A_209 = tpu.memref_slice %arg3[%dma_start3A_207, %dma_start3A_208] : memref<1000000x16xf32, #tpu.memory_space<hbm>> -> memref<1000000x16xf32, #tpu.memory_space<hbm>>
    tpu.enqueue_indirect_dma source(%dma_start3A_209 : memref<1000000x16xf32, #tpu.memory_space<hbm>>) target(%dma_start3A_203 : memref<80x16xf32, #tpu.memory_space<vmem>>) offsets(%dma_start3A_206 : memref<80xi32, #tpu.memory_space<vmem>>) semaphore(%arg8 : memref<!tpu.dma_semaphore, #tpu.memory_space<semaphore_mem>>)
    %dma_start3A_210 = arith.constant 14 : i32
    %dma_start3A_211 = arith.constant 0 : i32
    %dma_start3A_212 = arith.constant 0 : i32
    %dma_start3A_213 = arith.constant 0 : i32
    %dma_start3A_214 = tpu.memref_slice %arg6[%dma_start3A_211, %dma_start3A_212, %dma_start3A_213] : memref<2x1600x16xf32, #tpu.memory_space<vmem>> -> memref<1x1600x16xf32, #tpu.memory_space<vmem>>
    %dma_start3A_215 = tpu.memref_squeeze %dma_start3A_214 : memref<1x1600x16xf32, #tpu.memory_space<vmem>> -> memref<1600x16xf32, #tpu.memory_space<vmem>>
    %dma_start3A_216 = arith.constant 1120 : i32
    %dma_start3A_217 = arith.constant 0 : i32
    %dma_start3A_218 = tpu.memref_slice %dma_start3A_215[%dma_start3A_216, %dma_start3A_217] : memref<1600x16xf32, #tpu.memory_space<vmem>> -> memref<80x16xf32, #tpu.memory_space<vmem>>
    %dma_start3A_219 = arith.constant 0 : i32
    %dma_start3A_220 = tpu.memref_slice %arg5[%dma_start3A_210, %dma_start3A_219] : memref<320x80xi32, #tpu.memory_space<vmem>> -> memref<1x80xi32, #tpu.memory_space<vmem>>
    %dma_start3A_221 = tpu.memref_squeeze %dma_start3A_220 : memref<1x80xi32, #tpu.memory_space<vmem>> -> memref<80xi32, #tpu.memory_space<vmem>>
    %dma_start3A_222 = arith.constant 0 : i32
    %dma_start3A_223 = arith.constant 0 : i32
    %dma_start3A_224 = tpu.memref_slice %arg3[%dma_start3A_222, %dma_start3A_223] : memref<1000000x16xf32, #tpu.memory_space<hbm>> -> memref<1000000x16xf32, #tpu.memory_space<hbm>>
    tpu.enqueue_indirect_dma source(%dma_start3A_224 : memref<1000000x16xf32, #tpu.memory_space<hbm>>) target(%dma_start3A_218 : memref<80x16xf32, #tpu.memory_space<vmem>>) offsets(%dma_start3A_221 : memref<80xi32, #tpu.memory_space<vmem>>) semaphore(%arg8 : memref<!tpu.dma_semaphore, #tpu.memory_space<semaphore_mem>>)
    %dma_start3A_225 = arith.constant 15 : i32
    %dma_start3A_226 = arith.constant 0 : i32
    %dma_start3A_227 = arith.constant 0 : i32
    %dma_start3A_228 = arith.constant 0 : i32
    %dma_start3A_229 = tpu.memref_slice %arg6[%dma_start3A_226, %dma_start3A_227, %dma_start3A_228] : memref<2x1600x16xf32, #tpu.memory_space<vmem>> -> memref<1x1600x16xf32, #tpu.memory_space<vmem>>
    %dma_start3A_230 = tpu.memref_squeeze %dma_start3A_229 : memref<1x1600x16xf32, #tpu.memory_space<vmem>> -> memref<1600x16xf32, #tpu.memory_space<vmem>>
    %dma_start3A_231 = arith.constant 1200 : i32
    %dma_start3A_232 = arith.constant 0 : i32
    %dma_start3A_233 = tpu.memref_slice %dma_start3A_230[%dma_start3A_231, %dma_start3A_232] : memref<1600x16xf32, #tpu.memory_space<vmem>> -> memref<80x16xf32, #tpu.memory_space<vmem>>
    %dma_start3A_234 = arith.constant 0 : i32
    %dma_start3A_235 = tpu.memref_slice %arg5[%dma_start3A_225, %dma_start3A_234] : memref<320x80xi32, #tpu.memory_space<vmem>> -> memref<1x80xi32, #tpu.memory_space<vmem>>
    %dma_start3A_236 = tpu.memref_squeeze %dma_start3A_235 : memref<1x80xi32, #tpu.memory_space<vmem>> -> memref<80xi32, #tpu.memory_space<vmem>>
    %dma_start3A_237 = arith.constant 0 : i32
    %dma_start3A_238 = arith.constant 0 : i32
    %dma_start3A_239 = tpu.memref_slice %arg3[%dma_start3A_237, %dma_start3A_238] : memref<1000000x16xf32, #tpu.memory_space<hbm>> -> memref<1000000x16xf32, #tpu.memory_space<hbm>>
    tpu.enqueue_indirect_dma source(%dma_start3A_239 : memref<1000000x16xf32, #tpu.memory_space<hbm>>) target(%dma_start3A_233 : memref<80x16xf32, #tpu.memory_space<vmem>>) offsets(%dma_start3A_236 : memref<80xi32, #tpu.memory_space<vmem>>) semaphore(%arg8 : memref<!tpu.dma_semaphore, #tpu.memory_space<semaphore_mem>>)
    %dma_start3A_240 = arith.constant 16 : i32
    %dma_start3A_241 = arith.constant 0 : i32
    %dma_start3A_242 = arith.constant 0 : i32
    %dma_start3A_243 = arith.constant 0 : i32
    %dma_start3A_244 = tpu.memref_slice %arg6[%dma_start3A_241, %dma_start3A_242, %dma_start3A_243] : memref<2x1600x16xf32, #tpu.memory_space<vmem>> -> memref<1x1600x16xf32, #tpu.memory_space<vmem>>
    %dma_start3A_245 = tpu.memref_squeeze %dma_start3A_244 : memref<1x1600x16xf32, #tpu.memory_space<vmem>> -> memref<1600x16xf32, #tpu.memory_space<vmem>>
    %dma_start3A_246 = arith.constant 1280 : i32
    %dma_start3A_247 = arith.constant 0 : i32
    %dma_start3A_248 = tpu.memref_slice %dma_start3A_245[%dma_start3A_246, %dma_start3A_247] : memref<1600x16xf32, #tpu.memory_space<vmem>> -> memref<80x16xf32, #tpu.memory_space<vmem>>
    %dma_start3A_249 = arith.constant 0 : i32
    %dma_start3A_250 = tpu.memref_slice %arg5[%dma_start3A_240, %dma_start3A_249] : memref<320x80xi32, #tpu.memory_space<vmem>> -> memref<1x80xi32, #tpu.memory_space<vmem>>
    %dma_start3A_251 = tpu.memref_squeeze %dma_start3A_250 : memref<1x80xi32, #tpu.memory_space<vmem>> -> memref<80xi32, #tpu.memory_space<vmem>>
    %dma_start3A_252 = arith.constant 0 : i32
    %dma_start3A_253 = arith.constant 0 : i32
    %dma_start3A_254 = tpu.memref_slice %arg3[%dma_start3A_252, %dma_start3A_253] : memref<1000000x16xf32, #tpu.memory_space<hbm>> -> memref<1000000x16xf32, #tpu.memory_space<hbm>>
    tpu.enqueue_indirect_dma source(%dma_start3A_254 : memref<1000000x16xf32, #tpu.memory_space<hbm>>) target(%dma_start3A_248 : memref<80x16xf32, #tpu.memory_space<vmem>>) offsets(%dma_start3A_251 : memref<80xi32, #tpu.memory_space<vmem>>) semaphore(%arg8 : memref<!tpu.dma_semaphore, #tpu.memory_space<semaphore_mem>>)
    %dma_start3A_255 = arith.constant 17 : i32
    %dma_start3A_256 = arith.constant 0 : i32
    %dma_start3A_257 = arith.constant 0 : i32
    %dma_start3A_258 = arith.constant 0 : i32
    %dma_start3A_259 = tpu.memref_slice %arg6[%dma_start3A_256, %dma_start3A_257, %dma_start3A_258] : memref<2x1600x16xf32, #tpu.memory_space<vmem>> -> memref<1x1600x16xf32, #tpu.memory_space<vmem>>
    %dma_start3A_260 = tpu.memref_squeeze %dma_start3A_259 : memref<1x1600x16xf32, #tpu.memory_space<vmem>> -> memref<1600x16xf32, #tpu.memory_space<vmem>>
    %dma_start3A_261 = arith.constant 1360 : i32
    %dma_start3A_262 = arith.constant 0 : i32
    %dma_start3A_263 = tpu.memref_slice %dma_start3A_260[%dma_start3A_261, %dma_start3A_262] : memref<1600x16xf32, #tpu.memory_space<vmem>> -> memref<80x16xf32, #tpu.memory_space<vmem>>
    %dma_start3A_264 = arith.constant 0 : i32
    %dma_start3A_265 = tpu.memref_slice %arg5[%dma_start3A_255, %dma_start3A_264] : memref<320x80xi32, #tpu.memory_space<vmem>> -> memref<1x80xi32, #tpu.memory_space<vmem>>
    %dma_start3A_266 = tpu.memref_squeeze %dma_start3A_265 : memref<1x80xi32, #tpu.memory_space<vmem>> -> memref<80xi32, #tpu.memory_space<vmem>>
    %dma_start3A_267 = arith.constant 0 : i32
    %dma_start3A_268 = arith.constant 0 : i32
    %dma_start3A_269 = tpu.memref_slice %arg3[%dma_start3A_267, %dma_start3A_268] : memref<1000000x16xf32, #tpu.memory_space<hbm>> -> memref<1000000x16xf32, #tpu.memory_space<hbm>>
    tpu.enqueue_indirect_dma source(%dma_start3A_269 : memref<1000000x16xf32, #tpu.memory_space<hbm>>) target(%dma_start3A_263 : memref<80x16xf32, #tpu.memory_space<vmem>>) offsets(%dma_start3A_266 : memref<80xi32, #tpu.memory_space<vmem>>) semaphore(%arg8 : memref<!tpu.dma_semaphore, #tpu.memory_space<semaphore_mem>>)
    %dma_start3A_270 = arith.constant 18 : i32
    %dma_start3A_271 = arith.constant 0 : i32
    %dma_start3A_272 = arith.constant 0 : i32
    %dma_start3A_273 = arith.constant 0 : i32
    %dma_start3A_274 = tpu.memref_slice %arg6[%dma_start3A_271, %dma_start3A_272, %dma_start3A_273] : memref<2x1600x16xf32, #tpu.memory_space<vmem>> -> memref<1x1600x16xf32, #tpu.memory_space<vmem>>
    %dma_start3A_275 = tpu.memref_squeeze %dma_start3A_274 : memref<1x1600x16xf32, #tpu.memory_space<vmem>> -> memref<1600x16xf32, #tpu.memory_space<vmem>>
    %dma_start3A_276 = arith.constant 1440 : i32
    %dma_start3A_277 = arith.constant 0 : i32
    %dma_start3A_278 = tpu.memref_slice %dma_start3A_275[%dma_start3A_276, %dma_start3A_277] : memref<1600x16xf32, #tpu.memory_space<vmem>> -> memref<80x16xf32, #tpu.memory_space<vmem>>
    %dma_start3A_279 = arith.constant 0 : i32
    %dma_start3A_280 = tpu.memref_slice %arg5[%dma_start3A_270, %dma_start3A_279] : memref<320x80xi32, #tpu.memory_space<vmem>> -> memref<1x80xi32, #tpu.memory_space<vmem>>
    %dma_start3A_281 = tpu.memref_squeeze %dma_start3A_280 : memref<1x80xi32, #tpu.memory_space<vmem>> -> memref<80xi32, #tpu.memory_space<vmem>>
    %dma_start3A_282 = arith.constant 0 : i32
    %dma_start3A_283 = arith.constant 0 : i32
    %dma_start3A_284 = tpu.memref_slice %arg3[%dma_start3A_282, %dma_start3A_283] : memref<1000000x16xf32, #tpu.memory_space<hbm>> -> memref<1000000x16xf32, #tpu.memory_space<hbm>>
    tpu.enqueue_indirect_dma source(%dma_start3A_284 : memref<1000000x16xf32, #tpu.memory_space<hbm>>) target(%dma_start3A_278 : memref<80x16xf32, #tpu.memory_space<vmem>>) offsets(%dma_start3A_281 : memref<80xi32, #tpu.memory_space<vmem>>) semaphore(%arg8 : memref<!tpu.dma_semaphore, #tpu.memory_space<semaphore_mem>>)
    %dma_start3A_285 = arith.constant 19 : i32
    %dma_start3A_286 = arith.constant 0 : i32
    %dma_start3A_287 = arith.constant 0 : i32
    %dma_start3A_288 = arith.constant 0 : i32
    %dma_start3A_289 = tpu.memref_slice %arg6[%dma_start3A_286, %dma_start3A_287, %dma_start3A_288] : memref<2x1600x16xf32, #tpu.memory_space<vmem>> -> memref<1x1600x16xf32, #tpu.memory_space<vmem>>
    %dma_start3A_290 = tpu.memref_squeeze %dma_start3A_289 : memref<1x1600x16xf32, #tpu.memory_space<vmem>> -> memref<1600x16xf32, #tpu.memory_space<vmem>>
    %dma_start3A_291 = arith.constant 1520 : i32
    %dma_start3A_292 = arith.constant 0 : i32
    %dma_start3A_293 = tpu.memref_slice %dma_start3A_290[%dma_start3A_291, %dma_start3A_292] : memref<1600x16xf32, #tpu.memory_space<vmem>> -> memref<80x16xf32, #tpu.memory_space<vmem>>
    %dma_start3A_294 = arith.constant 0 : i32
    %dma_start3A_295 = tpu.memref_slice %arg5[%dma_start3A_285, %dma_start3A_294] : memref<320x80xi32, #tpu.memory_space<vmem>> -> memref<1x80xi32, #tpu.memory_space<vmem>>
    %dma_start3A_296 = tpu.memref_squeeze %dma_start3A_295 : memref<1x80xi32, #tpu.memory_space<vmem>> -> memref<80xi32, #tpu.memory_space<vmem>>
    %dma_start3A_297 = arith.constant 0 : i32
    %dma_start3A_298 = arith.constant 0 : i32
    %dma_start3A_299 = tpu.memref_slice %arg3[%dma_start3A_297, %dma_start3A_298] : memref<1000000x16xf32, #tpu.memory_space<hbm>> -> memref<1000000x16xf32, #tpu.memory_space<hbm>>
    tpu.enqueue_indirect_dma source(%dma_start3A_299 : memref<1000000x16xf32, #tpu.memory_space<hbm>>) target(%dma_start3A_293 : memref<80x16xf32, #tpu.memory_space<vmem>>) offsets(%dma_start3A_296 : memref<80xi32, #tpu.memory_space<vmem>>) semaphore(%arg8 : memref<!tpu.dma_semaphore, #tpu.memory_space<semaphore_mem>>)
    %scan3A = arith.constant 0 : i32
    %scan3A_300 = arith.constant 7 : i32
    %scan3A_301 = arith.addi %scan3A, %scan3A_300 : i32
    %scan3A_302 = arith.constant 1 : i32
    scf.for %scan3A_647 = %scan3A to %scan3A_301 step %scan3A_302  : i32 {
      %mul3A_648 = arith.constant 2 : i32
      %mul3A_649 = arith.muli %scan3A_647, %mul3A_648 : i32
      %add3A_650 = arith.constant 0 : i32
      %add3A_651 = arith.addi %add3A_650, %mul3A_649 : i32
      %add3A_652 = arith.constant 0 : i32
      %add3A_653 = arith.addi %add3A_651, %add3A_652 : i32
      %add3A_654 = arith.constant 1 : i32
      %add3A_655 = arith.addi %add3A_653, %add3A_654 : i32
      %mul3A_656 = arith.constant 20 : i32
      %mul3A_657 = arith.muli %add3A_655, %mul3A_656 : i32
      %add3A_658 = arith.constant 0 : i32
      %add3A_659 = arith.addi %mul3A_657, %add3A_658 : i32
      %dma_start3A_660 = arith.constant 1 : i32
      %dma_start3A_661 = arith.constant 0 : i32
      %dma_start3A_662 = arith.constant 0 : i32
      %dma_start3A_663 = tpu.memref_slice %arg6[%dma_start3A_660, %dma_start3A_661, %dma_start3A_662] : memref<2x1600x16xf32, #tpu.memory_space<vmem>> -> memref<1x1600x16xf32, #tpu.memory_space<vmem>>
      %dma_start3A_664 = tpu.memref_squeeze %dma_start3A_663 : memref<1x1600x16xf32, #tpu.memory_space<vmem>> -> memref<1600x16xf32, #tpu.memory_space<vmem>>
      %dma_start3A_665 = arith.constant 0 : i32
      %dma_start3A_666 = arith.constant 0 : i32
      %dma_start3A_667 = tpu.memref_slice %dma_start3A_664[%dma_start3A_665, %dma_start3A_666] : memref<1600x16xf32, #tpu.memory_space<vmem>> -> memref<80x16xf32, #tpu.memory_space<vmem>>
      %dma_start3A_668 = arith.constant 0 : i32
      %dma_start3A_669 = tpu.memref_slice %arg5[%add3A_659, %dma_start3A_668] : memref<320x80xi32, #tpu.memory_space<vmem>> -> memref<1x80xi32, #tpu.memory_space<vmem>>
      %dma_start3A_670 = tpu.memref_squeeze %dma_start3A_669 : memref<1x80xi32, #tpu.memory_space<vmem>> -> memref<80xi32, #tpu.memory_space<vmem>>
      %dma_start3A_671 = arith.constant 0 : i32
      %dma_start3A_672 = arith.constant 0 : i32
      %dma_start3A_673 = tpu.memref_slice %arg3[%dma_start3A_671, %dma_start3A_672] : memref<1000000x16xf32, #tpu.memory_space<hbm>> -> memref<1000000x16xf32, #tpu.memory_space<hbm>>
      tpu.enqueue_indirect_dma source(%dma_start3A_673 : memref<1000000x16xf32, #tpu.memory_space<hbm>>) target(%dma_start3A_667 : memref<80x16xf32, #tpu.memory_space<vmem>>) offsets(%dma_start3A_670 : memref<80xi32, #tpu.memory_space<vmem>>) semaphore(%arg9 : memref<!tpu.dma_semaphore, #tpu.memory_space<semaphore_mem>>)
      %mul3A_674 = arith.constant 20 : i32
      %mul3A_675 = arith.muli %add3A_655, %mul3A_674 : i32
      %add3A_676 = arith.constant 1 : i32
      %add3A_677 = arith.addi %mul3A_675, %add3A_676 : i32
      %dma_start3A_678 = arith.constant 1 : i32
      %dma_start3A_679 = arith.constant 0 : i32
      %dma_start3A_680 = arith.constant 0 : i32
      %dma_start3A_681 = tpu.memref_slice %arg6[%dma_start3A_678, %dma_start3A_679, %dma_start3A_680] : memref<2x1600x16xf32, #tpu.memory_space<vmem>> -> memref<1x1600x16xf32, #tpu.memory_space<vmem>>
      %dma_start3A_682 = tpu.memref_squeeze %dma_start3A_681 : memref<1x1600x16xf32, #tpu.memory_space<vmem>> -> memref<1600x16xf32, #tpu.memory_space<vmem>>
      %dma_start3A_683 = arith.constant 80 : i32
      %dma_start3A_684 = arith.constant 0 : i32
      %dma_start3A_685 = tpu.memref_slice %dma_start3A_682[%dma_start3A_683, %dma_start3A_684] : memref<1600x16xf32, #tpu.memory_space<vmem>> -> memref<80x16xf32, #tpu.memory_space<vmem>>
      %dma_start3A_686 = arith.constant 0 : i32
      %dma_start3A_687 = tpu.memref_slice %arg5[%add3A_677, %dma_start3A_686] : memref<320x80xi32, #tpu.memory_space<vmem>> -> memref<1x80xi32, #tpu.memory_space<vmem>>
      %dma_start3A_688 = tpu.memref_squeeze %dma_start3A_687 : memref<1x80xi32, #tpu.memory_space<vmem>> -> memref<80xi32, #tpu.memory_space<vmem>>
      %dma_start3A_689 = arith.constant 0 : i32
      %dma_start3A_690 = arith.constant 0 : i32
      %dma_start3A_691 = tpu.memref_slice %arg3[%dma_start3A_689, %dma_start3A_690] : memref<1000000x16xf32, #tpu.memory_space<hbm>> -> memref<1000000x16xf32, #tpu.memory_space<hbm>>
      tpu.enqueue_indirect_dma source(%dma_start3A_691 : memref<1000000x16xf32, #tpu.memory_space<hbm>>) target(%dma_start3A_685 : memref<80x16xf32, #tpu.memory_space<vmem>>) offsets(%dma_start3A_688 : memref<80xi32, #tpu.memory_space<vmem>>) semaphore(%arg9 : memref<!tpu.dma_semaphore, #tpu.memory_space<semaphore_mem>>)
      %mul3A_692 = arith.constant 20 : i32
      %mul3A_693 = arith.muli %add3A_655, %mul3A_692 : i32
      %add3A_694 = arith.constant 2 : i32
      %add3A_695 = arith.addi %mul3A_693, %add3A_694 : i32
      %dma_start3A_696 = arith.constant 1 : i32
      %dma_start3A_697 = arith.constant 0 : i32
      %dma_start3A_698 = arith.constant 0 : i32
      %dma_start3A_699 = tpu.memref_slice %arg6[%dma_start3A_696, %dma_start3A_697, %dma_start3A_698] : memref<2x1600x16xf32, #tpu.memory_space<vmem>> -> memref<1x1600x16xf32, #tpu.memory_space<vmem>>
      %dma_start3A_700 = tpu.memref_squeeze %dma_start3A_699 : memref<1x1600x16xf32, #tpu.memory_space<vmem>> -> memref<1600x16xf32, #tpu.memory_space<vmem>>
      %dma_start3A_701 = arith.constant 160 : i32
      %dma_start3A_702 = arith.constant 0 : i32
      %dma_start3A_703 = tpu.memref_slice %dma_start3A_700[%dma_start3A_701, %dma_start3A_702] : memref<1600x16xf32, #tpu.memory_space<vmem>> -> memref<80x16xf32, #tpu.memory_space<vmem>>
      %dma_start3A_704 = arith.constant 0 : i32
      %dma_start3A_705 = tpu.memref_slice %arg5[%add3A_695, %dma_start3A_704] : memref<320x80xi32, #tpu.memory_space<vmem>> -> memref<1x80xi32, #tpu.memory_space<vmem>>
      %dma_start3A_706 = tpu.memref_squeeze %dma_start3A_705 : memref<1x80xi32, #tpu.memory_space<vmem>> -> memref<80xi32, #tpu.memory_space<vmem>>
      %dma_start3A_707 = arith.constant 0 : i32
      %dma_start3A_708 = arith.constant 0 : i32
      %dma_start3A_709 = tpu.memref_slice %arg3[%dma_start3A_707, %dma_start3A_708] : memref<1000000x16xf32, #tpu.memory_space<hbm>> -> memref<1000000x16xf32, #tpu.memory_space<hbm>>
      tpu.enqueue_indirect_dma source(%dma_start3A_709 : memref<1000000x16xf32, #tpu.memory_space<hbm>>) target(%dma_start3A_703 : memref<80x16xf32, #tpu.memory_space<vmem>>) offsets(%dma_start3A_706 : memref<80xi32, #tpu.memory_space<vmem>>) semaphore(%arg9 : memref<!tpu.dma_semaphore, #tpu.memory_space<semaphore_mem>>)
      %mul3A_710 = arith.constant 20 : i32
      %mul3A_711 = arith.muli %add3A_655, %mul3A_710 : i32
      %add3A_712 = arith.constant 3 : i32
      %add3A_713 = arith.addi %mul3A_711, %add3A_712 : i32
      %dma_start3A_714 = arith.constant 1 : i32
      %dma_start3A_715 = arith.constant 0 : i32
      %dma_start3A_716 = arith.constant 0 : i32
      %dma_start3A_717 = tpu.memref_slice %arg6[%dma_start3A_714, %dma_start3A_715, %dma_start3A_716] : memref<2x1600x16xf32, #tpu.memory_space<vmem>> -> memref<1x1600x16xf32, #tpu.memory_space<vmem>>
      %dma_start3A_718 = tpu.memref_squeeze %dma_start3A_717 : memref<1x1600x16xf32, #tpu.memory_space<vmem>> -> memref<1600x16xf32, #tpu.memory_space<vmem>>
      %dma_start3A_719 = arith.constant 240 : i32
      %dma_start3A_720 = arith.constant 0 : i32
      %dma_start3A_721 = tpu.memref_slice %dma_start3A_718[%dma_start3A_719, %dma_start3A_720] : memref<1600x16xf32, #tpu.memory_space<vmem>> -> memref<80x16xf32, #tpu.memory_space<vmem>>
      %dma_start3A_722 = arith.constant 0 : i32
      %dma_start3A_723 = tpu.memref_slice %arg5[%add3A_713, %dma_start3A_722] : memref<320x80xi32, #tpu.memory_space<vmem>> -> memref<1x80xi32, #tpu.memory_space<vmem>>
      %dma_start3A_724 = tpu.memref_squeeze %dma_start3A_723 : memref<1x80xi32, #tpu.memory_space<vmem>> -> memref<80xi32, #tpu.memory_space<vmem>>
      %dma_start3A_725 = arith.constant 0 : i32
      %dma_start3A_726 = arith.constant 0 : i32
      %dma_start3A_727 = tpu.memref_slice %arg3[%dma_start3A_725, %dma_start3A_726] : memref<1000000x16xf32, #tpu.memory_space<hbm>> -> memref<1000000x16xf32, #tpu.memory_space<hbm>>
      tpu.enqueue_indirect_dma source(%dma_start3A_727 : memref<1000000x16xf32, #tpu.memory_space<hbm>>) target(%dma_start3A_721 : memref<80x16xf32, #tpu.memory_space<vmem>>) offsets(%dma_start3A_724 : memref<80xi32, #tpu.memory_space<vmem>>) semaphore(%arg9 : memref<!tpu.dma_semaphore, #tpu.memory_space<semaphore_mem>>)
      %mul3A_728 = arith.constant 20 : i32
      %mul3A_729 = arith.muli %add3A_655, %mul3A_728 : i32
      %add3A_730 = arith.constant 4 : i32
      %add3A_731 = arith.addi %mul3A_729, %add3A_730 : i32
      %dma_start3A_732 = arith.constant 1 : i32
      %dma_start3A_733 = arith.constant 0 : i32
      %dma_start3A_734 = arith.constant 0 : i32
      %dma_start3A_735 = tpu.memref_slice %arg6[%dma_start3A_732, %dma_start3A_733, %dma_start3A_734] : memref<2x1600x16xf32, #tpu.memory_space<vmem>> -> memref<1x1600x16xf32, #tpu.memory_space<vmem>>
      %dma_start3A_736 = tpu.memref_squeeze %dma_start3A_735 : memref<1x1600x16xf32, #tpu.memory_space<vmem>> -> memref<1600x16xf32, #tpu.memory_space<vmem>>
      %dma_start3A_737 = arith.constant 320 : i32
      %dma_start3A_738 = arith.constant 0 : i32
      %dma_start3A_739 = tpu.memref_slice %dma_start3A_736[%dma_start3A_737, %dma_start3A_738] : memref<1600x16xf32, #tpu.memory_space<vmem>> -> memref<80x16xf32, #tpu.memory_space<vmem>>
      %dma_start3A_740 = arith.constant 0 : i32
      %dma_start3A_741 = tpu.memref_slice %arg5[%add3A_731, %dma_start3A_740] : memref<320x80xi32, #tpu.memory_space<vmem>> -> memref<1x80xi32, #tpu.memory_space<vmem>>
      %dma_start3A_742 = tpu.memref_squeeze %dma_start3A_741 : memref<1x80xi32, #tpu.memory_space<vmem>> -> memref<80xi32, #tpu.memory_space<vmem>>
      %dma_start3A_743 = arith.constant 0 : i32
      %dma_start3A_744 = arith.constant 0 : i32
      %dma_start3A_745 = tpu.memref_slice %arg3[%dma_start3A_743, %dma_start3A_744] : memref<1000000x16xf32, #tpu.memory_space<hbm>> -> memref<1000000x16xf32, #tpu.memory_space<hbm>>
      tpu.enqueue_indirect_dma source(%dma_start3A_745 : memref<1000000x16xf32, #tpu.memory_space<hbm>>) target(%dma_start3A_739 : memref<80x16xf32, #tpu.memory_space<vmem>>) offsets(%dma_start3A_742 : memref<80xi32, #tpu.memory_space<vmem>>) semaphore(%arg9 : memref<!tpu.dma_semaphore, #tpu.memory_space<semaphore_mem>>)
      %mul3A_746 = arith.constant 20 : i32
      %mul3A_747 = arith.muli %add3A_655, %mul3A_746 : i32
      %add3A_748 = arith.constant 5 : i32
      %add3A_749 = arith.addi %mul3A_747, %add3A_748 : i32
      %dma_start3A_750 = arith.constant 1 : i32
      %dma_start3A_751 = arith.constant 0 : i32
      %dma_start3A_752 = arith.constant 0 : i32
      %dma_start3A_753 = tpu.memref_slice %arg6[%dma_start3A_750, %dma_start3A_751, %dma_start3A_752] : memref<2x1600x16xf32, #tpu.memory_space<vmem>> -> memref<1x1600x16xf32, #tpu.memory_space<vmem>>
      %dma_start3A_754 = tpu.memref_squeeze %dma_start3A_753 : memref<1x1600x16xf32, #tpu.memory_space<vmem>> -> memref<1600x16xf32, #tpu.memory_space<vmem>>
      %dma_start3A_755 = arith.constant 400 : i32
      %dma_start3A_756 = arith.constant 0 : i32
      %dma_start3A_757 = tpu.memref_slice %dma_start3A_754[%dma_start3A_755, %dma_start3A_756] : memref<1600x16xf32, #tpu.memory_space<vmem>> -> memref<80x16xf32, #tpu.memory_space<vmem>>
      %dma_start3A_758 = arith.constant 0 : i32
      %dma_start3A_759 = tpu.memref_slice %arg5[%add3A_749, %dma_start3A_758] : memref<320x80xi32, #tpu.memory_space<vmem>> -> memref<1x80xi32, #tpu.memory_space<vmem>>
      %dma_start3A_760 = tpu.memref_squeeze %dma_start3A_759 : memref<1x80xi32, #tpu.memory_space<vmem>> -> memref<80xi32, #tpu.memory_space<vmem>>
      %dma_start3A_761 = arith.constant 0 : i32
      %dma_start3A_762 = arith.constant 0 : i32
      %dma_start3A_763 = tpu.memref_slice %arg3[%dma_start3A_761, %dma_start3A_762] : memref<1000000x16xf32, #tpu.memory_space<hbm>> -> memref<1000000x16xf32, #tpu.memory_space<hbm>>
      tpu.enqueue_indirect_dma source(%dma_start3A_763 : memref<1000000x16xf32, #tpu.memory_space<hbm>>) target(%dma_start3A_757 : memref<80x16xf32, #tpu.memory_space<vmem>>) offsets(%dma_start3A_760 : memref<80xi32, #tpu.memory_space<vmem>>) semaphore(%arg9 : memref<!tpu.dma_semaphore, #tpu.memory_space<semaphore_mem>>)
      %mul3A_764 = arith.constant 20 : i32
      %mul3A_765 = arith.muli %add3A_655, %mul3A_764 : i32
      %add3A_766 = arith.constant 6 : i32
      %add3A_767 = arith.addi %mul3A_765, %add3A_766 : i32
      %dma_start3A_768 = arith.constant 1 : i32
      %dma_start3A_769 = arith.constant 0 : i32
      %dma_start3A_770 = arith.constant 0 : i32
      %dma_start3A_771 = tpu.memref_slice %arg6[%dma_start3A_768, %dma_start3A_769, %dma_start3A_770] : memref<2x1600x16xf32, #tpu.memory_space<vmem>> -> memref<1x1600x16xf32, #tpu.memory_space<vmem>>
      %dma_start3A_772 = tpu.memref_squeeze %dma_start3A_771 : memref<1x1600x16xf32, #tpu.memory_space<vmem>> -> memref<1600x16xf32, #tpu.memory_space<vmem>>
      %dma_start3A_773 = arith.constant 480 : i32
      %dma_start3A_774 = arith.constant 0 : i32
      %dma_start3A_775 = tpu.memref_slice %dma_start3A_772[%dma_start3A_773, %dma_start3A_774] : memref<1600x16xf32, #tpu.memory_space<vmem>> -> memref<80x16xf32, #tpu.memory_space<vmem>>
      %dma_start3A_776 = arith.constant 0 : i32
      %dma_start3A_777 = tpu.memref_slice %arg5[%add3A_767, %dma_start3A_776] : memref<320x80xi32, #tpu.memory_space<vmem>> -> memref<1x80xi32, #tpu.memory_space<vmem>>
      %dma_start3A_778 = tpu.memref_squeeze %dma_start3A_777 : memref<1x80xi32, #tpu.memory_space<vmem>> -> memref<80xi32, #tpu.memory_space<vmem>>
      %dma_start3A_779 = arith.constant 0 : i32
      %dma_start3A_780 = arith.constant 0 : i32
      %dma_start3A_781 = tpu.memref_slice %arg3[%dma_start3A_779, %dma_start3A_780] : memref<1000000x16xf32, #tpu.memory_space<hbm>> -> memref<1000000x16xf32, #tpu.memory_space<hbm>>
      tpu.enqueue_indirect_dma source(%dma_start3A_781 : memref<1000000x16xf32, #tpu.memory_space<hbm>>) target(%dma_start3A_775 : memref<80x16xf32, #tpu.memory_space<vmem>>) offsets(%dma_start3A_778 : memref<80xi32, #tpu.memory_space<vmem>>) semaphore(%arg9 : memref<!tpu.dma_semaphore, #tpu.memory_space<semaphore_mem>>)
      %mul3A_782 = arith.constant 20 : i32
      %mul3A_783 = arith.muli %add3A_655, %mul3A_782 : i32
      %add3A_784 = arith.constant 7 : i32
      %add3A_785 = arith.addi %mul3A_783, %add3A_784 : i32
      %dma_start3A_786 = arith.constant 1 : i32
      %dma_start3A_787 = arith.constant 0 : i32
      %dma_start3A_788 = arith.constant 0 : i32
      %dma_start3A_789 = tpu.memref_slice %arg6[%dma_start3A_786, %dma_start3A_787, %dma_start3A_788] : memref<2x1600x16xf32, #tpu.memory_space<vmem>> -> memref<1x1600x16xf32, #tpu.memory_space<vmem>>
      %dma_start3A_790 = tpu.memref_squeeze %dma_start3A_789 : memref<1x1600x16xf32, #tpu.memory_space<vmem>> -> memref<1600x16xf32, #tpu.memory_space<vmem>>
      %dma_start3A_791 = arith.constant 560 : i32
      %dma_start3A_792 = arith.constant 0 : i32
      %dma_start3A_793 = tpu.memref_slice %dma_start3A_790[%dma_start3A_791, %dma_start3A_792] : memref<1600x16xf32, #tpu.memory_space<vmem>> -> memref<80x16xf32, #tpu.memory_space<vmem>>
      %dma_start3A_794 = arith.constant 0 : i32
      %dma_start3A_795 = tpu.memref_slice %arg5[%add3A_785, %dma_start3A_794] : memref<320x80xi32, #tpu.memory_space<vmem>> -> memref<1x80xi32, #tpu.memory_space<vmem>>
      %dma_start3A_796 = tpu.memref_squeeze %dma_start3A_795 : memref<1x80xi32, #tpu.memory_space<vmem>> -> memref<80xi32, #tpu.memory_space<vmem>>
      %dma_start3A_797 = arith.constant 0 : i32
      %dma_start3A_798 = arith.constant 0 : i32
      %dma_start3A_799 = tpu.memref_slice %arg3[%dma_start3A_797, %dma_start3A_798] : memref<1000000x16xf32, #tpu.memory_space<hbm>> -> memref<1000000x16xf32, #tpu.memory_space<hbm>>
      tpu.enqueue_indirect_dma source(%dma_start3A_799 : memref<1000000x16xf32, #tpu.memory_space<hbm>>) target(%dma_start3A_793 : memref<80x16xf32, #tpu.memory_space<vmem>>) offsets(%dma_start3A_796 : memref<80xi32, #tpu.memory_space<vmem>>) semaphore(%arg9 : memref<!tpu.dma_semaphore, #tpu.memory_space<semaphore_mem>>)
      %mul3A_800 = arith.constant 20 : i32
      %mul3A_801 = arith.muli %add3A_655, %mul3A_800 : i32
      %add3A_802 = arith.constant 8 : i32
      %add3A_803 = arith.addi %mul3A_801, %add3A_802 : i32
      %dma_start3A_804 = arith.constant 1 : i32
      %dma_start3A_805 = arith.constant 0 : i32
      %dma_start3A_806 = arith.constant 0 : i32
      %dma_start3A_807 = tpu.memref_slice %arg6[%dma_start3A_804, %dma_start3A_805, %dma_start3A_806] : memref<2x1600x16xf32, #tpu.memory_space<vmem>> -> memref<1x1600x16xf32, #tpu.memory_space<vmem>>
      %dma_start3A_808 = tpu.memref_squeeze %dma_start3A_807 : memref<1x1600x16xf32, #tpu.memory_space<vmem>> -> memref<1600x16xf32, #tpu.memory_space<vmem>>
      %dma_start3A_809 = arith.constant 640 : i32
      %dma_start3A_810 = arith.constant 0 : i32
      %dma_start3A_811 = tpu.memref_slice %dma_start3A_808[%dma_start3A_809, %dma_start3A_810] : memref<1600x16xf32, #tpu.memory_space<vmem>> -> memref<80x16xf32, #tpu.memory_space<vmem>>
      %dma_start3A_812 = arith.constant 0 : i32
      %dma_start3A_813 = tpu.memref_slice %arg5[%add3A_803, %dma_start3A_812] : memref<320x80xi32, #tpu.memory_space<vmem>> -> memref<1x80xi32, #tpu.memory_space<vmem>>
      %dma_start3A_814 = tpu.memref_squeeze %dma_start3A_813 : memref<1x80xi32, #tpu.memory_space<vmem>> -> memref<80xi32, #tpu.memory_space<vmem>>
      %dma_start3A_815 = arith.constant 0 : i32
      %dma_start3A_816 = arith.constant 0 : i32
      %dma_start3A_817 = tpu.memref_slice %arg3[%dma_start3A_815, %dma_start3A_816] : memref<1000000x16xf32, #tpu.memory_space<hbm>> -> memref<1000000x16xf32, #tpu.memory_space<hbm>>
      tpu.enqueue_indirect_dma source(%dma_start3A_817 : memref<1000000x16xf32, #tpu.memory_space<hbm>>) target(%dma_start3A_811 : memref<80x16xf32, #tpu.memory_space<vmem>>) offsets(%dma_start3A_814 : memref<80xi32, #tpu.memory_space<vmem>>) semaphore(%arg9 : memref<!tpu.dma_semaphore, #tpu.memory_space<semaphore_mem>>)
      %mul3A_818 = arith.constant 20 : i32
      %mul3A_819 = arith.muli %add3A_655, %mul3A_818 : i32
      %add3A_820 = arith.constant 9 : i32
      %add3A_821 = arith.addi %mul3A_819, %add3A_820 : i32
      %dma_start3A_822 = arith.constant 1 : i32
      %dma_start3A_823 = arith.constant 0 : i32
      %dma_start3A_824 = arith.constant 0 : i32
      %dma_start3A_825 = tpu.memref_slice %arg6[%dma_start3A_822, %dma_start3A_823, %dma_start3A_824] : memref<2x1600x16xf32, #tpu.memory_space<vmem>> -> memref<1x1600x16xf32, #tpu.memory_space<vmem>>
      %dma_start3A_826 = tpu.memref_squeeze %dma_start3A_825 : memref<1x1600x16xf32, #tpu.memory_space<vmem>> -> memref<1600x16xf32, #tpu.memory_space<vmem>>
      %dma_start3A_827 = arith.constant 720 : i32
      %dma_start3A_828 = arith.constant 0 : i32
      %dma_start3A_829 = tpu.memref_slice %dma_start3A_826[%dma_start3A_827, %dma_start3A_828] : memref<1600x16xf32, #tpu.memory_space<vmem>> -> memref<80x16xf32, #tpu.memory_space<vmem>>
      %dma_start3A_830 = arith.constant 0 : i32
      %dma_start3A_831 = tpu.memref_slice %arg5[%add3A_821, %dma_start3A_830] : memref<320x80xi32, #tpu.memory_space<vmem>> -> memref<1x80xi32, #tpu.memory_space<vmem>>
      %dma_start3A_832 = tpu.memref_squeeze %dma_start3A_831 : memref<1x80xi32, #tpu.memory_space<vmem>> -> memref<80xi32, #tpu.memory_space<vmem>>
      %dma_start3A_833 = arith.constant 0 : i32
      %dma_start3A_834 = arith.constant 0 : i32
      %dma_start3A_835 = tpu.memref_slice %arg3[%dma_start3A_833, %dma_start3A_834] : memref<1000000x16xf32, #tpu.memory_space<hbm>> -> memref<1000000x16xf32, #tpu.memory_space<hbm>>
      tpu.enqueue_indirect_dma source(%dma_start3A_835 : memref<1000000x16xf32, #tpu.memory_space<hbm>>) target(%dma_start3A_829 : memref<80x16xf32, #tpu.memory_space<vmem>>) offsets(%dma_start3A_832 : memref<80xi32, #tpu.memory_space<vmem>>) semaphore(%arg9 : memref<!tpu.dma_semaphore, #tpu.memory_space<semaphore_mem>>)
      %mul3A_836 = arith.constant 20 : i32
      %mul3A_837 = arith.muli %add3A_655, %mul3A_836 : i32
      %add3A_838 = arith.constant 10 : i32
      %add3A_839 = arith.addi %mul3A_837, %add3A_838 : i32
      %dma_start3A_840 = arith.constant 1 : i32
      %dma_start3A_841 = arith.constant 0 : i32
      %dma_start3A_842 = arith.constant 0 : i32
      %dma_start3A_843 = tpu.memref_slice %arg6[%dma_start3A_840, %dma_start3A_841, %dma_start3A_842] : memref<2x1600x16xf32, #tpu.memory_space<vmem>> -> memref<1x1600x16xf32, #tpu.memory_space<vmem>>
      %dma_start3A_844 = tpu.memref_squeeze %dma_start3A_843 : memref<1x1600x16xf32, #tpu.memory_space<vmem>> -> memref<1600x16xf32, #tpu.memory_space<vmem>>
      %dma_start3A_845 = arith.constant 800 : i32
      %dma_start3A_846 = arith.constant 0 : i32
      %dma_start3A_847 = tpu.memref_slice %dma_start3A_844[%dma_start3A_845, %dma_start3A_846] : memref<1600x16xf32, #tpu.memory_space<vmem>> -> memref<80x16xf32, #tpu.memory_space<vmem>>
      %dma_start3A_848 = arith.constant 0 : i32
      %dma_start3A_849 = tpu.memref_slice %arg5[%add3A_839, %dma_start3A_848] : memref<320x80xi32, #tpu.memory_space<vmem>> -> memref<1x80xi32, #tpu.memory_space<vmem>>
      %dma_start3A_850 = tpu.memref_squeeze %dma_start3A_849 : memref<1x80xi32, #tpu.memory_space<vmem>> -> memref<80xi32, #tpu.memory_space<vmem>>
      %dma_start3A_851 = arith.constant 0 : i32
      %dma_start3A_852 = arith.constant 0 : i32
      %dma_start3A_853 = tpu.memref_slice %arg3[%dma_start3A_851, %dma_start3A_852] : memref<1000000x16xf32, #tpu.memory_space<hbm>> -> memref<1000000x16xf32, #tpu.memory_space<hbm>>
      tpu.enqueue_indirect_dma source(%dma_start3A_853 : memref<1000000x16xf32, #tpu.memory_space<hbm>>) target(%dma_start3A_847 : memref<80x16xf32, #tpu.memory_space<vmem>>) offsets(%dma_start3A_850 : memref<80xi32, #tpu.memory_space<vmem>>) semaphore(%arg9 : memref<!tpu.dma_semaphore, #tpu.memory_space<semaphore_mem>>)
      %mul3A_854 = arith.constant 20 : i32
      %mul3A_855 = arith.muli %add3A_655, %mul3A_854 : i32
      %add3A_856 = arith.constant 11 : i32
      %add3A_857 = arith.addi %mul3A_855, %add3A_856 : i32
      %dma_start3A_858 = arith.constant 1 : i32
      %dma_start3A_859 = arith.constant 0 : i32
      %dma_start3A_860 = arith.constant 0 : i32
      %dma_start3A_861 = tpu.memref_slice %arg6[%dma_start3A_858, %dma_start3A_859, %dma_start3A_860] : memref<2x1600x16xf32, #tpu.memory_space<vmem>> -> memref<1x1600x16xf32, #tpu.memory_space<vmem>>
      %dma_start3A_862 = tpu.memref_squeeze %dma_start3A_861 : memref<1x1600x16xf32, #tpu.memory_space<vmem>> -> memref<1600x16xf32, #tpu.memory_space<vmem>>
      %dma_start3A_863 = arith.constant 880 : i32
      %dma_start3A_864 = arith.constant 0 : i32
      %dma_start3A_865 = tpu.memref_slice %dma_start3A_862[%dma_start3A_863, %dma_start3A_864] : memref<1600x16xf32, #tpu.memory_space<vmem>> -> memref<80x16xf32, #tpu.memory_space<vmem>>
      %dma_start3A_866 = arith.constant 0 : i32
      %dma_start3A_867 = tpu.memref_slice %arg5[%add3A_857, %dma_start3A_866] : memref<320x80xi32, #tpu.memory_space<vmem>> -> memref<1x80xi32, #tpu.memory_space<vmem>>
      %dma_start3A_868 = tpu.memref_squeeze %dma_start3A_867 : memref<1x80xi32, #tpu.memory_space<vmem>> -> memref<80xi32, #tpu.memory_space<vmem>>
      %dma_start3A_869 = arith.constant 0 : i32
      %dma_start3A_870 = arith.constant 0 : i32
      %dma_start3A_871 = tpu.memref_slice %arg3[%dma_start3A_869, %dma_start3A_870] : memref<1000000x16xf32, #tpu.memory_space<hbm>> -> memref<1000000x16xf32, #tpu.memory_space<hbm>>
      tpu.enqueue_indirect_dma source(%dma_start3A_871 : memref<1000000x16xf32, #tpu.memory_space<hbm>>) target(%dma_start3A_865 : memref<80x16xf32, #tpu.memory_space<vmem>>) offsets(%dma_start3A_868 : memref<80xi32, #tpu.memory_space<vmem>>) semaphore(%arg9 : memref<!tpu.dma_semaphore, #tpu.memory_space<semaphore_mem>>)
      %mul3A_872 = arith.constant 20 : i32
      %mul3A_873 = arith.muli %add3A_655, %mul3A_872 : i32
      %add3A_874 = arith.constant 12 : i32
      %add3A_875 = arith.addi %mul3A_873, %add3A_874 : i32
      %dma_start3A_876 = arith.constant 1 : i32
      %dma_start3A_877 = arith.constant 0 : i32
      %dma_start3A_878 = arith.constant 0 : i32
      %dma_start3A_879 = tpu.memref_slice %arg6[%dma_start3A_876, %dma_start3A_877, %dma_start3A_878] : memref<2x1600x16xf32, #tpu.memory_space<vmem>> -> memref<1x1600x16xf32, #tpu.memory_space<vmem>>
      %dma_start3A_880 = tpu.memref_squeeze %dma_start3A_879 : memref<1x1600x16xf32, #tpu.memory_space<vmem>> -> memref<1600x16xf32, #tpu.memory_space<vmem>>
      %dma_start3A_881 = arith.constant 960 : i32
      %dma_start3A_882 = arith.constant 0 : i32
      %dma_start3A_883 = tpu.memref_slice %dma_start3A_880[%dma_start3A_881, %dma_start3A_882] : memref<1600x16xf32, #tpu.memory_space<vmem>> -> memref<80x16xf32, #tpu.memory_space<vmem>>
      %dma_start3A_884 = arith.constant 0 : i32
      %dma_start3A_885 = tpu.memref_slice %arg5[%add3A_875, %dma_start3A_884] : memref<320x80xi32, #tpu.memory_space<vmem>> -> memref<1x80xi32, #tpu.memory_space<vmem>>
      %dma_start3A_886 = tpu.memref_squeeze %dma_start3A_885 : memref<1x80xi32, #tpu.memory_space<vmem>> -> memref<80xi32, #tpu.memory_space<vmem>>
      %dma_start3A_887 = arith.constant 0 : i32
      %dma_start3A_888 = arith.constant 0 : i32
      %dma_start3A_889 = tpu.memref_slice %arg3[%dma_start3A_887, %dma_start3A_888] : memref<1000000x16xf32, #tpu.memory_space<hbm>> -> memref<1000000x16xf32, #tpu.memory_space<hbm>>
      tpu.enqueue_indirect_dma source(%dma_start3A_889 : memref<1000000x16xf32, #tpu.memory_space<hbm>>) target(%dma_start3A_883 : memref<80x16xf32, #tpu.memory_space<vmem>>) offsets(%dma_start3A_886 : memref<80xi32, #tpu.memory_space<vmem>>) semaphore(%arg9 : memref<!tpu.dma_semaphore, #tpu.memory_space<semaphore_mem>>)
      %mul3A_890 = arith.constant 20 : i32
      %mul3A_891 = arith.muli %add3A_655, %mul3A_890 : i32
      %add3A_892 = arith.constant 13 : i32
      %add3A_893 = arith.addi %mul3A_891, %add3A_892 : i32
      %dma_start3A_894 = arith.constant 1 : i32
      %dma_start3A_895 = arith.constant 0 : i32
      %dma_start3A_896 = arith.constant 0 : i32
      %dma_start3A_897 = tpu.memref_slice %arg6[%dma_start3A_894, %dma_start3A_895, %dma_start3A_896] : memref<2x1600x16xf32, #tpu.memory_space<vmem>> -> memref<1x1600x16xf32, #tpu.memory_space<vmem>>
      %dma_start3A_898 = tpu.memref_squeeze %dma_start3A_897 : memref<1x1600x16xf32, #tpu.memory_space<vmem>> -> memref<1600x16xf32, #tpu.memory_space<vmem>>
      %dma_start3A_899 = arith.constant 1040 : i32
      %dma_start3A_900 = arith.constant 0 : i32
      %dma_start3A_901 = tpu.memref_slice %dma_start3A_898[%dma_start3A_899, %dma_start3A_900] : memref<1600x16xf32, #tpu.memory_space<vmem>> -> memref<80x16xf32, #tpu.memory_space<vmem>>
      %dma_start3A_902 = arith.constant 0 : i32
      %dma_start3A_903 = tpu.memref_slice %arg5[%add3A_893, %dma_start3A_902] : memref<320x80xi32, #tpu.memory_space<vmem>> -> memref<1x80xi32, #tpu.memory_space<vmem>>
      %dma_start3A_904 = tpu.memref_squeeze %dma_start3A_903 : memref<1x80xi32, #tpu.memory_space<vmem>> -> memref<80xi32, #tpu.memory_space<vmem>>
      %dma_start3A_905 = arith.constant 0 : i32
      %dma_start3A_906 = arith.constant 0 : i32
      %dma_start3A_907 = tpu.memref_slice %arg3[%dma_start3A_905, %dma_start3A_906] : memref<1000000x16xf32, #tpu.memory_space<hbm>> -> memref<1000000x16xf32, #tpu.memory_space<hbm>>
      tpu.enqueue_indirect_dma source(%dma_start3A_907 : memref<1000000x16xf32, #tpu.memory_space<hbm>>) target(%dma_start3A_901 : memref<80x16xf32, #tpu.memory_space<vmem>>) offsets(%dma_start3A_904 : memref<80xi32, #tpu.memory_space<vmem>>) semaphore(%arg9 : memref<!tpu.dma_semaphore, #tpu.memory_space<semaphore_mem>>)
      %mul3A_908 = arith.constant 20 : i32
      %mul3A_909 = arith.muli %add3A_655, %mul3A_908 : i32
      %add3A_910 = arith.constant 14 : i32
      %add3A_911 = arith.addi %mul3A_909, %add3A_910 : i32
      %dma_start3A_912 = arith.constant 1 : i32
      %dma_start3A_913 = arith.constant 0 : i32
      %dma_start3A_914 = arith.constant 0 : i32
      %dma_start3A_915 = tpu.memref_slice %arg6[%dma_start3A_912, %dma_start3A_913, %dma_start3A_914] : memref<2x1600x16xf32, #tpu.memory_space<vmem>> -> memref<1x1600x16xf32, #tpu.memory_space<vmem>>
      %dma_start3A_916 = tpu.memref_squeeze %dma_start3A_915 : memref<1x1600x16xf32, #tpu.memory_space<vmem>> -> memref<1600x16xf32, #tpu.memory_space<vmem>>
      %dma_start3A_917 = arith.constant 1120 : i32
      %dma_start3A_918 = arith.constant 0 : i32
      %dma_start3A_919 = tpu.memref_slice %dma_start3A_916[%dma_start3A_917, %dma_start3A_918] : memref<1600x16xf32, #tpu.memory_space<vmem>> -> memref<80x16xf32, #tpu.memory_space<vmem>>
      %dma_start3A_920 = arith.constant 0 : i32
      %dma_start3A_921 = tpu.memref_slice %arg5[%add3A_911, %dma_start3A_920] : memref<320x80xi32, #tpu.memory_space<vmem>> -> memref<1x80xi32, #tpu.memory_space<vmem>>
      %dma_start3A_922 = tpu.memref_squeeze %dma_start3A_921 : memref<1x80xi32, #tpu.memory_space<vmem>> -> memref<80xi32, #tpu.memory_space<vmem>>
      %dma_start3A_923 = arith.constant 0 : i32
      %dma_start3A_924 = arith.constant 0 : i32
      %dma_start3A_925 = tpu.memref_slice %arg3[%dma_start3A_923, %dma_start3A_924] : memref<1000000x16xf32, #tpu.memory_space<hbm>> -> memref<1000000x16xf32, #tpu.memory_space<hbm>>
      tpu.enqueue_indirect_dma source(%dma_start3A_925 : memref<1000000x16xf32, #tpu.memory_space<hbm>>) target(%dma_start3A_919 : memref<80x16xf32, #tpu.memory_space<vmem>>) offsets(%dma_start3A_922 : memref<80xi32, #tpu.memory_space<vmem>>) semaphore(%arg9 : memref<!tpu.dma_semaphore, #tpu.memory_space<semaphore_mem>>)
      %mul3A_926 = arith.constant 20 : i32
      %mul3A_927 = arith.muli %add3A_655, %mul3A_926 : i32
      %add3A_928 = arith.constant 15 : i32
      %add3A_929 = arith.addi %mul3A_927, %add3A_928 : i32
      %dma_start3A_930 = arith.constant 1 : i32
      %dma_start3A_931 = arith.constant 0 : i32
      %dma_start3A_932 = arith.constant 0 : i32
      %dma_start3A_933 = tpu.memref_slice %arg6[%dma_start3A_930, %dma_start3A_931, %dma_start3A_932] : memref<2x1600x16xf32, #tpu.memory_space<vmem>> -> memref<1x1600x16xf32, #tpu.memory_space<vmem>>
      %dma_start3A_934 = tpu.memref_squeeze %dma_start3A_933 : memref<1x1600x16xf32, #tpu.memory_space<vmem>> -> memref<1600x16xf32, #tpu.memory_space<vmem>>
      %dma_start3A_935 = arith.constant 1200 : i32
      %dma_start3A_936 = arith.constant 0 : i32
      %dma_start3A_937 = tpu.memref_slice %dma_start3A_934[%dma_start3A_935, %dma_start3A_936] : memref<1600x16xf32, #tpu.memory_space<vmem>> -> memref<80x16xf32, #tpu.memory_space<vmem>>
      %dma_start3A_938 = arith.constant 0 : i32
      %dma_start3A_939 = tpu.memref_slice %arg5[%add3A_929, %dma_start3A_938] : memref<320x80xi32, #tpu.memory_space<vmem>> -> memref<1x80xi32, #tpu.memory_space<vmem>>
      %dma_start3A_940 = tpu.memref_squeeze %dma_start3A_939 : memref<1x80xi32, #tpu.memory_space<vmem>> -> memref<80xi32, #tpu.memory_space<vmem>>
      %dma_start3A_941 = arith.constant 0 : i32
      %dma_start3A_942 = arith.constant 0 : i32
      %dma_start3A_943 = tpu.memref_slice %arg3[%dma_start3A_941, %dma_start3A_942] : memref<1000000x16xf32, #tpu.memory_space<hbm>> -> memref<1000000x16xf32, #tpu.memory_space<hbm>>
      tpu.enqueue_indirect_dma source(%dma_start3A_943 : memref<1000000x16xf32, #tpu.memory_space<hbm>>) target(%dma_start3A_937 : memref<80x16xf32, #tpu.memory_space<vmem>>) offsets(%dma_start3A_940 : memref<80xi32, #tpu.memory_space<vmem>>) semaphore(%arg9 : memref<!tpu.dma_semaphore, #tpu.memory_space<semaphore_mem>>)
      %mul3A_944 = arith.constant 20 : i32
      %mul3A_945 = arith.muli %add3A_655, %mul3A_944 : i32
      %add3A_946 = arith.constant 16 : i32
      %add3A_947 = arith.addi %mul3A_945, %add3A_946 : i32
      %dma_start3A_948 = arith.constant 1 : i32
      %dma_start3A_949 = arith.constant 0 : i32
      %dma_start3A_950 = arith.constant 0 : i32
      %dma_start3A_951 = tpu.memref_slice %arg6[%dma_start3A_948, %dma_start3A_949, %dma_start3A_950] : memref<2x1600x16xf32, #tpu.memory_space<vmem>> -> memref<1x1600x16xf32, #tpu.memory_space<vmem>>
      %dma_start3A_952 = tpu.memref_squeeze %dma_start3A_951 : memref<1x1600x16xf32, #tpu.memory_space<vmem>> -> memref<1600x16xf32, #tpu.memory_space<vmem>>
      %dma_start3A_953 = arith.constant 1280 : i32
      %dma_start3A_954 = arith.constant 0 : i32
      %dma_start3A_955 = tpu.memref_slice %dma_start3A_952[%dma_start3A_953, %dma_start3A_954] : memref<1600x16xf32, #tpu.memory_space<vmem>> -> memref<80x16xf32, #tpu.memory_space<vmem>>
      %dma_start3A_956 = arith.constant 0 : i32
      %dma_start3A_957 = tpu.memref_slice %arg5[%add3A_947, %dma_start3A_956] : memref<320x80xi32, #tpu.memory_space<vmem>> -> memref<1x80xi32, #tpu.memory_space<vmem>>
      %dma_start3A_958 = tpu.memref_squeeze %dma_start3A_957 : memref<1x80xi32, #tpu.memory_space<vmem>> -> memref<80xi32, #tpu.memory_space<vmem>>
      %dma_start3A_959 = arith.constant 0 : i32
      %dma_start3A_960 = arith.constant 0 : i32
      %dma_start3A_961 = tpu.memref_slice %arg3[%dma_start3A_959, %dma_start3A_960] : memref<1000000x16xf32, #tpu.memory_space<hbm>> -> memref<1000000x16xf32, #tpu.memory_space<hbm>>
      tpu.enqueue_indirect_dma source(%dma_start3A_961 : memref<1000000x16xf32, #tpu.memory_space<hbm>>) target(%dma_start3A_955 : memref<80x16xf32, #tpu.memory_space<vmem>>) offsets(%dma_start3A_958 : memref<80xi32, #tpu.memory_space<vmem>>) semaphore(%arg9 : memref<!tpu.dma_semaphore, #tpu.memory_space<semaphore_mem>>)
      %mul3A_962 = arith.constant 20 : i32
      %mul3A_963 = arith.muli %add3A_655, %mul3A_962 : i32
      %add3A_964 = arith.constant 17 : i32
      %add3A_965 = arith.addi %mul3A_963, %add3A_964 : i32
      %dma_start3A_966 = arith.constant 1 : i32
      %dma_start3A_967 = arith.constant 0 : i32
      %dma_start3A_968 = arith.constant 0 : i32
      %dma_start3A_969 = tpu.memref_slice %arg6[%dma_start3A_966, %dma_start3A_967, %dma_start3A_968] : memref<2x1600x16xf32, #tpu.memory_space<vmem>> -> memref<1x1600x16xf32, #tpu.memory_space<vmem>>
      %dma_start3A_970 = tpu.memref_squeeze %dma_start3A_969 : memref<1x1600x16xf32, #tpu.memory_space<vmem>> -> memref<1600x16xf32, #tpu.memory_space<vmem>>
      %dma_start3A_971 = arith.constant 1360 : i32
      %dma_start3A_972 = arith.constant 0 : i32
      %dma_start3A_973 = tpu.memref_slice %dma_start3A_970[%dma_start3A_971, %dma_start3A_972] : memref<1600x16xf32, #tpu.memory_space<vmem>> -> memref<80x16xf32, #tpu.memory_space<vmem>>
      %dma_start3A_974 = arith.constant 0 : i32
      %dma_start3A_975 = tpu.memref_slice %arg5[%add3A_965, %dma_start3A_974] : memref<320x80xi32, #tpu.memory_space<vmem>> -> memref<1x80xi32, #tpu.memory_space<vmem>>
      %dma_start3A_976 = tpu.memref_squeeze %dma_start3A_975 : memref<1x80xi32, #tpu.memory_space<vmem>> -> memref<80xi32, #tpu.memory_space<vmem>>
      %dma_start3A_977 = arith.constant 0 : i32
      %dma_start3A_978 = arith.constant 0 : i32
      %dma_start3A_979 = tpu.memref_slice %arg3[%dma_start3A_977, %dma_start3A_978] : memref<1000000x16xf32, #tpu.memory_space<hbm>> -> memref<1000000x16xf32, #tpu.memory_space<hbm>>
      tpu.enqueue_indirect_dma source(%dma_start3A_979 : memref<1000000x16xf32, #tpu.memory_space<hbm>>) target(%dma_start3A_973 : memref<80x16xf32, #tpu.memory_space<vmem>>) offsets(%dma_start3A_976 : memref<80xi32, #tpu.memory_space<vmem>>) semaphore(%arg9 : memref<!tpu.dma_semaphore, #tpu.memory_space<semaphore_mem>>)
      %mul3A_980 = arith.constant 20 : i32
      %mul3A_981 = arith.muli %add3A_655, %mul3A_980 : i32
      %add3A_982 = arith.constant 18 : i32
      %add3A_983 = arith.addi %mul3A_981, %add3A_982 : i32
      %dma_start3A_984 = arith.constant 1 : i32
      %dma_start3A_985 = arith.constant 0 : i32
      %dma_start3A_986 = arith.constant 0 : i32
      %dma_start3A_987 = tpu.memref_slice %arg6[%dma_start3A_984, %dma_start3A_985, %dma_start3A_986] : memref<2x1600x16xf32, #tpu.memory_space<vmem>> -> memref<1x1600x16xf32, #tpu.memory_space<vmem>>
      %dma_start3A_988 = tpu.memref_squeeze %dma_start3A_987 : memref<1x1600x16xf32, #tpu.memory_space<vmem>> -> memref<1600x16xf32, #tpu.memory_space<vmem>>
      %dma_start3A_989 = arith.constant 1440 : i32
      %dma_start3A_990 = arith.constant 0 : i32
      %dma_start3A_991 = tpu.memref_slice %dma_start3A_988[%dma_start3A_989, %dma_start3A_990] : memref<1600x16xf32, #tpu.memory_space<vmem>> -> memref<80x16xf32, #tpu.memory_space<vmem>>
      %dma_start3A_992 = arith.constant 0 : i32
      %dma_start3A_993 = tpu.memref_slice %arg5[%add3A_983, %dma_start3A_992] : memref<320x80xi32, #tpu.memory_space<vmem>> -> memref<1x80xi32, #tpu.memory_space<vmem>>
      %dma_start3A_994 = tpu.memref_squeeze %dma_start3A_993 : memref<1x80xi32, #tpu.memory_space<vmem>> -> memref<80xi32, #tpu.memory_space<vmem>>
      %dma_start3A_995 = arith.constant 0 : i32
      %dma_start3A_996 = arith.constant 0 : i32
      %dma_start3A_997 = tpu.memref_slice %arg3[%dma_start3A_995, %dma_start3A_996] : memref<1000000x16xf32, #tpu.memory_space<hbm>> -> memref<1000000x16xf32, #tpu.memory_space<hbm>>
      tpu.enqueue_indirect_dma source(%dma_start3A_997 : memref<1000000x16xf32, #tpu.memory_space<hbm>>) target(%dma_start3A_991 : memref<80x16xf32, #tpu.memory_space<vmem>>) offsets(%dma_start3A_994 : memref<80xi32, #tpu.memory_space<vmem>>) semaphore(%arg9 : memref<!tpu.dma_semaphore, #tpu.memory_space<semaphore_mem>>)
      %mul3A_998 = arith.constant 20 : i32
      %mul3A_999 = arith.muli %add3A_655, %mul3A_998 : i32
      %add3A_1000 = arith.constant 19 : i32
      %add3A_1001 = arith.addi %mul3A_999, %add3A_1000 : i32
      %dma_start3A_1002 = arith.constant 1 : i32
      %dma_start3A_1003 = arith.constant 0 : i32
      %dma_start3A_1004 = arith.constant 0 : i32
      %dma_start3A_1005 = tpu.memref_slice %arg6[%dma_start3A_1002, %dma_start3A_1003, %dma_start3A_1004] : memref<2x1600x16xf32, #tpu.memory_space<vmem>> -> memref<1x1600x16xf32, #tpu.memory_space<vmem>>
      %dma_start3A_1006 = tpu.memref_squeeze %dma_start3A_1005 : memref<1x1600x16xf32, #tpu.memory_space<vmem>> -> memref<1600x16xf32, #tpu.memory_space<vmem>>
      %dma_start3A_1007 = arith.constant 1520 : i32
      %dma_start3A_1008 = arith.constant 0 : i32
      %dma_start3A_1009 = tpu.memref_slice %dma_start3A_1006[%dma_start3A_1007, %dma_start3A_1008] : memref<1600x16xf32, #tpu.memory_space<vmem>> -> memref<80x16xf32, #tpu.memory_space<vmem>>
      %dma_start3A_1010 = arith.constant 0 : i32
      %dma_start3A_1011 = tpu.memref_slice %arg5[%add3A_1001, %dma_start3A_1010] : memref<320x80xi32, #tpu.memory_space<vmem>> -> memref<1x80xi32, #tpu.memory_space<vmem>>
      %dma_start3A_1012 = tpu.memref_squeeze %dma_start3A_1011 : memref<1x80xi32, #tpu.memory_space<vmem>> -> memref<80xi32, #tpu.memory_space<vmem>>
      %dma_start3A_1013 = arith.constant 0 : i32
      %dma_start3A_1014 = arith.constant 0 : i32
      %dma_start3A_1015 = tpu.memref_slice %arg3[%dma_start3A_1013, %dma_start3A_1014] : memref<1000000x16xf32, #tpu.memory_space<hbm>> -> memref<1000000x16xf32, #tpu.memory_space<hbm>>
      tpu.enqueue_indirect_dma source(%dma_start3A_1015 : memref<1000000x16xf32, #tpu.memory_space<hbm>>) target(%dma_start3A_1009 : memref<80x16xf32, #tpu.memory_space<vmem>>) offsets(%dma_start3A_1012 : memref<80xi32, #tpu.memory_space<vmem>>) semaphore(%arg9 : memref<!tpu.dma_semaphore, #tpu.memory_space<semaphore_mem>>)
      %dma_wait3A_1016 = arith.constant 0 : i32
      %dma_wait3A_1017 = arith.constant 0 : i32
      %dma_wait3A_1018 = arith.constant 0 : i32
      %dma_wait3A_1019 = tpu.memref_slice %arg6[%dma_wait3A_1016, %dma_wait3A_1017, %dma_wait3A_1018] : memref<2x1600x16xf32, #tpu.memory_space<vmem>> -> memref<1x1600x16xf32, #tpu.memory_space<vmem>>
      %dma_wait3A_1020 = tpu.memref_squeeze %dma_wait3A_1019 : memref<1x1600x16xf32, #tpu.memory_space<vmem>> -> memref<1600x16xf32, #tpu.memory_space<vmem>>
      %dma_wait3A_1021 = arith.constant 0 : i32
      %dma_wait3A_1022 = arith.constant 0 : i32
      %dma_wait3A_1023 = tpu.memref_slice %arg3[%dma_wait3A_1021, %dma_wait3A_1022] : memref<1000000x16xf32, #tpu.memory_space<hbm>> -> memref<1600x16xf32, #tpu.memory_space<hbm>>
      %dma_wait3A_1024 = arith.constant 0 : i32
      %dma_wait3A_1025 = arith.constant 0 : i32
      %dma_wait3A_1026 = tpu.memref_slice %arg6[%dma_wait3A_1016, %dma_wait3A_1024, %dma_wait3A_1025] : memref<2x1600x16xf32, #tpu.memory_space<vmem>> -> memref<1x1600x16xf32, #tpu.memory_space<vmem>>
      %dma_wait3A_1027 = tpu.memref_squeeze %dma_wait3A_1026 : memref<1x1600x16xf32, #tpu.memory_space<vmem>> -> memref<1600x16xf32, #tpu.memory_space<vmem>>
      %dma_wait3A_1028 = arith.constant 0 : i32
      %dma_wait3A_1029 = arith.constant 0 : i32
      %dma_wait3A_1030 = tpu.memref_slice %arg3[%dma_wait3A_1028, %dma_wait3A_1029] : memref<1000000x16xf32, #tpu.memory_space<hbm>> -> memref<1600x16xf32, #tpu.memory_space<hbm>>
      tpu.wait_dma2 semaphore(%arg8 : memref<!tpu.dma_semaphore, #tpu.memory_space<semaphore_mem>>) src(%dma_wait3A_1030 : memref<1600x16xf32, #tpu.memory_space<hbm>>) dst(%dma_wait3A_1027 : memref<1600x16xf32, #tpu.memory_space<vmem>>)
      %add3A_1031 = arith.constant 0 : i32
      %add3A_1032 = arith.addi %add3A_651, %add3A_1031 : i32
      %scan3A_1033 = arith.constant 0 : i32
      %scan3A_1034 = arith.constant 0 : i32
      %scan3A_1035 = arith.constant 32 : i32
      %scan3A_1036 = arith.addi %scan3A_1034, %scan3A_1035 : i32
      %scan3A_1037 = arith.constant 1 : i32
      scf.for %scan3A_1426 = %scan3A_1034 to %scan3A_1036 step %scan3A_1037  : i32 {
        %mul3A_1427 = arith.constant 1 : i32
        %mul3A_1428 = arith.muli %scan3A_1426, %mul3A_1427 : i32
        %add3A_1429 = arith.constant 0 : i32
        %add3A_1430 = arith.addi %add3A_1429, %mul3A_1428 : i32
        %mul3A_1431 = arith.constant 50 : i32
        %mul3A_1432 = arith.muli %add3A_1430, %mul3A_1431 : i32
        %add3A_1433 = arith.constant 0 : i32
        %add3A_1434 = arith.addi %mul3A_1432, %add3A_1433 : i32
        %get3A = arith.constant 0 : i32
        %get3A_1435 = arith.constant 0 : i32
        %get3A_1436 = tpu.memref_slice %arg6[%scan3A_1033, %get3A, %get3A_1435] : memref<2x1600x16xf32, #tpu.memory_space<vmem>> -> memref<1x1600x16xf32, #tpu.memory_space<vmem>>
        %get3A_1437 = tpu.memref_squeeze %get3A_1436 : memref<1x1600x16xf32, #tpu.memory_space<vmem>> -> memref<1600x16xf32, #tpu.memory_space<vmem>>
        %get3A_1438 = arith.index_cast %add3A_1434 : i32 to index
        %get3A_1439 = arith.constant 0 : index
        %get3A_1440 = tpu.vector_load %get3A_1437[%get3A_1438, %get3A_1439] {strides = array<i32>} : memref<1600x16xf32, #tpu.memory_space<vmem>>, vector<1x16xf32>,
        %get3A_1441 = vector.shape_cast %get3A_1440 : vector<1x16xf32> to vector<16xf32>
        %add3A_1442 = arith.constant 1 : i32
        %add3A_1443 = arith.addi %mul3A_1432, %add3A_1442 : i32
        %get3A_1444 = arith.constant 0 : i32
        %get3A_1445 = arith.constant 0 : i32
        %get3A_1446 = tpu.memref_slice %arg6[%scan3A_1033, %get3A_1444, %get3A_1445] : memref<2x1600x16xf32, #tpu.memory_space<vmem>> -> memref<1x1600x16xf32, #tpu.memory_space<vmem>>
        %get3A_1447 = tpu.memref_squeeze %get3A_1446 : memref<1x1600x16xf32, #tpu.memory_space<vmem>> -> memref<1600x16xf32, #tpu.memory_space<vmem>>
        %get3A_1448 = arith.index_cast %add3A_1443 : i32 to index
        %get3A_1449 = arith.constant 0 : index
        %get3A_1450 = tpu.vector_load %get3A_1447[%get3A_1448, %get3A_1449] {strides = array<i32>} : memref<1600x16xf32, #tpu.memory_space<vmem>>, vector<1x16xf32>,
        %get3A_1451 = vector.shape_cast %get3A_1450 : vector<1x16xf32> to vector<16xf32>
        %add3A_1452 = arith.constant 2 : i32
        %add3A_1453 = arith.addi %mul3A_1432, %add3A_1452 : i32
        %get3A_1454 = arith.constant 0 : i32
        %get3A_1455 = arith.constant 0 : i32
        %get3A_1456 = tpu.memref_slice %arg6[%scan3A_1033, %get3A_1454, %get3A_1455] : memref<2x1600x16xf32, #tpu.memory_space<vmem>> -> memref<1x1600x16xf32, #tpu.memory_space<vmem>>
        %get3A_1457 = tpu.memref_squeeze %get3A_1456 : memref<1x1600x16xf32, #tpu.memory_space<vmem>> -> memref<1600x16xf32, #tpu.memory_space<vmem>>
        %get3A_1458 = arith.index_cast %add3A_1453 : i32 to index
        %get3A_1459 = arith.constant 0 : index
        %get3A_1460 = tpu.vector_load %get3A_1457[%get3A_1458, %get3A_1459] {strides = array<i32>} : memref<1600x16xf32, #tpu.memory_space<vmem>>, vector<1x16xf32>,
        %get3A_1461 = vector.shape_cast %get3A_1460 : vector<1x16xf32> to vector<16xf32>
        %add3A_1462 = arith.constant 3 : i32
        %add3A_1463 = arith.addi %mul3A_1432, %add3A_1462 : i32
        %get3A_1464 = arith.constant 0 : i32
        %get3A_1465 = arith.constant 0 : i32
        %get3A_1466 = tpu.memref_slice %arg6[%scan3A_1033, %get3A_1464, %get3A_1465] : memref<2x1600x16xf32, #tpu.memory_space<vmem>> -> memref<1x1600x16xf32, #tpu.memory_space<vmem>>
        %get3A_1467 = tpu.memref_squeeze %get3A_1466 : memref<1x1600x16xf32, #tpu.memory_space<vmem>> -> memref<1600x16xf32, #tpu.memory_space<vmem>>
        %get3A_1468 = arith.index_cast %add3A_1463 : i32 to index
        %get3A_1469 = arith.constant 0 : index
        %get3A_1470 = tpu.vector_load %get3A_1467[%get3A_1468, %get3A_1469] {strides = array<i32>} : memref<1600x16xf32, #tpu.memory_space<vmem>>, vector<1x16xf32>,
        %get3A_1471 = vector.shape_cast %get3A_1470 : vector<1x16xf32> to vector<16xf32>
        %add3A_1472 = arith.constant 4 : i32
        %add3A_1473 = arith.addi %mul3A_1432, %add3A_1472 : i32
        %get3A_1474 = arith.constant 0 : i32
        %get3A_1475 = arith.constant 0 : i32
        %get3A_1476 = tpu.memref_slice %arg6[%scan3A_1033, %get3A_1474, %get3A_1475] : memref<2x1600x16xf32, #tpu.memory_space<vmem>> -> memref<1x1600x16xf32, #tpu.memory_space<vmem>>
        %get3A_1477 = tpu.memref_squeeze %get3A_1476 : memref<1x1600x16xf32, #tpu.memory_space<vmem>> -> memref<1600x16xf32, #tpu.memory_space<vmem>>
        %get3A_1478 = arith.index_cast %add3A_1473 : i32 to index
        %get3A_1479 = arith.constant 0 : index
        %get3A_1480 = tpu.vector_load %get3A_1477[%get3A_1478, %get3A_1479] {strides = array<i32>} : memref<1600x16xf32, #tpu.memory_space<vmem>>, vector<1x16xf32>,
        %get3A_1481 = vector.shape_cast %get3A_1480 : vector<1x16xf32> to vector<16xf32>
        %add3A_1482 = arith.addf %get3A_1441, %get3A_1481 : vector<16xf32>
        %add3A_1483 = arith.constant 5 : i32
        %add3A_1484 = arith.addi %mul3A_1432, %add3A_1483 : i32
        %get3A_1485 = arith.constant 0 : i32
        %get3A_1486 = arith.constant 0 : i32
        %get3A_1487 = tpu.memref_slice %arg6[%scan3A_1033, %get3A_1485, %get3A_1486] : memref<2x1600x16xf32, #tpu.memory_space<vmem>> -> memref<1x1600x16xf32, #tpu.memory_space<vmem>>
        %get3A_1488 = tpu.memref_squeeze %get3A_1487 : memref<1x1600x16xf32, #tpu.memory_space<vmem>> -> memref<1600x16xf32, #tpu.memory_space<vmem>>
        %get3A_1489 = arith.index_cast %add3A_1484 : i32 to index
        %get3A_1490 = arith.constant 0 : index
        %get3A_1491 = tpu.vector_load %get3A_1488[%get3A_1489, %get3A_1490] {strides = array<i32>} : memref<1600x16xf32, #tpu.memory_space<vmem>>, vector<1x16xf32>,
        %get3A_1492 = vector.shape_cast %get3A_1491 : vector<1x16xf32> to vector<16xf32>
        %add3A_1493 = arith.addf %get3A_1451, %get3A_1492 : vector<16xf32>
        %add3A_1494 = arith.constant 6 : i32
        %add3A_1495 = arith.addi %mul3A_1432, %add3A_1494 : i32
        %get3A_1496 = arith.constant 0 : i32
        %get3A_1497 = arith.constant 0 : i32
        %get3A_1498 = tpu.memref_slice %arg6[%scan3A_1033, %get3A_1496, %get3A_1497] : memref<2x1600x16xf32, #tpu.memory_space<vmem>> -> memref<1x1600x16xf32, #tpu.memory_space<vmem>>
        %get3A_1499 = tpu.memref_squeeze %get3A_1498 : memref<1x1600x16xf32, #tpu.memory_space<vmem>> -> memref<1600x16xf32, #tpu.memory_space<vmem>>
        %get3A_1500 = arith.index_cast %add3A_1495 : i32 to index
        %get3A_1501 = arith.constant 0 : index
        %get3A_1502 = tpu.vector_load %get3A_1499[%get3A_1500, %get3A_1501] {strides = array<i32>} : memref<1600x16xf32, #tpu.memory_space<vmem>>, vector<1x16xf32>,
        %get3A_1503 = vector.shape_cast %get3A_1502 : vector<1x16xf32> to vector<16xf32>
        %add3A_1504 = arith.addf %get3A_1461, %get3A_1503 : vector<16xf32>
        %add3A_1505 = arith.constant 7 : i32
        %add3A_1506 = arith.addi %mul3A_1432, %add3A_1505 : i32
        %get3A_1507 = arith.constant 0 : i32
        %get3A_1508 = arith.constant 0 : i32
        %get3A_1509 = tpu.memref_slice %arg6[%scan3A_1033, %get3A_1507, %get3A_1508] : memref<2x1600x16xf32, #tpu.memory_space<vmem>> -> memref<1x1600x16xf32, #tpu.memory_space<vmem>>
        %get3A_1510 = tpu.memref_squeeze %get3A_1509 : memref<1x1600x16xf32, #tpu.memory_space<vmem>> -> memref<1600x16xf32, #tpu.memory_space<vmem>>
        %get3A_1511 = arith.index_cast %add3A_1506 : i32 to index
        %get3A_1512 = arith.constant 0 : index
        %get3A_1513 = tpu.vector_load %get3A_1510[%get3A_1511, %get3A_1512] {strides = array<i32>} : memref<1600x16xf32, #tpu.memory_space<vmem>>, vector<1x16xf32>,
        %get3A_1514 = vector.shape_cast %get3A_1513 : vector<1x16xf32> to vector<16xf32>
        %add3A_1515 = arith.addf %get3A_1471, %get3A_1514 : vector<16xf32>
        %add3A_1516 = arith.constant 8 : i32
        %add3A_1517 = arith.addi %mul3A_1432, %add3A_1516 : i32
        %get3A_1518 = arith.constant 0 : i32
        %get3A_1519 = arith.constant 0 : i32
        %get3A_1520 = tpu.memref_slice %arg6[%scan3A_1033, %get3A_1518, %get3A_1519] : memref<2x1600x16xf32, #tpu.memory_space<vmem>> -> memref<1x1600x16xf32, #tpu.memory_space<vmem>>
        %get3A_1521 = tpu.memref_squeeze %get3A_1520 : memref<1x1600x16xf32, #tpu.memory_space<vmem>> -> memref<1600x16xf32, #tpu.memory_space<vmem>>
        %get3A_1522 = arith.index_cast %add3A_1517 : i32 to index
        %get3A_1523 = arith.constant 0 : index
        %get3A_1524 = tpu.vector_load %get3A_1521[%get3A_1522, %get3A_1523] {strides = array<i32>} : memref<1600x16xf32, #tpu.memory_space<vmem>>, vector<1x16xf32>,
        %get3A_1525 = vector.shape_cast %get3A_1524 : vector<1x16xf32> to vector<16xf32>
        %add3A_1526 = arith.addf %add3A_1482, %get3A_1525 : vector<16xf32>
        %add3A_1527 = arith.constant 9 : i32
        %add3A_1528 = arith.addi %mul3A_1432, %add3A_1527 : i32
        %get3A_1529 = arith.constant 0 : i32
        %get3A_1530 = arith.constant 0 : i32
        %get3A_1531 = tpu.memref_slice %arg6[%scan3A_1033, %get3A_1529, %get3A_1530] : memref<2x1600x16xf32, #tpu.memory_space<vmem>> -> memref<1x1600x16xf32, #tpu.memory_space<vmem>>
        %get3A_1532 = tpu.memref_squeeze %get3A_1531 : memref<1x1600x16xf32, #tpu.memory_space<vmem>> -> memref<1600x16xf32, #tpu.memory_space<vmem>>
        %get3A_1533 = arith.index_cast %add3A_1528 : i32 to index
        %get3A_1534 = arith.constant 0 : index
        %get3A_1535 = tpu.vector_load %get3A_1532[%get3A_1533, %get3A_1534] {strides = array<i32>} : memref<1600x16xf32, #tpu.memory_space<vmem>>, vector<1x16xf32>,
        %get3A_1536 = vector.shape_cast %get3A_1535 : vector<1x16xf32> to vector<16xf32>
        %add3A_1537 = arith.addf %add3A_1493, %get3A_1536 : vector<16xf32>
        %add3A_1538 = arith.constant 10 : i32
        %add3A_1539 = arith.addi %mul3A_1432, %add3A_1538 : i32
        %get3A_1540 = arith.constant 0 : i32
        %get3A_1541 = arith.constant 0 : i32
        %get3A_1542 = tpu.memref_slice %arg6[%scan3A_1033, %get3A_1540, %get3A_1541] : memref<2x1600x16xf32, #tpu.memory_space<vmem>> -> memref<1x1600x16xf32, #tpu.memory_space<vmem>>
        %get3A_1543 = tpu.memref_squeeze %get3A_1542 : memref<1x1600x16xf32, #tpu.memory_space<vmem>> -> memref<1600x16xf32, #tpu.memory_space<vmem>>
        %get3A_1544 = arith.index_cast %add3A_1539 : i32 to index
        %get3A_1545 = arith.constant 0 : index
        %get3A_1546 = tpu.vector_load %get3A_1543[%get3A_1544, %get3A_1545] {strides = array<i32>} : memref<1600x16xf32, #tpu.memory_space<vmem>>, vector<1x16xf32>,
        %get3A_1547 = vector.shape_cast %get3A_1546 : vector<1x16xf32> to vector<16xf32>
        %add3A_1548 = arith.addf %add3A_1504, %get3A_1547 : vector<16xf32>
        %add3A_1549 = arith.constant 11 : i32
        %add3A_1550 = arith.addi %mul3A_1432, %add3A_1549 : i32
        %get3A_1551 = arith.constant 0 : i32
        %get3A_1552 = arith.constant 0 : i32
        %get3A_1553 = tpu.memref_slice %arg6[%scan3A_1033, %get3A_1551, %get3A_1552] : memref<2x1600x16xf32, #tpu.memory_space<vmem>> -> memref<1x1600x16xf32, #tpu.memory_space<vmem>>
        %get3A_1554 = tpu.memref_squeeze %get3A_1553 : memref<1x1600x16xf32, #tpu.memory_space<vmem>> -> memref<1600x16xf32, #tpu.memory_space<vmem>>
        %get3A_1555 = arith.index_cast %add3A_1550 : i32 to index
        %get3A_1556 = arith.constant 0 : index
        %get3A_1557 = tpu.vector_load %get3A_1554[%get3A_1555, %get3A_1556] {strides = array<i32>} : memref<1600x16xf32, #tpu.memory_space<vmem>>, vector<1x16xf32>,
        %get3A_1558 = vector.shape_cast %get3A_1557 : vector<1x16xf32> to vector<16xf32>
        %add3A_1559 = arith.addf %add3A_1515, %get3A_1558 : vector<16xf32>
        %add3A_1560 = arith.constant 12 : i32
        %add3A_1561 = arith.addi %mul3A_1432, %add3A_1560 : i32
        %get3A_1562 = arith.constant 0 : i32
        %get3A_1563 = arith.constant 0 : i32
        %get3A_1564 = tpu.memref_slice %arg6[%scan3A_1033, %get3A_1562, %get3A_1563] : memref<2x1600x16xf32, #tpu.memory_space<vmem>> -> memref<1x1600x16xf32, #tpu.memory_space<vmem>>
        %get3A_1565 = tpu.memref_squeeze %get3A_1564 : memref<1x1600x16xf32, #tpu.memory_space<vmem>> -> memref<1600x16xf32, #tpu.memory_space<vmem>>
        %get3A_1566 = arith.index_cast %add3A_1561 : i32 to index
        %get3A_1567 = arith.constant 0 : index
        %get3A_1568 = tpu.vector_load %get3A_1565[%get3A_1566, %get3A_1567] {strides = array<i32>} : memref<1600x16xf32, #tpu.memory_space<vmem>>, vector<1x16xf32>,
        %get3A_1569 = vector.shape_cast %get3A_1568 : vector<1x16xf32> to vector<16xf32>
        %add3A_1570 = arith.addf %add3A_1526, %get3A_1569 : vector<16xf32>
        %add3A_1571 = arith.constant 13 : i32
        %add3A_1572 = arith.addi %mul3A_1432, %add3A_1571 : i32
        %get3A_1573 = arith.constant 0 : i32
        %get3A_1574 = arith.constant 0 : i32
        %get3A_1575 = tpu.memref_slice %arg6[%scan3A_1033, %get3A_1573, %get3A_1574] : memref<2x1600x16xf32, #tpu.memory_space<vmem>> -> memref<1x1600x16xf32, #tpu.memory_space<vmem>>
        %get3A_1576 = tpu.memref_squeeze %get3A_1575 : memref<1x1600x16xf32, #tpu.memory_space<vmem>> -> memref<1600x16xf32, #tpu.memory_space<vmem>>
        %get3A_1577 = arith.index_cast %add3A_1572 : i32 to index
        %get3A_1578 = arith.constant 0 : index
        %get3A_1579 = tpu.vector_load %get3A_1576[%get3A_1577, %get3A_1578] {strides = array<i32>} : memref<1600x16xf32, #tpu.memory_space<vmem>>, vector<1x16xf32>,
        %get3A_1580 = vector.shape_cast %get3A_1579 : vector<1x16xf32> to vector<16xf32>
        %add3A_1581 = arith.addf %add3A_1537, %get3A_1580 : vector<16xf32>
        %add3A_1582 = arith.constant 14 : i32
        %add3A_1583 = arith.addi %mul3A_1432, %add3A_1582 : i32
        %get3A_1584 = arith.constant 0 : i32
        %get3A_1585 = arith.constant 0 : i32
        %get3A_1586 = tpu.memref_slice %arg6[%scan3A_1033, %get3A_1584, %get3A_1585] : memref<2x1600x16xf32, #tpu.memory_space<vmem>> -> memref<1x1600x16xf32, #tpu.memory_space<vmem>>
        %get3A_1587 = tpu.memref_squeeze %get3A_1586 : memref<1x1600x16xf32, #tpu.memory_space<vmem>> -> memref<1600x16xf32, #tpu.memory_space<vmem>>
        %get3A_1588 = arith.index_cast %add3A_1583 : i32 to index
        %get3A_1589 = arith.constant 0 : index
        %get3A_1590 = tpu.vector_load %get3A_1587[%get3A_1588, %get3A_1589] {strides = array<i32>} : memref<1600x16xf32, #tpu.memory_space<vmem>>, vector<1x16xf32>,
        %get3A_1591 = vector.shape_cast %get3A_1590 : vector<1x16xf32> to vector<16xf32>
        %add3A_1592 = arith.addf %add3A_1548, %get3A_1591 : vector<16xf32>
        %add3A_1593 = arith.constant 15 : i32
        %add3A_1594 = arith.addi %mul3A_1432, %add3A_1593 : i32
        %get3A_1595 = arith.constant 0 : i32
        %get3A_1596 = arith.constant 0 : i32
        %get3A_1597 = tpu.memref_slice %arg6[%scan3A_1033, %get3A_1595, %get3A_1596] : memref<2x1600x16xf32, #tpu.memory_space<vmem>> -> memref<1x1600x16xf32, #tpu.memory_space<vmem>>
        %get3A_1598 = tpu.memref_squeeze %get3A_1597 : memref<1x1600x16xf32, #tpu.memory_space<vmem>> -> memref<1600x16xf32, #tpu.memory_space<vmem>>
        %get3A_1599 = arith.index_cast %add3A_1594 : i32 to index
        %get3A_1600 = arith.constant 0 : index
        %get3A_1601 = tpu.vector_load %get3A_1598[%get3A_1599, %get3A_1600] {strides = array<i32>} : memref<1600x16xf32, #tpu.memory_space<vmem>>, vector<1x16xf32>,
        %get3A_1602 = vector.shape_cast %get3A_1601 : vector<1x16xf32> to vector<16xf32>
        %add3A_1603 = arith.addf %add3A_1559, %get3A_1602 : vector<16xf32>
        %add3A_1604 = arith.constant 16 : i32
        %add3A_1605 = arith.addi %mul3A_1432, %add3A_1604 : i32
        %get3A_1606 = arith.constant 0 : i32
        %get3A_1607 = arith.constant 0 : i32
        %get3A_1608 = tpu.memref_slice %arg6[%scan3A_1033, %get3A_1606, %get3A_1607] : memref<2x1600x16xf32, #tpu.memory_space<vmem>> -> memref<1x1600x16xf32, #tpu.memory_space<vmem>>
        %get3A_1609 = tpu.memref_squeeze %get3A_1608 : memref<1x1600x16xf32, #tpu.memory_space<vmem>> -> memref<1600x16xf32, #tpu.memory_space<vmem>>
        %get3A_1610 = arith.index_cast %add3A_1605 : i32 to index
        %get3A_1611 = arith.constant 0 : index
        %get3A_1612 = tpu.vector_load %get3A_1609[%get3A_1610, %get3A_1611] {strides = array<i32>} : memref<1600x16xf32, #tpu.memory_space<vmem>>, vector<1x16xf32>,
        %get3A_1613 = vector.shape_cast %get3A_1612 : vector<1x16xf32> to vector<16xf32>
        %add3A_1614 = arith.addf %add3A_1570, %get3A_1613 : vector<16xf32>
        %add3A_1615 = arith.constant 17 : i32
        %add3A_1616 = arith.addi %mul3A_1432, %add3A_1615 : i32
        %get3A_1617 = arith.constant 0 : i32
        %get3A_1618 = arith.constant 0 : i32
        %get3A_1619 = tpu.memref_slice %arg6[%scan3A_1033, %get3A_1617, %get3A_1618] : memref<2x1600x16xf32, #tpu.memory_space<vmem>> -> memref<1x1600x16xf32, #tpu.memory_space<vmem>>
        %get3A_1620 = tpu.memref_squeeze %get3A_1619 : memref<1x1600x16xf32, #tpu.memory_space<vmem>> -> memref<1600x16xf32, #tpu.memory_space<vmem>>
        %get3A_1621 = arith.index_cast %add3A_1616 : i32 to index
        %get3A_1622 = arith.constant 0 : index
        %get3A_1623 = tpu.vector_load %get3A_1620[%get3A_1621, %get3A_1622] {strides = array<i32>} : memref<1600x16xf32, #tpu.memory_space<vmem>>, vector<1x16xf32>,
        %get3A_1624 = vector.shape_cast %get3A_1623 : vector<1x16xf32> to vector<16xf32>
        %add3A_1625 = arith.addf %add3A_1581, %get3A_1624 : vector<16xf32>
        %add3A_1626 = arith.constant 18 : i32
        %add3A_1627 = arith.addi %mul3A_1432, %add3A_1626 : i32
        %get3A_1628 = arith.constant 0 : i32
        %get3A_1629 = arith.constant 0 : i32
        %get3A_1630 = tpu.memref_slice %arg6[%scan3A_1033, %get3A_1628, %get3A_1629] : memref<2x1600x16xf32, #tpu.memory_space<vmem>> -> memref<1x1600x16xf32, #tpu.memory_space<vmem>>
        %get3A_1631 = tpu.memref_squeeze %get3A_1630 : memref<1x1600x16xf32, #tpu.memory_space<vmem>> -> memref<1600x16xf32, #tpu.memory_space<vmem>>
        %get3A_1632 = arith.index_cast %add3A_1627 : i32 to index
        %get3A_1633 = arith.constant 0 : index
        %get3A_1634 = tpu.vector_load %get3A_1631[%get3A_1632, %get3A_1633] {strides = array<i32>} : memref<1600x16xf32, #tpu.memory_space<vmem>>, vector<1x16xf32>,
        %get3A_1635 = vector.shape_cast %get3A_1634 : vector<1x16xf32> to vector<16xf32>
        %add3A_1636 = arith.addf %add3A_1592, %get3A_1635 : vector<16xf32>
        %add3A_1637 = arith.constant 19 : i32
        %add3A_1638 = arith.addi %mul3A_1432, %add3A_1637 : i32
        %get3A_1639 = arith.constant 0 : i32
        %get3A_1640 = arith.constant 0 : i32
        %get3A_1641 = tpu.memref_slice %arg6[%scan3A_1033, %get3A_1639, %get3A_1640] : memref<2x1600x16xf32, #tpu.memory_space<vmem>> -> memref<1x1600x16xf32, #tpu.memory_space<vmem>>
        %get3A_1642 = tpu.memref_squeeze %get3A_1641 : memref<1x1600x16xf32, #tpu.memory_space<vmem>> -> memref<1600x16xf32, #tpu.memory_space<vmem>>
        %get3A_1643 = arith.index_cast %add3A_1638 : i32 to index
        %get3A_1644 = arith.constant 0 : index
        %get3A_1645 = tpu.vector_load %get3A_1642[%get3A_1643, %get3A_1644] {strides = array<i32>} : memref<1600x16xf32, #tpu.memory_space<vmem>>, vector<1x16xf32>,
        %get3A_1646 = vector.shape_cast %get3A_1645 : vector<1x16xf32> to vector<16xf32>
        %add3A_1647 = arith.addf %add3A_1603, %get3A_1646 : vector<16xf32>
        %add3A_1648 = arith.constant 20 : i32
        %add3A_1649 = arith.addi %mul3A_1432, %add3A_1648 : i32
        %get3A_1650 = arith.constant 0 : i32
        %get3A_1651 = arith.constant 0 : i32
        %get3A_1652 = tpu.memref_slice %arg6[%scan3A_1033, %get3A_1650, %get3A_1651] : memref<2x1600x16xf32, #tpu.memory_space<vmem>> -> memref<1x1600x16xf32, #tpu.memory_space<vmem>>
        %get3A_1653 = tpu.memref_squeeze %get3A_1652 : memref<1x1600x16xf32, #tpu.memory_space<vmem>> -> memref<1600x16xf32, #tpu.memory_space<vmem>>
        %get3A_1654 = arith.index_cast %add3A_1649 : i32 to index
        %get3A_1655 = arith.constant 0 : index
        %get3A_1656 = tpu.vector_load %get3A_1653[%get3A_1654, %get3A_1655] {strides = array<i32>} : memref<1600x16xf32, #tpu.memory_space<vmem>>, vector<1x16xf32>,
        %get3A_1657 = vector.shape_cast %get3A_1656 : vector<1x16xf32> to vector<16xf32>
        %add3A_1658 = arith.addf %add3A_1614, %get3A_1657 : vector<16xf32>
        %add3A_1659 = arith.constant 21 : i32
        %add3A_1660 = arith.addi %mul3A_1432, %add3A_1659 : i32
        %get3A_1661 = arith.constant 0 : i32
        %get3A_1662 = arith.constant 0 : i32
        %get3A_1663 = tpu.memref_slice %arg6[%scan3A_1033, %get3A_1661, %get3A_1662] : memref<2x1600x16xf32, #tpu.memory_space<vmem>> -> memref<1x1600x16xf32, #tpu.memory_space<vmem>>
        %get3A_1664 = tpu.memref_squeeze %get3A_1663 : memref<1x1600x16xf32, #tpu.memory_space<vmem>> -> memref<1600x16xf32, #tpu.memory_space<vmem>>
        %get3A_1665 = arith.index_cast %add3A_1660 : i32 to index
        %get3A_1666 = arith.constant 0 : index
        %get3A_1667 = tpu.vector_load %get3A_1664[%get3A_1665, %get3A_1666] {strides = array<i32>} : memref<1600x16xf32, #tpu.memory_space<vmem>>, vector<1x16xf32>,
        %get3A_1668 = vector.shape_cast %get3A_1667 : vector<1x16xf32> to vector<16xf32>
        %add3A_1669 = arith.addf %add3A_1625, %get3A_1668 : vector<16xf32>
        %add3A_1670 = arith.constant 22 : i32
        %add3A_1671 = arith.addi %mul3A_1432, %add3A_1670 : i32
        %get3A_1672 = arith.constant 0 : i32
        %get3A_1673 = arith.constant 0 : i32
        %get3A_1674 = tpu.memref_slice %arg6[%scan3A_1033, %get3A_1672, %get3A_1673] : memref<2x1600x16xf32, #tpu.memory_space<vmem>> -> memref<1x1600x16xf32, #tpu.memory_space<vmem>>
        %get3A_1675 = tpu.memref_squeeze %get3A_1674 : memref<1x1600x16xf32, #tpu.memory_space<vmem>> -> memref<1600x16xf32, #tpu.memory_space<vmem>>
        %get3A_1676 = arith.index_cast %add3A_1671 : i32 to index
        %get3A_1677 = arith.constant 0 : index
        %get3A_1678 = tpu.vector_load %get3A_1675[%get3A_1676, %get3A_1677] {strides = array<i32>} : memref<1600x16xf32, #tpu.memory_space<vmem>>, vector<1x16xf32>,
        %get3A_1679 = vector.shape_cast %get3A_1678 : vector<1x16xf32> to vector<16xf32>
        %add3A_1680 = arith.addf %add3A_1636, %get3A_1679 : vector<16xf32>
        %add3A_1681 = arith.constant 23 : i32
        %add3A_1682 = arith.addi %mul3A_1432, %add3A_1681 : i32
        %get3A_1683 = arith.constant 0 : i32
        %get3A_1684 = arith.constant 0 : i32
        %get3A_1685 = tpu.memref_slice %arg6[%scan3A_1033, %get3A_1683, %get3A_1684] : memref<2x1600x16xf32, #tpu.memory_space<vmem>> -> memref<1x1600x16xf32, #tpu.memory_space<vmem>>
        %get3A_1686 = tpu.memref_squeeze %get3A_1685 : memref<1x1600x16xf32, #tpu.memory_space<vmem>> -> memref<1600x16xf32, #tpu.memory_space<vmem>>
        %get3A_1687 = arith.index_cast %add3A_1682 : i32 to index
        %get3A_1688 = arith.constant 0 : index
        %get3A_1689 = tpu.vector_load %get3A_1686[%get3A_1687, %get3A_1688] {strides = array<i32>} : memref<1600x16xf32, #tpu.memory_space<vmem>>, vector<1x16xf32>,
        %get3A_1690 = vector.shape_cast %get3A_1689 : vector<1x16xf32> to vector<16xf32>
        %add3A_1691 = arith.addf %add3A_1647, %get3A_1690 : vector<16xf32>
        %add3A_1692 = arith.constant 24 : i32
        %add3A_1693 = arith.addi %mul3A_1432, %add3A_1692 : i32
        %get3A_1694 = arith.constant 0 : i32
        %get3A_1695 = arith.constant 0 : i32
        %get3A_1696 = tpu.memref_slice %arg6[%scan3A_1033, %get3A_1694, %get3A_1695] : memref<2x1600x16xf32, #tpu.memory_space<vmem>> -> memref<1x1600x16xf32, #tpu.memory_space<vmem>>
        %get3A_1697 = tpu.memref_squeeze %get3A_1696 : memref<1x1600x16xf32, #tpu.memory_space<vmem>> -> memref<1600x16xf32, #tpu.memory_space<vmem>>
        %get3A_1698 = arith.index_cast %add3A_1693 : i32 to index
        %get3A_1699 = arith.constant 0 : index
        %get3A_1700 = tpu.vector_load %get3A_1697[%get3A_1698, %get3A_1699] {strides = array<i32>} : memref<1600x16xf32, #tpu.memory_space<vmem>>, vector<1x16xf32>,
        %get3A_1701 = vector.shape_cast %get3A_1700 : vector<1x16xf32> to vector<16xf32>
        %add3A_1702 = arith.addf %add3A_1658, %get3A_1701 : vector<16xf32>
        %add3A_1703 = arith.constant 25 : i32
        %add3A_1704 = arith.addi %mul3A_1432, %add3A_1703 : i32
        %get3A_1705 = arith.constant 0 : i32
        %get3A_1706 = arith.constant 0 : i32
        %get3A_1707 = tpu.memref_slice %arg6[%scan3A_1033, %get3A_1705, %get3A_1706] : memref<2x1600x16xf32, #tpu.memory_space<vmem>> -> memref<1x1600x16xf32, #tpu.memory_space<vmem>>
        %get3A_1708 = tpu.memref_squeeze %get3A_1707 : memref<1x1600x16xf32, #tpu.memory_space<vmem>> -> memref<1600x16xf32, #tpu.memory_space<vmem>>
        %get3A_1709 = arith.index_cast %add3A_1704 : i32 to index
        %get3A_1710 = arith.constant 0 : index
        %get3A_1711 = tpu.vector_load %get3A_1708[%get3A_1709, %get3A_1710] {strides = array<i32>} : memref<1600x16xf32, #tpu.memory_space<vmem>>, vector<1x16xf32>,
        %get3A_1712 = vector.shape_cast %get3A_1711 : vector<1x16xf32> to vector<16xf32>
        %add3A_1713 = arith.addf %add3A_1669, %get3A_1712 : vector<16xf32>
        %add3A_1714 = arith.constant 26 : i32
        %add3A_1715 = arith.addi %mul3A_1432, %add3A_1714 : i32
        %get3A_1716 = arith.constant 0 : i32
        %get3A_1717 = arith.constant 0 : i32
        %get3A_1718 = tpu.memref_slice %arg6[%scan3A_1033, %get3A_1716, %get3A_1717] : memref<2x1600x16xf32, #tpu.memory_space<vmem>> -> memref<1x1600x16xf32, #tpu.memory_space<vmem>>
        %get3A_1719 = tpu.memref_squeeze %get3A_1718 : memref<1x1600x16xf32, #tpu.memory_space<vmem>> -> memref<1600x16xf32, #tpu.memory_space<vmem>>
        %get3A_1720 = arith.index_cast %add3A_1715 : i32 to index
        %get3A_1721 = arith.constant 0 : index
        %get3A_1722 = tpu.vector_load %get3A_1719[%get3A_1720, %get3A_1721] {strides = array<i32>} : memref<1600x16xf32, #tpu.memory_space<vmem>>, vector<1x16xf32>,
        %get3A_1723 = vector.shape_cast %get3A_1722 : vector<1x16xf32> to vector<16xf32>
        %add3A_1724 = arith.addf %add3A_1680, %get3A_1723 : vector<16xf32>
        %add3A_1725 = arith.constant 27 : i32
        %add3A_1726 = arith.addi %mul3A_1432, %add3A_1725 : i32
        %get3A_1727 = arith.constant 0 : i32
        %get3A_1728 = arith.constant 0 : i32
        %get3A_1729 = tpu.memref_slice %arg6[%scan3A_1033, %get3A_1727, %get3A_1728] : memref<2x1600x16xf32, #tpu.memory_space<vmem>> -> memref<1x1600x16xf32, #tpu.memory_space<vmem>>
        %get3A_1730 = tpu.memref_squeeze %get3A_1729 : memref<1x1600x16xf32, #tpu.memory_space<vmem>> -> memref<1600x16xf32, #tpu.memory_space<vmem>>
        %get3A_1731 = arith.index_cast %add3A_1726 : i32 to index
        %get3A_1732 = arith.constant 0 : index
        %get3A_1733 = tpu.vector_load %get3A_1730[%get3A_1731, %get3A_1732] {strides = array<i32>} : memref<1600x16xf32, #tpu.memory_space<vmem>>, vector<1x16xf32>,
        %get3A_1734 = vector.shape_cast %get3A_1733 : vector<1x16xf32> to vector<16xf32>
        %add3A_1735 = arith.addf %add3A_1691, %get3A_1734 : vector<16xf32>
        %add3A_1736 = arith.constant 28 : i32
        %add3A_1737 = arith.addi %mul3A_1432, %add3A_1736 : i32
        %get3A_1738 = arith.constant 0 : i32
        %get3A_1739 = arith.constant 0 : i32
        %get3A_1740 = tpu.memref_slice %arg6[%scan3A_1033, %get3A_1738, %get3A_1739] : memref<2x1600x16xf32, #tpu.memory_space<vmem>> -> memref<1x1600x16xf32, #tpu.memory_space<vmem>>
        %get3A_1741 = tpu.memref_squeeze %get3A_1740 : memref<1x1600x16xf32, #tpu.memory_space<vmem>> -> memref<1600x16xf32, #tpu.memory_space<vmem>>
        %get3A_1742 = arith.index_cast %add3A_1737 : i32 to index
        %get3A_1743 = arith.constant 0 : index
        %get3A_1744 = tpu.vector_load %get3A_1741[%get3A_1742, %get3A_1743] {strides = array<i32>} : memref<1600x16xf32, #tpu.memory_space<vmem>>, vector<1x16xf32>,
        %get3A_1745 = vector.shape_cast %get3A_1744 : vector<1x16xf32> to vector<16xf32>
        %add3A_1746 = arith.addf %add3A_1702, %get3A_1745 : vector<16xf32>
        %add3A_1747 = arith.constant 29 : i32
        %add3A_1748 = arith.addi %mul3A_1432, %add3A_1747 : i32
        %get3A_1749 = arith.constant 0 : i32
        %get3A_1750 = arith.constant 0 : i32
        %get3A_1751 = tpu.memref_slice %arg6[%scan3A_1033, %get3A_1749, %get3A_1750] : memref<2x1600x16xf32, #tpu.memory_space<vmem>> -> memref<1x1600x16xf32, #tpu.memory_space<vmem>>
        %get3A_1752 = tpu.memref_squeeze %get3A_1751 : memref<1x1600x16xf32, #tpu.memory_space<vmem>> -> memref<1600x16xf32, #tpu.memory_space<vmem>>
        %get3A_1753 = arith.index_cast %add3A_1748 : i32 to index
        %get3A_1754 = arith.constant 0 : index
        %get3A_1755 = tpu.vector_load %get3A_1752[%get3A_1753, %get3A_1754] {strides = array<i32>} : memref<1600x16xf32, #tpu.memory_space<vmem>>, vector<1x16xf32>,
        %get3A_1756 = vector.shape_cast %get3A_1755 : vector<1x16xf32> to vector<16xf32>
        %add3A_1757 = arith.addf %add3A_1713, %get3A_1756 : vector<16xf32>
        %add3A_1758 = arith.constant 30 : i32
        %add3A_1759 = arith.addi %mul3A_1432, %add3A_1758 : i32
        %get3A_1760 = arith.constant 0 : i32
        %get3A_1761 = arith.constant 0 : i32
        %get3A_1762 = tpu.memref_slice %arg6[%scan3A_1033, %get3A_1760, %get3A_1761] : memref<2x1600x16xf32, #tpu.memory_space<vmem>> -> memref<1x1600x16xf32, #tpu.memory_space<vmem>>
        %get3A_1763 = tpu.memref_squeeze %get3A_1762 : memref<1x1600x16xf32, #tpu.memory_space<vmem>> -> memref<1600x16xf32, #tpu.memory_space<vmem>>
        %get3A_1764 = arith.index_cast %add3A_1759 : i32 to index
        %get3A_1765 = arith.constant 0 : index
        %get3A_1766 = tpu.vector_load %get3A_1763[%get3A_1764, %get3A_1765] {strides = array<i32>} : memref<1600x16xf32, #tpu.memory_space<vmem>>, vector<1x16xf32>,
        %get3A_1767 = vector.shape_cast %get3A_1766 : vector<1x16xf32> to vector<16xf32>
        %add3A_1768 = arith.addf %add3A_1724, %get3A_1767 : vector<16xf32>
        %add3A_1769 = arith.constant 31 : i32
        %add3A_1770 = arith.addi %mul3A_1432, %add3A_1769 : i32
        %get3A_1771 = arith.constant 0 : i32
        %get3A_1772 = arith.constant 0 : i32
        %get3A_1773 = tpu.memref_slice %arg6[%scan3A_1033, %get3A_1771, %get3A_1772] : memref<2x1600x16xf32, #tpu.memory_space<vmem>> -> memref<1x1600x16xf32, #tpu.memory_space<vmem>>
        %get3A_1774 = tpu.memref_squeeze %get3A_1773 : memref<1x1600x16xf32, #tpu.memory_space<vmem>> -> memref<1600x16xf32, #tpu.memory_space<vmem>>
        %get3A_1775 = arith.index_cast %add3A_1770 : i32 to index
        %get3A_1776 = arith.constant 0 : index
        %get3A_1777 = tpu.vector_load %get3A_1774[%get3A_1775, %get3A_1776] {strides = array<i32>} : memref<1600x16xf32, #tpu.memory_space<vmem>>, vector<1x16xf32>,
        %get3A_1778 = vector.shape_cast %get3A_1777 : vector<1x16xf32> to vector<16xf32>
        %add3A_1779 = arith.addf %add3A_1735, %get3A_1778 : vector<16xf32>
        %add3A_1780 = arith.constant 32 : i32
        %add3A_1781 = arith.addi %mul3A_1432, %add3A_1780 : i32
        %get3A_1782 = arith.constant 0 : i32
        %get3A_1783 = arith.constant 0 : i32
        %get3A_1784 = tpu.memref_slice %arg6[%scan3A_1033, %get3A_1782, %get3A_1783] : memref<2x1600x16xf32, #tpu.memory_space<vmem>> -> memref<1x1600x16xf32, #tpu.memory_space<vmem>>
        %get3A_1785 = tpu.memref_squeeze %get3A_1784 : memref<1x1600x16xf32, #tpu.memory_space<vmem>> -> memref<1600x16xf32, #tpu.memory_space<vmem>>
        %get3A_1786 = arith.index_cast %add3A_1781 : i32 to index
        %get3A_1787 = arith.constant 0 : index
        %get3A_1788 = tpu.vector_load %get3A_1785[%get3A_1786, %get3A_1787] {strides = array<i32>} : memref<1600x16xf32, #tpu.memory_space<vmem>>, vector<1x16xf32>,
        %get3A_1789 = vector.shape_cast %get3A_1788 : vector<1x16xf32> to vector<16xf32>
        %add3A_1790 = arith.addf %add3A_1746, %get3A_1789 : vector<16xf32>
        %add3A_1791 = arith.constant 33 : i32
        %add3A_1792 = arith.addi %mul3A_1432, %add3A_1791 : i32
        %get3A_1793 = arith.constant 0 : i32
        %get3A_1794 = arith.constant 0 : i32
        %get3A_1795 = tpu.memref_slice %arg6[%scan3A_1033, %get3A_1793, %get3A_1794] : memref<2x1600x16xf32, #tpu.memory_space<vmem>> -> memref<1x1600x16xf32, #tpu.memory_space<vmem>>
        %get3A_1796 = tpu.memref_squeeze %get3A_1795 : memref<1x1600x16xf32, #tpu.memory_space<vmem>> -> memref<1600x16xf32, #tpu.memory_space<vmem>>
        %get3A_1797 = arith.index_cast %add3A_1792 : i32 to index
        %get3A_1798 = arith.constant 0 : index
        %get3A_1799 = tpu.vector_load %get3A_1796[%get3A_1797, %get3A_1798] {strides = array<i32>} : memref<1600x16xf32, #tpu.memory_space<vmem>>, vector<1x16xf32>,
        %get3A_1800 = vector.shape_cast %get3A_1799 : vector<1x16xf32> to vector<16xf32>
        %add3A_1801 = arith.addf %add3A_1757, %get3A_1800 : vector<16xf32>
        %add3A_1802 = arith.constant 34 : i32
        %add3A_1803 = arith.addi %mul3A_1432, %add3A_1802 : i32
        %get3A_1804 = arith.constant 0 : i32
        %get3A_1805 = arith.constant 0 : i32
        %get3A_1806 = tpu.memref_slice %arg6[%scan3A_1033, %get3A_1804, %get3A_1805] : memref<2x1600x16xf32, #tpu.memory_space<vmem>> -> memref<1x1600x16xf32, #tpu.memory_space<vmem>>
        %get3A_1807 = tpu.memref_squeeze %get3A_1806 : memref<1x1600x16xf32, #tpu.memory_space<vmem>> -> memref<1600x16xf32, #tpu.memory_space<vmem>>
        %get3A_1808 = arith.index_cast %add3A_1803 : i32 to index
        %get3A_1809 = arith.constant 0 : index
        %get3A_1810 = tpu.vector_load %get3A_1807[%get3A_1808, %get3A_1809] {strides = array<i32>} : memref<1600x16xf32, #tpu.memory_space<vmem>>, vector<1x16xf32>,
        %get3A_1811 = vector.shape_cast %get3A_1810 : vector<1x16xf32> to vector<16xf32>
        %add3A_1812 = arith.addf %add3A_1768, %get3A_1811 : vector<16xf32>
        %add3A_1813 = arith.constant 35 : i32
        %add3A_1814 = arith.addi %mul3A_1432, %add3A_1813 : i32
        %get3A_1815 = arith.constant 0 : i32
        %get3A_1816 = arith.constant 0 : i32
        %get3A_1817 = tpu.memref_slice %arg6[%scan3A_1033, %get3A_1815, %get3A_1816] : memref<2x1600x16xf32, #tpu.memory_space<vmem>> -> memref<1x1600x16xf32, #tpu.memory_space<vmem>>
        %get3A_1818 = tpu.memref_squeeze %get3A_1817 : memref<1x1600x16xf32, #tpu.memory_space<vmem>> -> memref<1600x16xf32, #tpu.memory_space<vmem>>
        %get3A_1819 = arith.index_cast %add3A_1814 : i32 to index
        %get3A_1820 = arith.constant 0 : index
        %get3A_1821 = tpu.vector_load %get3A_1818[%get3A_1819, %get3A_1820] {strides = array<i32>} : memref<1600x16xf32, #tpu.memory_space<vmem>>, vector<1x16xf32>,
        %get3A_1822 = vector.shape_cast %get3A_1821 : vector<1x16xf32> to vector<16xf32>
        %add3A_1823 = arith.addf %add3A_1779, %get3A_1822 : vector<16xf32>
        %add3A_1824 = arith.constant 36 : i32
        %add3A_1825 = arith.addi %mul3A_1432, %add3A_1824 : i32
        %get3A_1826 = arith.constant 0 : i32
        %get3A_1827 = arith.constant 0 : i32
        %get3A_1828 = tpu.memref_slice %arg6[%scan3A_1033, %get3A_1826, %get3A_1827] : memref<2x1600x16xf32, #tpu.memory_space<vmem>> -> memref<1x1600x16xf32, #tpu.memory_space<vmem>>
        %get3A_1829 = tpu.memref_squeeze %get3A_1828 : memref<1x1600x16xf32, #tpu.memory_space<vmem>> -> memref<1600x16xf32, #tpu.memory_space<vmem>>
        %get3A_1830 = arith.index_cast %add3A_1825 : i32 to index
        %get3A_1831 = arith.constant 0 : index
        %get3A_1832 = tpu.vector_load %get3A_1829[%get3A_1830, %get3A_1831] {strides = array<i32>} : memref<1600x16xf32, #tpu.memory_space<vmem>>, vector<1x16xf32>,
        %get3A_1833 = vector.shape_cast %get3A_1832 : vector<1x16xf32> to vector<16xf32>
        %add3A_1834 = arith.addf %add3A_1790, %get3A_1833 : vector<16xf32>
        %add3A_1835 = arith.constant 37 : i32
        %add3A_1836 = arith.addi %mul3A_1432, %add3A_1835 : i32
        %get3A_1837 = arith.constant 0 : i32
        %get3A_1838 = arith.constant 0 : i32
        %get3A_1839 = tpu.memref_slice %arg6[%scan3A_1033, %get3A_1837, %get3A_1838] : memref<2x1600x16xf32, #tpu.memory_space<vmem>> -> memref<1x1600x16xf32, #tpu.memory_space<vmem>>
        %get3A_1840 = tpu.memref_squeeze %get3A_1839 : memref<1x1600x16xf32, #tpu.memory_space<vmem>> -> memref<1600x16xf32, #tpu.memory_space<vmem>>
        %get3A_1841 = arith.index_cast %add3A_1836 : i32 to index
        %get3A_1842 = arith.constant 0 : index
        %get3A_1843 = tpu.vector_load %get3A_1840[%get3A_1841, %get3A_1842] {strides = array<i32>} : memref<1600x16xf32, #tpu.memory_space<vmem>>, vector<1x16xf32>,
        %get3A_1844 = vector.shape_cast %get3A_1843 : vector<1x16xf32> to vector<16xf32>
        %add3A_1845 = arith.addf %add3A_1801, %get3A_1844 : vector<16xf32>
        %add3A_1846 = arith.constant 38 : i32
        %add3A_1847 = arith.addi %mul3A_1432, %add3A_1846 : i32
        %get3A_1848 = arith.constant 0 : i32
        %get3A_1849 = arith.constant 0 : i32
        %get3A_1850 = tpu.memref_slice %arg6[%scan3A_1033, %get3A_1848, %get3A_1849] : memref<2x1600x16xf32, #tpu.memory_space<vmem>> -> memref<1x1600x16xf32, #tpu.memory_space<vmem>>
        %get3A_1851 = tpu.memref_squeeze %get3A_1850 : memref<1x1600x16xf32, #tpu.memory_space<vmem>> -> memref<1600x16xf32, #tpu.memory_space<vmem>>
        %get3A_1852 = arith.index_cast %add3A_1847 : i32 to index
        %get3A_1853 = arith.constant 0 : index
        %get3A_1854 = tpu.vector_load %get3A_1851[%get3A_1852, %get3A_1853] {strides = array<i32>} : memref<1600x16xf32, #tpu.memory_space<vmem>>, vector<1x16xf32>,
        %get3A_1855 = vector.shape_cast %get3A_1854 : vector<1x16xf32> to vector<16xf32>
        %add3A_1856 = arith.addf %add3A_1812, %get3A_1855 : vector<16xf32>
        %add3A_1857 = arith.constant 39 : i32
        %add3A_1858 = arith.addi %mul3A_1432, %add3A_1857 : i32
        %get3A_1859 = arith.constant 0 : i32
        %get3A_1860 = arith.constant 0 : i32
        %get3A_1861 = tpu.memref_slice %arg6[%scan3A_1033, %get3A_1859, %get3A_1860] : memref<2x1600x16xf32, #tpu.memory_space<vmem>> -> memref<1x1600x16xf32, #tpu.memory_space<vmem>>
        %get3A_1862 = tpu.memref_squeeze %get3A_1861 : memref<1x1600x16xf32, #tpu.memory_space<vmem>> -> memref<1600x16xf32, #tpu.memory_space<vmem>>
        %get3A_1863 = arith.index_cast %add3A_1858 : i32 to index
        %get3A_1864 = arith.constant 0 : index
        %get3A_1865 = tpu.vector_load %get3A_1862[%get3A_1863, %get3A_1864] {strides = array<i32>} : memref<1600x16xf32, #tpu.memory_space<vmem>>, vector<1x16xf32>,
        %get3A_1866 = vector.shape_cast %get3A_1865 : vector<1x16xf32> to vector<16xf32>
        %add3A_1867 = arith.addf %add3A_1823, %get3A_1866 : vector<16xf32>
        %add3A_1868 = arith.constant 40 : i32
        %add3A_1869 = arith.addi %mul3A_1432, %add3A_1868 : i32
        %get3A_1870 = arith.constant 0 : i32
        %get3A_1871 = arith.constant 0 : i32
        %get3A_1872 = tpu.memref_slice %arg6[%scan3A_1033, %get3A_1870, %get3A_1871] : memref<2x1600x16xf32, #tpu.memory_space<vmem>> -> memref<1x1600x16xf32, #tpu.memory_space<vmem>>
        %get3A_1873 = tpu.memref_squeeze %get3A_1872 : memref<1x1600x16xf32, #tpu.memory_space<vmem>> -> memref<1600x16xf32, #tpu.memory_space<vmem>>
        %get3A_1874 = arith.index_cast %add3A_1869 : i32 to index
        %get3A_1875 = arith.constant 0 : index
        %get3A_1876 = tpu.vector_load %get3A_1873[%get3A_1874, %get3A_1875] {strides = array<i32>} : memref<1600x16xf32, #tpu.memory_space<vmem>>, vector<1x16xf32>,
        %get3A_1877 = vector.shape_cast %get3A_1876 : vector<1x16xf32> to vector<16xf32>
        %add3A_1878 = arith.addf %add3A_1834, %get3A_1877 : vector<16xf32>
        %add3A_1879 = arith.constant 41 : i32
        %add3A_1880 = arith.addi %mul3A_1432, %add3A_1879 : i32
        %get3A_1881 = arith.constant 0 : i32
        %get3A_1882 = arith.constant 0 : i32
        %get3A_1883 = tpu.memref_slice %arg6[%scan3A_1033, %get3A_1881, %get3A_1882] : memref<2x1600x16xf32, #tpu.memory_space<vmem>> -> memref<1x1600x16xf32, #tpu.memory_space<vmem>>
        %get3A_1884 = tpu.memref_squeeze %get3A_1883 : memref<1x1600x16xf32, #tpu.memory_space<vmem>> -> memref<1600x16xf32, #tpu.memory_space<vmem>>
        %get3A_1885 = arith.index_cast %add3A_1880 : i32 to index
        %get3A_1886 = arith.constant 0 : index
        %get3A_1887 = tpu.vector_load %get3A_1884[%get3A_1885, %get3A_1886] {strides = array<i32>} : memref<1600x16xf32, #tpu.memory_space<vmem>>, vector<1x16xf32>,
        %get3A_1888 = vector.shape_cast %get3A_1887 : vector<1x16xf32> to vector<16xf32>
        %add3A_1889 = arith.addf %add3A_1845, %get3A_1888 : vector<16xf32>
        %add3A_1890 = arith.constant 42 : i32
        %add3A_1891 = arith.addi %mul3A_1432, %add3A_1890 : i32
        %get3A_1892 = arith.constant 0 : i32
        %get3A_1893 = arith.constant 0 : i32
        %get3A_1894 = tpu.memref_slice %arg6[%scan3A_1033, %get3A_1892, %get3A_1893] : memref<2x1600x16xf32, #tpu.memory_space<vmem>> -> memref<1x1600x16xf32, #tpu.memory_space<vmem>>
        %get3A_1895 = tpu.memref_squeeze %get3A_1894 : memref<1x1600x16xf32, #tpu.memory_space<vmem>> -> memref<1600x16xf32, #tpu.memory_space<vmem>>
        %get3A_1896 = arith.index_cast %add3A_1891 : i32 to index
        %get3A_1897 = arith.constant 0 : index
        %get3A_1898 = tpu.vector_load %get3A_1895[%get3A_1896, %get3A_1897] {strides = array<i32>} : memref<1600x16xf32, #tpu.memory_space<vmem>>, vector<1x16xf32>,
        %get3A_1899 = vector.shape_cast %get3A_1898 : vector<1x16xf32> to vector<16xf32>
        %add3A_1900 = arith.addf %add3A_1856, %get3A_1899 : vector<16xf32>
        %add3A_1901 = arith.constant 43 : i32
        %add3A_1902 = arith.addi %mul3A_1432, %add3A_1901 : i32
        %get3A_1903 = arith.constant 0 : i32
        %get3A_1904 = arith.constant 0 : i32
        %get3A_1905 = tpu.memref_slice %arg6[%scan3A_1033, %get3A_1903, %get3A_1904] : memref<2x1600x16xf32, #tpu.memory_space<vmem>> -> memref<1x1600x16xf32, #tpu.memory_space<vmem>>
        %get3A_1906 = tpu.memref_squeeze %get3A_1905 : memref<1x1600x16xf32, #tpu.memory_space<vmem>> -> memref<1600x16xf32, #tpu.memory_space<vmem>>
        %get3A_1907 = arith.index_cast %add3A_1902 : i32 to index
        %get3A_1908 = arith.constant 0 : index
        %get3A_1909 = tpu.vector_load %get3A_1906[%get3A_1907, %get3A_1908] {strides = array<i32>} : memref<1600x16xf32, #tpu.memory_space<vmem>>, vector<1x16xf32>,
        %get3A_1910 = vector.shape_cast %get3A_1909 : vector<1x16xf32> to vector<16xf32>
        %add3A_1911 = arith.addf %add3A_1867, %get3A_1910 : vector<16xf32>
        %add3A_1912 = arith.constant 44 : i32
        %add3A_1913 = arith.addi %mul3A_1432, %add3A_1912 : i32
        %get3A_1914 = arith.constant 0 : i32
        %get3A_1915 = arith.constant 0 : i32
        %get3A_1916 = tpu.memref_slice %arg6[%scan3A_1033, %get3A_1914, %get3A_1915] : memref<2x1600x16xf32, #tpu.memory_space<vmem>> -> memref<1x1600x16xf32, #tpu.memory_space<vmem>>
        %get3A_1917 = tpu.memref_squeeze %get3A_1916 : memref<1x1600x16xf32, #tpu.memory_space<vmem>> -> memref<1600x16xf32, #tpu.memory_space<vmem>>
        %get3A_1918 = arith.index_cast %add3A_1913 : i32 to index
        %get3A_1919 = arith.constant 0 : index
        %get3A_1920 = tpu.vector_load %get3A_1917[%get3A_1918, %get3A_1919] {strides = array<i32>} : memref<1600x16xf32, #tpu.memory_space<vmem>>, vector<1x16xf32>,
        %get3A_1921 = vector.shape_cast %get3A_1920 : vector<1x16xf32> to vector<16xf32>
        %add3A_1922 = arith.addf %add3A_1878, %get3A_1921 : vector<16xf32>
        %add3A_1923 = arith.constant 45 : i32
        %add3A_1924 = arith.addi %mul3A_1432, %add3A_1923 : i32
        %get3A_1925 = arith.constant 0 : i32
        %get3A_1926 = arith.constant 0 : i32
        %get3A_1927 = tpu.memref_slice %arg6[%scan3A_1033, %get3A_1925, %get3A_1926] : memref<2x1600x16xf32, #tpu.memory_space<vmem>> -> memref<1x1600x16xf32, #tpu.memory_space<vmem>>
        %get3A_1928 = tpu.memref_squeeze %get3A_1927 : memref<1x1600x16xf32, #tpu.memory_space<vmem>> -> memref<1600x16xf32, #tpu.memory_space<vmem>>
        %get3A_1929 = arith.index_cast %add3A_1924 : i32 to index
        %get3A_1930 = arith.constant 0 : index
        %get3A_1931 = tpu.vector_load %get3A_1928[%get3A_1929, %get3A_1930] {strides = array<i32>} : memref<1600x16xf32, #tpu.memory_space<vmem>>, vector<1x16xf32>,
        %get3A_1932 = vector.shape_cast %get3A_1931 : vector<1x16xf32> to vector<16xf32>
        %add3A_1933 = arith.addf %add3A_1889, %get3A_1932 : vector<16xf32>
        %add3A_1934 = arith.constant 46 : i32
        %add3A_1935 = arith.addi %mul3A_1432, %add3A_1934 : i32
        %get3A_1936 = arith.constant 0 : i32
        %get3A_1937 = arith.constant 0 : i32
        %get3A_1938 = tpu.memref_slice %arg6[%scan3A_1033, %get3A_1936, %get3A_1937] : memref<2x1600x16xf32, #tpu.memory_space<vmem>> -> memref<1x1600x16xf32, #tpu.memory_space<vmem>>
        %get3A_1939 = tpu.memref_squeeze %get3A_1938 : memref<1x1600x16xf32, #tpu.memory_space<vmem>> -> memref<1600x16xf32, #tpu.memory_space<vmem>>
        %get3A_1940 = arith.index_cast %add3A_1935 : i32 to index
        %get3A_1941 = arith.constant 0 : index
        %get3A_1942 = tpu.vector_load %get3A_1939[%get3A_1940, %get3A_1941] {strides = array<i32>} : memref<1600x16xf32, #tpu.memory_space<vmem>>, vector<1x16xf32>,
        %get3A_1943 = vector.shape_cast %get3A_1942 : vector<1x16xf32> to vector<16xf32>
        %add3A_1944 = arith.addf %add3A_1900, %get3A_1943 : vector<16xf32>
        %add3A_1945 = arith.constant 47 : i32
        %add3A_1946 = arith.addi %mul3A_1432, %add3A_1945 : i32
        %get3A_1947 = arith.constant 0 : i32
        %get3A_1948 = arith.constant 0 : i32
        %get3A_1949 = tpu.memref_slice %arg6[%scan3A_1033, %get3A_1947, %get3A_1948] : memref<2x1600x16xf32, #tpu.memory_space<vmem>> -> memref<1x1600x16xf32, #tpu.memory_space<vmem>>
        %get3A_1950 = tpu.memref_squeeze %get3A_1949 : memref<1x1600x16xf32, #tpu.memory_space<vmem>> -> memref<1600x16xf32, #tpu.memory_space<vmem>>
        %get3A_1951 = arith.index_cast %add3A_1946 : i32 to index
        %get3A_1952 = arith.constant 0 : index
        %get3A_1953 = tpu.vector_load %get3A_1950[%get3A_1951, %get3A_1952] {strides = array<i32>} : memref<1600x16xf32, #tpu.memory_space<vmem>>, vector<1x16xf32>,
        %get3A_1954 = vector.shape_cast %get3A_1953 : vector<1x16xf32> to vector<16xf32>
        %add3A_1955 = arith.addf %add3A_1911, %get3A_1954 : vector<16xf32>
        %add3A_1956 = arith.constant 48 : i32
        %add3A_1957 = arith.addi %mul3A_1432, %add3A_1956 : i32
        %get3A_1958 = arith.constant 0 : i32
        %get3A_1959 = arith.constant 0 : i32
        %get3A_1960 = tpu.memref_slice %arg6[%scan3A_1033, %get3A_1958, %get3A_1959] : memref<2x1600x16xf32, #tpu.memory_space<vmem>> -> memref<1x1600x16xf32, #tpu.memory_space<vmem>>
        %get3A_1961 = tpu.memref_squeeze %get3A_1960 : memref<1x1600x16xf32, #tpu.memory_space<vmem>> -> memref<1600x16xf32, #tpu.memory_space<vmem>>
        %get3A_1962 = arith.index_cast %add3A_1957 : i32 to index
        %get3A_1963 = arith.constant 0 : index
        %get3A_1964 = tpu.vector_load %get3A_1961[%get3A_1962, %get3A_1963] {strides = array<i32>} : memref<1600x16xf32, #tpu.memory_space<vmem>>, vector<1x16xf32>,
        %get3A_1965 = vector.shape_cast %get3A_1964 : vector<1x16xf32> to vector<16xf32>
        %add3A_1966 = arith.addf %add3A_1922, %get3A_1965 : vector<16xf32>
        %add3A_1967 = arith.constant 49 : i32
        %add3A_1968 = arith.addi %mul3A_1432, %add3A_1967 : i32
        %get3A_1969 = arith.constant 0 : i32
        %get3A_1970 = arith.constant 0 : i32
        %get3A_1971 = tpu.memref_slice %arg6[%scan3A_1033, %get3A_1969, %get3A_1970] : memref<2x1600x16xf32, #tpu.memory_space<vmem>> -> memref<1x1600x16xf32, #tpu.memory_space<vmem>>
        %get3A_1972 = tpu.memref_squeeze %get3A_1971 : memref<1x1600x16xf32, #tpu.memory_space<vmem>> -> memref<1600x16xf32, #tpu.memory_space<vmem>>
        %get3A_1973 = arith.index_cast %add3A_1968 : i32 to index
        %get3A_1974 = arith.constant 0 : index
        %get3A_1975 = tpu.vector_load %get3A_1972[%get3A_1973, %get3A_1974] {strides = array<i32>} : memref<1600x16xf32, #tpu.memory_space<vmem>>, vector<1x16xf32>,
        %get3A_1976 = vector.shape_cast %get3A_1975 : vector<1x16xf32> to vector<16xf32>
        %add3A_1977 = arith.addf %add3A_1933, %get3A_1976 : vector<16xf32>
        %add3A_1978 = arith.addf %add3A_1966, %add3A_1977 : vector<16xf32>
        %add3A_1979 = arith.addf %add3A_1944, %add3A_1955 : vector<16xf32>
        %add3A_1980 = arith.addf %add3A_1978, %add3A_1979 : vector<16xf32>
        %mul3A_1981 = arith.constant 32 : i32
        %mul3A_1982 = arith.muli %add3A_1032, %mul3A_1981 : i32
        %add3A_1983 = arith.addi %mul3A_1982, %add3A_1430 : i32
        %swap3A = arith.index_cast %add3A_1983 : i32 to index
        %swap3A_1984 = arith.constant 0 : index
        %swap3A_1985 = tpu.vector_load %arg7[%swap3A, %swap3A_1984] {strides = array<i32>} : memref<512x16xf32, #tpu.memory_space<vmem>>, vector<1x16xf32>,
        %swap3A_1986 = vector.shape_cast %swap3A_1985 : vector<1x16xf32> to vector<16xf32>
        %swap3A_1987 = vector.shape_cast %add3A_1980 : vector<16xf32> to vector<1x16xf32>
        tpu.vector_store %arg7[%swap3A, %swap3A_1984], %swap3A_1987 {strides = array<i32>} : memref<512x16xf32, #tpu.memory_space<vmem>>, vector<1x16xf32>,
      }
      %scan3A_1038 = arith.constant 32 : i32
      %add3A_1039 = arith.constant 1 : i32
      %add3A_1040 = arith.addi %add3A_651, %add3A_1039 : i32
      %add3A_1041 = arith.constant 1 : i32
      %add3A_1042 = arith.addi %add3A_1040, %add3A_1041 : i32
      %mul3A_1043 = arith.constant 20 : i32
      %mul3A_1044 = arith.muli %add3A_1042, %mul3A_1043 : i32
      %add3A_1045 = arith.constant 0 : i32
      %add3A_1046 = arith.addi %mul3A_1044, %add3A_1045 : i32
      %dma_start3A_1047 = arith.constant 0 : i32
      %dma_start3A_1048 = arith.constant 0 : i32
      %dma_start3A_1049 = arith.constant 0 : i32
      %dma_start3A_1050 = tpu.memref_slice %arg6[%dma_start3A_1047, %dma_start3A_1048, %dma_start3A_1049] : memref<2x1600x16xf32, #tpu.memory_space<vmem>> -> memref<1x1600x16xf32, #tpu.memory_space<vmem>>
      %dma_start3A_1051 = tpu.memref_squeeze %dma_start3A_1050 : memref<1x1600x16xf32, #tpu.memory_space<vmem>> -> memref<1600x16xf32, #tpu.memory_space<vmem>>
      %dma_start3A_1052 = arith.constant 0 : i32
      %dma_start3A_1053 = arith.constant 0 : i32
      %dma_start3A_1054 = tpu.memref_slice %dma_start3A_1051[%dma_start3A_1052, %dma_start3A_1053] : memref<1600x16xf32, #tpu.memory_space<vmem>> -> memref<80x16xf32, #tpu.memory_space<vmem>>
      %dma_start3A_1055 = arith.constant 0 : i32
      %dma_start3A_1056 = tpu.memref_slice %arg5[%add3A_1046, %dma_start3A_1055] : memref<320x80xi32, #tpu.memory_space<vmem>> -> memref<1x80xi32, #tpu.memory_space<vmem>>
      %dma_start3A_1057 = tpu.memref_squeeze %dma_start3A_1056 : memref<1x80xi32, #tpu.memory_space<vmem>> -> memref<80xi32, #tpu.memory_space<vmem>>
      %dma_start3A_1058 = arith.constant 0 : i32
      %dma_start3A_1059 = arith.constant 0 : i32
      %dma_start3A_1060 = tpu.memref_slice %arg3[%dma_start3A_1058, %dma_start3A_1059] : memref<1000000x16xf32, #tpu.memory_space<hbm>> -> memref<1000000x16xf32, #tpu.memory_space<hbm>>
      tpu.enqueue_indirect_dma source(%dma_start3A_1060 : memref<1000000x16xf32, #tpu.memory_space<hbm>>) target(%dma_start3A_1054 : memref<80x16xf32, #tpu.memory_space<vmem>>) offsets(%dma_start3A_1057 : memref<80xi32, #tpu.memory_space<vmem>>) semaphore(%arg8 : memref<!tpu.dma_semaphore, #tpu.memory_space<semaphore_mem>>)
      %mul3A_1061 = arith.constant 20 : i32
      %mul3A_1062 = arith.muli %add3A_1042, %mul3A_1061 : i32
      %add3A_1063 = arith.constant 1 : i32
      %add3A_1064 = arith.addi %mul3A_1062, %add3A_1063 : i32
      %dma_start3A_1065 = arith.constant 0 : i32
      %dma_start3A_1066 = arith.constant 0 : i32
      %dma_start3A_1067 = arith.constant 0 : i32
      %dma_start3A_1068 = tpu.memref_slice %arg6[%dma_start3A_1065, %dma_start3A_1066, %dma_start3A_1067] : memref<2x1600x16xf32, #tpu.memory_space<vmem>> -> memref<1x1600x16xf32, #tpu.memory_space<vmem>>
      %dma_start3A_1069 = tpu.memref_squeeze %dma_start3A_1068 : memref<1x1600x16xf32, #tpu.memory_space<vmem>> -> memref<1600x16xf32, #tpu.memory_space<vmem>>
      %dma_start3A_1070 = arith.constant 80 : i32
      %dma_start3A_1071 = arith.constant 0 : i32
      %dma_start3A_1072 = tpu.memref_slice %dma_start3A_1069[%dma_start3A_1070, %dma_start3A_1071] : memref<1600x16xf32, #tpu.memory_space<vmem>> -> memref<80x16xf32, #tpu.memory_space<vmem>>
      %dma_start3A_1073 = arith.constant 0 : i32
      %dma_start3A_1074 = tpu.memref_slice %arg5[%add3A_1064, %dma_start3A_1073] : memref<320x80xi32, #tpu.memory_space<vmem>> -> memref<1x80xi32, #tpu.memory_space<vmem>>
      %dma_start3A_1075 = tpu.memref_squeeze %dma_start3A_1074 : memref<1x80xi32, #tpu.memory_space<vmem>> -> memref<80xi32, #tpu.memory_space<vmem>>
      %dma_start3A_1076 = arith.constant 0 : i32
      %dma_start3A_1077 = arith.constant 0 : i32
      %dma_start3A_1078 = tpu.memref_slice %arg3[%dma_start3A_1076, %dma_start3A_1077] : memref<1000000x16xf32, #tpu.memory_space<hbm>> -> memref<1000000x16xf32, #tpu.memory_space<hbm>>
      tpu.enqueue_indirect_dma source(%dma_start3A_1078 : memref<1000000x16xf32, #tpu.memory_space<hbm>>) target(%dma_start3A_1072 : memref<80x16xf32, #tpu.memory_space<vmem>>) offsets(%dma_start3A_1075 : memref<80xi32, #tpu.memory_space<vmem>>) semaphore(%arg8 : memref<!tpu.dma_semaphore, #tpu.memory_space<semaphore_mem>>)
      %mul3A_1079 = arith.constant 20 : i32
      %mul3A_1080 = arith.muli %add3A_1042, %mul3A_1079 : i32
      %add3A_1081 = arith.constant 2 : i32
      %add3A_1082 = arith.addi %mul3A_1080, %add3A_1081 : i32
      %dma_start3A_1083 = arith.constant 0 : i32
      %dma_start3A_1084 = arith.constant 0 : i32
      %dma_start3A_1085 = arith.constant 0 : i32
      %dma_start3A_1086 = tpu.memref_slice %arg6[%dma_start3A_1083, %dma_start3A_1084, %dma_start3A_1085] : memref<2x1600x16xf32, #tpu.memory_space<vmem>> -> memref<1x1600x16xf32, #tpu.memory_space<vmem>>
      %dma_start3A_1087 = tpu.memref_squeeze %dma_start3A_1086 : memref<1x1600x16xf32, #tpu.memory_space<vmem>> -> memref<1600x16xf32, #tpu.memory_space<vmem>>
      %dma_start3A_1088 = arith.constant 160 : i32
      %dma_start3A_1089 = arith.constant 0 : i32
      %dma_start3A_1090 = tpu.memref_slice %dma_start3A_1087[%dma_start3A_1088, %dma_start3A_1089] : memref<1600x16xf32, #tpu.memory_space<vmem>> -> memref<80x16xf32, #tpu.memory_space<vmem>>
      %dma_start3A_1091 = arith.constant 0 : i32
      %dma_start3A_1092 = tpu.memref_slice %arg5[%add3A_1082, %dma_start3A_1091] : memref<320x80xi32, #tpu.memory_space<vmem>> -> memref<1x80xi32, #tpu.memory_space<vmem>>
      %dma_start3A_1093 = tpu.memref_squeeze %dma_start3A_1092 : memref<1x80xi32, #tpu.memory_space<vmem>> -> memref<80xi32, #tpu.memory_space<vmem>>
      %dma_start3A_1094 = arith.constant 0 : i32
      %dma_start3A_1095 = arith.constant 0 : i32
      %dma_start3A_1096 = tpu.memref_slice %arg3[%dma_start3A_1094, %dma_start3A_1095] : memref<1000000x16xf32, #tpu.memory_space<hbm>> -> memref<1000000x16xf32, #tpu.memory_space<hbm>>
      tpu.enqueue_indirect_dma source(%dma_start3A_1096 : memref<1000000x16xf32, #tpu.memory_space<hbm>>) target(%dma_start3A_1090 : memref<80x16xf32, #tpu.memory_space<vmem>>) offsets(%dma_start3A_1093 : memref<80xi32, #tpu.memory_space<vmem>>) semaphore(%arg8 : memref<!tpu.dma_semaphore, #tpu.memory_space<semaphore_mem>>)
      %mul3A_1097 = arith.constant 20 : i32
      %mul3A_1098 = arith.muli %add3A_1042, %mul3A_1097 : i32
      %add3A_1099 = arith.constant 3 : i32
      %add3A_1100 = arith.addi %mul3A_1098, %add3A_1099 : i32
      %dma_start3A_1101 = arith.constant 0 : i32
      %dma_start3A_1102 = arith.constant 0 : i32
      %dma_start3A_1103 = arith.constant 0 : i32
      %dma_start3A_1104 = tpu.memref_slice %arg6[%dma_start3A_1101, %dma_start3A_1102, %dma_start3A_1103] : memref<2x1600x16xf32, #tpu.memory_space<vmem>> -> memref<1x1600x16xf32, #tpu.memory_space<vmem>>
      %dma_start3A_1105 = tpu.memref_squeeze %dma_start3A_1104 : memref<1x1600x16xf32, #tpu.memory_space<vmem>> -> memref<1600x16xf32, #tpu.memory_space<vmem>>
      %dma_start3A_1106 = arith.constant 240 : i32
      %dma_start3A_1107 = arith.constant 0 : i32
      %dma_start3A_1108 = tpu.memref_slice %dma_start3A_1105[%dma_start3A_1106, %dma_start3A_1107] : memref<1600x16xf32, #tpu.memory_space<vmem>> -> memref<80x16xf32, #tpu.memory_space<vmem>>
      %dma_start3A_1109 = arith.constant 0 : i32
      %dma_start3A_1110 = tpu.memref_slice %arg5[%add3A_1100, %dma_start3A_1109] : memref<320x80xi32, #tpu.memory_space<vmem>> -> memref<1x80xi32, #tpu.memory_space<vmem>>
      %dma_start3A_1111 = tpu.memref_squeeze %dma_start3A_1110 : memref<1x80xi32, #tpu.memory_space<vmem>> -> memref<80xi32, #tpu.memory_space<vmem>>
      %dma_start3A_1112 = arith.constant 0 : i32
      %dma_start3A_1113 = arith.constant 0 : i32
      %dma_start3A_1114 = tpu.memref_slice %arg3[%dma_start3A_1112, %dma_start3A_1113] : memref<1000000x16xf32, #tpu.memory_space<hbm>> -> memref<1000000x16xf32, #tpu.memory_space<hbm>>
      tpu.enqueue_indirect_dma source(%dma_start3A_1114 : memref<1000000x16xf32, #tpu.memory_space<hbm>>) target(%dma_start3A_1108 : memref<80x16xf32, #tpu.memory_space<vmem>>) offsets(%dma_start3A_1111 : memref<80xi32, #tpu.memory_space<vmem>>) semaphore(%arg8 : memref<!tpu.dma_semaphore, #tpu.memory_space<semaphore_mem>>)
      %mul3A_1115 = arith.constant 20 : i32
      %mul3A_1116 = arith.muli %add3A_1042, %mul3A_1115 : i32
      %add3A_1117 = arith.constant 4 : i32
      %add3A_1118 = arith.addi %mul3A_1116, %add3A_1117 : i32
      %dma_start3A_1119 = arith.constant 0 : i32
      %dma_start3A_1120 = arith.constant 0 : i32
      %dma_start3A_1121 = arith.constant 0 : i32
      %dma_start3A_1122 = tpu.memref_slice %arg6[%dma_start3A_1119, %dma_start3A_1120, %dma_start3A_1121] : memref<2x1600x16xf32, #tpu.memory_space<vmem>> -> memref<1x1600x16xf32, #tpu.memory_space<vmem>>
      %dma_start3A_1123 = tpu.memref_squeeze %dma_start3A_1122 : memref<1x1600x16xf32, #tpu.memory_space<vmem>> -> memref<1600x16xf32, #tpu.memory_space<vmem>>
      %dma_start3A_1124 = arith.constant 320 : i32
      %dma_start3A_1125 = arith.constant 0 : i32
      %dma_start3A_1126 = tpu.memref_slice %dma_start3A_1123[%dma_start3A_1124, %dma_start3A_1125] : memref<1600x16xf32, #tpu.memory_space<vmem>> -> memref<80x16xf32, #tpu.memory_space<vmem>>
      %dma_start3A_1127 = arith.constant 0 : i32
      %dma_start3A_1128 = tpu.memref_slice %arg5[%add3A_1118, %dma_start3A_1127] : memref<320x80xi32, #tpu.memory_space<vmem>> -> memref<1x80xi32, #tpu.memory_space<vmem>>
      %dma_start3A_1129 = tpu.memref_squeeze %dma_start3A_1128 : memref<1x80xi32, #tpu.memory_space<vmem>> -> memref<80xi32, #tpu.memory_space<vmem>>
      %dma_start3A_1130 = arith.constant 0 : i32
      %dma_start3A_1131 = arith.constant 0 : i32
      %dma_start3A_1132 = tpu.memref_slice %arg3[%dma_start3A_1130, %dma_start3A_1131] : memref<1000000x16xf32, #tpu.memory_space<hbm>> -> memref<1000000x16xf32, #tpu.memory_space<hbm>>
      tpu.enqueue_indirect_dma source(%dma_start3A_1132 : memref<1000000x16xf32, #tpu.memory_space<hbm>>) target(%dma_start3A_1126 : memref<80x16xf32, #tpu.memory_space<vmem>>) offsets(%dma_start3A_1129 : memref<80xi32, #tpu.memory_space<vmem>>) semaphore(%arg8 : memref<!tpu.dma_semaphore, #tpu.memory_space<semaphore_mem>>)
      %mul3A_1133 = arith.constant 20 : i32
      %mul3A_1134 = arith.muli %add3A_1042, %mul3A_1133 : i32
      %add3A_1135 = arith.constant 5 : i32
      %add3A_1136 = arith.addi %mul3A_1134, %add3A_1135 : i32
      %dma_start3A_1137 = arith.constant 0 : i32
      %dma_start3A_1138 = arith.constant 0 : i32
      %dma_start3A_1139 = arith.constant 0 : i32
      %dma_start3A_1140 = tpu.memref_slice %arg6[%dma_start3A_1137, %dma_start3A_1138, %dma_start3A_1139] : memref<2x1600x16xf32, #tpu.memory_space<vmem>> -> memref<1x1600x16xf32, #tpu.memory_space<vmem>>
      %dma_start3A_1141 = tpu.memref_squeeze %dma_start3A_1140 : memref<1x1600x16xf32, #tpu.memory_space<vmem>> -> memref<1600x16xf32, #tpu.memory_space<vmem>>
      %dma_start3A_1142 = arith.constant 400 : i32
      %dma_start3A_1143 = arith.constant 0 : i32
      %dma_start3A_1144 = tpu.memref_slice %dma_start3A_1141[%dma_start3A_1142, %dma_start3A_1143] : memref<1600x16xf32, #tpu.memory_space<vmem>> -> memref<80x16xf32, #tpu.memory_space<vmem>>
      %dma_start3A_1145 = arith.constant 0 : i32
      %dma_start3A_1146 = tpu.memref_slice %arg5[%add3A_1136, %dma_start3A_1145] : memref<320x80xi32, #tpu.memory_space<vmem>> -> memref<1x80xi32, #tpu.memory_space<vmem>>
      %dma_start3A_1147 = tpu.memref_squeeze %dma_start3A_1146 : memref<1x80xi32, #tpu.memory_space<vmem>> -> memref<80xi32, #tpu.memory_space<vmem>>
      %dma_start3A_1148 = arith.constant 0 : i32
      %dma_start3A_1149 = arith.constant 0 : i32
      %dma_start3A_1150 = tpu.memref_slice %arg3[%dma_start3A_1148, %dma_start3A_1149] : memref<1000000x16xf32, #tpu.memory_space<hbm>> -> memref<1000000x16xf32, #tpu.memory_space<hbm>>
      tpu.enqueue_indirect_dma source(%dma_start3A_1150 : memref<1000000x16xf32, #tpu.memory_space<hbm>>) target(%dma_start3A_1144 : memref<80x16xf32, #tpu.memory_space<vmem>>) offsets(%dma_start3A_1147 : memref<80xi32, #tpu.memory_space<vmem>>) semaphore(%arg8 : memref<!tpu.dma_semaphore, #tpu.memory_space<semaphore_mem>>)
      %mul3A_1151 = arith.constant 20 : i32
      %mul3A_1152 = arith.muli %add3A_1042, %mul3A_1151 : i32
      %add3A_1153 = arith.constant 6 : i32
      %add3A_1154 = arith.addi %mul3A_1152, %add3A_1153 : i32
      %dma_start3A_1155 = arith.constant 0 : i32
      %dma_start3A_1156 = arith.constant 0 : i32
      %dma_start3A_1157 = arith.constant 0 : i32
      %dma_start3A_1158 = tpu.memref_slice %arg6[%dma_start3A_1155, %dma_start3A_1156, %dma_start3A_1157] : memref<2x1600x16xf32, #tpu.memory_space<vmem>> -> memref<1x1600x16xf32, #tpu.memory_space<vmem>>
      %dma_start3A_1159 = tpu.memref_squeeze %dma_start3A_1158 : memref<1x1600x16xf32, #tpu.memory_space<vmem>> -> memref<1600x16xf32, #tpu.memory_space<vmem>>
      %dma_start3A_1160 = arith.constant 480 : i32
      %dma_start3A_1161 = arith.constant 0 : i32
      %dma_start3A_1162 = tpu.memref_slice %dma_start3A_1159[%dma_start3A_1160, %dma_start3A_1161] : memref<1600x16xf32, #tpu.memory_space<vmem>> -> memref<80x16xf32, #tpu.memory_space<vmem>>
      %dma_start3A_1163 = arith.constant 0 : i32
      %dma_start3A_1164 = tpu.memref_slice %arg5[%add3A_1154, %dma_start3A_1163] : memref<320x80xi32, #tpu.memory_space<vmem>> -> memref<1x80xi32, #tpu.memory_space<vmem>>
      %dma_start3A_1165 = tpu.memref_squeeze %dma_start3A_1164 : memref<1x80xi32, #tpu.memory_space<vmem>> -> memref<80xi32, #tpu.memory_space<vmem>>
      %dma_start3A_1166 = arith.constant 0 : i32
      %dma_start3A_1167 = arith.constant 0 : i32
      %dma_start3A_1168 = tpu.memref_slice %arg3[%dma_start3A_1166, %dma_start3A_1167] : memref<1000000x16xf32, #tpu.memory_space<hbm>> -> memref<1000000x16xf32, #tpu.memory_space<hbm>>
      tpu.enqueue_indirect_dma source(%dma_start3A_1168 : memref<1000000x16xf32, #tpu.memory_space<hbm>>) target(%dma_start3A_1162 : memref<80x16xf32, #tpu.memory_space<vmem>>) offsets(%dma_start3A_1165 : memref<80xi32, #tpu.memory_space<vmem>>) semaphore(%arg8 : memref<!tpu.dma_semaphore, #tpu.memory_space<semaphore_mem>>)
      %mul3A_1169 = arith.constant 20 : i32
      %mul3A_1170 = arith.muli %add3A_1042, %mul3A_1169 : i32
      %add3A_1171 = arith.constant 7 : i32
      %add3A_1172 = arith.addi %mul3A_1170, %add3A_1171 : i32
      %dma_start3A_1173 = arith.constant 0 : i32
      %dma_start3A_1174 = arith.constant 0 : i32
      %dma_start3A_1175 = arith.constant 0 : i32
      %dma_start3A_1176 = tpu.memref_slice %arg6[%dma_start3A_1173, %dma_start3A_1174, %dma_start3A_1175] : memref<2x1600x16xf32, #tpu.memory_space<vmem>> -> memref<1x1600x16xf32, #tpu.memory_space<vmem>>
      %dma_start3A_1177 = tpu.memref_squeeze %dma_start3A_1176 : memref<1x1600x16xf32, #tpu.memory_space<vmem>> -> memref<1600x16xf32, #tpu.memory_space<vmem>>
      %dma_start3A_1178 = arith.constant 560 : i32
      %dma_start3A_1179 = arith.constant 0 : i32
      %dma_start3A_1180 = tpu.memref_slice %dma_start3A_1177[%dma_start3A_1178, %dma_start3A_1179] : memref<1600x16xf32, #tpu.memory_space<vmem>> -> memref<80x16xf32, #tpu.memory_space<vmem>>
      %dma_start3A_1181 = arith.constant 0 : i32
      %dma_start3A_1182 = tpu.memref_slice %arg5[%add3A_1172, %dma_start3A_1181] : memref<320x80xi32, #tpu.memory_space<vmem>> -> memref<1x80xi32, #tpu.memory_space<vmem>>
      %dma_start3A_1183 = tpu.memref_squeeze %dma_start3A_1182 : memref<1x80xi32, #tpu.memory_space<vmem>> -> memref<80xi32, #tpu.memory_space<vmem>>
      %dma_start3A_1184 = arith.constant 0 : i32
      %dma_start3A_1185 = arith.constant 0 : i32
      %dma_start3A_1186 = tpu.memref_slice %arg3[%dma_start3A_1184, %dma_start3A_1185] : memref<1000000x16xf32, #tpu.memory_space<hbm>> -> memref<1000000x16xf32, #tpu.memory_space<hbm>>
      tpu.enqueue_indirect_dma source(%dma_start3A_1186 : memref<1000000x16xf32, #tpu.memory_space<hbm>>) target(%dma_start3A_1180 : memref<80x16xf32, #tpu.memory_space<vmem>>) offsets(%dma_start3A_1183 : memref<80xi32, #tpu.memory_space<vmem>>) semaphore(%arg8 : memref<!tpu.dma_semaphore, #tpu.memory_space<semaphore_mem>>)
      %mul3A_1187 = arith.constant 20 : i32
      %mul3A_1188 = arith.muli %add3A_1042, %mul3A_1187 : i32
      %add3A_1189 = arith.constant 8 : i32
      %add3A_1190 = arith.addi %mul3A_1188, %add3A_1189 : i32
      %dma_start3A_1191 = arith.constant 0 : i32
      %dma_start3A_1192 = arith.constant 0 : i32
      %dma_start3A_1193 = arith.constant 0 : i32
      %dma_start3A_1194 = tpu.memref_slice %arg6[%dma_start3A_1191, %dma_start3A_1192, %dma_start3A_1193] : memref<2x1600x16xf32, #tpu.memory_space<vmem>> -> memref<1x1600x16xf32, #tpu.memory_space<vmem>>
      %dma_start3A_1195 = tpu.memref_squeeze %dma_start3A_1194 : memref<1x1600x16xf32, #tpu.memory_space<vmem>> -> memref<1600x16xf32, #tpu.memory_space<vmem>>
      %dma_start3A_1196 = arith.constant 640 : i32
      %dma_start3A_1197 = arith.constant 0 : i32
      %dma_start3A_1198 = tpu.memref_slice %dma_start3A_1195[%dma_start3A_1196, %dma_start3A_1197] : memref<1600x16xf32, #tpu.memory_space<vmem>> -> memref<80x16xf32, #tpu.memory_space<vmem>>
      %dma_start3A_1199 = arith.constant 0 : i32
      %dma_start3A_1200 = tpu.memref_slice %arg5[%add3A_1190, %dma_start3A_1199] : memref<320x80xi32, #tpu.memory_space<vmem>> -> memref<1x80xi32, #tpu.memory_space<vmem>>
      %dma_start3A_1201 = tpu.memref_squeeze %dma_start3A_1200 : memref<1x80xi32, #tpu.memory_space<vmem>> -> memref<80xi32, #tpu.memory_space<vmem>>
      %dma_start3A_1202 = arith.constant 0 : i32
      %dma_start3A_1203 = arith.constant 0 : i32
      %dma_start3A_1204 = tpu.memref_slice %arg3[%dma_start3A_1202, %dma_start3A_1203] : memref<1000000x16xf32, #tpu.memory_space<hbm>> -> memref<1000000x16xf32, #tpu.memory_space<hbm>>
      tpu.enqueue_indirect_dma source(%dma_start3A_1204 : memref<1000000x16xf32, #tpu.memory_space<hbm>>) target(%dma_start3A_1198 : memref<80x16xf32, #tpu.memory_space<vmem>>) offsets(%dma_start3A_1201 : memref<80xi32, #tpu.memory_space<vmem>>) semaphore(%arg8 : memref<!tpu.dma_semaphore, #tpu.memory_space<semaphore_mem>>)
      %mul3A_1205 = arith.constant 20 : i32
      %mul3A_1206 = arith.muli %add3A_1042, %mul3A_1205 : i32
      %add3A_1207 = arith.constant 9 : i32
      %add3A_1208 = arith.addi %mul3A_1206, %add3A_1207 : i32
      %dma_start3A_1209 = arith.constant 0 : i32
      %dma_start3A_1210 = arith.constant 0 : i32
      %dma_start3A_1211 = arith.constant 0 : i32
      %dma_start3A_1212 = tpu.memref_slice %arg6[%dma_start3A_1209, %dma_start3A_1210, %dma_start3A_1211] : memref<2x1600x16xf32, #tpu.memory_space<vmem>> -> memref<1x1600x16xf32, #tpu.memory_space<vmem>>
      %dma_start3A_1213 = tpu.memref_squeeze %dma_start3A_1212 : memref<1x1600x16xf32, #tpu.memory_space<vmem>> -> memref<1600x16xf32, #tpu.memory_space<vmem>>
      %dma_start3A_1214 = arith.constant 720 : i32
      %dma_start3A_1215 = arith.constant 0 : i32
      %dma_start3A_1216 = tpu.memref_slice %dma_start3A_1213[%dma_start3A_1214, %dma_start3A_1215] : memref<1600x16xf32, #tpu.memory_space<vmem>> -> memref<80x16xf32, #tpu.memory_space<vmem>>
      %dma_start3A_1217 = arith.constant 0 : i32
      %dma_start3A_1218 = tpu.memref_slice %arg5[%add3A_1208, %dma_start3A_1217] : memref<320x80xi32, #tpu.memory_space<vmem>> -> memref<1x80xi32, #tpu.memory_space<vmem>>
      %dma_start3A_1219 = tpu.memref_squeeze %dma_start3A_1218 : memref<1x80xi32, #tpu.memory_space<vmem>> -> memref<80xi32, #tpu.memory_space<vmem>>
      %dma_start3A_1220 = arith.constant 0 : i32
      %dma_start3A_1221 = arith.constant 0 : i32
      %dma_start3A_1222 = tpu.memref_slice %arg3[%dma_start3A_1220, %dma_start3A_1221] : memref<1000000x16xf32, #tpu.memory_space<hbm>> -> memref<1000000x16xf32, #tpu.memory_space<hbm>>
      tpu.enqueue_indirect_dma source(%dma_start3A_1222 : memref<1000000x16xf32, #tpu.memory_space<hbm>>) target(%dma_start3A_1216 : memref<80x16xf32, #tpu.memory_space<vmem>>) offsets(%dma_start3A_1219 : memref<80xi32, #tpu.memory_space<vmem>>) semaphore(%arg8 : memref<!tpu.dma_semaphore, #tpu.memory_space<semaphore_mem>>)
      %mul3A_1223 = arith.constant 20 : i32
      %mul3A_1224 = arith.muli %add3A_1042, %mul3A_1223 : i32
      %add3A_1225 = arith.constant 10 : i32
      %add3A_1226 = arith.addi %mul3A_1224, %add3A_1225 : i32
      %dma_start3A_1227 = arith.constant 0 : i32
      %dma_start3A_1228 = arith.constant 0 : i32
      %dma_start3A_1229 = arith.constant 0 : i32
      %dma_start3A_1230 = tpu.memref_slice %arg6[%dma_start3A_1227, %dma_start3A_1228, %dma_start3A_1229] : memref<2x1600x16xf32, #tpu.memory_space<vmem>> -> memref<1x1600x16xf32, #tpu.memory_space<vmem>>
      %dma_start3A_1231 = tpu.memref_squeeze %dma_start3A_1230 : memref<1x1600x16xf32, #tpu.memory_space<vmem>> -> memref<1600x16xf32, #tpu.memory_space<vmem>>
      %dma_start3A_1232 = arith.constant 800 : i32
      %dma_start3A_1233 = arith.constant 0 : i32
      %dma_start3A_1234 = tpu.memref_slice %dma_start3A_1231[%dma_start3A_1232, %dma_start3A_1233] : memref<1600x16xf32, #tpu.memory_space<vmem>> -> memref<80x16xf32, #tpu.memory_space<vmem>>
      %dma_start3A_1235 = arith.constant 0 : i32
      %dma_start3A_1236 = tpu.memref_slice %arg5[%add3A_1226, %dma_start3A_1235] : memref<320x80xi32, #tpu.memory_space<vmem>> -> memref<1x80xi32, #tpu.memory_space<vmem>>
      %dma_start3A_1237 = tpu.memref_squeeze %dma_start3A_1236 : memref<1x80xi32, #tpu.memory_space<vmem>> -> memref<80xi32, #tpu.memory_space<vmem>>
      %dma_start3A_1238 = arith.constant 0 : i32
      %dma_start3A_1239 = arith.constant 0 : i32
      %dma_start3A_1240 = tpu.memref_slice %arg3[%dma_start3A_1238, %dma_start3A_1239] : memref<1000000x16xf32, #tpu.memory_space<hbm>> -> memref<1000000x16xf32, #tpu.memory_space<hbm>>
      tpu.enqueue_indirect_dma source(%dma_start3A_1240 : memref<1000000x16xf32, #tpu.memory_space<hbm>>) target(%dma_start3A_1234 : memref<80x16xf32, #tpu.memory_space<vmem>>) offsets(%dma_start3A_1237 : memref<80xi32, #tpu.memory_space<vmem>>) semaphore(%arg8 : memref<!tpu.dma_semaphore, #tpu.memory_space<semaphore_mem>>)
      %mul3A_1241 = arith.constant 20 : i32
      %mul3A_1242 = arith.muli %add3A_1042, %mul3A_1241 : i32
      %add3A_1243 = arith.constant 11 : i32
      %add3A_1244 = arith.addi %mul3A_1242, %add3A_1243 : i32
      %dma_start3A_1245 = arith.constant 0 : i32
      %dma_start3A_1246 = arith.constant 0 : i32
      %dma_start3A_1247 = arith.constant 0 : i32
      %dma_start3A_1248 = tpu.memref_slice %arg6[%dma_start3A_1245, %dma_start3A_1246, %dma_start3A_1247] : memref<2x1600x16xf32, #tpu.memory_space<vmem>> -> memref<1x1600x16xf32, #tpu.memory_space<vmem>>
      %dma_start3A_1249 = tpu.memref_squeeze %dma_start3A_1248 : memref<1x1600x16xf32, #tpu.memory_space<vmem>> -> memref<1600x16xf32, #tpu.memory_space<vmem>>
      %dma_start3A_1250 = arith.constant 880 : i32
      %dma_start3A_1251 = arith.constant 0 : i32
      %dma_start3A_1252 = tpu.memref_slice %dma_start3A_1249[%dma_start3A_1250, %dma_start3A_1251] : memref<1600x16xf32, #tpu.memory_space<vmem>> -> memref<80x16xf32, #tpu.memory_space<vmem>>
      %dma_start3A_1253 = arith.constant 0 : i32
      %dma_start3A_1254 = tpu.memref_slice %arg5[%add3A_1244, %dma_start3A_1253] : memref<320x80xi32, #tpu.memory_space<vmem>> -> memref<1x80xi32, #tpu.memory_space<vmem>>
      %dma_start3A_1255 = tpu.memref_squeeze %dma_start3A_1254 : memref<1x80xi32, #tpu.memory_space<vmem>> -> memref<80xi32, #tpu.memory_space<vmem>>
      %dma_start3A_1256 = arith.constant 0 : i32
      %dma_start3A_1257 = arith.constant 0 : i32
      %dma_start3A_1258 = tpu.memref_slice %arg3[%dma_start3A_1256, %dma_start3A_1257] : memref<1000000x16xf32, #tpu.memory_space<hbm>> -> memref<1000000x16xf32, #tpu.memory_space<hbm>>
      tpu.enqueue_indirect_dma source(%dma_start3A_1258 : memref<1000000x16xf32, #tpu.memory_space<hbm>>) target(%dma_start3A_1252 : memref<80x16xf32, #tpu.memory_space<vmem>>) offsets(%dma_start3A_1255 : memref<80xi32, #tpu.memory_space<vmem>>) semaphore(%arg8 : memref<!tpu.dma_semaphore, #tpu.memory_space<semaphore_mem>>)
      %mul3A_1259 = arith.constant 20 : i32
      %mul3A_1260 = arith.muli %add3A_1042, %mul3A_1259 : i32
      %add3A_1261 = arith.constant 12 : i32
      %add3A_1262 = arith.addi %mul3A_1260, %add3A_1261 : i32
      %dma_start3A_1263 = arith.constant 0 : i32
      %dma_start3A_1264 = arith.constant 0 : i32
      %dma_start3A_1265 = arith.constant 0 : i32
      %dma_start3A_1266 = tpu.memref_slice %arg6[%dma_start3A_1263, %dma_start3A_1264, %dma_start3A_1265] : memref<2x1600x16xf32, #tpu.memory_space<vmem>> -> memref<1x1600x16xf32, #tpu.memory_space<vmem>>
      %dma_start3A_1267 = tpu.memref_squeeze %dma_start3A_1266 : memref<1x1600x16xf32, #tpu.memory_space<vmem>> -> memref<1600x16xf32, #tpu.memory_space<vmem>>
      %dma_start3A_1268 = arith.constant 960 : i32
      %dma_start3A_1269 = arith.constant 0 : i32
      %dma_start3A_1270 = tpu.memref_slice %dma_start3A_1267[%dma_start3A_1268, %dma_start3A_1269] : memref<1600x16xf32, #tpu.memory_space<vmem>> -> memref<80x16xf32, #tpu.memory_space<vmem>>
      %dma_start3A_1271 = arith.constant 0 : i32
      %dma_start3A_1272 = tpu.memref_slice %arg5[%add3A_1262, %dma_start3A_1271] : memref<320x80xi32, #tpu.memory_space<vmem>> -> memref<1x80xi32, #tpu.memory_space<vmem>>
      %dma_start3A_1273 = tpu.memref_squeeze %dma_start3A_1272 : memref<1x80xi32, #tpu.memory_space<vmem>> -> memref<80xi32, #tpu.memory_space<vmem>>
      %dma_start3A_1274 = arith.constant 0 : i32
      %dma_start3A_1275 = arith.constant 0 : i32
      %dma_start3A_1276 = tpu.memref_slice %arg3[%dma_start3A_1274, %dma_start3A_1275] : memref<1000000x16xf32, #tpu.memory_space<hbm>> -> memref<1000000x16xf32, #tpu.memory_space<hbm>>
      tpu.enqueue_indirect_dma source(%dma_start3A_1276 : memref<1000000x16xf32, #tpu.memory_space<hbm>>) target(%dma_start3A_1270 : memref<80x16xf32, #tpu.memory_space<vmem>>) offsets(%dma_start3A_1273 : memref<80xi32, #tpu.memory_space<vmem>>) semaphore(%arg8 : memref<!tpu.dma_semaphore, #tpu.memory_space<semaphore_mem>>)
      %mul3A_1277 = arith.constant 20 : i32
      %mul3A_1278 = arith.muli %add3A_1042, %mul3A_1277 : i32
      %add3A_1279 = arith.constant 13 : i32
      %add3A_1280 = arith.addi %mul3A_1278, %add3A_1279 : i32
      %dma_start3A_1281 = arith.constant 0 : i32
      %dma_start3A_1282 = arith.constant 0 : i32
      %dma_start3A_1283 = arith.constant 0 : i32
      %dma_start3A_1284 = tpu.memref_slice %arg6[%dma_start3A_1281, %dma_start3A_1282, %dma_start3A_1283] : memref<2x1600x16xf32, #tpu.memory_space<vmem>> -> memref<1x1600x16xf32, #tpu.memory_space<vmem>>
      %dma_start3A_1285 = tpu.memref_squeeze %dma_start3A_1284 : memref<1x1600x16xf32, #tpu.memory_space<vmem>> -> memref<1600x16xf32, #tpu.memory_space<vmem>>
      %dma_start3A_1286 = arith.constant 1040 : i32
      %dma_start3A_1287 = arith.constant 0 : i32
      %dma_start3A_1288 = tpu.memref_slice %dma_start3A_1285[%dma_start3A_1286, %dma_start3A_1287] : memref<1600x16xf32, #tpu.memory_space<vmem>> -> memref<80x16xf32, #tpu.memory_space<vmem>>
      %dma_start3A_1289 = arith.constant 0 : i32
      %dma_start3A_1290 = tpu.memref_slice %arg5[%add3A_1280, %dma_start3A_1289] : memref<320x80xi32, #tpu.memory_space<vmem>> -> memref<1x80xi32, #tpu.memory_space<vmem>>
      %dma_start3A_1291 = tpu.memref_squeeze %dma_start3A_1290 : memref<1x80xi32, #tpu.memory_space<vmem>> -> memref<80xi32, #tpu.memory_space<vmem>>
      %dma_start3A_1292 = arith.constant 0 : i32
      %dma_start3A_1293 = arith.constant 0 : i32
      %dma_start3A_1294 = tpu.memref_slice %arg3[%dma_start3A_1292, %dma_start3A_1293] : memref<1000000x16xf32, #tpu.memory_space<hbm>> -> memref<1000000x16xf32, #tpu.memory_space<hbm>>
      tpu.enqueue_indirect_dma source(%dma_start3A_1294 : memref<1000000x16xf32, #tpu.memory_space<hbm>>) target(%dma_start3A_1288 : memref<80x16xf32, #tpu.memory_space<vmem>>) offsets(%dma_start3A_1291 : memref<80xi32, #tpu.memory_space<vmem>>) semaphore(%arg8 : memref<!tpu.dma_semaphore, #tpu.memory_space<semaphore_mem>>)
      %mul3A_1295 = arith.constant 20 : i32
      %mul3A_1296 = arith.muli %add3A_1042, %mul3A_1295 : i32
      %add3A_1297 = arith.constant 14 : i32
      %add3A_1298 = arith.addi %mul3A_1296, %add3A_1297 : i32
      %dma_start3A_1299 = arith.constant 0 : i32
      %dma_start3A_1300 = arith.constant 0 : i32
      %dma_start3A_1301 = arith.constant 0 : i32
      %dma_start3A_1302 = tpu.memref_slice %arg6[%dma_start3A_1299, %dma_start3A_1300, %dma_start3A_1301] : memref<2x1600x16xf32, #tpu.memory_space<vmem>> -> memref<1x1600x16xf32, #tpu.memory_space<vmem>>
      %dma_start3A_1303 = tpu.memref_squeeze %dma_start3A_1302 : memref<1x1600x16xf32, #tpu.memory_space<vmem>> -> memref<1600x16xf32, #tpu.memory_space<vmem>>
      %dma_start3A_1304 = arith.constant 1120 : i32
      %dma_start3A_1305 = arith.constant 0 : i32
      %dma_start3A_1306 = tpu.memref_slice %dma_start3A_1303[%dma_start3A_1304, %dma_start3A_1305] : memref<1600x16xf32, #tpu.memory_space<vmem>> -> memref<80x16xf32, #tpu.memory_space<vmem>>
      %dma_start3A_1307 = arith.constant 0 : i32
      %dma_start3A_1308 = tpu.memref_slice %arg5[%add3A_1298, %dma_start3A_1307] : memref<320x80xi32, #tpu.memory_space<vmem>> -> memref<1x80xi32, #tpu.memory_space<vmem>>
      %dma_start3A_1309 = tpu.memref_squeeze %dma_start3A_1308 : memref<1x80xi32, #tpu.memory_space<vmem>> -> memref<80xi32, #tpu.memory_space<vmem>>
      %dma_start3A_1310 = arith.constant 0 : i32
      %dma_start3A_1311 = arith.constant 0 : i32
      %dma_start3A_1312 = tpu.memref_slice %arg3[%dma_start3A_1310, %dma_start3A_1311] : memref<1000000x16xf32, #tpu.memory_space<hbm>> -> memref<1000000x16xf32, #tpu.memory_space<hbm>>
      tpu.enqueue_indirect_dma source(%dma_start3A_1312 : memref<1000000x16xf32, #tpu.memory_space<hbm>>) target(%dma_start3A_1306 : memref<80x16xf32, #tpu.memory_space<vmem>>) offsets(%dma_start3A_1309 : memref<80xi32, #tpu.memory_space<vmem>>) semaphore(%arg8 : memref<!tpu.dma_semaphore, #tpu.memory_space<semaphore_mem>>)
      %mul3A_1313 = arith.constant 20 : i32
      %mul3A_1314 = arith.muli %add3A_1042, %mul3A_1313 : i32
      %add3A_1315 = arith.constant 15 : i32
      %add3A_1316 = arith.addi %mul3A_1314, %add3A_1315 : i32
      %dma_start3A_1317 = arith.constant 0 : i32
      %dma_start3A_1318 = arith.constant 0 : i32
      %dma_start3A_1319 = arith.constant 0 : i32
      %dma_start3A_1320 = tpu.memref_slice %arg6[%dma_start3A_1317, %dma_start3A_1318, %dma_start3A_1319] : memref<2x1600x16xf32, #tpu.memory_space<vmem>> -> memref<1x1600x16xf32, #tpu.memory_space<vmem>>
      %dma_start3A_1321 = tpu.memref_squeeze %dma_start3A_1320 : memref<1x1600x16xf32, #tpu.memory_space<vmem>> -> memref<1600x16xf32, #tpu.memory_space<vmem>>
      %dma_start3A_1322 = arith.constant 1200 : i32
      %dma_start3A_1323 = arith.constant 0 : i32
      %dma_start3A_1324 = tpu.memref_slice %dma_start3A_1321[%dma_start3A_1322, %dma_start3A_1323] : memref<1600x16xf32, #tpu.memory_space<vmem>> -> memref<80x16xf32, #tpu.memory_space<vmem>>
      %dma_start3A_1325 = arith.constant 0 : i32
      %dma_start3A_1326 = tpu.memref_slice %arg5[%add3A_1316, %dma_start3A_1325] : memref<320x80xi32, #tpu.memory_space<vmem>> -> memref<1x80xi32, #tpu.memory_space<vmem>>
      %dma_start3A_1327 = tpu.memref_squeeze %dma_start3A_1326 : memref<1x80xi32, #tpu.memory_space<vmem>> -> memref<80xi32, #tpu.memory_space<vmem>>
      %dma_start3A_1328 = arith.constant 0 : i32
      %dma_start3A_1329 = arith.constant 0 : i32
      %dma_start3A_1330 = tpu.memref_slice %arg3[%dma_start3A_1328, %dma_start3A_1329] : memref<1000000x16xf32, #tpu.memory_space<hbm>> -> memref<1000000x16xf32, #tpu.memory_space<hbm>>
      tpu.enqueue_indirect_dma source(%dma_start3A_1330 : memref<1000000x16xf32, #tpu.memory_space<hbm>>) target(%dma_start3A_1324 : memref<80x16xf32, #tpu.memory_space<vmem>>) offsets(%dma_start3A_1327 : memref<80xi32, #tpu.memory_space<vmem>>) semaphore(%arg8 : memref<!tpu.dma_semaphore, #tpu.memory_space<semaphore_mem>>)
      %mul3A_1331 = arith.constant 20 : i32
      %mul3A_1332 = arith.muli %add3A_1042, %mul3A_1331 : i32
      %add3A_1333 = arith.constant 16 : i32
      %add3A_1334 = arith.addi %mul3A_1332, %add3A_1333 : i32
      %dma_start3A_1335 = arith.constant 0 : i32
      %dma_start3A_1336 = arith.constant 0 : i32
      %dma_start3A_1337 = arith.constant 0 : i32
      %dma_start3A_1338 = tpu.memref_slice %arg6[%dma_start3A_1335, %dma_start3A_1336, %dma_start3A_1337] : memref<2x1600x16xf32, #tpu.memory_space<vmem>> -> memref<1x1600x16xf32, #tpu.memory_space<vmem>>
      %dma_start3A_1339 = tpu.memref_squeeze %dma_start3A_1338 : memref<1x1600x16xf32, #tpu.memory_space<vmem>> -> memref<1600x16xf32, #tpu.memory_space<vmem>>
      %dma_start3A_1340 = arith.constant 1280 : i32
      %dma_start3A_1341 = arith.constant 0 : i32
      %dma_start3A_1342 = tpu.memref_slice %dma_start3A_1339[%dma_start3A_1340, %dma_start3A_1341] : memref<1600x16xf32, #tpu.memory_space<vmem>> -> memref<80x16xf32, #tpu.memory_space<vmem>>
      %dma_start3A_1343 = arith.constant 0 : i32
      %dma_start3A_1344 = tpu.memref_slice %arg5[%add3A_1334, %dma_start3A_1343] : memref<320x80xi32, #tpu.memory_space<vmem>> -> memref<1x80xi32, #tpu.memory_space<vmem>>
      %dma_start3A_1345 = tpu.memref_squeeze %dma_start3A_1344 : memref<1x80xi32, #tpu.memory_space<vmem>> -> memref<80xi32, #tpu.memory_space<vmem>>
      %dma_start3A_1346 = arith.constant 0 : i32
      %dma_start3A_1347 = arith.constant 0 : i32
      %dma_start3A_1348 = tpu.memref_slice %arg3[%dma_start3A_1346, %dma_start3A_1347] : memref<1000000x16xf32, #tpu.memory_space<hbm>> -> memref<1000000x16xf32, #tpu.memory_space<hbm>>
      tpu.enqueue_indirect_dma source(%dma_start3A_1348 : memref<1000000x16xf32, #tpu.memory_space<hbm>>) target(%dma_start3A_1342 : memref<80x16xf32, #tpu.memory_space<vmem>>) offsets(%dma_start3A_1345 : memref<80xi32, #tpu.memory_space<vmem>>) semaphore(%arg8 : memref<!tpu.dma_semaphore, #tpu.memory_space<semaphore_mem>>)
      %mul3A_1349 = arith.constant 20 : i32
      %mul3A_1350 = arith.muli %add3A_1042, %mul3A_1349 : i32
      %add3A_1351 = arith.constant 17 : i32
      %add3A_1352 = arith.addi %mul3A_1350, %add3A_1351 : i32
      %dma_start3A_1353 = arith.constant 0 : i32
      %dma_start3A_1354 = arith.constant 0 : i32
      %dma_start3A_1355 = arith.constant 0 : i32
      %dma_start3A_1356 = tpu.memref_slice %arg6[%dma_start3A_1353, %dma_start3A_1354, %dma_start3A_1355] : memref<2x1600x16xf32, #tpu.memory_space<vmem>> -> memref<1x1600x16xf32, #tpu.memory_space<vmem>>
      %dma_start3A_1357 = tpu.memref_squeeze %dma_start3A_1356 : memref<1x1600x16xf32, #tpu.memory_space<vmem>> -> memref<1600x16xf32, #tpu.memory_space<vmem>>
      %dma_start3A_1358 = arith.constant 1360 : i32
      %dma_start3A_1359 = arith.constant 0 : i32
      %dma_start3A_1360 = tpu.memref_slice %dma_start3A_1357[%dma_start3A_1358, %dma_start3A_1359] : memref<1600x16xf32, #tpu.memory_space<vmem>> -> memref<80x16xf32, #tpu.memory_space<vmem>>
      %dma_start3A_1361 = arith.constant 0 : i32
      %dma_start3A_1362 = tpu.memref_slice %arg5[%add3A_1352, %dma_start3A_1361] : memref<320x80xi32, #tpu.memory_space<vmem>> -> memref<1x80xi32, #tpu.memory_space<vmem>>
      %dma_start3A_1363 = tpu.memref_squeeze %dma_start3A_1362 : memref<1x80xi32, #tpu.memory_space<vmem>> -> memref<80xi32, #tpu.memory_space<vmem>>
      %dma_start3A_1364 = arith.constant 0 : i32
      %dma_start3A_1365 = arith.constant 0 : i32
      %dma_start3A_1366 = tpu.memref_slice %arg3[%dma_start3A_1364, %dma_start3A_1365] : memref<1000000x16xf32, #tpu.memory_space<hbm>> -> memref<1000000x16xf32, #tpu.memory_space<hbm>>
      tpu.enqueue_indirect_dma source(%dma_start3A_1366 : memref<1000000x16xf32, #tpu.memory_space<hbm>>) target(%dma_start3A_1360 : memref<80x16xf32, #tpu.memory_space<vmem>>) offsets(%dma_start3A_1363 : memref<80xi32, #tpu.memory_space<vmem>>) semaphore(%arg8 : memref<!tpu.dma_semaphore, #tpu.memory_space<semaphore_mem>>)
      %mul3A_1367 = arith.constant 20 : i32
      %mul3A_1368 = arith.muli %add3A_1042, %mul3A_1367 : i32
      %add3A_1369 = arith.constant 18 : i32
      %add3A_1370 = arith.addi %mul3A_1368, %add3A_1369 : i32
      %dma_start3A_1371 = arith.constant 0 : i32
      %dma_start3A_1372 = arith.constant 0 : i32
      %dma_start3A_1373 = arith.constant 0 : i32
      %dma_start3A_1374 = tpu.memref_slice %arg6[%dma_start3A_1371, %dma_start3A_1372, %dma_start3A_1373] : memref<2x1600x16xf32, #tpu.memory_space<vmem>> -> memref<1x1600x16xf32, #tpu.memory_space<vmem>>
      %dma_start3A_1375 = tpu.memref_squeeze %dma_start3A_1374 : memref<1x1600x16xf32, #tpu.memory_space<vmem>> -> memref<1600x16xf32, #tpu.memory_space<vmem>>
      %dma_start3A_1376 = arith.constant 1440 : i32
      %dma_start3A_1377 = arith.constant 0 : i32
      %dma_start3A_1378 = tpu.memref_slice %dma_start3A_1375[%dma_start3A_1376, %dma_start3A_1377] : memref<1600x16xf32, #tpu.memory_space<vmem>> -> memref<80x16xf32, #tpu.memory_space<vmem>>
      %dma_start3A_1379 = arith.constant 0 : i32
      %dma_start3A_1380 = tpu.memref_slice %arg5[%add3A_1370, %dma_start3A_1379] : memref<320x80xi32, #tpu.memory_space<vmem>> -> memref<1x80xi32, #tpu.memory_space<vmem>>
      %dma_start3A_1381 = tpu.memref_squeeze %dma_start3A_1380 : memref<1x80xi32, #tpu.memory_space<vmem>> -> memref<80xi32, #tpu.memory_space<vmem>>
      %dma_start3A_1382 = arith.constant 0 : i32
      %dma_start3A_1383 = arith.constant 0 : i32
      %dma_start3A_1384 = tpu.memref_slice %arg3[%dma_start3A_1382, %dma_start3A_1383] : memref<1000000x16xf32, #tpu.memory_space<hbm>> -> memref<1000000x16xf32, #tpu.memory_space<hbm>>
      tpu.enqueue_indirect_dma source(%dma_start3A_1384 : memref<1000000x16xf32, #tpu.memory_space<hbm>>) target(%dma_start3A_1378 : memref<80x16xf32, #tpu.memory_space<vmem>>) offsets(%dma_start3A_1381 : memref<80xi32, #tpu.memory_space<vmem>>) semaphore(%arg8 : memref<!tpu.dma_semaphore, #tpu.memory_space<semaphore_mem>>)
      %mul3A_1385 = arith.constant 20 : i32
      %mul3A_1386 = arith.muli %add3A_1042, %mul3A_1385 : i32
      %add3A_1387 = arith.constant 19 : i32
      %add3A_1388 = arith.addi %mul3A_1386, %add3A_1387 : i32
      %dma_start3A_1389 = arith.constant 0 : i32
      %dma_start3A_1390 = arith.constant 0 : i32
      %dma_start3A_1391 = arith.constant 0 : i32
      %dma_start3A_1392 = tpu.memref_slice %arg6[%dma_start3A_1389, %dma_start3A_1390, %dma_start3A_1391] : memref<2x1600x16xf32, #tpu.memory_space<vmem>> -> memref<1x1600x16xf32, #tpu.memory_space<vmem>>
      %dma_start3A_1393 = tpu.memref_squeeze %dma_start3A_1392 : memref<1x1600x16xf32, #tpu.memory_space<vmem>> -> memref<1600x16xf32, #tpu.memory_space<vmem>>
      %dma_start3A_1394 = arith.constant 1520 : i32
      %dma_start3A_1395 = arith.constant 0 : i32
      %dma_start3A_1396 = tpu.memref_slice %dma_start3A_1393[%dma_start3A_1394, %dma_start3A_1395] : memref<1600x16xf32, #tpu.memory_space<vmem>> -> memref<80x16xf32, #tpu.memory_space<vmem>>
      %dma_start3A_1397 = arith.constant 0 : i32
      %dma_start3A_1398 = tpu.memref_slice %arg5[%add3A_1388, %dma_start3A_1397] : memref<320x80xi32, #tpu.memory_space<vmem>> -> memref<1x80xi32, #tpu.memory_space<vmem>>
      %dma_start3A_1399 = tpu.memref_squeeze %dma_start3A_1398 : memref<1x80xi32, #tpu.memory_space<vmem>> -> memref<80xi32, #tpu.memory_space<vmem>>
      %dma_start3A_1400 = arith.constant 0 : i32
      %dma_start3A_1401 = arith.constant 0 : i32
      %dma_start3A_1402 = tpu.memref_slice %arg3[%dma_start3A_1400, %dma_start3A_1401] : memref<1000000x16xf32, #tpu.memory_space<hbm>> -> memref<1000000x16xf32, #tpu.memory_space<hbm>>
      tpu.enqueue_indirect_dma source(%dma_start3A_1402 : memref<1000000x16xf32, #tpu.memory_space<hbm>>) target(%dma_start3A_1396 : memref<80x16xf32, #tpu.memory_space<vmem>>) offsets(%dma_start3A_1399 : memref<80xi32, #tpu.memory_space<vmem>>) semaphore(%arg8 : memref<!tpu.dma_semaphore, #tpu.memory_space<semaphore_mem>>)
      %dma_wait3A_1403 = arith.constant 1 : i32
      %dma_wait3A_1404 = arith.constant 0 : i32
      %dma_wait3A_1405 = arith.constant 0 : i32
      %dma_wait3A_1406 = tpu.memref_slice %arg6[%dma_wait3A_1403, %dma_wait3A_1404, %dma_wait3A_1405] : memref<2x1600x16xf32, #tpu.memory_space<vmem>> -> memref<1x1600x16xf32, #tpu.memory_space<vmem>>
      %dma_wait3A_1407 = tpu.memref_squeeze %dma_wait3A_1406 : memref<1x1600x16xf32, #tpu.memory_space<vmem>> -> memref<1600x16xf32, #tpu.memory_space<vmem>>
      %dma_wait3A_1408 = arith.constant 0 : i32
      %dma_wait3A_1409 = arith.constant 0 : i32
      %dma_wait3A_1410 = tpu.memref_slice %arg3[%dma_wait3A_1408, %dma_wait3A_1409] : memref<1000000x16xf32, #tpu.memory_space<hbm>> -> memref<1600x16xf32, #tpu.memory_space<hbm>>
      %dma_wait3A_1411 = arith.constant 0 : i32
      %dma_wait3A_1412 = arith.constant 0 : i32
      %dma_wait3A_1413 = tpu.memref_slice %arg6[%dma_wait3A_1403, %dma_wait3A_1411, %dma_wait3A_1412] : memref<2x1600x16xf32, #tpu.memory_space<vmem>> -> memref<1x1600x16xf32, #tpu.memory_space<vmem>>
      %dma_wait3A_1414 = tpu.memref_squeeze %dma_wait3A_1413 : memref<1x1600x16xf32, #tpu.memory_space<vmem>> -> memref<1600x16xf32, #tpu.memory_space<vmem>>
      %dma_wait3A_1415 = arith.constant 0 : i32
      %dma_wait3A_1416 = arith.constant 0 : i32
      %dma_wait3A_1417 = tpu.memref_slice %arg3[%dma_wait3A_1415, %dma_wait3A_1416] : memref<1000000x16xf32, #tpu.memory_space<hbm>> -> memref<1600x16xf32, #tpu.memory_space<hbm>>
      tpu.wait_dma2 semaphore(%arg9 : memref<!tpu.dma_semaphore, #tpu.memory_space<semaphore_mem>>) src(%dma_wait3A_1417 : memref<1600x16xf32, #tpu.memory_space<hbm>>) dst(%dma_wait3A_1414 : memref<1600x16xf32, #tpu.memory_space<vmem>>)
      %add3A_1418 = arith.constant 1 : i32
      %add3A_1419 = arith.addi %add3A_651, %add3A_1418 : i32
      %scan3A_1420 = arith.constant 1 : i32
      %scan3A_1421 = arith.constant 0 : i32
      %scan3A_1422 = arith.constant 32 : i32
      %scan3A_1423 = arith.addi %scan3A_1421, %scan3A_1422 : i32
      %scan3A_1424 = arith.constant 1 : i32
      scf.for %scan3A_1426 = %scan3A_1421 to %scan3A_1423 step %scan3A_1424  : i32 {
        %mul3A_1427 = arith.constant 1 : i32
        %mul3A_1428 = arith.muli %scan3A_1426, %mul3A_1427 : i32
        %add3A_1429 = arith.constant 0 : i32
        %add3A_1430 = arith.addi %add3A_1429, %mul3A_1428 : i32
        %mul3A_1431 = arith.constant 50 : i32
        %mul3A_1432 = arith.muli %add3A_1430, %mul3A_1431 : i32
        %add3A_1433 = arith.constant 0 : i32
        %add3A_1434 = arith.addi %mul3A_1432, %add3A_1433 : i32
        %get3A = arith.constant 0 : i32
        %get3A_1435 = arith.constant 0 : i32
        %get3A_1436 = tpu.memref_slice %arg6[%scan3A_1420, %get3A, %get3A_1435] : memref<2x1600x16xf32, #tpu.memory_space<vmem>> -> memref<1x1600x16xf32, #tpu.memory_space<vmem>>
        %get3A_1437 = tpu.memref_squeeze %get3A_1436 : memref<1x1600x16xf32, #tpu.memory_space<vmem>> -> memref<1600x16xf32, #tpu.memory_space<vmem>>
        %get3A_1438 = arith.index_cast %add3A_1434 : i32 to index
        %get3A_1439 = arith.constant 0 : index
        %get3A_1440 = tpu.vector_load %get3A_1437[%get3A_1438, %get3A_1439] {strides = array<i32>} : memref<1600x16xf32, #tpu.memory_space<vmem>>, vector<1x16xf32>,
        %get3A_1441 = vector.shape_cast %get3A_1440 : vector<1x16xf32> to vector<16xf32>
        %add3A_1442 = arith.constant 1 : i32
        %add3A_1443 = arith.addi %mul3A_1432, %add3A_1442 : i32
        %get3A_1444 = arith.constant 0 : i32
        %get3A_1445 = arith.constant 0 : i32
        %get3A_1446 = tpu.memref_slice %arg6[%scan3A_1420, %get3A_1444, %get3A_1445] : memref<2x1600x16xf32, #tpu.memory_space<vmem>> -> memref<1x1600x16xf32, #tpu.memory_space<vmem>>
        %get3A_1447 = tpu.memref_squeeze %get3A_1446 : memref<1x1600x16xf32, #tpu.memory_space<vmem>> -> memref<1600x16xf32, #tpu.memory_space<vmem>>
        %get3A_1448 = arith.index_cast %add3A_1443 : i32 to index
        %get3A_1449 = arith.constant 0 : index
        %get3A_1450 = tpu.vector_load %get3A_1447[%get3A_1448, %get3A_1449] {strides = array<i32>} : memref<1600x16xf32, #tpu.memory_space<vmem>>, vector<1x16xf32>,
        %get3A_1451 = vector.shape_cast %get3A_1450 : vector<1x16xf32> to vector<16xf32>
        %add3A_1452 = arith.constant 2 : i32
        %add3A_1453 = arith.addi %mul3A_1432, %add3A_1452 : i32
        %get3A_1454 = arith.constant 0 : i32
        %get3A_1455 = arith.constant 0 : i32
        %get3A_1456 = tpu.memref_slice %arg6[%scan3A_1420, %get3A_1454, %get3A_1455] : memref<2x1600x16xf32, #tpu.memory_space<vmem>> -> memref<1x1600x16xf32, #tpu.memory_space<vmem>>
        %get3A_1457 = tpu.memref_squeeze %get3A_1456 : memref<1x1600x16xf32, #tpu.memory_space<vmem>> -> memref<1600x16xf32, #tpu.memory_space<vmem>>
        %get3A_1458 = arith.index_cast %add3A_1453 : i32 to index
        %get3A_1459 = arith.constant 0 : index
        %get3A_1460 = tpu.vector_load %get3A_1457[%get3A_1458, %get3A_1459] {strides = array<i32>} : memref<1600x16xf32, #tpu.memory_space<vmem>>, vector<1x16xf32>,
        %get3A_1461 = vector.shape_cast %get3A_1460 : vector<1x16xf32> to vector<16xf32>
        %add3A_1462 = arith.constant 3 : i32
        %add3A_1463 = arith.addi %mul3A_1432, %add3A_1462 : i32
        %get3A_1464 = arith.constant 0 : i32
        %get3A_1465 = arith.constant 0 : i32
        %get3A_1466 = tpu.memref_slice %arg6[%scan3A_1420, %get3A_1464, %get3A_1465] : memref<2x1600x16xf32, #tpu.memory_space<vmem>> -> memref<1x1600x16xf32, #tpu.memory_space<vmem>>
        %get3A_1467 = tpu.memref_squeeze %get3A_1466 : memref<1x1600x16xf32, #tpu.memory_space<vmem>> -> memref<1600x16xf32, #tpu.memory_space<vmem>>
        %get3A_1468 = arith.index_cast %add3A_1463 : i32 to index
        %get3A_1469 = arith.constant 0 : index
        %get3A_1470 = tpu.vector_load %get3A_1467[%get3A_1468, %get3A_1469] {strides = array<i32>} : memref<1600x16xf32, #tpu.memory_space<vmem>>, vector<1x16xf32>,
        %get3A_1471 = vector.shape_cast %get3A_1470 : vector<1x16xf32> to vector<16xf32>
        %add3A_1472 = arith.constant 4 : i32
        %add3A_1473 = arith.addi %mul3A_1432, %add3A_1472 : i32
        %get3A_1474 = arith.constant 0 : i32
        %get3A_1475 = arith.constant 0 : i32
        %get3A_1476 = tpu.memref_slice %arg6[%scan3A_1420, %get3A_1474, %get3A_1475] : memref<2x1600x16xf32, #tpu.memory_space<vmem>> -> memref<1x1600x16xf32, #tpu.memory_space<vmem>>
        %get3A_1477 = tpu.memref_squeeze %get3A_1476 : memref<1x1600x16xf32, #tpu.memory_space<vmem>> -> memref<1600x16xf32, #tpu.memory_space<vmem>>
        %get3A_1478 = arith.index_cast %add3A_1473 : i32 to index
        %get3A_1479 = arith.constant 0 : index
        %get3A_1480 = tpu.vector_load %get3A_1477[%get3A_1478, %get3A_1479] {strides = array<i32>} : memref<1600x16xf32, #tpu.memory_space<vmem>>, vector<1x16xf32>,
        %get3A_1481 = vector.shape_cast %get3A_1480 : vector<1x16xf32> to vector<16xf32>
        %add3A_1482 = arith.addf %get3A_1441, %get3A_1481 : vector<16xf32>
        %add3A_1483 = arith.constant 5 : i32
        %add3A_1484 = arith.addi %mul3A_1432, %add3A_1483 : i32
        %get3A_1485 = arith.constant 0 : i32
        %get3A_1486 = arith.constant 0 : i32
        %get3A_1487 = tpu.memref_slice %arg6[%scan3A_1420, %get3A_1485, %get3A_1486] : memref<2x1600x16xf32, #tpu.memory_space<vmem>> -> memref<1x1600x16xf32, #tpu.memory_space<vmem>>
        %get3A_1488 = tpu.memref_squeeze %get3A_1487 : memref<1x1600x16xf32, #tpu.memory_space<vmem>> -> memref<1600x16xf32, #tpu.memory_space<vmem>>
        %get3A_1489 = arith.index_cast %add3A_1484 : i32 to index
        %get3A_1490 = arith.constant 0 : index
        %get3A_1491 = tpu.vector_load %get3A_1488[%get3A_1489, %get3A_1490] {strides = array<i32>} : memref<1600x16xf32, #tpu.memory_space<vmem>>, vector<1x16xf32>,
        %get3A_1492 = vector.shape_cast %get3A_1491 : vector<1x16xf32> to vector<16xf32>
        %add3A_1493 = arith.addf %get3A_1451, %get3A_1492 : vector<16xf32>
        %add3A_1494 = arith.constant 6 : i32
        %add3A_1495 = arith.addi %mul3A_1432, %add3A_1494 : i32
        %get3A_1496 = arith.constant 0 : i32
        %get3A_1497 = arith.constant 0 : i32
        %get3A_1498 = tpu.memref_slice %arg6[%scan3A_1420, %get3A_1496, %get3A_1497] : memref<2x1600x16xf32, #tpu.memory_space<vmem>> -> memref<1x1600x16xf32, #tpu.memory_space<vmem>>
        %get3A_1499 = tpu.memref_squeeze %get3A_1498 : memref<1x1600x16xf32, #tpu.memory_space<vmem>> -> memref<1600x16xf32, #tpu.memory_space<vmem>>
        %get3A_1500 = arith.index_cast %add3A_1495 : i32 to index
        %get3A_1501 = arith.constant 0 : index
        %get3A_1502 = tpu.vector_load %get3A_1499[%get3A_1500, %get3A_1501] {strides = array<i32>} : memref<1600x16xf32, #tpu.memory_space<vmem>>, vector<1x16xf32>,
        %get3A_1503 = vector.shape_cast %get3A_1502 : vector<1x16xf32> to vector<16xf32>
        %add3A_1504 = arith.addf %get3A_1461, %get3A_1503 : vector<16xf32>
        %add3A_1505 = arith.constant 7 : i32
        %add3A_1506 = arith.addi %mul3A_1432, %add3A_1505 : i32
        %get3A_1507 = arith.constant 0 : i32
        %get3A_1508 = arith.constant 0 : i32
        %get3A_1509 = tpu.memref_slice %arg6[%scan3A_1420, %get3A_1507, %get3A_1508] : memref<2x1600x16xf32, #tpu.memory_space<vmem>> -> memref<1x1600x16xf32, #tpu.memory_space<vmem>>
        %get3A_1510 = tpu.memref_squeeze %get3A_1509 : memref<1x1600x16xf32, #tpu.memory_space<vmem>> -> memref<1600x16xf32, #tpu.memory_space<vmem>>
        %get3A_1511 = arith.index_cast %add3A_1506 : i32 to index
        %get3A_1512 = arith.constant 0 : index
        %get3A_1513 = tpu.vector_load %get3A_1510[%get3A_1511, %get3A_1512] {strides = array<i32>} : memref<1600x16xf32, #tpu.memory_space<vmem>>, vector<1x16xf32>,
        %get3A_1514 = vector.shape_cast %get3A_1513 : vector<1x16xf32> to vector<16xf32>
        %add3A_1515 = arith.addf %get3A_1471, %get3A_1514 : vector<16xf32>
        %add3A_1516 = arith.constant 8 : i32
        %add3A_1517 = arith.addi %mul3A_1432, %add3A_1516 : i32
        %get3A_1518 = arith.constant 0 : i32
        %get3A_1519 = arith.constant 0 : i32
        %get3A_1520 = tpu.memref_slice %arg6[%scan3A_1420, %get3A_1518, %get3A_1519] : memref<2x1600x16xf32, #tpu.memory_space<vmem>> -> memref<1x1600x16xf32, #tpu.memory_space<vmem>>
        %get3A_1521 = tpu.memref_squeeze %get3A_1520 : memref<1x1600x16xf32, #tpu.memory_space<vmem>> -> memref<1600x16xf32, #tpu.memory_space<vmem>>
        %get3A_1522 = arith.index_cast %add3A_1517 : i32 to index
        %get3A_1523 = arith.constant 0 : index
        %get3A_1524 = tpu.vector_load %get3A_1521[%get3A_1522, %get3A_1523] {strides = array<i32>} : memref<1600x16xf32, #tpu.memory_space<vmem>>, vector<1x16xf32>,
        %get3A_1525 = vector.shape_cast %get3A_1524 : vector<1x16xf32> to vector<16xf32>
        %add3A_1526 = arith.addf %add3A_1482, %get3A_1525 : vector<16xf32>
        %add3A_1527 = arith.constant 9 : i32
        %add3A_1528 = arith.addi %mul3A_1432, %add3A_1527 : i32
        %get3A_1529 = arith.constant 0 : i32
        %get3A_1530 = arith.constant 0 : i32
        %get3A_1531 = tpu.memref_slice %arg6[%scan3A_1420, %get3A_1529, %get3A_1530] : memref<2x1600x16xf32, #tpu.memory_space<vmem>> -> memref<1x1600x16xf32, #tpu.memory_space<vmem>>
        %get3A_1532 = tpu.memref_squeeze %get3A_1531 : memref<1x1600x16xf32, #tpu.memory_space<vmem>> -> memref<1600x16xf32, #tpu.memory_space<vmem>>
        %get3A_1533 = arith.index_cast %add3A_1528 : i32 to index
        %get3A_1534 = arith.constant 0 : index
        %get3A_1535 = tpu.vector_load %get3A_1532[%get3A_1533, %get3A_1534] {strides = array<i32>} : memref<1600x16xf32, #tpu.memory_space<vmem>>, vector<1x16xf32>,
        %get3A_1536 = vector.shape_cast %get3A_1535 : vector<1x16xf32> to vector<16xf32>
        %add3A_1537 = arith.addf %add3A_1493, %get3A_1536 : vector<16xf32>
        %add3A_1538 = arith.constant 10 : i32
        %add3A_1539 = arith.addi %mul3A_1432, %add3A_1538 : i32
        %get3A_1540 = arith.constant 0 : i32
        %get3A_1541 = arith.constant 0 : i32
        %get3A_1542 = tpu.memref_slice %arg6[%scan3A_1420, %get3A_1540, %get3A_1541] : memref<2x1600x16xf32, #tpu.memory_space<vmem>> -> memref<1x1600x16xf32, #tpu.memory_space<vmem>>
        %get3A_1543 = tpu.memref_squeeze %get3A_1542 : memref<1x1600x16xf32, #tpu.memory_space<vmem>> -> memref<1600x16xf32, #tpu.memory_space<vmem>>
        %get3A_1544 = arith.index_cast %add3A_1539 : i32 to index
        %get3A_1545 = arith.constant 0 : index
        %get3A_1546 = tpu.vector_load %get3A_1543[%get3A_1544, %get3A_1545] {strides = array<i32>} : memref<1600x16xf32, #tpu.memory_space<vmem>>, vector<1x16xf32>,
        %get3A_1547 = vector.shape_cast %get3A_1546 : vector<1x16xf32> to vector<16xf32>
        %add3A_1548 = arith.addf %add3A_1504, %get3A_1547 : vector<16xf32>
        %add3A_1549 = arith.constant 11 : i32
        %add3A_1550 = arith.addi %mul3A_1432, %add3A_1549 : i32
        %get3A_1551 = arith.constant 0 : i32
        %get3A_1552 = arith.constant 0 : i32
        %get3A_1553 = tpu.memref_slice %arg6[%scan3A_1420, %get3A_1551, %get3A_1552] : memref<2x1600x16xf32, #tpu.memory_space<vmem>> -> memref<1x1600x16xf32, #tpu.memory_space<vmem>>
        %get3A_1554 = tpu.memref_squeeze %get3A_1553 : memref<1x1600x16xf32, #tpu.memory_space<vmem>> -> memref<1600x16xf32, #tpu.memory_space<vmem>>
        %get3A_1555 = arith.index_cast %add3A_1550 : i32 to index
        %get3A_1556 = arith.constant 0 : index
        %get3A_1557 = tpu.vector_load %get3A_1554[%get3A_1555, %get3A_1556] {strides = array<i32>} : memref<1600x16xf32, #tpu.memory_space<vmem>>, vector<1x16xf32>,
        %get3A_1558 = vector.shape_cast %get3A_1557 : vector<1x16xf32> to vector<16xf32>
        %add3A_1559 = arith.addf %add3A_1515, %get3A_1558 : vector<16xf32>
        %add3A_1560 = arith.constant 12 : i32
        %add3A_1561 = arith.addi %mul3A_1432, %add3A_1560 : i32
        %get3A_1562 = arith.constant 0 : i32
        %get3A_1563 = arith.constant 0 : i32
        %get3A_1564 = tpu.memref_slice %arg6[%scan3A_1420, %get3A_1562, %get3A_1563] : memref<2x1600x16xf32, #tpu.memory_space<vmem>> -> memref<1x1600x16xf32, #tpu.memory_space<vmem>>
        %get3A_1565 = tpu.memref_squeeze %get3A_1564 : memref<1x1600x16xf32, #tpu.memory_space<vmem>> -> memref<1600x16xf32, #tpu.memory_space<vmem>>
        %get3A_1566 = arith.index_cast %add3A_1561 : i32 to index
        %get3A_1567 = arith.constant 0 : index
        %get3A_1568 = tpu.vector_load %get3A_1565[%get3A_1566, %get3A_1567] {strides = array<i32>} : memref<1600x16xf32, #tpu.memory_space<vmem>>, vector<1x16xf32>,
        %get3A_1569 = vector.shape_cast %get3A_1568 : vector<1x16xf32> to vector<16xf32>
        %add3A_1570 = arith.addf %add3A_1526, %get3A_1569 : vector<16xf32>
        %add3A_1571 = arith.constant 13 : i32
        %add3A_1572 = arith.addi %mul3A_1432, %add3A_1571 : i32
        %get3A_1573 = arith.constant 0 : i32
        %get3A_1574 = arith.constant 0 : i32
        %get3A_1575 = tpu.memref_slice %arg6[%scan3A_1420, %get3A_1573, %get3A_1574] : memref<2x1600x16xf32, #tpu.memory_space<vmem>> -> memref<1x1600x16xf32, #tpu.memory_space<vmem>>
        %get3A_1576 = tpu.memref_squeeze %get3A_1575 : memref<1x1600x16xf32, #tpu.memory_space<vmem>> -> memref<1600x16xf32, #tpu.memory_space<vmem>>
        %get3A_1577 = arith.index_cast %add3A_1572 : i32 to index
        %get3A_1578 = arith.constant 0 : index
        %get3A_1579 = tpu.vector_load %get3A_1576[%get3A_1577, %get3A_1578] {strides = array<i32>} : memref<1600x16xf32, #tpu.memory_space<vmem>>, vector<1x16xf32>,
        %get3A_1580 = vector.shape_cast %get3A_1579 : vector<1x16xf32> to vector<16xf32>
        %add3A_1581 = arith.addf %add3A_1537, %get3A_1580 : vector<16xf32>
        %add3A_1582 = arith.constant 14 : i32
        %add3A_1583 = arith.addi %mul3A_1432, %add3A_1582 : i32
        %get3A_1584 = arith.constant 0 : i32
        %get3A_1585 = arith.constant 0 : i32
        %get3A_1586 = tpu.memref_slice %arg6[%scan3A_1420, %get3A_1584, %get3A_1585] : memref<2x1600x16xf32, #tpu.memory_space<vmem>> -> memref<1x1600x16xf32, #tpu.memory_space<vmem>>
        %get3A_1587 = tpu.memref_squeeze %get3A_1586 : memref<1x1600x16xf32, #tpu.memory_space<vmem>> -> memref<1600x16xf32, #tpu.memory_space<vmem>>
        %get3A_1588 = arith.index_cast %add3A_1583 : i32 to index
        %get3A_1589 = arith.constant 0 : index
        %get3A_1590 = tpu.vector_load %get3A_1587[%get3A_1588, %get3A_1589] {strides = array<i32>} : memref<1600x16xf32, #tpu.memory_space<vmem>>, vector<1x16xf32>,
        %get3A_1591 = vector.shape_cast %get3A_1590 : vector<1x16xf32> to vector<16xf32>
        %add3A_1592 = arith.addf %add3A_1548, %get3A_1591 : vector<16xf32>
        %add3A_1593 = arith.constant 15 : i32
        %add3A_1594 = arith.addi %mul3A_1432, %add3A_1593 : i32
        %get3A_1595 = arith.constant 0 : i32
        %get3A_1596 = arith.constant 0 : i32
        %get3A_1597 = tpu.memref_slice %arg6[%scan3A_1420, %get3A_1595, %get3A_1596] : memref<2x1600x16xf32, #tpu.memory_space<vmem>> -> memref<1x1600x16xf32, #tpu.memory_space<vmem>>
        %get3A_1598 = tpu.memref_squeeze %get3A_1597 : memref<1x1600x16xf32, #tpu.memory_space<vmem>> -> memref<1600x16xf32, #tpu.memory_space<vmem>>
        %get3A_1599 = arith.index_cast %add3A_1594 : i32 to index
        %get3A_1600 = arith.constant 0 : index
        %get3A_1601 = tpu.vector_load %get3A_1598[%get3A_1599, %get3A_1600] {strides = array<i32>} : memref<1600x16xf32, #tpu.memory_space<vmem>>, vector<1x16xf32>,
        %get3A_1602 = vector.shape_cast %get3A_1601 : vector<1x16xf32> to vector<16xf32>
        %add3A_1603 = arith.addf %add3A_1559, %get3A_1602 : vector<16xf32>
        %add3A_1604 = arith.constant 16 : i32
        %add3A_1605 = arith.addi %mul3A_1432, %add3A_1604 : i32
        %get3A_1606 = arith.constant 0 : i32
        %get3A_1607 = arith.constant 0 : i32
        %get3A_1608 = tpu.memref_slice %arg6[%scan3A_1420, %get3A_1606, %get3A_1607] : memref<2x1600x16xf32, #tpu.memory_space<vmem>> -> memref<1x1600x16xf32, #tpu.memory_space<vmem>>
        %get3A_1609 = tpu.memref_squeeze %get3A_1608 : memref<1x1600x16xf32, #tpu.memory_space<vmem>> -> memref<1600x16xf32, #tpu.memory_space<vmem>>
        %get3A_1610 = arith.index_cast %add3A_1605 : i32 to index
        %get3A_1611 = arith.constant 0 : index
        %get3A_1612 = tpu.vector_load %get3A_1609[%get3A_1610, %get3A_1611] {strides = array<i32>} : memref<1600x16xf32, #tpu.memory_space<vmem>>, vector<1x16xf32>,
        %get3A_1613 = vector.shape_cast %get3A_1612 : vector<1x16xf32> to vector<16xf32>
        %add3A_1614 = arith.addf %add3A_1570, %get3A_1613 : vector<16xf32>
        %add3A_1615 = arith.constant 17 : i32
        %add3A_1616 = arith.addi %mul3A_1432, %add3A_1615 : i32
        %get3A_1617 = arith.constant 0 : i32
        %get3A_1618 = arith.constant 0 : i32
        %get3A_1619 = tpu.memref_slice %arg6[%scan3A_1420, %get3A_1617, %get3A_1618] : memref<2x1600x16xf32, #tpu.memory_space<vmem>> -> memref<1x1600x16xf32, #tpu.memory_space<vmem>>
        %get3A_1620 = tpu.memref_squeeze %get3A_1619 : memref<1x1600x16xf32, #tpu.memory_space<vmem>> -> memref<1600x16xf32, #tpu.memory_space<vmem>>
        %get3A_1621 = arith.index_cast %add3A_1616 : i32 to index
        %get3A_1622 = arith.constant 0 : index
        %get3A_1623 = tpu.vector_load %get3A_1620[%get3A_1621, %get3A_1622] {strides = array<i32>} : memref<1600x16xf32, #tpu.memory_space<vmem>>, vector<1x16xf32>,
        %get3A_1624 = vector.shape_cast %get3A_1623 : vector<1x16xf32> to vector<16xf32>
        %add3A_1625 = arith.addf %add3A_1581, %get3A_1624 : vector<16xf32>
        %add3A_1626 = arith.constant 18 : i32
        %add3A_1627 = arith.addi %mul3A_1432, %add3A_1626 : i32
        %get3A_1628 = arith.constant 0 : i32
        %get3A_1629 = arith.constant 0 : i32
        %get3A_1630 = tpu.memref_slice %arg6[%scan3A_1420, %get3A_1628, %get3A_1629] : memref<2x1600x16xf32, #tpu.memory_space<vmem>> -> memref<1x1600x16xf32, #tpu.memory_space<vmem>>
        %get3A_1631 = tpu.memref_squeeze %get3A_1630 : memref<1x1600x16xf32, #tpu.memory_space<vmem>> -> memref<1600x16xf32, #tpu.memory_space<vmem>>
        %get3A_1632 = arith.index_cast %add3A_1627 : i32 to index
        %get3A_1633 = arith.constant 0 : index
        %get3A_1634 = tpu.vector_load %get3A_1631[%get3A_1632, %get3A_1633] {strides = array<i32>} : memref<1600x16xf32, #tpu.memory_space<vmem>>, vector<1x16xf32>,
        %get3A_1635 = vector.shape_cast %get3A_1634 : vector<1x16xf32> to vector<16xf32>
        %add3A_1636 = arith.addf %add3A_1592, %get3A_1635 : vector<16xf32>
        %add3A_1637 = arith.constant 19 : i32
        %add3A_1638 = arith.addi %mul3A_1432, %add3A_1637 : i32
        %get3A_1639 = arith.constant 0 : i32
        %get3A_1640 = arith.constant 0 : i32
        %get3A_1641 = tpu.memref_slice %arg6[%scan3A_1420, %get3A_1639, %get3A_1640] : memref<2x1600x16xf32, #tpu.memory_space<vmem>> -> memref<1x1600x16xf32, #tpu.memory_space<vmem>>
        %get3A_1642 = tpu.memref_squeeze %get3A_1641 : memref<1x1600x16xf32, #tpu.memory_space<vmem>> -> memref<1600x16xf32, #tpu.memory_space<vmem>>
        %get3A_1643 = arith.index_cast %add3A_1638 : i32 to index
        %get3A_1644 = arith.constant 0 : index
        %get3A_1645 = tpu.vector_load %get3A_1642[%get3A_1643, %get3A_1644] {strides = array<i32>} : memref<1600x16xf32, #tpu.memory_space<vmem>>, vector<1x16xf32>,
        %get3A_1646 = vector.shape_cast %get3A_1645 : vector<1x16xf32> to vector<16xf32>
        %add3A_1647 = arith.addf %add3A_1603, %get3A_1646 : vector<16xf32>
        %add3A_1648 = arith.constant 20 : i32
        %add3A_1649 = arith.addi %mul3A_1432, %add3A_1648 : i32
        %get3A_1650 = arith.constant 0 : i32
        %get3A_1651 = arith.constant 0 : i32
        %get3A_1652 = tpu.memref_slice %arg6[%scan3A_1420, %get3A_1650, %get3A_1651] : memref<2x1600x16xf32, #tpu.memory_space<vmem>> -> memref<1x1600x16xf32, #tpu.memory_space<vmem>>
        %get3A_1653 = tpu.memref_squeeze %get3A_1652 : memref<1x1600x16xf32, #tpu.memory_space<vmem>> -> memref<1600x16xf32, #tpu.memory_space<vmem>>
        %get3A_1654 = arith.index_cast %add3A_1649 : i32 to index
        %get3A_1655 = arith.constant 0 : index
        %get3A_1656 = tpu.vector_load %get3A_1653[%get3A_1654, %get3A_1655] {strides = array<i32>} : memref<1600x16xf32, #tpu.memory_space<vmem>>, vector<1x16xf32>,
        %get3A_1657 = vector.shape_cast %get3A_1656 : vector<1x16xf32> to vector<16xf32>
        %add3A_1658 = arith.addf %add3A_1614, %get3A_1657 : vector<16xf32>
        %add3A_1659 = arith.constant 21 : i32
        %add3A_1660 = arith.addi %mul3A_1432, %add3A_1659 : i32
        %get3A_1661 = arith.constant 0 : i32
        %get3A_1662 = arith.constant 0 : i32
        %get3A_1663 = tpu.memref_slice %arg6[%scan3A_1420, %get3A_1661, %get3A_1662] : memref<2x1600x16xf32, #tpu.memory_space<vmem>> -> memref<1x1600x16xf32, #tpu.memory_space<vmem>>
        %get3A_1664 = tpu.memref_squeeze %get3A_1663 : memref<1x1600x16xf32, #tpu.memory_space<vmem>> -> memref<1600x16xf32, #tpu.memory_space<vmem>>
        %get3A_1665 = arith.index_cast %add3A_1660 : i32 to index
        %get3A_1666 = arith.constant 0 : index
        %get3A_1667 = tpu.vector_load %get3A_1664[%get3A_1665, %get3A_1666] {strides = array<i32>} : memref<1600x16xf32, #tpu.memory_space<vmem>>, vector<1x16xf32>,
        %get3A_1668 = vector.shape_cast %get3A_1667 : vector<1x16xf32> to vector<16xf32>
        %add3A_1669 = arith.addf %add3A_1625, %get3A_1668 : vector<16xf32>
        %add3A_1670 = arith.constant 22 : i32
        %add3A_1671 = arith.addi %mul3A_1432, %add3A_1670 : i32
        %get3A_1672 = arith.constant 0 : i32
        %get3A_1673 = arith.constant 0 : i32
        %get3A_1674 = tpu.memref_slice %arg6[%scan3A_1420, %get3A_1672, %get3A_1673] : memref<2x1600x16xf32, #tpu.memory_space<vmem>> -> memref<1x1600x16xf32, #tpu.memory_space<vmem>>
        %get3A_1675 = tpu.memref_squeeze %get3A_1674 : memref<1x1600x16xf32, #tpu.memory_space<vmem>> -> memref<1600x16xf32, #tpu.memory_space<vmem>>
        %get3A_1676 = arith.index_cast %add3A_1671 : i32 to index
        %get3A_1677 = arith.constant 0 : index
        %get3A_1678 = tpu.vector_load %get3A_1675[%get3A_1676, %get3A_1677] {strides = array<i32>} : memref<1600x16xf32, #tpu.memory_space<vmem>>, vector<1x16xf32>,
        %get3A_1679 = vector.shape_cast %get3A_1678 : vector<1x16xf32> to vector<16xf32>
        %add3A_1680 = arith.addf %add3A_1636, %get3A_1679 : vector<16xf32>
        %add3A_1681 = arith.constant 23 : i32
        %add3A_1682 = arith.addi %mul3A_1432, %add3A_1681 : i32
        %get3A_1683 = arith.constant 0 : i32
        %get3A_1684 = arith.constant 0 : i32
        %get3A_1685 = tpu.memref_slice %arg6[%scan3A_1420, %get3A_1683, %get3A_1684] : memref<2x1600x16xf32, #tpu.memory_space<vmem>> -> memref<1x1600x16xf32, #tpu.memory_space<vmem>>
        %get3A_1686 = tpu.memref_squeeze %get3A_1685 : memref<1x1600x16xf32, #tpu.memory_space<vmem>> -> memref<1600x16xf32, #tpu.memory_space<vmem>>
        %get3A_1687 = arith.index_cast %add3A_1682 : i32 to index
        %get3A_1688 = arith.constant 0 : index
        %get3A_1689 = tpu.vector_load %get3A_1686[%get3A_1687, %get3A_1688] {strides = array<i32>} : memref<1600x16xf32, #tpu.memory_space<vmem>>, vector<1x16xf32>,
        %get3A_1690 = vector.shape_cast %get3A_1689 : vector<1x16xf32> to vector<16xf32>
        %add3A_1691 = arith.addf %add3A_1647, %get3A_1690 : vector<16xf32>
        %add3A_1692 = arith.constant 24 : i32
        %add3A_1693 = arith.addi %mul3A_1432, %add3A_1692 : i32
        %get3A_1694 = arith.constant 0 : i32
        %get3A_1695 = arith.constant 0 : i32
        %get3A_1696 = tpu.memref_slice %arg6[%scan3A_1420, %get3A_1694, %get3A_1695] : memref<2x1600x16xf32, #tpu.memory_space<vmem>> -> memref<1x1600x16xf32, #tpu.memory_space<vmem>>
        %get3A_1697 = tpu.memref_squeeze %get3A_1696 : memref<1x1600x16xf32, #tpu.memory_space<vmem>> -> memref<1600x16xf32, #tpu.memory_space<vmem>>
        %get3A_1698 = arith.index_cast %add3A_1693 : i32 to index
        %get3A_1699 = arith.constant 0 : index
        %get3A_1700 = tpu.vector_load %get3A_1697[%get3A_1698, %get3A_1699] {strides = array<i32>} : memref<1600x16xf32, #tpu.memory_space<vmem>>, vector<1x16xf32>,
        %get3A_1701 = vector.shape_cast %get3A_1700 : vector<1x16xf32> to vector<16xf32>
        %add3A_1702 = arith.addf %add3A_1658, %get3A_1701 : vector<16xf32>
        %add3A_1703 = arith.constant 25 : i32
        %add3A_1704 = arith.addi %mul3A_1432, %add3A_1703 : i32
        %get3A_1705 = arith.constant 0 : i32
        %get3A_1706 = arith.constant 0 : i32
        %get3A_1707 = tpu.memref_slice %arg6[%scan3A_1420, %get3A_1705, %get3A_1706] : memref<2x1600x16xf32, #tpu.memory_space<vmem>> -> memref<1x1600x16xf32, #tpu.memory_space<vmem>>
        %get3A_1708 = tpu.memref_squeeze %get3A_1707 : memref<1x1600x16xf32, #tpu.memory_space<vmem>> -> memref<1600x16xf32, #tpu.memory_space<vmem>>
        %get3A_1709 = arith.index_cast %add3A_1704 : i32 to index
        %get3A_1710 = arith.constant 0 : index
        %get3A_1711 = tpu.vector_load %get3A_1708[%get3A_1709, %get3A_1710] {strides = array<i32>} : memref<1600x16xf32, #tpu.memory_space<vmem>>, vector<1x16xf32>,
        %get3A_1712 = vector.shape_cast %get3A_1711 : vector<1x16xf32> to vector<16xf32>
        %add3A_1713 = arith.addf %add3A_1669, %get3A_1712 : vector<16xf32>
        %add3A_1714 = arith.constant 26 : i32
        %add3A_1715 = arith.addi %mul3A_1432, %add3A_1714 : i32
        %get3A_1716 = arith.constant 0 : i32
        %get3A_1717 = arith.constant 0 : i32
        %get3A_1718 = tpu.memref_slice %arg6[%scan3A_1420, %get3A_1716, %get3A_1717] : memref<2x1600x16xf32, #tpu.memory_space<vmem>> -> memref<1x1600x16xf32, #tpu.memory_space<vmem>>
        %get3A_1719 = tpu.memref_squeeze %get3A_1718 : memref<1x1600x16xf32, #tpu.memory_space<vmem>> -> memref<1600x16xf32, #tpu.memory_space<vmem>>
        %get3A_1720 = arith.index_cast %add3A_1715 : i32 to index
        %get3A_1721 = arith.constant 0 : index
        %get3A_1722 = tpu.vector_load %get3A_1719[%get3A_1720, %get3A_1721] {strides = array<i32>} : memref<1600x16xf32, #tpu.memory_space<vmem>>, vector<1x16xf32>,
        %get3A_1723 = vector.shape_cast %get3A_1722 : vector<1x16xf32> to vector<16xf32>
        %add3A_1724 = arith.addf %add3A_1680, %get3A_1723 : vector<16xf32>
        %add3A_1725 = arith.constant 27 : i32
        %add3A_1726 = arith.addi %mul3A_1432, %add3A_1725 : i32
        %get3A_1727 = arith.constant 0 : i32
        %get3A_1728 = arith.constant 0 : i32
        %get3A_1729 = tpu.memref_slice %arg6[%scan3A_1420, %get3A_1727, %get3A_1728] : memref<2x1600x16xf32, #tpu.memory_space<vmem>> -> memref<1x1600x16xf32, #tpu.memory_space<vmem>>
        %get3A_1730 = tpu.memref_squeeze %get3A_1729 : memref<1x1600x16xf32, #tpu.memory_space<vmem>> -> memref<1600x16xf32, #tpu.memory_space<vmem>>
        %get3A_1731 = arith.index_cast %add3A_1726 : i32 to index
        %get3A_1732 = arith.constant 0 : index
        %get3A_1733 = tpu.vector_load %get3A_1730[%get3A_1731, %get3A_1732] {strides = array<i32>} : memref<1600x16xf32, #tpu.memory_space<vmem>>, vector<1x16xf32>,
        %get3A_1734 = vector.shape_cast %get3A_1733 : vector<1x16xf32> to vector<16xf32>
        %add3A_1735 = arith.addf %add3A_1691, %get3A_1734 : vector<16xf32>
        %add3A_1736 = arith.constant 28 : i32
        %add3A_1737 = arith.addi %mul3A_1432, %add3A_1736 : i32
        %get3A_1738 = arith.constant 0 : i32
        %get3A_1739 = arith.constant 0 : i32
        %get3A_1740 = tpu.memref_slice %arg6[%scan3A_1420, %get3A_1738, %get3A_1739] : memref<2x1600x16xf32, #tpu.memory_space<vmem>> -> memref<1x1600x16xf32, #tpu.memory_space<vmem>>
        %get3A_1741 = tpu.memref_squeeze %get3A_1740 : memref<1x1600x16xf32, #tpu.memory_space<vmem>> -> memref<1600x16xf32, #tpu.memory_space<vmem>>
        %get3A_1742 = arith.index_cast %add3A_1737 : i32 to index
        %get3A_1743 = arith.constant 0 : index
        %get3A_1744 = tpu.vector_load %get3A_1741[%get3A_1742, %get3A_1743] {strides = array<i32>} : memref<1600x16xf32, #tpu.memory_space<vmem>>, vector<1x16xf32>,
        %get3A_1745 = vector.shape_cast %get3A_1744 : vector<1x16xf32> to vector<16xf32>
        %add3A_1746 = arith.addf %add3A_1702, %get3A_1745 : vector<16xf32>
        %add3A_1747 = arith.constant 29 : i32
        %add3A_1748 = arith.addi %mul3A_1432, %add3A_1747 : i32
        %get3A_1749 = arith.constant 0 : i32
        %get3A_1750 = arith.constant 0 : i32
        %get3A_1751 = tpu.memref_slice %arg6[%scan3A_1420, %get3A_1749, %get3A_1750] : memref<2x1600x16xf32, #tpu.memory_space<vmem>> -> memref<1x1600x16xf32, #tpu.memory_space<vmem>>
        %get3A_1752 = tpu.memref_squeeze %get3A_1751 : memref<1x1600x16xf32, #tpu.memory_space<vmem>> -> memref<1600x16xf32, #tpu.memory_space<vmem>>
        %get3A_1753 = arith.index_cast %add3A_1748 : i32 to index
        %get3A_1754 = arith.constant 0 : index
        %get3A_1755 = tpu.vector_load %get3A_1752[%get3A_1753, %get3A_1754] {strides = array<i32>} : memref<1600x16xf32, #tpu.memory_space<vmem>>, vector<1x16xf32>,
        %get3A_1756 = vector.shape_cast %get3A_1755 : vector<1x16xf32> to vector<16xf32>
        %add3A_1757 = arith.addf %add3A_1713, %get3A_1756 : vector<16xf32>
        %add3A_1758 = arith.constant 30 : i32
        %add3A_1759 = arith.addi %mul3A_1432, %add3A_1758 : i32
        %get3A_1760 = arith.constant 0 : i32
        %get3A_1761 = arith.constant 0 : i32
        %get3A_1762 = tpu.memref_slice %arg6[%scan3A_1420, %get3A_1760, %get3A_1761] : memref<2x1600x16xf32, #tpu.memory_space<vmem>> -> memref<1x1600x16xf32, #tpu.memory_space<vmem>>
        %get3A_1763 = tpu.memref_squeeze %get3A_1762 : memref<1x1600x16xf32, #tpu.memory_space<vmem>> -> memref<1600x16xf32, #tpu.memory_space<vmem>>
        %get3A_1764 = arith.index_cast %add3A_1759 : i32 to index
        %get3A_1765 = arith.constant 0 : index
        %get3A_1766 = tpu.vector_load %get3A_1763[%get3A_1764, %get3A_1765] {strides = array<i32>} : memref<1600x16xf32, #tpu.memory_space<vmem>>, vector<1x16xf32>,
        %get3A_1767 = vector.shape_cast %get3A_1766 : vector<1x16xf32> to vector<16xf32>
        %add3A_1768 = arith.addf %add3A_1724, %get3A_1767 : vector<16xf32>
        %add3A_1769 = arith.constant 31 : i32
        %add3A_1770 = arith.addi %mul3A_1432, %add3A_1769 : i32
        %get3A_1771 = arith.constant 0 : i32
        %get3A_1772 = arith.constant 0 : i32
        %get3A_1773 = tpu.memref_slice %arg6[%scan3A_1420, %get3A_1771, %get3A_1772] : memref<2x1600x16xf32, #tpu.memory_space<vmem>> -> memref<1x1600x16xf32, #tpu.memory_space<vmem>>
        %get3A_1774 = tpu.memref_squeeze %get3A_1773 : memref<1x1600x16xf32, #tpu.memory_space<vmem>> -> memref<1600x16xf32, #tpu.memory_space<vmem>>
        %get3A_1775 = arith.index_cast %add3A_1770 : i32 to index
        %get3A_1776 = arith.constant 0 : index
        %get3A_1777 = tpu.vector_load %get3A_1774[%get3A_1775, %get3A_1776] {strides = array<i32>} : memref<1600x16xf32, #tpu.memory_space<vmem>>, vector<1x16xf32>,
        %get3A_1778 = vector.shape_cast %get3A_1777 : vector<1x16xf32> to vector<16xf32>
        %add3A_1779 = arith.addf %add3A_1735, %get3A_1778 : vector<16xf32>
        %add3A_1780 = arith.constant 32 : i32
        %add3A_1781 = arith.addi %mul3A_1432, %add3A_1780 : i32
        %get3A_1782 = arith.constant 0 : i32
        %get3A_1783 = arith.constant 0 : i32
        %get3A_1784 = tpu.memref_slice %arg6[%scan3A_1420, %get3A_1782, %get3A_1783] : memref<2x1600x16xf32, #tpu.memory_space<vmem>> -> memref<1x1600x16xf32, #tpu.memory_space<vmem>>
        %get3A_1785 = tpu.memref_squeeze %get3A_1784 : memref<1x1600x16xf32, #tpu.memory_space<vmem>> -> memref<1600x16xf32, #tpu.memory_space<vmem>>
        %get3A_1786 = arith.index_cast %add3A_1781 : i32 to index
        %get3A_1787 = arith.constant 0 : index
        %get3A_1788 = tpu.vector_load %get3A_1785[%get3A_1786, %get3A_1787] {strides = array<i32>} : memref<1600x16xf32, #tpu.memory_space<vmem>>, vector<1x16xf32>,
        %get3A_1789 = vector.shape_cast %get3A_1788 : vector<1x16xf32> to vector<16xf32>
        %add3A_1790 = arith.addf %add3A_1746, %get3A_1789 : vector<16xf32>
        %add3A_1791 = arith.constant 33 : i32
        %add3A_1792 = arith.addi %mul3A_1432, %add3A_1791 : i32
        %get3A_1793 = arith.constant 0 : i32
        %get3A_1794 = arith.constant 0 : i32
        %get3A_1795 = tpu.memref_slice %arg6[%scan3A_1420, %get3A_1793, %get3A_1794] : memref<2x1600x16xf32, #tpu.memory_space<vmem>> -> memref<1x1600x16xf32, #tpu.memory_space<vmem>>
        %get3A_1796 = tpu.memref_squeeze %get3A_1795 : memref<1x1600x16xf32, #tpu.memory_space<vmem>> -> memref<1600x16xf32, #tpu.memory_space<vmem>>
        %get3A_1797 = arith.index_cast %add3A_1792 : i32 to index
        %get3A_1798 = arith.constant 0 : index
        %get3A_1799 = tpu.vector_load %get3A_1796[%get3A_1797, %get3A_1798] {strides = array<i32>} : memref<1600x16xf32, #tpu.memory_space<vmem>>, vector<1x16xf32>,
        %get3A_1800 = vector.shape_cast %get3A_1799 : vector<1x16xf32> to vector<16xf32>
        %add3A_1801 = arith.addf %add3A_1757, %get3A_1800 : vector<16xf32>
        %add3A_1802 = arith.constant 34 : i32
        %add3A_1803 = arith.addi %mul3A_1432, %add3A_1802 : i32
        %get3A_1804 = arith.constant 0 : i32
        %get3A_1805 = arith.constant 0 : i32
        %get3A_1806 = tpu.memref_slice %arg6[%scan3A_1420, %get3A_1804, %get3A_1805] : memref<2x1600x16xf32, #tpu.memory_space<vmem>> -> memref<1x1600x16xf32, #tpu.memory_space<vmem>>
        %get3A_1807 = tpu.memref_squeeze %get3A_1806 : memref<1x1600x16xf32, #tpu.memory_space<vmem>> -> memref<1600x16xf32, #tpu.memory_space<vmem>>
        %get3A_1808 = arith.index_cast %add3A_1803 : i32 to index
        %get3A_1809 = arith.constant 0 : index
        %get3A_1810 = tpu.vector_load %get3A_1807[%get3A_1808, %get3A_1809] {strides = array<i32>} : memref<1600x16xf32, #tpu.memory_space<vmem>>, vector<1x16xf32>,
        %get3A_1811 = vector.shape_cast %get3A_1810 : vector<1x16xf32> to vector<16xf32>
        %add3A_1812 = arith.addf %add3A_1768, %get3A_1811 : vector<16xf32>
        %add3A_1813 = arith.constant 35 : i32
        %add3A_1814 = arith.addi %mul3A_1432, %add3A_1813 : i32
        %get3A_1815 = arith.constant 0 : i32
        %get3A_1816 = arith.constant 0 : i32
        %get3A_1817 = tpu.memref_slice %arg6[%scan3A_1420, %get3A_1815, %get3A_1816] : memref<2x1600x16xf32, #tpu.memory_space<vmem>> -> memref<1x1600x16xf32, #tpu.memory_space<vmem>>
        %get3A_1818 = tpu.memref_squeeze %get3A_1817 : memref<1x1600x16xf32, #tpu.memory_space<vmem>> -> memref<1600x16xf32, #tpu.memory_space<vmem>>
        %get3A_1819 = arith.index_cast %add3A_1814 : i32 to index
        %get3A_1820 = arith.constant 0 : index
        %get3A_1821 = tpu.vector_load %get3A_1818[%get3A_1819, %get3A_1820] {strides = array<i32>} : memref<1600x16xf32, #tpu.memory_space<vmem>>, vector<1x16xf32>,
        %get3A_1822 = vector.shape_cast %get3A_1821 : vector<1x16xf32> to vector<16xf32>
        %add3A_1823 = arith.addf %add3A_1779, %get3A_1822 : vector<16xf32>
        %add3A_1824 = arith.constant 36 : i32
        %add3A_1825 = arith.addi %mul3A_1432, %add3A_1824 : i32
        %get3A_1826 = arith.constant 0 : i32
        %get3A_1827 = arith.constant 0 : i32
        %get3A_1828 = tpu.memref_slice %arg6[%scan3A_1420, %get3A_1826, %get3A_1827] : memref<2x1600x16xf32, #tpu.memory_space<vmem>> -> memref<1x1600x16xf32, #tpu.memory_space<vmem>>
        %get3A_1829 = tpu.memref_squeeze %get3A_1828 : memref<1x1600x16xf32, #tpu.memory_space<vmem>> -> memref<1600x16xf32, #tpu.memory_space<vmem>>
        %get3A_1830 = arith.index_cast %add3A_1825 : i32 to index
        %get3A_1831 = arith.constant 0 : index
        %get3A_1832 = tpu.vector_load %get3A_1829[%get3A_1830, %get3A_1831] {strides = array<i32>} : memref<1600x16xf32, #tpu.memory_space<vmem>>, vector<1x16xf32>,
        %get3A_1833 = vector.shape_cast %get3A_1832 : vector<1x16xf32> to vector<16xf32>
        %add3A_1834 = arith.addf %add3A_1790, %get3A_1833 : vector<16xf32>
        %add3A_1835 = arith.constant 37 : i32
        %add3A_1836 = arith.addi %mul3A_1432, %add3A_1835 : i32
        %get3A_1837 = arith.constant 0 : i32
        %get3A_1838 = arith.constant 0 : i32
        %get3A_1839 = tpu.memref_slice %arg6[%scan3A_1420, %get3A_1837, %get3A_1838] : memref<2x1600x16xf32, #tpu.memory_space<vmem>> -> memref<1x1600x16xf32, #tpu.memory_space<vmem>>
        %get3A_1840 = tpu.memref_squeeze %get3A_1839 : memref<1x1600x16xf32, #tpu.memory_space<vmem>> -> memref<1600x16xf32, #tpu.memory_space<vmem>>
        %get3A_1841 = arith.index_cast %add3A_1836 : i32 to index
        %get3A_1842 = arith.constant 0 : index
        %get3A_1843 = tpu.vector_load %get3A_1840[%get3A_1841, %get3A_1842] {strides = array<i32>} : memref<1600x16xf32, #tpu.memory_space<vmem>>, vector<1x16xf32>,
        %get3A_1844 = vector.shape_cast %get3A_1843 : vector<1x16xf32> to vector<16xf32>
        %add3A_1845 = arith.addf %add3A_1801, %get3A_1844 : vector<16xf32>
        %add3A_1846 = arith.constant 38 : i32
        %add3A_1847 = arith.addi %mul3A_1432, %add3A_1846 : i32
        %get3A_1848 = arith.constant 0 : i32
        %get3A_1849 = arith.constant 0 : i32
        %get3A_1850 = tpu.memref_slice %arg6[%scan3A_1420, %get3A_1848, %get3A_1849] : memref<2x1600x16xf32, #tpu.memory_space<vmem>> -> memref<1x1600x16xf32, #tpu.memory_space<vmem>>
        %get3A_1851 = tpu.memref_squeeze %get3A_1850 : memref<1x1600x16xf32, #tpu.memory_space<vmem>> -> memref<1600x16xf32, #tpu.memory_space<vmem>>
        %get3A_1852 = arith.index_cast %add3A_1847 : i32 to index
        %get3A_1853 = arith.constant 0 : index
        %get3A_1854 = tpu.vector_load %get3A_1851[%get3A_1852, %get3A_1853] {strides = array<i32>} : memref<1600x16xf32, #tpu.memory_space<vmem>>, vector<1x16xf32>,
        %get3A_1855 = vector.shape_cast %get3A_1854 : vector<1x16xf32> to vector<16xf32>
        %add3A_1856 = arith.addf %add3A_1812, %get3A_1855 : vector<16xf32>
        %add3A_1857 = arith.constant 39 : i32
        %add3A_1858 = arith.addi %mul3A_1432, %add3A_1857 : i32
        %get3A_1859 = arith.constant 0 : i32
        %get3A_1860 = arith.constant 0 : i32
        %get3A_1861 = tpu.memref_slice %arg6[%scan3A_1420, %get3A_1859, %get3A_1860] : memref<2x1600x16xf32, #tpu.memory_space<vmem>> -> memref<1x1600x16xf32, #tpu.memory_space<vmem>>
        %get3A_1862 = tpu.memref_squeeze %get3A_1861 : memref<1x1600x16xf32, #tpu.memory_space<vmem>> -> memref<1600x16xf32, #tpu.memory_space<vmem>>
        %get3A_1863 = arith.index_cast %add3A_1858 : i32 to index
        %get3A_1864 = arith.constant 0 : index
        %get3A_1865 = tpu.vector_load %get3A_1862[%get3A_1863, %get3A_1864] {strides = array<i32>} : memref<1600x16xf32, #tpu.memory_space<vmem>>, vector<1x16xf32>,
        %get3A_1866 = vector.shape_cast %get3A_1865 : vector<1x16xf32> to vector<16xf32>
        %add3A_1867 = arith.addf %add3A_1823, %get3A_1866 : vector<16xf32>
        %add3A_1868 = arith.constant 40 : i32
        %add3A_1869 = arith.addi %mul3A_1432, %add3A_1868 : i32
        %get3A_1870 = arith.constant 0 : i32
        %get3A_1871 = arith.constant 0 : i32
        %get3A_1872 = tpu.memref_slice %arg6[%scan3A_1420, %get3A_1870, %get3A_1871] : memref<2x1600x16xf32, #tpu.memory_space<vmem>> -> memref<1x1600x16xf32, #tpu.memory_space<vmem>>
        %get3A_1873 = tpu.memref_squeeze %get3A_1872 : memref<1x1600x16xf32, #tpu.memory_space<vmem>> -> memref<1600x16xf32, #tpu.memory_space<vmem>>
        %get3A_1874 = arith.index_cast %add3A_1869 : i32 to index
        %get3A_1875 = arith.constant 0 : index
        %get3A_1876 = tpu.vector_load %get3A_1873[%get3A_1874, %get3A_1875] {strides = array<i32>} : memref<1600x16xf32, #tpu.memory_space<vmem>>, vector<1x16xf32>,
        %get3A_1877 = vector.shape_cast %get3A_1876 : vector<1x16xf32> to vector<16xf32>
        %add3A_1878 = arith.addf %add3A_1834, %get3A_1877 : vector<16xf32>
        %add3A_1879 = arith.constant 41 : i32
        %add3A_1880 = arith.addi %mul3A_1432, %add3A_1879 : i32
        %get3A_1881 = arith.constant 0 : i32
        %get3A_1882 = arith.constant 0 : i32
        %get3A_1883 = tpu.memref_slice %arg6[%scan3A_1420, %get3A_1881, %get3A_1882] : memref<2x1600x16xf32, #tpu.memory_space<vmem>> -> memref<1x1600x16xf32, #tpu.memory_space<vmem>>
        %get3A_1884 = tpu.memref_squeeze %get3A_1883 : memref<1x1600x16xf32, #tpu.memory_space<vmem>> -> memref<1600x16xf32, #tpu.memory_space<vmem>>
        %get3A_1885 = arith.index_cast %add3A_1880 : i32 to index
        %get3A_1886 = arith.constant 0 : index
        %get3A_1887 = tpu.vector_load %get3A_1884[%get3A_1885, %get3A_1886] {strides = array<i32>} : memref<1600x16xf32, #tpu.memory_space<vmem>>, vector<1x16xf32>,
        %get3A_1888 = vector.shape_cast %get3A_1887 : vector<1x16xf32> to vector<16xf32>
        %add3A_1889 = arith.addf %add3A_1845, %get3A_1888 : vector<16xf32>
        %add3A_1890 = arith.constant 42 : i32
        %add3A_1891 = arith.addi %mul3A_1432, %add3A_1890 : i32
        %get3A_1892 = arith.constant 0 : i32
        %get3A_1893 = arith.constant 0 : i32
        %get3A_1894 = tpu.memref_slice %arg6[%scan3A_1420, %get3A_1892, %get3A_1893] : memref<2x1600x16xf32, #tpu.memory_space<vmem>> -> memref<1x1600x16xf32, #tpu.memory_space<vmem>>
        %get3A_1895 = tpu.memref_squeeze %get3A_1894 : memref<1x1600x16xf32, #tpu.memory_space<vmem>> -> memref<1600x16xf32, #tpu.memory_space<vmem>>
        %get3A_1896 = arith.index_cast %add3A_1891 : i32 to index
        %get3A_1897 = arith.constant 0 : index
        %get3A_1898 = tpu.vector_load %get3A_1895[%get3A_1896, %get3A_1897] {strides = array<i32>} : memref<1600x16xf32, #tpu.memory_space<vmem>>, vector<1x16xf32>,
        %get3A_1899 = vector.shape_cast %get3A_1898 : vector<1x16xf32> to vector<16xf32>
        %add3A_1900 = arith.addf %add3A_1856, %get3A_1899 : vector<16xf32>
        %add3A_1901 = arith.constant 43 : i32
        %add3A_1902 = arith.addi %mul3A_1432, %add3A_1901 : i32
        %get3A_1903 = arith.constant 0 : i32
        %get3A_1904 = arith.constant 0 : i32
        %get3A_1905 = tpu.memref_slice %arg6[%scan3A_1420, %get3A_1903, %get3A_1904] : memref<2x1600x16xf32, #tpu.memory_space<vmem>> -> memref<1x1600x16xf32, #tpu.memory_space<vmem>>
        %get3A_1906 = tpu.memref_squeeze %get3A_1905 : memref<1x1600x16xf32, #tpu.memory_space<vmem>> -> memref<1600x16xf32, #tpu.memory_space<vmem>>
        %get3A_1907 = arith.index_cast %add3A_1902 : i32 to index
        %get3A_1908 = arith.constant 0 : index
        %get3A_1909 = tpu.vector_load %get3A_1906[%get3A_1907, %get3A_1908] {strides = array<i32>} : memref<1600x16xf32, #tpu.memory_space<vmem>>, vector<1x16xf32>,
        %get3A_1910 = vector.shape_cast %get3A_1909 : vector<1x16xf32> to vector<16xf32>
        %add3A_1911 = arith.addf %add3A_1867, %get3A_1910 : vector<16xf32>
        %add3A_1912 = arith.constant 44 : i32
        %add3A_1913 = arith.addi %mul3A_1432, %add3A_1912 : i32
        %get3A_1914 = arith.constant 0 : i32
        %get3A_1915 = arith.constant 0 : i32
        %get3A_1916 = tpu.memref_slice %arg6[%scan3A_1420, %get3A_1914, %get3A_1915] : memref<2x1600x16xf32, #tpu.memory_space<vmem>> -> memref<1x1600x16xf32, #tpu.memory_space<vmem>>
        %get3A_1917 = tpu.memref_squeeze %get3A_1916 : memref<1x1600x16xf32, #tpu.memory_space<vmem>> -> memref<1600x16xf32, #tpu.memory_space<vmem>>
        %get3A_1918 = arith.index_cast %add3A_1913 : i32 to index
        %get3A_1919 = arith.constant 0 : index
        %get3A_1920 = tpu.vector_load %get3A_1917[%get3A_1918, %get3A_1919] {strides = array<i32>} : memref<1600x16xf32, #tpu.memory_space<vmem>>, vector<1x16xf32>,
        %get3A_1921 = vector.shape_cast %get3A_1920 : vector<1x16xf32> to vector<16xf32>
        %add3A_1922 = arith.addf %add3A_1878, %get3A_1921 : vector<16xf32>
        %add3A_1923 = arith.constant 45 : i32
        %add3A_1924 = arith.addi %mul3A_1432, %add3A_1923 : i32
        %get3A_1925 = arith.constant 0 : i32
        %get3A_1926 = arith.constant 0 : i32
        %get3A_1927 = tpu.memref_slice %arg6[%scan3A_1420, %get3A_1925, %get3A_1926] : memref<2x1600x16xf32, #tpu.memory_space<vmem>> -> memref<1x1600x16xf32, #tpu.memory_space<vmem>>
        %get3A_1928 = tpu.memref_squeeze %get3A_1927 : memref<1x1600x16xf32, #tpu.memory_space<vmem>> -> memref<1600x16xf32, #tpu.memory_space<vmem>>
        %get3A_1929 = arith.index_cast %add3A_1924 : i32 to index
        %get3A_1930 = arith.constant 0 : index
        %get3A_1931 = tpu.vector_load %get3A_1928[%get3A_1929, %get3A_1930] {strides = array<i32>} : memref<1600x16xf32, #tpu.memory_space<vmem>>, vector<1x16xf32>,
        %get3A_1932 = vector.shape_cast %get3A_1931 : vector<1x16xf32> to vector<16xf32>
        %add3A_1933 = arith.addf %add3A_1889, %get3A_1932 : vector<16xf32>
        %add3A_1934 = arith.constant 46 : i32
        %add3A_1935 = arith.addi %mul3A_1432, %add3A_1934 : i32
        %get3A_1936 = arith.constant 0 : i32
        %get3A_1937 = arith.constant 0 : i32
        %get3A_1938 = tpu.memref_slice %arg6[%scan3A_1420, %get3A_1936, %get3A_1937] : memref<2x1600x16xf32, #tpu.memory_space<vmem>> -> memref<1x1600x16xf32, #tpu.memory_space<vmem>>
        %get3A_1939 = tpu.memref_squeeze %get3A_1938 : memref<1x1600x16xf32, #tpu.memory_space<vmem>> -> memref<1600x16xf32, #tpu.memory_space<vmem>>
        %get3A_1940 = arith.index_cast %add3A_1935 : i32 to index
        %get3A_1941 = arith.constant 0 : index
        %get3A_1942 = tpu.vector_load %get3A_1939[%get3A_1940, %get3A_1941] {strides = array<i32>} : memref<1600x16xf32, #tpu.memory_space<vmem>>, vector<1x16xf32>,
        %get3A_1943 = vector.shape_cast %get3A_1942 : vector<1x16xf32> to vector<16xf32>
        %add3A_1944 = arith.addf %add3A_1900, %get3A_1943 : vector<16xf32>
        %add3A_1945 = arith.constant 47 : i32
        %add3A_1946 = arith.addi %mul3A_1432, %add3A_1945 : i32
        %get3A_1947 = arith.constant 0 : i32
        %get3A_1948 = arith.constant 0 : i32
        %get3A_1949 = tpu.memref_slice %arg6[%scan3A_1420, %get3A_1947, %get3A_1948] : memref<2x1600x16xf32, #tpu.memory_space<vmem>> -> memref<1x1600x16xf32, #tpu.memory_space<vmem>>
        %get3A_1950 = tpu.memref_squeeze %get3A_1949 : memref<1x1600x16xf32, #tpu.memory_space<vmem>> -> memref<1600x16xf32, #tpu.memory_space<vmem>>
        %get3A_1951 = arith.index_cast %add3A_1946 : i32 to index
        %get3A_1952 = arith.constant 0 : index
        %get3A_1953 = tpu.vector_load %get3A_1950[%get3A_1951, %get3A_1952] {strides = array<i32>} : memref<1600x16xf32, #tpu.memory_space<vmem>>, vector<1x16xf32>,
        %get3A_1954 = vector.shape_cast %get3A_1953 : vector<1x16xf32> to vector<16xf32>
        %add3A_1955 = arith.addf %add3A_1911, %get3A_1954 : vector<16xf32>
        %add3A_1956 = arith.constant 48 : i32
        %add3A_1957 = arith.addi %mul3A_1432, %add3A_1956 : i32
        %get3A_1958 = arith.constant 0 : i32
        %get3A_1959 = arith.constant 0 : i32
        %get3A_1960 = tpu.memref_slice %arg6[%scan3A_1420, %get3A_1958, %get3A_1959] : memref<2x1600x16xf32, #tpu.memory_space<vmem>> -> memref<1x1600x16xf32, #tpu.memory_space<vmem>>
        %get3A_1961 = tpu.memref_squeeze %get3A_1960 : memref<1x1600x16xf32, #tpu.memory_space<vmem>> -> memref<1600x16xf32, #tpu.memory_space<vmem>>
        %get3A_1962 = arith.index_cast %add3A_1957 : i32 to index
        %get3A_1963 = arith.constant 0 : index
        %get3A_1964 = tpu.vector_load %get3A_1961[%get3A_1962, %get3A_1963] {strides = array<i32>} : memref<1600x16xf32, #tpu.memory_space<vmem>>, vector<1x16xf32>,
        %get3A_1965 = vector.shape_cast %get3A_1964 : vector<1x16xf32> to vector<16xf32>
        %add3A_1966 = arith.addf %add3A_1922, %get3A_1965 : vector<16xf32>
        %add3A_1967 = arith.constant 49 : i32
        %add3A_1968 = arith.addi %mul3A_1432, %add3A_1967 : i32
        %get3A_1969 = arith.constant 0 : i32
        %get3A_1970 = arith.constant 0 : i32
        %get3A_1971 = tpu.memref_slice %arg6[%scan3A_1420, %get3A_1969, %get3A_1970] : memref<2x1600x16xf32, #tpu.memory_space<vmem>> -> memref<1x1600x16xf32, #tpu.memory_space<vmem>>
        %get3A_1972 = tpu.memref_squeeze %get3A_1971 : memref<1x1600x16xf32, #tpu.memory_space<vmem>> -> memref<1600x16xf32, #tpu.memory_space<vmem>>
        %get3A_1973 = arith.index_cast %add3A_1968 : i32 to index
        %get3A_1974 = arith.constant 0 : index
        %get3A_1975 = tpu.vector_load %get3A_1972[%get3A_1973, %get3A_1974] {strides = array<i32>} : memref<1600x16xf32, #tpu.memory_space<vmem>>, vector<1x16xf32>,
        %get3A_1976 = vector.shape_cast %get3A_1975 : vector<1x16xf32> to vector<16xf32>
        %add3A_1977 = arith.addf %add3A_1933, %get3A_1976 : vector<16xf32>
        %add3A_1978 = arith.addf %add3A_1966, %add3A_1977 : vector<16xf32>
        %add3A_1979 = arith.addf %add3A_1944, %add3A_1955 : vector<16xf32>
        %add3A_1980 = arith.addf %add3A_1978, %add3A_1979 : vector<16xf32>
        %mul3A_1981 = arith.constant 32 : i32
        %mul3A_1982 = arith.muli %add3A_1419, %mul3A_1981 : i32
        %add3A_1983 = arith.addi %mul3A_1982, %add3A_1430 : i32
        %swap3A = arith.index_cast %add3A_1983 : i32 to index
        %swap3A_1984 = arith.constant 0 : index
        %swap3A_1985 = tpu.vector_load %arg7[%swap3A, %swap3A_1984] {strides = array<i32>} : memref<512x16xf32, #tpu.memory_space<vmem>>, vector<1x16xf32>,
        %swap3A_1986 = vector.shape_cast %swap3A_1985 : vector<1x16xf32> to vector<16xf32>
        %swap3A_1987 = vector.shape_cast %add3A_1980 : vector<16xf32> to vector<1x16xf32>
        tpu.vector_store %arg7[%swap3A, %swap3A_1984], %swap3A_1987 {strides = array<i32>} : memref<512x16xf32, #tpu.memory_space<vmem>>, vector<1x16xf32>,
      }
      %scan3A_1425 = arith.constant 32 : i32
    }
    %scan3A_303 = arith.constant 7 : i32
    %dma_start3A_304 = arith.constant 300 : i32
    %dma_start3A_305 = arith.constant 1 : i32
    %dma_start3A_306 = arith.constant 0 : i32
    %dma_start3A_307 = arith.constant 0 : i32
    %dma_start3A_308 = tpu.memref_slice %arg6[%dma_start3A_305, %dma_start3A_306, %dma_start3A_307] : memref<2x1600x16xf32, #tpu.memory_space<vmem>> -> memref<1x1600x16xf32, #tpu.memory_space<vmem>>
    %dma_start3A_309 = tpu.memref_squeeze %dma_start3A_308 : memref<1x1600x16xf32, #tpu.memory_space<vmem>> -> memref<1600x16xf32, #tpu.memory_space<vmem>>
    %dma_start3A_310 = arith.constant 0 : i32
    %dma_start3A_311 = arith.constant 0 : i32
    %dma_start3A_312 = tpu.memref_slice %dma_start3A_309[%dma_start3A_310, %dma_start3A_311] : memref<1600x16xf32, #tpu.memory_space<vmem>> -> memref<80x16xf32, #tpu.memory_space<vmem>>
    %dma_start3A_313 = arith.constant 0 : i32
    %dma_start3A_314 = tpu.memref_slice %arg5[%dma_start3A_304, %dma_start3A_313] : memref<320x80xi32, #tpu.memory_space<vmem>> -> memref<1x80xi32, #tpu.memory_space<vmem>>
    %dma_start3A_315 = tpu.memref_squeeze %dma_start3A_314 : memref<1x80xi32, #tpu.memory_space<vmem>> -> memref<80xi32, #tpu.memory_space<vmem>>
    %dma_start3A_316 = arith.constant 0 : i32
    %dma_start3A_317 = arith.constant 0 : i32
    %dma_start3A_318 = tpu.memref_slice %arg3[%dma_start3A_316, %dma_start3A_317] : memref<1000000x16xf32, #tpu.memory_space<hbm>> -> memref<1000000x16xf32, #tpu.memory_space<hbm>>
    tpu.enqueue_indirect_dma source(%dma_start3A_318 : memref<1000000x16xf32, #tpu.memory_space<hbm>>) target(%dma_start3A_312 : memref<80x16xf32, #tpu.memory_space<vmem>>) offsets(%dma_start3A_315 : memref<80xi32, #tpu.memory_space<vmem>>) semaphore(%arg9 : memref<!tpu.dma_semaphore, #tpu.memory_space<semaphore_mem>>)
    %dma_start3A_319 = arith.constant 301 : i32
    %dma_start3A_320 = arith.constant 1 : i32
    %dma_start3A_321 = arith.constant 0 : i32
    %dma_start3A_322 = arith.constant 0 : i32
    %dma_start3A_323 = tpu.memref_slice %arg6[%dma_start3A_320, %dma_start3A_321, %dma_start3A_322] : memref<2x1600x16xf32, #tpu.memory_space<vmem>> -> memref<1x1600x16xf32, #tpu.memory_space<vmem>>
    %dma_start3A_324 = tpu.memref_squeeze %dma_start3A_323 : memref<1x1600x16xf32, #tpu.memory_space<vmem>> -> memref<1600x16xf32, #tpu.memory_space<vmem>>
    %dma_start3A_325 = arith.constant 80 : i32
    %dma_start3A_326 = arith.constant 0 : i32
    %dma_start3A_327 = tpu.memref_slice %dma_start3A_324[%dma_start3A_325, %dma_start3A_326] : memref<1600x16xf32, #tpu.memory_space<vmem>> -> memref<80x16xf32, #tpu.memory_space<vmem>>
    %dma_start3A_328 = arith.constant 0 : i32
    %dma_start3A_329 = tpu.memref_slice %arg5[%dma_start3A_319, %dma_start3A_328] : memref<320x80xi32, #tpu.memory_space<vmem>> -> memref<1x80xi32, #tpu.memory_space<vmem>>
    %dma_start3A_330 = tpu.memref_squeeze %dma_start3A_329 : memref<1x80xi32, #tpu.memory_space<vmem>> -> memref<80xi32, #tpu.memory_space<vmem>>
    %dma_start3A_331 = arith.constant 0 : i32
    %dma_start3A_332 = arith.constant 0 : i32
    %dma_start3A_333 = tpu.memref_slice %arg3[%dma_start3A_331, %dma_start3A_332] : memref<1000000x16xf32, #tpu.memory_space<hbm>> -> memref<1000000x16xf32, #tpu.memory_space<hbm>>
    tpu.enqueue_indirect_dma source(%dma_start3A_333 : memref<1000000x16xf32, #tpu.memory_space<hbm>>) target(%dma_start3A_327 : memref<80x16xf32, #tpu.memory_space<vmem>>) offsets(%dma_start3A_330 : memref<80xi32, #tpu.memory_space<vmem>>) semaphore(%arg9 : memref<!tpu.dma_semaphore, #tpu.memory_space<semaphore_mem>>)
    %dma_start3A_334 = arith.constant 302 : i32
    %dma_start3A_335 = arith.constant 1 : i32
    %dma_start3A_336 = arith.constant 0 : i32
    %dma_start3A_337 = arith.constant 0 : i32
    %dma_start3A_338 = tpu.memref_slice %arg6[%dma_start3A_335, %dma_start3A_336, %dma_start3A_337] : memref<2x1600x16xf32, #tpu.memory_space<vmem>> -> memref<1x1600x16xf32, #tpu.memory_space<vmem>>
    %dma_start3A_339 = tpu.memref_squeeze %dma_start3A_338 : memref<1x1600x16xf32, #tpu.memory_space<vmem>> -> memref<1600x16xf32, #tpu.memory_space<vmem>>
    %dma_start3A_340 = arith.constant 160 : i32
    %dma_start3A_341 = arith.constant 0 : i32
    %dma_start3A_342 = tpu.memref_slice %dma_start3A_339[%dma_start3A_340, %dma_start3A_341] : memref<1600x16xf32, #tpu.memory_space<vmem>> -> memref<80x16xf32, #tpu.memory_space<vmem>>
    %dma_start3A_343 = arith.constant 0 : i32
    %dma_start3A_344 = tpu.memref_slice %arg5[%dma_start3A_334, %dma_start3A_343] : memref<320x80xi32, #tpu.memory_space<vmem>> -> memref<1x80xi32, #tpu.memory_space<vmem>>
    %dma_start3A_345 = tpu.memref_squeeze %dma_start3A_344 : memref<1x80xi32, #tpu.memory_space<vmem>> -> memref<80xi32, #tpu.memory_space<vmem>>
    %dma_start3A_346 = arith.constant 0 : i32
    %dma_start3A_347 = arith.constant 0 : i32
    %dma_start3A_348 = tpu.memref_slice %arg3[%dma_start3A_346, %dma_start3A_347] : memref<1000000x16xf32, #tpu.memory_space<hbm>> -> memref<1000000x16xf32, #tpu.memory_space<hbm>>
    tpu.enqueue_indirect_dma source(%dma_start3A_348 : memref<1000000x16xf32, #tpu.memory_space<hbm>>) target(%dma_start3A_342 : memref<80x16xf32, #tpu.memory_space<vmem>>) offsets(%dma_start3A_345 : memref<80xi32, #tpu.memory_space<vmem>>) semaphore(%arg9 : memref<!tpu.dma_semaphore, #tpu.memory_space<semaphore_mem>>)
    %dma_start3A_349 = arith.constant 303 : i32
    %dma_start3A_350 = arith.constant 1 : i32
    %dma_start3A_351 = arith.constant 0 : i32
    %dma_start3A_352 = arith.constant 0 : i32
    %dma_start3A_353 = tpu.memref_slice %arg6[%dma_start3A_350, %dma_start3A_351, %dma_start3A_352] : memref<2x1600x16xf32, #tpu.memory_space<vmem>> -> memref<1x1600x16xf32, #tpu.memory_space<vmem>>
    %dma_start3A_354 = tpu.memref_squeeze %dma_start3A_353 : memref<1x1600x16xf32, #tpu.memory_space<vmem>> -> memref<1600x16xf32, #tpu.memory_space<vmem>>
    %dma_start3A_355 = arith.constant 240 : i32
    %dma_start3A_356 = arith.constant 0 : i32
    %dma_start3A_357 = tpu.memref_slice %dma_start3A_354[%dma_start3A_355, %dma_start3A_356] : memref<1600x16xf32, #tpu.memory_space<vmem>> -> memref<80x16xf32, #tpu.memory_space<vmem>>
    %dma_start3A_358 = arith.constant 0 : i32
    %dma_start3A_359 = tpu.memref_slice %arg5[%dma_start3A_349, %dma_start3A_358] : memref<320x80xi32, #tpu.memory_space<vmem>> -> memref<1x80xi32, #tpu.memory_space<vmem>>
    %dma_start3A_360 = tpu.memref_squeeze %dma_start3A_359 : memref<1x80xi32, #tpu.memory_space<vmem>> -> memref<80xi32, #tpu.memory_space<vmem>>
    %dma_start3A_361 = arith.constant 0 : i32
    %dma_start3A_362 = arith.constant 0 : i32
    %dma_start3A_363 = tpu.memref_slice %arg3[%dma_start3A_361, %dma_start3A_362] : memref<1000000x16xf32, #tpu.memory_space<hbm>> -> memref<1000000x16xf32, #tpu.memory_space<hbm>>
    tpu.enqueue_indirect_dma source(%dma_start3A_363 : memref<1000000x16xf32, #tpu.memory_space<hbm>>) target(%dma_start3A_357 : memref<80x16xf32, #tpu.memory_space<vmem>>) offsets(%dma_start3A_360 : memref<80xi32, #tpu.memory_space<vmem>>) semaphore(%arg9 : memref<!tpu.dma_semaphore, #tpu.memory_space<semaphore_mem>>)
    %dma_start3A_364 = arith.constant 304 : i32
    %dma_start3A_365 = arith.constant 1 : i32
    %dma_start3A_366 = arith.constant 0 : i32
    %dma_start3A_367 = arith.constant 0 : i32
    %dma_start3A_368 = tpu.memref_slice %arg6[%dma_start3A_365, %dma_start3A_366, %dma_start3A_367] : memref<2x1600x16xf32, #tpu.memory_space<vmem>> -> memref<1x1600x16xf32, #tpu.memory_space<vmem>>
    %dma_start3A_369 = tpu.memref_squeeze %dma_start3A_368 : memref<1x1600x16xf32, #tpu.memory_space<vmem>> -> memref<1600x16xf32, #tpu.memory_space<vmem>>
    %dma_start3A_370 = arith.constant 320 : i32
    %dma_start3A_371 = arith.constant 0 : i32
    %dma_start3A_372 = tpu.memref_slice %dma_start3A_369[%dma_start3A_370, %dma_start3A_371] : memref<1600x16xf32, #tpu.memory_space<vmem>> -> memref<80x16xf32, #tpu.memory_space<vmem>>
    %dma_start3A_373 = arith.constant 0 : i32
    %dma_start3A_374 = tpu.memref_slice %arg5[%dma_start3A_364, %dma_start3A_373] : memref<320x80xi32, #tpu.memory_space<vmem>> -> memref<1x80xi32, #tpu.memory_space<vmem>>
    %dma_start3A_375 = tpu.memref_squeeze %dma_start3A_374 : memref<1x80xi32, #tpu.memory_space<vmem>> -> memref<80xi32, #tpu.memory_space<vmem>>
    %dma_start3A_376 = arith.constant 0 : i32
    %dma_start3A_377 = arith.constant 0 : i32
    %dma_start3A_378 = tpu.memref_slice %arg3[%dma_start3A_376, %dma_start3A_377] : memref<1000000x16xf32, #tpu.memory_space<hbm>> -> memref<1000000x16xf32, #tpu.memory_space<hbm>>
    tpu.enqueue_indirect_dma source(%dma_start3A_378 : memref<1000000x16xf32, #tpu.memory_space<hbm>>) target(%dma_start3A_372 : memref<80x16xf32, #tpu.memory_space<vmem>>) offsets(%dma_start3A_375 : memref<80xi32, #tpu.memory_space<vmem>>) semaphore(%arg9 : memref<!tpu.dma_semaphore, #tpu.memory_space<semaphore_mem>>)
    %dma_start3A_379 = arith.constant 305 : i32
    %dma_start3A_380 = arith.constant 1 : i32
    %dma_start3A_381 = arith.constant 0 : i32
    %dma_start3A_382 = arith.constant 0 : i32
    %dma_start3A_383 = tpu.memref_slice %arg6[%dma_start3A_380, %dma_start3A_381, %dma_start3A_382] : memref<2x1600x16xf32, #tpu.memory_space<vmem>> -> memref<1x1600x16xf32, #tpu.memory_space<vmem>>
    %dma_start3A_384 = tpu.memref_squeeze %dma_start3A_383 : memref<1x1600x16xf32, #tpu.memory_space<vmem>> -> memref<1600x16xf32, #tpu.memory_space<vmem>>
    %dma_start3A_385 = arith.constant 400 : i32
    %dma_start3A_386 = arith.constant 0 : i32
    %dma_start3A_387 = tpu.memref_slice %dma_start3A_384[%dma_start3A_385, %dma_start3A_386] : memref<1600x16xf32, #tpu.memory_space<vmem>> -> memref<80x16xf32, #tpu.memory_space<vmem>>
    %dma_start3A_388 = arith.constant 0 : i32
    %dma_start3A_389 = tpu.memref_slice %arg5[%dma_start3A_379, %dma_start3A_388] : memref<320x80xi32, #tpu.memory_space<vmem>> -> memref<1x80xi32, #tpu.memory_space<vmem>>
    %dma_start3A_390 = tpu.memref_squeeze %dma_start3A_389 : memref<1x80xi32, #tpu.memory_space<vmem>> -> memref<80xi32, #tpu.memory_space<vmem>>
    %dma_start3A_391 = arith.constant 0 : i32
    %dma_start3A_392 = arith.constant 0 : i32
    %dma_start3A_393 = tpu.memref_slice %arg3[%dma_start3A_391, %dma_start3A_392] : memref<1000000x16xf32, #tpu.memory_space<hbm>> -> memref<1000000x16xf32, #tpu.memory_space<hbm>>
    tpu.enqueue_indirect_dma source(%dma_start3A_393 : memref<1000000x16xf32, #tpu.memory_space<hbm>>) target(%dma_start3A_387 : memref<80x16xf32, #tpu.memory_space<vmem>>) offsets(%dma_start3A_390 : memref<80xi32, #tpu.memory_space<vmem>>) semaphore(%arg9 : memref<!tpu.dma_semaphore, #tpu.memory_space<semaphore_mem>>)
    %dma_start3A_394 = arith.constant 306 : i32
    %dma_start3A_395 = arith.constant 1 : i32
    %dma_start3A_396 = arith.constant 0 : i32
    %dma_start3A_397 = arith.constant 0 : i32
    %dma_start3A_398 = tpu.memref_slice %arg6[%dma_start3A_395, %dma_start3A_396, %dma_start3A_397] : memref<2x1600x16xf32, #tpu.memory_space<vmem>> -> memref<1x1600x16xf32, #tpu.memory_space<vmem>>
    %dma_start3A_399 = tpu.memref_squeeze %dma_start3A_398 : memref<1x1600x16xf32, #tpu.memory_space<vmem>> -> memref<1600x16xf32, #tpu.memory_space<vmem>>
    %dma_start3A_400 = arith.constant 480 : i32
    %dma_start3A_401 = arith.constant 0 : i32
    %dma_start3A_402 = tpu.memref_slice %dma_start3A_399[%dma_start3A_400, %dma_start3A_401] : memref<1600x16xf32, #tpu.memory_space<vmem>> -> memref<80x16xf32, #tpu.memory_space<vmem>>
    %dma_start3A_403 = arith.constant 0 : i32
    %dma_start3A_404 = tpu.memref_slice %arg5[%dma_start3A_394, %dma_start3A_403] : memref<320x80xi32, #tpu.memory_space<vmem>> -> memref<1x80xi32, #tpu.memory_space<vmem>>
    %dma_start3A_405 = tpu.memref_squeeze %dma_start3A_404 : memref<1x80xi32, #tpu.memory_space<vmem>> -> memref<80xi32, #tpu.memory_space<vmem>>
    %dma_start3A_406 = arith.constant 0 : i32
    %dma_start3A_407 = arith.constant 0 : i32
    %dma_start3A_408 = tpu.memref_slice %arg3[%dma_start3A_406, %dma_start3A_407] : memref<1000000x16xf32, #tpu.memory_space<hbm>> -> memref<1000000x16xf32, #tpu.memory_space<hbm>>
    tpu.enqueue_indirect_dma source(%dma_start3A_408 : memref<1000000x16xf32, #tpu.memory_space<hbm>>) target(%dma_start3A_402 : memref<80x16xf32, #tpu.memory_space<vmem>>) offsets(%dma_start3A_405 : memref<80xi32, #tpu.memory_space<vmem>>) semaphore(%arg9 : memref<!tpu.dma_semaphore, #tpu.memory_space<semaphore_mem>>)
    %dma_start3A_409 = arith.constant 307 : i32
    %dma_start3A_410 = arith.constant 1 : i32
    %dma_start3A_411 = arith.constant 0 : i32
    %dma_start3A_412 = arith.constant 0 : i32
    %dma_start3A_413 = tpu.memref_slice %arg6[%dma_start3A_410, %dma_start3A_411, %dma_start3A_412] : memref<2x1600x16xf32, #tpu.memory_space<vmem>> -> memref<1x1600x16xf32, #tpu.memory_space<vmem>>
    %dma_start3A_414 = tpu.memref_squeeze %dma_start3A_413 : memref<1x1600x16xf32, #tpu.memory_space<vmem>> -> memref<1600x16xf32, #tpu.memory_space<vmem>>
    %dma_start3A_415 = arith.constant 560 : i32
    %dma_start3A_416 = arith.constant 0 : i32
    %dma_start3A_417 = tpu.memref_slice %dma_start3A_414[%dma_start3A_415, %dma_start3A_416] : memref<1600x16xf32, #tpu.memory_space<vmem>> -> memref<80x16xf32, #tpu.memory_space<vmem>>
    %dma_start3A_418 = arith.constant 0 : i32
    %dma_start3A_419 = tpu.memref_slice %arg5[%dma_start3A_409, %dma_start3A_418] : memref<320x80xi32, #tpu.memory_space<vmem>> -> memref<1x80xi32, #tpu.memory_space<vmem>>
    %dma_start3A_420 = tpu.memref_squeeze %dma_start3A_419 : memref<1x80xi32, #tpu.memory_space<vmem>> -> memref<80xi32, #tpu.memory_space<vmem>>
    %dma_start3A_421 = arith.constant 0 : i32
    %dma_start3A_422 = arith.constant 0 : i32
    %dma_start3A_423 = tpu.memref_slice %arg3[%dma_start3A_421, %dma_start3A_422] : memref<1000000x16xf32, #tpu.memory_space<hbm>> -> memref<1000000x16xf32, #tpu.memory_space<hbm>>
    tpu.enqueue_indirect_dma source(%dma_start3A_423 : memref<1000000x16xf32, #tpu.memory_space<hbm>>) target(%dma_start3A_417 : memref<80x16xf32, #tpu.memory_space<vmem>>) offsets(%dma_start3A_420 : memref<80xi32, #tpu.memory_space<vmem>>) semaphore(%arg9 : memref<!tpu.dma_semaphore, #tpu.memory_space<semaphore_mem>>)
    %dma_start3A_424 = arith.constant 308 : i32
    %dma_start3A_425 = arith.constant 1 : i32
    %dma_start3A_426 = arith.constant 0 : i32
    %dma_start3A_427 = arith.constant 0 : i32
    %dma_start3A_428 = tpu.memref_slice %arg6[%dma_start3A_425, %dma_start3A_426, %dma_start3A_427] : memref<2x1600x16xf32, #tpu.memory_space<vmem>> -> memref<1x1600x16xf32, #tpu.memory_space<vmem>>
    %dma_start3A_429 = tpu.memref_squeeze %dma_start3A_428 : memref<1x1600x16xf32, #tpu.memory_space<vmem>> -> memref<1600x16xf32, #tpu.memory_space<vmem>>
    %dma_start3A_430 = arith.constant 640 : i32
    %dma_start3A_431 = arith.constant 0 : i32
    %dma_start3A_432 = tpu.memref_slice %dma_start3A_429[%dma_start3A_430, %dma_start3A_431] : memref<1600x16xf32, #tpu.memory_space<vmem>> -> memref<80x16xf32, #tpu.memory_space<vmem>>
    %dma_start3A_433 = arith.constant 0 : i32
    %dma_start3A_434 = tpu.memref_slice %arg5[%dma_start3A_424, %dma_start3A_433] : memref<320x80xi32, #tpu.memory_space<vmem>> -> memref<1x80xi32, #tpu.memory_space<vmem>>
    %dma_start3A_435 = tpu.memref_squeeze %dma_start3A_434 : memref<1x80xi32, #tpu.memory_space<vmem>> -> memref<80xi32, #tpu.memory_space<vmem>>
    %dma_start3A_436 = arith.constant 0 : i32
    %dma_start3A_437 = arith.constant 0 : i32
    %dma_start3A_438 = tpu.memref_slice %arg3[%dma_start3A_436, %dma_start3A_437] : memref<1000000x16xf32, #tpu.memory_space<hbm>> -> memref<1000000x16xf32, #tpu.memory_space<hbm>>
    tpu.enqueue_indirect_dma source(%dma_start3A_438 : memref<1000000x16xf32, #tpu.memory_space<hbm>>) target(%dma_start3A_432 : memref<80x16xf32, #tpu.memory_space<vmem>>) offsets(%dma_start3A_435 : memref<80xi32, #tpu.memory_space<vmem>>) semaphore(%arg9 : memref<!tpu.dma_semaphore, #tpu.memory_space<semaphore_mem>>)
    %dma_start3A_439 = arith.constant 309 : i32
    %dma_start3A_440 = arith.constant 1 : i32
    %dma_start3A_441 = arith.constant 0 : i32
    %dma_start3A_442 = arith.constant 0 : i32
    %dma_start3A_443 = tpu.memref_slice %arg6[%dma_start3A_440, %dma_start3A_441, %dma_start3A_442] : memref<2x1600x16xf32, #tpu.memory_space<vmem>> -> memref<1x1600x16xf32, #tpu.memory_space<vmem>>
    %dma_start3A_444 = tpu.memref_squeeze %dma_start3A_443 : memref<1x1600x16xf32, #tpu.memory_space<vmem>> -> memref<1600x16xf32, #tpu.memory_space<vmem>>
    %dma_start3A_445 = arith.constant 720 : i32
    %dma_start3A_446 = arith.constant 0 : i32
    %dma_start3A_447 = tpu.memref_slice %dma_start3A_444[%dma_start3A_445, %dma_start3A_446] : memref<1600x16xf32, #tpu.memory_space<vmem>> -> memref<80x16xf32, #tpu.memory_space<vmem>>
    %dma_start3A_448 = arith.constant 0 : i32
    %dma_start3A_449 = tpu.memref_slice %arg5[%dma_start3A_439, %dma_start3A_448] : memref<320x80xi32, #tpu.memory_space<vmem>> -> memref<1x80xi32, #tpu.memory_space<vmem>>
    %dma_start3A_450 = tpu.memref_squeeze %dma_start3A_449 : memref<1x80xi32, #tpu.memory_space<vmem>> -> memref<80xi32, #tpu.memory_space<vmem>>
    %dma_start3A_451 = arith.constant 0 : i32
    %dma_start3A_452 = arith.constant 0 : i32
    %dma_start3A_453 = tpu.memref_slice %arg3[%dma_start3A_451, %dma_start3A_452] : memref<1000000x16xf32, #tpu.memory_space<hbm>> -> memref<1000000x16xf32, #tpu.memory_space<hbm>>
    tpu.enqueue_indirect_dma source(%dma_start3A_453 : memref<1000000x16xf32, #tpu.memory_space<hbm>>) target(%dma_start3A_447 : memref<80x16xf32, #tpu.memory_space<vmem>>) offsets(%dma_start3A_450 : memref<80xi32, #tpu.memory_space<vmem>>) semaphore(%arg9 : memref<!tpu.dma_semaphore, #tpu.memory_space<semaphore_mem>>)
    %dma_start3A_454 = arith.constant 310 : i32
    %dma_start3A_455 = arith.constant 1 : i32
    %dma_start3A_456 = arith.constant 0 : i32
    %dma_start3A_457 = arith.constant 0 : i32
    %dma_start3A_458 = tpu.memref_slice %arg6[%dma_start3A_455, %dma_start3A_456, %dma_start3A_457] : memref<2x1600x16xf32, #tpu.memory_space<vmem>> -> memref<1x1600x16xf32, #tpu.memory_space<vmem>>
    %dma_start3A_459 = tpu.memref_squeeze %dma_start3A_458 : memref<1x1600x16xf32, #tpu.memory_space<vmem>> -> memref<1600x16xf32, #tpu.memory_space<vmem>>
    %dma_start3A_460 = arith.constant 800 : i32
    %dma_start3A_461 = arith.constant 0 : i32
    %dma_start3A_462 = tpu.memref_slice %dma_start3A_459[%dma_start3A_460, %dma_start3A_461] : memref<1600x16xf32, #tpu.memory_space<vmem>> -> memref<80x16xf32, #tpu.memory_space<vmem>>
    %dma_start3A_463 = arith.constant 0 : i32
    %dma_start3A_464 = tpu.memref_slice %arg5[%dma_start3A_454, %dma_start3A_463] : memref<320x80xi32, #tpu.memory_space<vmem>> -> memref<1x80xi32, #tpu.memory_space<vmem>>
    %dma_start3A_465 = tpu.memref_squeeze %dma_start3A_464 : memref<1x80xi32, #tpu.memory_space<vmem>> -> memref<80xi32, #tpu.memory_space<vmem>>
    %dma_start3A_466 = arith.constant 0 : i32
    %dma_start3A_467 = arith.constant 0 : i32
    %dma_start3A_468 = tpu.memref_slice %arg3[%dma_start3A_466, %dma_start3A_467] : memref<1000000x16xf32, #tpu.memory_space<hbm>> -> memref<1000000x16xf32, #tpu.memory_space<hbm>>
    tpu.enqueue_indirect_dma source(%dma_start3A_468 : memref<1000000x16xf32, #tpu.memory_space<hbm>>) target(%dma_start3A_462 : memref<80x16xf32, #tpu.memory_space<vmem>>) offsets(%dma_start3A_465 : memref<80xi32, #tpu.memory_space<vmem>>) semaphore(%arg9 : memref<!tpu.dma_semaphore, #tpu.memory_space<semaphore_mem>>)
    %dma_start3A_469 = arith.constant 311 : i32
    %dma_start3A_470 = arith.constant 1 : i32
    %dma_start3A_471 = arith.constant 0 : i32
    %dma_start3A_472 = arith.constant 0 : i32
    %dma_start3A_473 = tpu.memref_slice %arg6[%dma_start3A_470, %dma_start3A_471, %dma_start3A_472] : memref<2x1600x16xf32, #tpu.memory_space<vmem>> -> memref<1x1600x16xf32, #tpu.memory_space<vmem>>
    %dma_start3A_474 = tpu.memref_squeeze %dma_start3A_473 : memref<1x1600x16xf32, #tpu.memory_space<vmem>> -> memref<1600x16xf32, #tpu.memory_space<vmem>>
    %dma_start3A_475 = arith.constant 880 : i32
    %dma_start3A_476 = arith.constant 0 : i32
    %dma_start3A_477 = tpu.memref_slice %dma_start3A_474[%dma_start3A_475, %dma_start3A_476] : memref<1600x16xf32, #tpu.memory_space<vmem>> -> memref<80x16xf32, #tpu.memory_space<vmem>>
    %dma_start3A_478 = arith.constant 0 : i32
    %dma_start3A_479 = tpu.memref_slice %arg5[%dma_start3A_469, %dma_start3A_478] : memref<320x80xi32, #tpu.memory_space<vmem>> -> memref<1x80xi32, #tpu.memory_space<vmem>>
    %dma_start3A_480 = tpu.memref_squeeze %dma_start3A_479 : memref<1x80xi32, #tpu.memory_space<vmem>> -> memref<80xi32, #tpu.memory_space<vmem>>
    %dma_start3A_481 = arith.constant 0 : i32
    %dma_start3A_482 = arith.constant 0 : i32
    %dma_start3A_483 = tpu.memref_slice %arg3[%dma_start3A_481, %dma_start3A_482] : memref<1000000x16xf32, #tpu.memory_space<hbm>> -> memref<1000000x16xf32, #tpu.memory_space<hbm>>
    tpu.enqueue_indirect_dma source(%dma_start3A_483 : memref<1000000x16xf32, #tpu.memory_space<hbm>>) target(%dma_start3A_477 : memref<80x16xf32, #tpu.memory_space<vmem>>) offsets(%dma_start3A_480 : memref<80xi32, #tpu.memory_space<vmem>>) semaphore(%arg9 : memref<!tpu.dma_semaphore, #tpu.memory_space<semaphore_mem>>)
    %dma_start3A_484 = arith.constant 312 : i32
    %dma_start3A_485 = arith.constant 1 : i32
    %dma_start3A_486 = arith.constant 0 : i32
    %dma_start3A_487 = arith.constant 0 : i32
    %dma_start3A_488 = tpu.memref_slice %arg6[%dma_start3A_485, %dma_start3A_486, %dma_start3A_487] : memref<2x1600x16xf32, #tpu.memory_space<vmem>> -> memref<1x1600x16xf32, #tpu.memory_space<vmem>>
    %dma_start3A_489 = tpu.memref_squeeze %dma_start3A_488 : memref<1x1600x16xf32, #tpu.memory_space<vmem>> -> memref<1600x16xf32, #tpu.memory_space<vmem>>
    %dma_start3A_490 = arith.constant 960 : i32
    %dma_start3A_491 = arith.constant 0 : i32
    %dma_start3A_492 = tpu.memref_slice %dma_start3A_489[%dma_start3A_490, %dma_start3A_491] : memref<1600x16xf32, #tpu.memory_space<vmem>> -> memref<80x16xf32, #tpu.memory_space<vmem>>
    %dma_start3A_493 = arith.constant 0 : i32
    %dma_start3A_494 = tpu.memref_slice %arg5[%dma_start3A_484, %dma_start3A_493] : memref<320x80xi32, #tpu.memory_space<vmem>> -> memref<1x80xi32, #tpu.memory_space<vmem>>
    %dma_start3A_495 = tpu.memref_squeeze %dma_start3A_494 : memref<1x80xi32, #tpu.memory_space<vmem>> -> memref<80xi32, #tpu.memory_space<vmem>>
    %dma_start3A_496 = arith.constant 0 : i32
    %dma_start3A_497 = arith.constant 0 : i32
    %dma_start3A_498 = tpu.memref_slice %arg3[%dma_start3A_496, %dma_start3A_497] : memref<1000000x16xf32, #tpu.memory_space<hbm>> -> memref<1000000x16xf32, #tpu.memory_space<hbm>>
    tpu.enqueue_indirect_dma source(%dma_start3A_498 : memref<1000000x16xf32, #tpu.memory_space<hbm>>) target(%dma_start3A_492 : memref<80x16xf32, #tpu.memory_space<vmem>>) offsets(%dma_start3A_495 : memref<80xi32, #tpu.memory_space<vmem>>) semaphore(%arg9 : memref<!tpu.dma_semaphore, #tpu.memory_space<semaphore_mem>>)
    %dma_start3A_499 = arith.constant 313 : i32
    %dma_start3A_500 = arith.constant 1 : i32
    %dma_start3A_501 = arith.constant 0 : i32
    %dma_start3A_502 = arith.constant 0 : i32
    %dma_start3A_503 = tpu.memref_slice %arg6[%dma_start3A_500, %dma_start3A_501, %dma_start3A_502] : memref<2x1600x16xf32, #tpu.memory_space<vmem>> -> memref<1x1600x16xf32, #tpu.memory_space<vmem>>
    %dma_start3A_504 = tpu.memref_squeeze %dma_start3A_503 : memref<1x1600x16xf32, #tpu.memory_space<vmem>> -> memref<1600x16xf32, #tpu.memory_space<vmem>>
    %dma_start3A_505 = arith.constant 1040 : i32
    %dma_start3A_506 = arith.constant 0 : i32
    %dma_start3A_507 = tpu.memref_slice %dma_start3A_504[%dma_start3A_505, %dma_start3A_506] : memref<1600x16xf32, #tpu.memory_space<vmem>> -> memref<80x16xf32, #tpu.memory_space<vmem>>
    %dma_start3A_508 = arith.constant 0 : i32
    %dma_start3A_509 = tpu.memref_slice %arg5[%dma_start3A_499, %dma_start3A_508] : memref<320x80xi32, #tpu.memory_space<vmem>> -> memref<1x80xi32, #tpu.memory_space<vmem>>
    %dma_start3A_510 = tpu.memref_squeeze %dma_start3A_509 : memref<1x80xi32, #tpu.memory_space<vmem>> -> memref<80xi32, #tpu.memory_space<vmem>>
    %dma_start3A_511 = arith.constant 0 : i32
    %dma_start3A_512 = arith.constant 0 : i32
    %dma_start3A_513 = tpu.memref_slice %arg3[%dma_start3A_511, %dma_start3A_512] : memref<1000000x16xf32, #tpu.memory_space<hbm>> -> memref<1000000x16xf32, #tpu.memory_space<hbm>>
    tpu.enqueue_indirect_dma source(%dma_start3A_513 : memref<1000000x16xf32, #tpu.memory_space<hbm>>) target(%dma_start3A_507 : memref<80x16xf32, #tpu.memory_space<vmem>>) offsets(%dma_start3A_510 : memref<80xi32, #tpu.memory_space<vmem>>) semaphore(%arg9 : memref<!tpu.dma_semaphore, #tpu.memory_space<semaphore_mem>>)
    %dma_start3A_514 = arith.constant 314 : i32
    %dma_start3A_515 = arith.constant 1 : i32
    %dma_start3A_516 = arith.constant 0 : i32
    %dma_start3A_517 = arith.constant 0 : i32
    %dma_start3A_518 = tpu.memref_slice %arg6[%dma_start3A_515, %dma_start3A_516, %dma_start3A_517] : memref<2x1600x16xf32, #tpu.memory_space<vmem>> -> memref<1x1600x16xf32, #tpu.memory_space<vmem>>
    %dma_start3A_519 = tpu.memref_squeeze %dma_start3A_518 : memref<1x1600x16xf32, #tpu.memory_space<vmem>> -> memref<1600x16xf32, #tpu.memory_space<vmem>>
    %dma_start3A_520 = arith.constant 1120 : i32
    %dma_start3A_521 = arith.constant 0 : i32
    %dma_start3A_522 = tpu.memref_slice %dma_start3A_519[%dma_start3A_520, %dma_start3A_521] : memref<1600x16xf32, #tpu.memory_space<vmem>> -> memref<80x16xf32, #tpu.memory_space<vmem>>
    %dma_start3A_523 = arith.constant 0 : i32
    %dma_start3A_524 = tpu.memref_slice %arg5[%dma_start3A_514, %dma_start3A_523] : memref<320x80xi32, #tpu.memory_space<vmem>> -> memref<1x80xi32, #tpu.memory_space<vmem>>
    %dma_start3A_525 = tpu.memref_squeeze %dma_start3A_524 : memref<1x80xi32, #tpu.memory_space<vmem>> -> memref<80xi32, #tpu.memory_space<vmem>>
    %dma_start3A_526 = arith.constant 0 : i32
    %dma_start3A_527 = arith.constant 0 : i32
    %dma_start3A_528 = tpu.memref_slice %arg3[%dma_start3A_526, %dma_start3A_527] : memref<1000000x16xf32, #tpu.memory_space<hbm>> -> memref<1000000x16xf32, #tpu.memory_space<hbm>>
    tpu.enqueue_indirect_dma source(%dma_start3A_528 : memref<1000000x16xf32, #tpu.memory_space<hbm>>) target(%dma_start3A_522 : memref<80x16xf32, #tpu.memory_space<vmem>>) offsets(%dma_start3A_525 : memref<80xi32, #tpu.memory_space<vmem>>) semaphore(%arg9 : memref<!tpu.dma_semaphore, #tpu.memory_space<semaphore_mem>>)
    %dma_start3A_529 = arith.constant 315 : i32
    %dma_start3A_530 = arith.constant 1 : i32
    %dma_start3A_531 = arith.constant 0 : i32
    %dma_start3A_532 = arith.constant 0 : i32
    %dma_start3A_533 = tpu.memref_slice %arg6[%dma_start3A_530, %dma_start3A_531, %dma_start3A_532] : memref<2x1600x16xf32, #tpu.memory_space<vmem>> -> memref<1x1600x16xf32, #tpu.memory_space<vmem>>
    %dma_start3A_534 = tpu.memref_squeeze %dma_start3A_533 : memref<1x1600x16xf32, #tpu.memory_space<vmem>> -> memref<1600x16xf32, #tpu.memory_space<vmem>>
    %dma_start3A_535 = arith.constant 1200 : i32
    %dma_start3A_536 = arith.constant 0 : i32
    %dma_start3A_537 = tpu.memref_slice %dma_start3A_534[%dma_start3A_535, %dma_start3A_536] : memref<1600x16xf32, #tpu.memory_space<vmem>> -> memref<80x16xf32, #tpu.memory_space<vmem>>
    %dma_start3A_538 = arith.constant 0 : i32
    %dma_start3A_539 = tpu.memref_slice %arg5[%dma_start3A_529, %dma_start3A_538] : memref<320x80xi32, #tpu.memory_space<vmem>> -> memref<1x80xi32, #tpu.memory_space<vmem>>
    %dma_start3A_540 = tpu.memref_squeeze %dma_start3A_539 : memref<1x80xi32, #tpu.memory_space<vmem>> -> memref<80xi32, #tpu.memory_space<vmem>>
    %dma_start3A_541 = arith.constant 0 : i32
    %dma_start3A_542 = arith.constant 0 : i32
    %dma_start3A_543 = tpu.memref_slice %arg3[%dma_start3A_541, %dma_start3A_542] : memref<1000000x16xf32, #tpu.memory_space<hbm>> -> memref<1000000x16xf32, #tpu.memory_space<hbm>>
    tpu.enqueue_indirect_dma source(%dma_start3A_543 : memref<1000000x16xf32, #tpu.memory_space<hbm>>) target(%dma_start3A_537 : memref<80x16xf32, #tpu.memory_space<vmem>>) offsets(%dma_start3A_540 : memref<80xi32, #tpu.memory_space<vmem>>) semaphore(%arg9 : memref<!tpu.dma_semaphore, #tpu.memory_space<semaphore_mem>>)
    %dma_start3A_544 = arith.constant 316 : i32
    %dma_start3A_545 = arith.constant 1 : i32
    %dma_start3A_546 = arith.constant 0 : i32
    %dma_start3A_547 = arith.constant 0 : i32
    %dma_start3A_548 = tpu.memref_slice %arg6[%dma_start3A_545, %dma_start3A_546, %dma_start3A_547] : memref<2x1600x16xf32, #tpu.memory_space<vmem>> -> memref<1x1600x16xf32, #tpu.memory_space<vmem>>
    %dma_start3A_549 = tpu.memref_squeeze %dma_start3A_548 : memref<1x1600x16xf32, #tpu.memory_space<vmem>> -> memref<1600x16xf32, #tpu.memory_space<vmem>>
    %dma_start3A_550 = arith.constant 1280 : i32
    %dma_start3A_551 = arith.constant 0 : i32
    %dma_start3A_552 = tpu.memref_slice %dma_start3A_549[%dma_start3A_550, %dma_start3A_551] : memref<1600x16xf32, #tpu.memory_space<vmem>> -> memref<80x16xf32, #tpu.memory_space<vmem>>
    %dma_start3A_553 = arith.constant 0 : i32
    %dma_start3A_554 = tpu.memref_slice %arg5[%dma_start3A_544, %dma_start3A_553] : memref<320x80xi32, #tpu.memory_space<vmem>> -> memref<1x80xi32, #tpu.memory_space<vmem>>
    %dma_start3A_555 = tpu.memref_squeeze %dma_start3A_554 : memref<1x80xi32, #tpu.memory_space<vmem>> -> memref<80xi32, #tpu.memory_space<vmem>>
    %dma_start3A_556 = arith.constant 0 : i32
    %dma_start3A_557 = arith.constant 0 : i32
    %dma_start3A_558 = tpu.memref_slice %arg3[%dma_start3A_556, %dma_start3A_557] : memref<1000000x16xf32, #tpu.memory_space<hbm>> -> memref<1000000x16xf32, #tpu.memory_space<hbm>>
    tpu.enqueue_indirect_dma source(%dma_start3A_558 : memref<1000000x16xf32, #tpu.memory_space<hbm>>) target(%dma_start3A_552 : memref<80x16xf32, #tpu.memory_space<vmem>>) offsets(%dma_start3A_555 : memref<80xi32, #tpu.memory_space<vmem>>) semaphore(%arg9 : memref<!tpu.dma_semaphore, #tpu.memory_space<semaphore_mem>>)
    %dma_start3A_559 = arith.constant 317 : i32
    %dma_start3A_560 = arith.constant 1 : i32
    %dma_start3A_561 = arith.constant 0 : i32
    %dma_start3A_562 = arith.constant 0 : i32
    %dma_start3A_563 = tpu.memref_slice %arg6[%dma_start3A_560, %dma_start3A_561, %dma_start3A_562] : memref<2x1600x16xf32, #tpu.memory_space<vmem>> -> memref<1x1600x16xf32, #tpu.memory_space<vmem>>
    %dma_start3A_564 = tpu.memref_squeeze %dma_start3A_563 : memref<1x1600x16xf32, #tpu.memory_space<vmem>> -> memref<1600x16xf32, #tpu.memory_space<vmem>>
    %dma_start3A_565 = arith.constant 1360 : i32
    %dma_start3A_566 = arith.constant 0 : i32
    %dma_start3A_567 = tpu.memref_slice %dma_start3A_564[%dma_start3A_565, %dma_start3A_566] : memref<1600x16xf32, #tpu.memory_space<vmem>> -> memref<80x16xf32, #tpu.memory_space<vmem>>
    %dma_start3A_568 = arith.constant 0 : i32
    %dma_start3A_569 = tpu.memref_slice %arg5[%dma_start3A_559, %dma_start3A_568] : memref<320x80xi32, #tpu.memory_space<vmem>> -> memref<1x80xi32, #tpu.memory_space<vmem>>
    %dma_start3A_570 = tpu.memref_squeeze %dma_start3A_569 : memref<1x80xi32, #tpu.memory_space<vmem>> -> memref<80xi32, #tpu.memory_space<vmem>>
    %dma_start3A_571 = arith.constant 0 : i32
    %dma_start3A_572 = arith.constant 0 : i32
    %dma_start3A_573 = tpu.memref_slice %arg3[%dma_start3A_571, %dma_start3A_572] : memref<1000000x16xf32, #tpu.memory_space<hbm>> -> memref<1000000x16xf32, #tpu.memory_space<hbm>>
    tpu.enqueue_indirect_dma source(%dma_start3A_573 : memref<1000000x16xf32, #tpu.memory_space<hbm>>) target(%dma_start3A_567 : memref<80x16xf32, #tpu.memory_space<vmem>>) offsets(%dma_start3A_570 : memref<80xi32, #tpu.memory_space<vmem>>) semaphore(%arg9 : memref<!tpu.dma_semaphore, #tpu.memory_space<semaphore_mem>>)
    %dma_start3A_574 = arith.constant 318 : i32
    %dma_start3A_575 = arith.constant 1 : i32
    %dma_start3A_576 = arith.constant 0 : i32
    %dma_start3A_577 = arith.constant 0 : i32
    %dma_start3A_578 = tpu.memref_slice %arg6[%dma_start3A_575, %dma_start3A_576, %dma_start3A_577] : memref<2x1600x16xf32, #tpu.memory_space<vmem>> -> memref<1x1600x16xf32, #tpu.memory_space<vmem>>
    %dma_start3A_579 = tpu.memref_squeeze %dma_start3A_578 : memref<1x1600x16xf32, #tpu.memory_space<vmem>> -> memref<1600x16xf32, #tpu.memory_space<vmem>>
    %dma_start3A_580 = arith.constant 1440 : i32
    %dma_start3A_581 = arith.constant 0 : i32
    %dma_start3A_582 = tpu.memref_slice %dma_start3A_579[%dma_start3A_580, %dma_start3A_581] : memref<1600x16xf32, #tpu.memory_space<vmem>> -> memref<80x16xf32, #tpu.memory_space<vmem>>
    %dma_start3A_583 = arith.constant 0 : i32
    %dma_start3A_584 = tpu.memref_slice %arg5[%dma_start3A_574, %dma_start3A_583] : memref<320x80xi32, #tpu.memory_space<vmem>> -> memref<1x80xi32, #tpu.memory_space<vmem>>
    %dma_start3A_585 = tpu.memref_squeeze %dma_start3A_584 : memref<1x80xi32, #tpu.memory_space<vmem>> -> memref<80xi32, #tpu.memory_space<vmem>>
    %dma_start3A_586 = arith.constant 0 : i32
    %dma_start3A_587 = arith.constant 0 : i32
    %dma_start3A_588 = tpu.memref_slice %arg3[%dma_start3A_586, %dma_start3A_587] : memref<1000000x16xf32, #tpu.memory_space<hbm>> -> memref<1000000x16xf32, #tpu.memory_space<hbm>>
    tpu.enqueue_indirect_dma source(%dma_start3A_588 : memref<1000000x16xf32, #tpu.memory_space<hbm>>) target(%dma_start3A_582 : memref<80x16xf32, #tpu.memory_space<vmem>>) offsets(%dma_start3A_585 : memref<80xi32, #tpu.memory_space<vmem>>) semaphore(%arg9 : memref<!tpu.dma_semaphore, #tpu.memory_space<semaphore_mem>>)
    %dma_start3A_589 = arith.constant 319 : i32
    %dma_start3A_590 = arith.constant 1 : i32
    %dma_start3A_591 = arith.constant 0 : i32
    %dma_start3A_592 = arith.constant 0 : i32
    %dma_start3A_593 = tpu.memref_slice %arg6[%dma_start3A_590, %dma_start3A_591, %dma_start3A_592] : memref<2x1600x16xf32, #tpu.memory_space<vmem>> -> memref<1x1600x16xf32, #tpu.memory_space<vmem>>
    %dma_start3A_594 = tpu.memref_squeeze %dma_start3A_593 : memref<1x1600x16xf32, #tpu.memory_space<vmem>> -> memref<1600x16xf32, #tpu.memory_space<vmem>>
    %dma_start3A_595 = arith.constant 1520 : i32
    %dma_start3A_596 = arith.constant 0 : i32
    %dma_start3A_597 = tpu.memref_slice %dma_start3A_594[%dma_start3A_595, %dma_start3A_596] : memref<1600x16xf32, #tpu.memory_space<vmem>> -> memref<80x16xf32, #tpu.memory_space<vmem>>
    %dma_start3A_598 = arith.constant 0 : i32
    %dma_start3A_599 = tpu.memref_slice %arg5[%dma_start3A_589, %dma_start3A_598] : memref<320x80xi32, #tpu.memory_space<vmem>> -> memref<1x80xi32, #tpu.memory_space<vmem>>
    %dma_start3A_600 = tpu.memref_squeeze %dma_start3A_599 : memref<1x80xi32, #tpu.memory_space<vmem>> -> memref<80xi32, #tpu.memory_space<vmem>>
    %dma_start3A_601 = arith.constant 0 : i32
    %dma_start3A_602 = arith.constant 0 : i32
    %dma_start3A_603 = tpu.memref_slice %arg3[%dma_start3A_601, %dma_start3A_602] : memref<1000000x16xf32, #tpu.memory_space<hbm>> -> memref<1000000x16xf32, #tpu.memory_space<hbm>>
    tpu.enqueue_indirect_dma source(%dma_start3A_603 : memref<1000000x16xf32, #tpu.memory_space<hbm>>) target(%dma_start3A_597 : memref<80x16xf32, #tpu.memory_space<vmem>>) offsets(%dma_start3A_600 : memref<80xi32, #tpu.memory_space<vmem>>) semaphore(%arg9 : memref<!tpu.dma_semaphore, #tpu.memory_space<semaphore_mem>>)
    %dma_wait3A = arith.constant 0 : i32
    %dma_wait3A_604 = arith.constant 0 : i32
    %dma_wait3A_605 = arith.constant 0 : i32
    %dma_wait3A_606 = tpu.memref_slice %arg6[%dma_wait3A, %dma_wait3A_604, %dma_wait3A_605] : memref<2x1600x16xf32, #tpu.memory_space<vmem>> -> memref<1x1600x16xf32, #tpu.memory_space<vmem>>
    %dma_wait3A_607 = tpu.memref_squeeze %dma_wait3A_606 : memref<1x1600x16xf32, #tpu.memory_space<vmem>> -> memref<1600x16xf32, #tpu.memory_space<vmem>>
    %dma_wait3A_608 = arith.constant 0 : i32
    %dma_wait3A_609 = arith.constant 0 : i32
    %dma_wait3A_610 = tpu.memref_slice %arg3[%dma_wait3A_608, %dma_wait3A_609] : memref<1000000x16xf32, #tpu.memory_space<hbm>> -> memref<1600x16xf32, #tpu.memory_space<hbm>>
    %dma_wait3A_611 = arith.constant 0 : i32
    %dma_wait3A_612 = arith.constant 0 : i32
    %dma_wait3A_613 = tpu.memref_slice %arg6[%dma_wait3A, %dma_wait3A_611, %dma_wait3A_612] : memref<2x1600x16xf32, #tpu.memory_space<vmem>> -> memref<1x1600x16xf32, #tpu.memory_space<vmem>>
    %dma_wait3A_614 = tpu.memref_squeeze %dma_wait3A_613 : memref<1x1600x16xf32, #tpu.memory_space<vmem>> -> memref<1600x16xf32, #tpu.memory_space<vmem>>
    %dma_wait3A_615 = arith.constant 0 : i32
    %dma_wait3A_616 = arith.constant 0 : i32
    %dma_wait3A_617 = tpu.memref_slice %arg3[%dma_wait3A_615, %dma_wait3A_616] : memref<1000000x16xf32, #tpu.memory_space<hbm>> -> memref<1600x16xf32, #tpu.memory_space<hbm>>
    tpu.wait_dma2 semaphore(%arg8 : memref<!tpu.dma_semaphore, #tpu.memory_space<semaphore_mem>>) src(%dma_wait3A_617 : memref<1600x16xf32, #tpu.memory_space<hbm>>) dst(%dma_wait3A_614 : memref<1600x16xf32, #tpu.memory_space<vmem>>)
    %scan3A_618 = arith.constant 0 : i32
    %scan3A_619 = arith.constant 0 : i32
    %scan3A_620 = arith.constant 32 : i32
    %scan3A_621 = arith.addi %scan3A_619, %scan3A_620 : i32
    %scan3A_622 = arith.constant 1 : i32
    scf.for %scan3A_647 = %scan3A_619 to %scan3A_621 step %scan3A_622  : i32 {
      %mul3A_648 = arith.constant 1 : i32
      %mul3A_649 = arith.muli %scan3A_647, %mul3A_648 : i32
      %add3A_650 = arith.constant 0 : i32
      %add3A_651 = arith.addi %add3A_650, %mul3A_649 : i32
      %mul3A_652 = arith.constant 50 : i32
      %mul3A_653 = arith.muli %add3A_651, %mul3A_652 : i32
      %add3A_654 = arith.constant 0 : i32
      %add3A_655 = arith.addi %mul3A_653, %add3A_654 : i32
      %get3A = arith.constant 0 : i32
      %get3A_656 = arith.constant 0 : i32
      %get3A_657 = tpu.memref_slice %arg6[%scan3A_618, %get3A, %get3A_656] : memref<2x1600x16xf32, #tpu.memory_space<vmem>> -> memref<1x1600x16xf32, #tpu.memory_space<vmem>>
      %get3A_658 = tpu.memref_squeeze %get3A_657 : memref<1x1600x16xf32, #tpu.memory_space<vmem>> -> memref<1600x16xf32, #tpu.memory_space<vmem>>
      %get3A_659 = arith.index_cast %add3A_655 : i32 to index
      %get3A_660 = arith.constant 0 : index
      %get3A_661 = tpu.vector_load %get3A_658[%get3A_659, %get3A_660] {strides = array<i32>} : memref<1600x16xf32, #tpu.memory_space<vmem>>, vector<1x16xf32>,
      %get3A_662 = vector.shape_cast %get3A_661 : vector<1x16xf32> to vector<16xf32>
      %add3A_663 = arith.constant 1 : i32
      %add3A_664 = arith.addi %mul3A_653, %add3A_663 : i32
      %get3A_665 = arith.constant 0 : i32
      %get3A_666 = arith.constant 0 : i32
      %get3A_667 = tpu.memref_slice %arg6[%scan3A_618, %get3A_665, %get3A_666] : memref<2x1600x16xf32, #tpu.memory_space<vmem>> -> memref<1x1600x16xf32, #tpu.memory_space<vmem>>
      %get3A_668 = tpu.memref_squeeze %get3A_667 : memref<1x1600x16xf32, #tpu.memory_space<vmem>> -> memref<1600x16xf32, #tpu.memory_space<vmem>>
      %get3A_669 = arith.index_cast %add3A_664 : i32 to index
      %get3A_670 = arith.constant 0 : index
      %get3A_671 = tpu.vector_load %get3A_668[%get3A_669, %get3A_670] {strides = array<i32>} : memref<1600x16xf32, #tpu.memory_space<vmem>>, vector<1x16xf32>,
      %get3A_672 = vector.shape_cast %get3A_671 : vector<1x16xf32> to vector<16xf32>
      %add3A_673 = arith.constant 2 : i32
      %add3A_674 = arith.addi %mul3A_653, %add3A_673 : i32
      %get3A_675 = arith.constant 0 : i32
      %get3A_676 = arith.constant 0 : i32
      %get3A_677 = tpu.memref_slice %arg6[%scan3A_618, %get3A_675, %get3A_676] : memref<2x1600x16xf32, #tpu.memory_space<vmem>> -> memref<1x1600x16xf32, #tpu.memory_space<vmem>>
      %get3A_678 = tpu.memref_squeeze %get3A_677 : memref<1x1600x16xf32, #tpu.memory_space<vmem>> -> memref<1600x16xf32, #tpu.memory_space<vmem>>
      %get3A_679 = arith.index_cast %add3A_674 : i32 to index
      %get3A_680 = arith.constant 0 : index
      %get3A_681 = tpu.vector_load %get3A_678[%get3A_679, %get3A_680] {strides = array<i32>} : memref<1600x16xf32, #tpu.memory_space<vmem>>, vector<1x16xf32>,
      %get3A_682 = vector.shape_cast %get3A_681 : vector<1x16xf32> to vector<16xf32>
      %add3A_683 = arith.constant 3 : i32
      %add3A_684 = arith.addi %mul3A_653, %add3A_683 : i32
      %get3A_685 = arith.constant 0 : i32
      %get3A_686 = arith.constant 0 : i32
      %get3A_687 = tpu.memref_slice %arg6[%scan3A_618, %get3A_685, %get3A_686] : memref<2x1600x16xf32, #tpu.memory_space<vmem>> -> memref<1x1600x16xf32, #tpu.memory_space<vmem>>
      %get3A_688 = tpu.memref_squeeze %get3A_687 : memref<1x1600x16xf32, #tpu.memory_space<vmem>> -> memref<1600x16xf32, #tpu.memory_space<vmem>>
      %get3A_689 = arith.index_cast %add3A_684 : i32 to index
      %get3A_690 = arith.constant 0 : index
      %get3A_691 = tpu.vector_load %get3A_688[%get3A_689, %get3A_690] {strides = array<i32>} : memref<1600x16xf32, #tpu.memory_space<vmem>>, vector<1x16xf32>,
      %get3A_692 = vector.shape_cast %get3A_691 : vector<1x16xf32> to vector<16xf32>
      %add3A_693 = arith.constant 4 : i32
      %add3A_694 = arith.addi %mul3A_653, %add3A_693 : i32
      %get3A_695 = arith.constant 0 : i32
      %get3A_696 = arith.constant 0 : i32
      %get3A_697 = tpu.memref_slice %arg6[%scan3A_618, %get3A_695, %get3A_696] : memref<2x1600x16xf32, #tpu.memory_space<vmem>> -> memref<1x1600x16xf32, #tpu.memory_space<vmem>>
      %get3A_698 = tpu.memref_squeeze %get3A_697 : memref<1x1600x16xf32, #tpu.memory_space<vmem>> -> memref<1600x16xf32, #tpu.memory_space<vmem>>
      %get3A_699 = arith.index_cast %add3A_694 : i32 to index
      %get3A_700 = arith.constant 0 : index
      %get3A_701 = tpu.vector_load %get3A_698[%get3A_699, %get3A_700] {strides = array<i32>} : memref<1600x16xf32, #tpu.memory_space<vmem>>, vector<1x16xf32>,
      %get3A_702 = vector.shape_cast %get3A_701 : vector<1x16xf32> to vector<16xf32>
      %add3A_703 = arith.addf %get3A_662, %get3A_702 : vector<16xf32>
      %add3A_704 = arith.constant 5 : i32
      %add3A_705 = arith.addi %mul3A_653, %add3A_704 : i32
      %get3A_706 = arith.constant 0 : i32
      %get3A_707 = arith.constant 0 : i32
      %get3A_708 = tpu.memref_slice %arg6[%scan3A_618, %get3A_706, %get3A_707] : memref<2x1600x16xf32, #tpu.memory_space<vmem>> -> memref<1x1600x16xf32, #tpu.memory_space<vmem>>
      %get3A_709 = tpu.memref_squeeze %get3A_708 : memref<1x1600x16xf32, #tpu.memory_space<vmem>> -> memref<1600x16xf32, #tpu.memory_space<vmem>>
      %get3A_710 = arith.index_cast %add3A_705 : i32 to index
      %get3A_711 = arith.constant 0 : index
      %get3A_712 = tpu.vector_load %get3A_709[%get3A_710, %get3A_711] {strides = array<i32>} : memref<1600x16xf32, #tpu.memory_space<vmem>>, vector<1x16xf32>,
      %get3A_713 = vector.shape_cast %get3A_712 : vector<1x16xf32> to vector<16xf32>
      %add3A_714 = arith.addf %get3A_672, %get3A_713 : vector<16xf32>
      %add3A_715 = arith.constant 6 : i32
      %add3A_716 = arith.addi %mul3A_653, %add3A_715 : i32
      %get3A_717 = arith.constant 0 : i32
      %get3A_718 = arith.constant 0 : i32
      %get3A_719 = tpu.memref_slice %arg6[%scan3A_618, %get3A_717, %get3A_718] : memref<2x1600x16xf32, #tpu.memory_space<vmem>> -> memref<1x1600x16xf32, #tpu.memory_space<vmem>>
      %get3A_720 = tpu.memref_squeeze %get3A_719 : memref<1x1600x16xf32, #tpu.memory_space<vmem>> -> memref<1600x16xf32, #tpu.memory_space<vmem>>
      %get3A_721 = arith.index_cast %add3A_716 : i32 to index
      %get3A_722 = arith.constant 0 : index
      %get3A_723 = tpu.vector_load %get3A_720[%get3A_721, %get3A_722] {strides = array<i32>} : memref<1600x16xf32, #tpu.memory_space<vmem>>, vector<1x16xf32>,
      %get3A_724 = vector.shape_cast %get3A_723 : vector<1x16xf32> to vector<16xf32>
      %add3A_725 = arith.addf %get3A_682, %get3A_724 : vector<16xf32>
      %add3A_726 = arith.constant 7 : i32
      %add3A_727 = arith.addi %mul3A_653, %add3A_726 : i32
      %get3A_728 = arith.constant 0 : i32
      %get3A_729 = arith.constant 0 : i32
      %get3A_730 = tpu.memref_slice %arg6[%scan3A_618, %get3A_728, %get3A_729] : memref<2x1600x16xf32, #tpu.memory_space<vmem>> -> memref<1x1600x16xf32, #tpu.memory_space<vmem>>
      %get3A_731 = tpu.memref_squeeze %get3A_730 : memref<1x1600x16xf32, #tpu.memory_space<vmem>> -> memref<1600x16xf32, #tpu.memory_space<vmem>>
      %get3A_732 = arith.index_cast %add3A_727 : i32 to index
      %get3A_733 = arith.constant 0 : index
      %get3A_734 = tpu.vector_load %get3A_731[%get3A_732, %get3A_733] {strides = array<i32>} : memref<1600x16xf32, #tpu.memory_space<vmem>>, vector<1x16xf32>,
      %get3A_735 = vector.shape_cast %get3A_734 : vector<1x16xf32> to vector<16xf32>
      %add3A_736 = arith.addf %get3A_692, %get3A_735 : vector<16xf32>
      %add3A_737 = arith.constant 8 : i32
      %add3A_738 = arith.addi %mul3A_653, %add3A_737 : i32
      %get3A_739 = arith.constant 0 : i32
      %get3A_740 = arith.constant 0 : i32
      %get3A_741 = tpu.memref_slice %arg6[%scan3A_618, %get3A_739, %get3A_740] : memref<2x1600x16xf32, #tpu.memory_space<vmem>> -> memref<1x1600x16xf32, #tpu.memory_space<vmem>>
      %get3A_742 = tpu.memref_squeeze %get3A_741 : memref<1x1600x16xf32, #tpu.memory_space<vmem>> -> memref<1600x16xf32, #tpu.memory_space<vmem>>
      %get3A_743 = arith.index_cast %add3A_738 : i32 to index
      %get3A_744 = arith.constant 0 : index
      %get3A_745 = tpu.vector_load %get3A_742[%get3A_743, %get3A_744] {strides = array<i32>} : memref<1600x16xf32, #tpu.memory_space<vmem>>, vector<1x16xf32>,
      %get3A_746 = vector.shape_cast %get3A_745 : vector<1x16xf32> to vector<16xf32>
      %add3A_747 = arith.addf %add3A_703, %get3A_746 : vector<16xf32>
      %add3A_748 = arith.constant 9 : i32
      %add3A_749 = arith.addi %mul3A_653, %add3A_748 : i32
      %get3A_750 = arith.constant 0 : i32
      %get3A_751 = arith.constant 0 : i32
      %get3A_752 = tpu.memref_slice %arg6[%scan3A_618, %get3A_750, %get3A_751] : memref<2x1600x16xf32, #tpu.memory_space<vmem>> -> memref<1x1600x16xf32, #tpu.memory_space<vmem>>
      %get3A_753 = tpu.memref_squeeze %get3A_752 : memref<1x1600x16xf32, #tpu.memory_space<vmem>> -> memref<1600x16xf32, #tpu.memory_space<vmem>>
      %get3A_754 = arith.index_cast %add3A_749 : i32 to index
      %get3A_755 = arith.constant 0 : index
      %get3A_756 = tpu.vector_load %get3A_753[%get3A_754, %get3A_755] {strides = array<i32>} : memref<1600x16xf32, #tpu.memory_space<vmem>>, vector<1x16xf32>,
      %get3A_757 = vector.shape_cast %get3A_756 : vector<1x16xf32> to vector<16xf32>
      %add3A_758 = arith.addf %add3A_714, %get3A_757 : vector<16xf32>
      %add3A_759 = arith.constant 10 : i32
      %add3A_760 = arith.addi %mul3A_653, %add3A_759 : i32
      %get3A_761 = arith.constant 0 : i32
      %get3A_762 = arith.constant 0 : i32
      %get3A_763 = tpu.memref_slice %arg6[%scan3A_618, %get3A_761, %get3A_762] : memref<2x1600x16xf32, #tpu.memory_space<vmem>> -> memref<1x1600x16xf32, #tpu.memory_space<vmem>>
      %get3A_764 = tpu.memref_squeeze %get3A_763 : memref<1x1600x16xf32, #tpu.memory_space<vmem>> -> memref<1600x16xf32, #tpu.memory_space<vmem>>
      %get3A_765 = arith.index_cast %add3A_760 : i32 to index
      %get3A_766 = arith.constant 0 : index
      %get3A_767 = tpu.vector_load %get3A_764[%get3A_765, %get3A_766] {strides = array<i32>} : memref<1600x16xf32, #tpu.memory_space<vmem>>, vector<1x16xf32>,
      %get3A_768 = vector.shape_cast %get3A_767 : vector<1x16xf32> to vector<16xf32>
      %add3A_769 = arith.addf %add3A_725, %get3A_768 : vector<16xf32>
      %add3A_770 = arith.constant 11 : i32
      %add3A_771 = arith.addi %mul3A_653, %add3A_770 : i32
      %get3A_772 = arith.constant 0 : i32
      %get3A_773 = arith.constant 0 : i32
      %get3A_774 = tpu.memref_slice %arg6[%scan3A_618, %get3A_772, %get3A_773] : memref<2x1600x16xf32, #tpu.memory_space<vmem>> -> memref<1x1600x16xf32, #tpu.memory_space<vmem>>
      %get3A_775 = tpu.memref_squeeze %get3A_774 : memref<1x1600x16xf32, #tpu.memory_space<vmem>> -> memref<1600x16xf32, #tpu.memory_space<vmem>>
      %get3A_776 = arith.index_cast %add3A_771 : i32 to index
      %get3A_777 = arith.constant 0 : index
      %get3A_778 = tpu.vector_load %get3A_775[%get3A_776, %get3A_777] {strides = array<i32>} : memref<1600x16xf32, #tpu.memory_space<vmem>>, vector<1x16xf32>,
      %get3A_779 = vector.shape_cast %get3A_778 : vector<1x16xf32> to vector<16xf32>
      %add3A_780 = arith.addf %add3A_736, %get3A_779 : vector<16xf32>
      %add3A_781 = arith.constant 12 : i32
      %add3A_782 = arith.addi %mul3A_653, %add3A_781 : i32
      %get3A_783 = arith.constant 0 : i32
      %get3A_784 = arith.constant 0 : i32
      %get3A_785 = tpu.memref_slice %arg6[%scan3A_618, %get3A_783, %get3A_784] : memref<2x1600x16xf32, #tpu.memory_space<vmem>> -> memref<1x1600x16xf32, #tpu.memory_space<vmem>>
      %get3A_786 = tpu.memref_squeeze %get3A_785 : memref<1x1600x16xf32, #tpu.memory_space<vmem>> -> memref<1600x16xf32, #tpu.memory_space<vmem>>
      %get3A_787 = arith.index_cast %add3A_782 : i32 to index
      %get3A_788 = arith.constant 0 : index
      %get3A_789 = tpu.vector_load %get3A_786[%get3A_787, %get3A_788] {strides = array<i32>} : memref<1600x16xf32, #tpu.memory_space<vmem>>, vector<1x16xf32>,
      %get3A_790 = vector.shape_cast %get3A_789 : vector<1x16xf32> to vector<16xf32>
      %add3A_791 = arith.addf %add3A_747, %get3A_790 : vector<16xf32>
      %add3A_792 = arith.constant 13 : i32
      %add3A_793 = arith.addi %mul3A_653, %add3A_792 : i32
      %get3A_794 = arith.constant 0 : i32
      %get3A_795 = arith.constant 0 : i32
      %get3A_796 = tpu.memref_slice %arg6[%scan3A_618, %get3A_794, %get3A_795] : memref<2x1600x16xf32, #tpu.memory_space<vmem>> -> memref<1x1600x16xf32, #tpu.memory_space<vmem>>
      %get3A_797 = tpu.memref_squeeze %get3A_796 : memref<1x1600x16xf32, #tpu.memory_space<vmem>> -> memref<1600x16xf32, #tpu.memory_space<vmem>>
      %get3A_798 = arith.index_cast %add3A_793 : i32 to index
      %get3A_799 = arith.constant 0 : index
      %get3A_800 = tpu.vector_load %get3A_797[%get3A_798, %get3A_799] {strides = array<i32>} : memref<1600x16xf32, #tpu.memory_space<vmem>>, vector<1x16xf32>,
      %get3A_801 = vector.shape_cast %get3A_800 : vector<1x16xf32> to vector<16xf32>
      %add3A_802 = arith.addf %add3A_758, %get3A_801 : vector<16xf32>
      %add3A_803 = arith.constant 14 : i32
      %add3A_804 = arith.addi %mul3A_653, %add3A_803 : i32
      %get3A_805 = arith.constant 0 : i32
      %get3A_806 = arith.constant 0 : i32
      %get3A_807 = tpu.memref_slice %arg6[%scan3A_618, %get3A_805, %get3A_806] : memref<2x1600x16xf32, #tpu.memory_space<vmem>> -> memref<1x1600x16xf32, #tpu.memory_space<vmem>>
      %get3A_808 = tpu.memref_squeeze %get3A_807 : memref<1x1600x16xf32, #tpu.memory_space<vmem>> -> memref<1600x16xf32, #tpu.memory_space<vmem>>
      %get3A_809 = arith.index_cast %add3A_804 : i32 to index
      %get3A_810 = arith.constant 0 : index
      %get3A_811 = tpu.vector_load %get3A_808[%get3A_809, %get3A_810] {strides = array<i32>} : memref<1600x16xf32, #tpu.memory_space<vmem>>, vector<1x16xf32>,
      %get3A_812 = vector.shape_cast %get3A_811 : vector<1x16xf32> to vector<16xf32>
      %add3A_813 = arith.addf %add3A_769, %get3A_812 : vector<16xf32>
      %add3A_814 = arith.constant 15 : i32
      %add3A_815 = arith.addi %mul3A_653, %add3A_814 : i32
      %get3A_816 = arith.constant 0 : i32
      %get3A_817 = arith.constant 0 : i32
      %get3A_818 = tpu.memref_slice %arg6[%scan3A_618, %get3A_816, %get3A_817] : memref<2x1600x16xf32, #tpu.memory_space<vmem>> -> memref<1x1600x16xf32, #tpu.memory_space<vmem>>
      %get3A_819 = tpu.memref_squeeze %get3A_818 : memref<1x1600x16xf32, #tpu.memory_space<vmem>> -> memref<1600x16xf32, #tpu.memory_space<vmem>>
      %get3A_820 = arith.index_cast %add3A_815 : i32 to index
      %get3A_821 = arith.constant 0 : index
      %get3A_822 = tpu.vector_load %get3A_819[%get3A_820, %get3A_821] {strides = array<i32>} : memref<1600x16xf32, #tpu.memory_space<vmem>>, vector<1x16xf32>,
      %get3A_823 = vector.shape_cast %get3A_822 : vector<1x16xf32> to vector<16xf32>
      %add3A_824 = arith.addf %add3A_780, %get3A_823 : vector<16xf32>
      %add3A_825 = arith.constant 16 : i32
      %add3A_826 = arith.addi %mul3A_653, %add3A_825 : i32
      %get3A_827 = arith.constant 0 : i32
      %get3A_828 = arith.constant 0 : i32
      %get3A_829 = tpu.memref_slice %arg6[%scan3A_618, %get3A_827, %get3A_828] : memref<2x1600x16xf32, #tpu.memory_space<vmem>> -> memref<1x1600x16xf32, #tpu.memory_space<vmem>>
      %get3A_830 = tpu.memref_squeeze %get3A_829 : memref<1x1600x16xf32, #tpu.memory_space<vmem>> -> memref<1600x16xf32, #tpu.memory_space<vmem>>
      %get3A_831 = arith.index_cast %add3A_826 : i32 to index
      %get3A_832 = arith.constant 0 : index
      %get3A_833 = tpu.vector_load %get3A_830[%get3A_831, %get3A_832] {strides = array<i32>} : memref<1600x16xf32, #tpu.memory_space<vmem>>, vector<1x16xf32>,
      %get3A_834 = vector.shape_cast %get3A_833 : vector<1x16xf32> to vector<16xf32>
      %add3A_835 = arith.addf %add3A_791, %get3A_834 : vector<16xf32>
      %add3A_836 = arith.constant 17 : i32
      %add3A_837 = arith.addi %mul3A_653, %add3A_836 : i32
      %get3A_838 = arith.constant 0 : i32
      %get3A_839 = arith.constant 0 : i32
      %get3A_840 = tpu.memref_slice %arg6[%scan3A_618, %get3A_838, %get3A_839] : memref<2x1600x16xf32, #tpu.memory_space<vmem>> -> memref<1x1600x16xf32, #tpu.memory_space<vmem>>
      %get3A_841 = tpu.memref_squeeze %get3A_840 : memref<1x1600x16xf32, #tpu.memory_space<vmem>> -> memref<1600x16xf32, #tpu.memory_space<vmem>>
      %get3A_842 = arith.index_cast %add3A_837 : i32 to index
      %get3A_843 = arith.constant 0 : index
      %get3A_844 = tpu.vector_load %get3A_841[%get3A_842, %get3A_843] {strides = array<i32>} : memref<1600x16xf32, #tpu.memory_space<vmem>>, vector<1x16xf32>,
      %get3A_845 = vector.shape_cast %get3A_844 : vector<1x16xf32> to vector<16xf32>
      %add3A_846 = arith.addf %add3A_802, %get3A_845 : vector<16xf32>
      %add3A_847 = arith.constant 18 : i32
      %add3A_848 = arith.addi %mul3A_653, %add3A_847 : i32
      %get3A_849 = arith.constant 0 : i32
      %get3A_850 = arith.constant 0 : i32
      %get3A_851 = tpu.memref_slice %arg6[%scan3A_618, %get3A_849, %get3A_850] : memref<2x1600x16xf32, #tpu.memory_space<vmem>> -> memref<1x1600x16xf32, #tpu.memory_space<vmem>>
      %get3A_852 = tpu.memref_squeeze %get3A_851 : memref<1x1600x16xf32, #tpu.memory_space<vmem>> -> memref<1600x16xf32, #tpu.memory_space<vmem>>
      %get3A_853 = arith.index_cast %add3A_848 : i32 to index
      %get3A_854 = arith.constant 0 : index
      %get3A_855 = tpu.vector_load %get3A_852[%get3A_853, %get3A_854] {strides = array<i32>} : memref<1600x16xf32, #tpu.memory_space<vmem>>, vector<1x16xf32>,
      %get3A_856 = vector.shape_cast %get3A_855 : vector<1x16xf32> to vector<16xf32>
      %add3A_857 = arith.addf %add3A_813, %get3A_856 : vector<16xf32>
      %add3A_858 = arith.constant 19 : i32
      %add3A_859 = arith.addi %mul3A_653, %add3A_858 : i32
      %get3A_860 = arith.constant 0 : i32
      %get3A_861 = arith.constant 0 : i32
      %get3A_862 = tpu.memref_slice %arg6[%scan3A_618, %get3A_860, %get3A_861] : memref<2x1600x16xf32, #tpu.memory_space<vmem>> -> memref<1x1600x16xf32, #tpu.memory_space<vmem>>
      %get3A_863 = tpu.memref_squeeze %get3A_862 : memref<1x1600x16xf32, #tpu.memory_space<vmem>> -> memref<1600x16xf32, #tpu.memory_space<vmem>>
      %get3A_864 = arith.index_cast %add3A_859 : i32 to index
      %get3A_865 = arith.constant 0 : index
      %get3A_866 = tpu.vector_load %get3A_863[%get3A_864, %get3A_865] {strides = array<i32>} : memref<1600x16xf32, #tpu.memory_space<vmem>>, vector<1x16xf32>,
      %get3A_867 = vector.shape_cast %get3A_866 : vector<1x16xf32> to vector<16xf32>
      %add3A_868 = arith.addf %add3A_824, %get3A_867 : vector<16xf32>
      %add3A_869 = arith.constant 20 : i32
      %add3A_870 = arith.addi %mul3A_653, %add3A_869 : i32
      %get3A_871 = arith.constant 0 : i32
      %get3A_872 = arith.constant 0 : i32
      %get3A_873 = tpu.memref_slice %arg6[%scan3A_618, %get3A_871, %get3A_872] : memref<2x1600x16xf32, #tpu.memory_space<vmem>> -> memref<1x1600x16xf32, #tpu.memory_space<vmem>>
      %get3A_874 = tpu.memref_squeeze %get3A_873 : memref<1x1600x16xf32, #tpu.memory_space<vmem>> -> memref<1600x16xf32, #tpu.memory_space<vmem>>
      %get3A_875 = arith.index_cast %add3A_870 : i32 to index
      %get3A_876 = arith.constant 0 : index
      %get3A_877 = tpu.vector_load %get3A_874[%get3A_875, %get3A_876] {strides = array<i32>} : memref<1600x16xf32, #tpu.memory_space<vmem>>, vector<1x16xf32>,
      %get3A_878 = vector.shape_cast %get3A_877 : vector<1x16xf32> to vector<16xf32>
      %add3A_879 = arith.addf %add3A_835, %get3A_878 : vector<16xf32>
      %add3A_880 = arith.constant 21 : i32
      %add3A_881 = arith.addi %mul3A_653, %add3A_880 : i32
      %get3A_882 = arith.constant 0 : i32
      %get3A_883 = arith.constant 0 : i32
      %get3A_884 = tpu.memref_slice %arg6[%scan3A_618, %get3A_882, %get3A_883] : memref<2x1600x16xf32, #tpu.memory_space<vmem>> -> memref<1x1600x16xf32, #tpu.memory_space<vmem>>
      %get3A_885 = tpu.memref_squeeze %get3A_884 : memref<1x1600x16xf32, #tpu.memory_space<vmem>> -> memref<1600x16xf32, #tpu.memory_space<vmem>>
      %get3A_886 = arith.index_cast %add3A_881 : i32 to index
      %get3A_887 = arith.constant 0 : index
      %get3A_888 = tpu.vector_load %get3A_885[%get3A_886, %get3A_887] {strides = array<i32>} : memref<1600x16xf32, #tpu.memory_space<vmem>>, vector<1x16xf32>,
      %get3A_889 = vector.shape_cast %get3A_888 : vector<1x16xf32> to vector<16xf32>
      %add3A_890 = arith.addf %add3A_846, %get3A_889 : vector<16xf32>
      %add3A_891 = arith.constant 22 : i32
      %add3A_892 = arith.addi %mul3A_653, %add3A_891 : i32
      %get3A_893 = arith.constant 0 : i32
      %get3A_894 = arith.constant 0 : i32
      %get3A_895 = tpu.memref_slice %arg6[%scan3A_618, %get3A_893, %get3A_894] : memref<2x1600x16xf32, #tpu.memory_space<vmem>> -> memref<1x1600x16xf32, #tpu.memory_space<vmem>>
      %get3A_896 = tpu.memref_squeeze %get3A_895 : memref<1x1600x16xf32, #tpu.memory_space<vmem>> -> memref<1600x16xf32, #tpu.memory_space<vmem>>
      %get3A_897 = arith.index_cast %add3A_892 : i32 to index
      %get3A_898 = arith.constant 0 : index
      %get3A_899 = tpu.vector_load %get3A_896[%get3A_897, %get3A_898] {strides = array<i32>} : memref<1600x16xf32, #tpu.memory_space<vmem>>, vector<1x16xf32>,
      %get3A_900 = vector.shape_cast %get3A_899 : vector<1x16xf32> to vector<16xf32>
      %add3A_901 = arith.addf %add3A_857, %get3A_900 : vector<16xf32>
      %add3A_902 = arith.constant 23 : i32
      %add3A_903 = arith.addi %mul3A_653, %add3A_902 : i32
      %get3A_904 = arith.constant 0 : i32
      %get3A_905 = arith.constant 0 : i32
      %get3A_906 = tpu.memref_slice %arg6[%scan3A_618, %get3A_904, %get3A_905] : memref<2x1600x16xf32, #tpu.memory_space<vmem>> -> memref<1x1600x16xf32, #tpu.memory_space<vmem>>
      %get3A_907 = tpu.memref_squeeze %get3A_906 : memref<1x1600x16xf32, #tpu.memory_space<vmem>> -> memref<1600x16xf32, #tpu.memory_space<vmem>>
      %get3A_908 = arith.index_cast %add3A_903 : i32 to index
      %get3A_909 = arith.constant 0 : index
      %get3A_910 = tpu.vector_load %get3A_907[%get3A_908, %get3A_909] {strides = array<i32>} : memref<1600x16xf32, #tpu.memory_space<vmem>>, vector<1x16xf32>,
      %get3A_911 = vector.shape_cast %get3A_910 : vector<1x16xf32> to vector<16xf32>
      %add3A_912 = arith.addf %add3A_868, %get3A_911 : vector<16xf32>
      %add3A_913 = arith.constant 24 : i32
      %add3A_914 = arith.addi %mul3A_653, %add3A_913 : i32
      %get3A_915 = arith.constant 0 : i32
      %get3A_916 = arith.constant 0 : i32
      %get3A_917 = tpu.memref_slice %arg6[%scan3A_618, %get3A_915, %get3A_916] : memref<2x1600x16xf32, #tpu.memory_space<vmem>> -> memref<1x1600x16xf32, #tpu.memory_space<vmem>>
      %get3A_918 = tpu.memref_squeeze %get3A_917 : memref<1x1600x16xf32, #tpu.memory_space<vmem>> -> memref<1600x16xf32, #tpu.memory_space<vmem>>
      %get3A_919 = arith.index_cast %add3A_914 : i32 to index
      %get3A_920 = arith.constant 0 : index
      %get3A_921 = tpu.vector_load %get3A_918[%get3A_919, %get3A_920] {strides = array<i32>} : memref<1600x16xf32, #tpu.memory_space<vmem>>, vector<1x16xf32>,
      %get3A_922 = vector.shape_cast %get3A_921 : vector<1x16xf32> to vector<16xf32>
      %add3A_923 = arith.addf %add3A_879, %get3A_922 : vector<16xf32>
      %add3A_924 = arith.constant 25 : i32
      %add3A_925 = arith.addi %mul3A_653, %add3A_924 : i32
      %get3A_926 = arith.constant 0 : i32
      %get3A_927 = arith.constant 0 : i32
      %get3A_928 = tpu.memref_slice %arg6[%scan3A_618, %get3A_926, %get3A_927] : memref<2x1600x16xf32, #tpu.memory_space<vmem>> -> memref<1x1600x16xf32, #tpu.memory_space<vmem>>
      %get3A_929 = tpu.memref_squeeze %get3A_928 : memref<1x1600x16xf32, #tpu.memory_space<vmem>> -> memref<1600x16xf32, #tpu.memory_space<vmem>>
      %get3A_930 = arith.index_cast %add3A_925 : i32 to index
      %get3A_931 = arith.constant 0 : index
      %get3A_932 = tpu.vector_load %get3A_929[%get3A_930, %get3A_931] {strides = array<i32>} : memref<1600x16xf32, #tpu.memory_space<vmem>>, vector<1x16xf32>,
      %get3A_933 = vector.shape_cast %get3A_932 : vector<1x16xf32> to vector<16xf32>
      %add3A_934 = arith.addf %add3A_890, %get3A_933 : vector<16xf32>
      %add3A_935 = arith.constant 26 : i32
      %add3A_936 = arith.addi %mul3A_653, %add3A_935 : i32
      %get3A_937 = arith.constant 0 : i32
      %get3A_938 = arith.constant 0 : i32
      %get3A_939 = tpu.memref_slice %arg6[%scan3A_618, %get3A_937, %get3A_938] : memref<2x1600x16xf32, #tpu.memory_space<vmem>> -> memref<1x1600x16xf32, #tpu.memory_space<vmem>>
      %get3A_940 = tpu.memref_squeeze %get3A_939 : memref<1x1600x16xf32, #tpu.memory_space<vmem>> -> memref<1600x16xf32, #tpu.memory_space<vmem>>
      %get3A_941 = arith.index_cast %add3A_936 : i32 to index
      %get3A_942 = arith.constant 0 : index
      %get3A_943 = tpu.vector_load %get3A_940[%get3A_941, %get3A_942] {strides = array<i32>} : memref<1600x16xf32, #tpu.memory_space<vmem>>, vector<1x16xf32>,
      %get3A_944 = vector.shape_cast %get3A_943 : vector<1x16xf32> to vector<16xf32>
      %add3A_945 = arith.addf %add3A_901, %get3A_944 : vector<16xf32>
      %add3A_946 = arith.constant 27 : i32
      %add3A_947 = arith.addi %mul3A_653, %add3A_946 : i32
      %get3A_948 = arith.constant 0 : i32
      %get3A_949 = arith.constant 0 : i32
      %get3A_950 = tpu.memref_slice %arg6[%scan3A_618, %get3A_948, %get3A_949] : memref<2x1600x16xf32, #tpu.memory_space<vmem>> -> memref<1x1600x16xf32, #tpu.memory_space<vmem>>
      %get3A_951 = tpu.memref_squeeze %get3A_950 : memref<1x1600x16xf32, #tpu.memory_space<vmem>> -> memref<1600x16xf32, #tpu.memory_space<vmem>>
      %get3A_952 = arith.index_cast %add3A_947 : i32 to index
      %get3A_953 = arith.constant 0 : index
      %get3A_954 = tpu.vector_load %get3A_951[%get3A_952, %get3A_953] {strides = array<i32>} : memref<1600x16xf32, #tpu.memory_space<vmem>>, vector<1x16xf32>,
      %get3A_955 = vector.shape_cast %get3A_954 : vector<1x16xf32> to vector<16xf32>
      %add3A_956 = arith.addf %add3A_912, %get3A_955 : vector<16xf32>
      %add3A_957 = arith.constant 28 : i32
      %add3A_958 = arith.addi %mul3A_653, %add3A_957 : i32
      %get3A_959 = arith.constant 0 : i32
      %get3A_960 = arith.constant 0 : i32
      %get3A_961 = tpu.memref_slice %arg6[%scan3A_618, %get3A_959, %get3A_960] : memref<2x1600x16xf32, #tpu.memory_space<vmem>> -> memref<1x1600x16xf32, #tpu.memory_space<vmem>>
      %get3A_962 = tpu.memref_squeeze %get3A_961 : memref<1x1600x16xf32, #tpu.memory_space<vmem>> -> memref<1600x16xf32, #tpu.memory_space<vmem>>
      %get3A_963 = arith.index_cast %add3A_958 : i32 to index
      %get3A_964 = arith.constant 0 : index
      %get3A_965 = tpu.vector_load %get3A_962[%get3A_963, %get3A_964] {strides = array<i32>} : memref<1600x16xf32, #tpu.memory_space<vmem>>, vector<1x16xf32>,
      %get3A_966 = vector.shape_cast %get3A_965 : vector<1x16xf32> to vector<16xf32>
      %add3A_967 = arith.addf %add3A_923, %get3A_966 : vector<16xf32>
      %add3A_968 = arith.constant 29 : i32
      %add3A_969 = arith.addi %mul3A_653, %add3A_968 : i32
      %get3A_970 = arith.constant 0 : i32
      %get3A_971 = arith.constant 0 : i32
      %get3A_972 = tpu.memref_slice %arg6[%scan3A_618, %get3A_970, %get3A_971] : memref<2x1600x16xf32, #tpu.memory_space<vmem>> -> memref<1x1600x16xf32, #tpu.memory_space<vmem>>
      %get3A_973 = tpu.memref_squeeze %get3A_972 : memref<1x1600x16xf32, #tpu.memory_space<vmem>> -> memref<1600x16xf32, #tpu.memory_space<vmem>>
      %get3A_974 = arith.index_cast %add3A_969 : i32 to index
      %get3A_975 = arith.constant 0 : index
      %get3A_976 = tpu.vector_load %get3A_973[%get3A_974, %get3A_975] {strides = array<i32>} : memref<1600x16xf32, #tpu.memory_space<vmem>>, vector<1x16xf32>,
      %get3A_977 = vector.shape_cast %get3A_976 : vector<1x16xf32> to vector<16xf32>
      %add3A_978 = arith.addf %add3A_934, %get3A_977 : vector<16xf32>
      %add3A_979 = arith.constant 30 : i32
      %add3A_980 = arith.addi %mul3A_653, %add3A_979 : i32
      %get3A_981 = arith.constant 0 : i32
      %get3A_982 = arith.constant 0 : i32
      %get3A_983 = tpu.memref_slice %arg6[%scan3A_618, %get3A_981, %get3A_982] : memref<2x1600x16xf32, #tpu.memory_space<vmem>> -> memref<1x1600x16xf32, #tpu.memory_space<vmem>>
      %get3A_984 = tpu.memref_squeeze %get3A_983 : memref<1x1600x16xf32, #tpu.memory_space<vmem>> -> memref<1600x16xf32, #tpu.memory_space<vmem>>
      %get3A_985 = arith.index_cast %add3A_980 : i32 to index
      %get3A_986 = arith.constant 0 : index
      %get3A_987 = tpu.vector_load %get3A_984[%get3A_985, %get3A_986] {strides = array<i32>} : memref<1600x16xf32, #tpu.memory_space<vmem>>, vector<1x16xf32>,
      %get3A_988 = vector.shape_cast %get3A_987 : vector<1x16xf32> to vector<16xf32>
      %add3A_989 = arith.addf %add3A_945, %get3A_988 : vector<16xf32>
      %add3A_990 = arith.constant 31 : i32
      %add3A_991 = arith.addi %mul3A_653, %add3A_990 : i32
      %get3A_992 = arith.constant 0 : i32
      %get3A_993 = arith.constant 0 : i32
      %get3A_994 = tpu.memref_slice %arg6[%scan3A_618, %get3A_992, %get3A_993] : memref<2x1600x16xf32, #tpu.memory_space<vmem>> -> memref<1x1600x16xf32, #tpu.memory_space<vmem>>
      %get3A_995 = tpu.memref_squeeze %get3A_994 : memref<1x1600x16xf32, #tpu.memory_space<vmem>> -> memref<1600x16xf32, #tpu.memory_space<vmem>>
      %get3A_996 = arith.index_cast %add3A_991 : i32 to index
      %get3A_997 = arith.constant 0 : index
      %get3A_998 = tpu.vector_load %get3A_995[%get3A_996, %get3A_997] {strides = array<i32>} : memref<1600x16xf32, #tpu.memory_space<vmem>>, vector<1x16xf32>,
      %get3A_999 = vector.shape_cast %get3A_998 : vector<1x16xf32> to vector<16xf32>
      %add3A_1000 = arith.addf %add3A_956, %get3A_999 : vector<16xf32>
      %add3A_1001 = arith.constant 32 : i32
      %add3A_1002 = arith.addi %mul3A_653, %add3A_1001 : i32
      %get3A_1003 = arith.constant 0 : i32
      %get3A_1004 = arith.constant 0 : i32
      %get3A_1005 = tpu.memref_slice %arg6[%scan3A_618, %get3A_1003, %get3A_1004] : memref<2x1600x16xf32, #tpu.memory_space<vmem>> -> memref<1x1600x16xf32, #tpu.memory_space<vmem>>
      %get3A_1006 = tpu.memref_squeeze %get3A_1005 : memref<1x1600x16xf32, #tpu.memory_space<vmem>> -> memref<1600x16xf32, #tpu.memory_space<vmem>>
      %get3A_1007 = arith.index_cast %add3A_1002 : i32 to index
      %get3A_1008 = arith.constant 0 : index
      %get3A_1009 = tpu.vector_load %get3A_1006[%get3A_1007, %get3A_1008] {strides = array<i32>} : memref<1600x16xf32, #tpu.memory_space<vmem>>, vector<1x16xf32>,
      %get3A_1010 = vector.shape_cast %get3A_1009 : vector<1x16xf32> to vector<16xf32>
      %add3A_1011 = arith.addf %add3A_967, %get3A_1010 : vector<16xf32>
      %add3A_1012 = arith.constant 33 : i32
      %add3A_1013 = arith.addi %mul3A_653, %add3A_1012 : i32
      %get3A_1014 = arith.constant 0 : i32
      %get3A_1015 = arith.constant 0 : i32
      %get3A_1016 = tpu.memref_slice %arg6[%scan3A_618, %get3A_1014, %get3A_1015] : memref<2x1600x16xf32, #tpu.memory_space<vmem>> -> memref<1x1600x16xf32, #tpu.memory_space<vmem>>
      %get3A_1017 = tpu.memref_squeeze %get3A_1016 : memref<1x1600x16xf32, #tpu.memory_space<vmem>> -> memref<1600x16xf32, #tpu.memory_space<vmem>>
      %get3A_1018 = arith.index_cast %add3A_1013 : i32 to index
      %get3A_1019 = arith.constant 0 : index
      %get3A_1020 = tpu.vector_load %get3A_1017[%get3A_1018, %get3A_1019] {strides = array<i32>} : memref<1600x16xf32, #tpu.memory_space<vmem>>, vector<1x16xf32>,
      %get3A_1021 = vector.shape_cast %get3A_1020 : vector<1x16xf32> to vector<16xf32>
      %add3A_1022 = arith.addf %add3A_978, %get3A_1021 : vector<16xf32>
      %add3A_1023 = arith.constant 34 : i32
      %add3A_1024 = arith.addi %mul3A_653, %add3A_1023 : i32
      %get3A_1025 = arith.constant 0 : i32
      %get3A_1026 = arith.constant 0 : i32
      %get3A_1027 = tpu.memref_slice %arg6[%scan3A_618, %get3A_1025, %get3A_1026] : memref<2x1600x16xf32, #tpu.memory_space<vmem>> -> memref<1x1600x16xf32, #tpu.memory_space<vmem>>
      %get3A_1028 = tpu.memref_squeeze %get3A_1027 : memref<1x1600x16xf32, #tpu.memory_space<vmem>> -> memref<1600x16xf32, #tpu.memory_space<vmem>>
      %get3A_1029 = arith.index_cast %add3A_1024 : i32 to index
      %get3A_1030 = arith.constant 0 : index
      %get3A_1031 = tpu.vector_load %get3A_1028[%get3A_1029, %get3A_1030] {strides = array<i32>} : memref<1600x16xf32, #tpu.memory_space<vmem>>, vector<1x16xf32>,
      %get3A_1032 = vector.shape_cast %get3A_1031 : vector<1x16xf32> to vector<16xf32>
      %add3A_1033 = arith.addf %add3A_989, %get3A_1032 : vector<16xf32>
      %add3A_1034 = arith.constant 35 : i32
      %add3A_1035 = arith.addi %mul3A_653, %add3A_1034 : i32
      %get3A_1036 = arith.constant 0 : i32
      %get3A_1037 = arith.constant 0 : i32
      %get3A_1038 = tpu.memref_slice %arg6[%scan3A_618, %get3A_1036, %get3A_1037] : memref<2x1600x16xf32, #tpu.memory_space<vmem>> -> memref<1x1600x16xf32, #tpu.memory_space<vmem>>
      %get3A_1039 = tpu.memref_squeeze %get3A_1038 : memref<1x1600x16xf32, #tpu.memory_space<vmem>> -> memref<1600x16xf32, #tpu.memory_space<vmem>>
      %get3A_1040 = arith.index_cast %add3A_1035 : i32 to index
      %get3A_1041 = arith.constant 0 : index
      %get3A_1042 = tpu.vector_load %get3A_1039[%get3A_1040, %get3A_1041] {strides = array<i32>} : memref<1600x16xf32, #tpu.memory_space<vmem>>, vector<1x16xf32>,
      %get3A_1043 = vector.shape_cast %get3A_1042 : vector<1x16xf32> to vector<16xf32>
      %add3A_1044 = arith.addf %add3A_1000, %get3A_1043 : vector<16xf32>
      %add3A_1045 = arith.constant 36 : i32
      %add3A_1046 = arith.addi %mul3A_653, %add3A_1045 : i32
      %get3A_1047 = arith.constant 0 : i32
      %get3A_1048 = arith.constant 0 : i32
      %get3A_1049 = tpu.memref_slice %arg6[%scan3A_618, %get3A_1047, %get3A_1048] : memref<2x1600x16xf32, #tpu.memory_space<vmem>> -> memref<1x1600x16xf32, #tpu.memory_space<vmem>>
      %get3A_1050 = tpu.memref_squeeze %get3A_1049 : memref<1x1600x16xf32, #tpu.memory_space<vmem>> -> memref<1600x16xf32, #tpu.memory_space<vmem>>
      %get3A_1051 = arith.index_cast %add3A_1046 : i32 to index
      %get3A_1052 = arith.constant 0 : index
      %get3A_1053 = tpu.vector_load %get3A_1050[%get3A_1051, %get3A_1052] {strides = array<i32>} : memref<1600x16xf32, #tpu.memory_space<vmem>>, vector<1x16xf32>,
      %get3A_1054 = vector.shape_cast %get3A_1053 : vector<1x16xf32> to vector<16xf32>
      %add3A_1055 = arith.addf %add3A_1011, %get3A_1054 : vector<16xf32>
      %add3A_1056 = arith.constant 37 : i32
      %add3A_1057 = arith.addi %mul3A_653, %add3A_1056 : i32
      %get3A_1058 = arith.constant 0 : i32
      %get3A_1059 = arith.constant 0 : i32
      %get3A_1060 = tpu.memref_slice %arg6[%scan3A_618, %get3A_1058, %get3A_1059] : memref<2x1600x16xf32, #tpu.memory_space<vmem>> -> memref<1x1600x16xf32, #tpu.memory_space<vmem>>
      %get3A_1061 = tpu.memref_squeeze %get3A_1060 : memref<1x1600x16xf32, #tpu.memory_space<vmem>> -> memref<1600x16xf32, #tpu.memory_space<vmem>>
      %get3A_1062 = arith.index_cast %add3A_1057 : i32 to index
      %get3A_1063 = arith.constant 0 : index
      %get3A_1064 = tpu.vector_load %get3A_1061[%get3A_1062, %get3A_1063] {strides = array<i32>} : memref<1600x16xf32, #tpu.memory_space<vmem>>, vector<1x16xf32>,
      %get3A_1065 = vector.shape_cast %get3A_1064 : vector<1x16xf32> to vector<16xf32>
      %add3A_1066 = arith.addf %add3A_1022, %get3A_1065 : vector<16xf32>
      %add3A_1067 = arith.constant 38 : i32
      %add3A_1068 = arith.addi %mul3A_653, %add3A_1067 : i32
      %get3A_1069 = arith.constant 0 : i32
      %get3A_1070 = arith.constant 0 : i32
      %get3A_1071 = tpu.memref_slice %arg6[%scan3A_618, %get3A_1069, %get3A_1070] : memref<2x1600x16xf32, #tpu.memory_space<vmem>> -> memref<1x1600x16xf32, #tpu.memory_space<vmem>>
      %get3A_1072 = tpu.memref_squeeze %get3A_1071 : memref<1x1600x16xf32, #tpu.memory_space<vmem>> -> memref<1600x16xf32, #tpu.memory_space<vmem>>
      %get3A_1073 = arith.index_cast %add3A_1068 : i32 to index
      %get3A_1074 = arith.constant 0 : index
      %get3A_1075 = tpu.vector_load %get3A_1072[%get3A_1073, %get3A_1074] {strides = array<i32>} : memref<1600x16xf32, #tpu.memory_space<vmem>>, vector<1x16xf32>,
      %get3A_1076 = vector.shape_cast %get3A_1075 : vector<1x16xf32> to vector<16xf32>
      %add3A_1077 = arith.addf %add3A_1033, %get3A_1076 : vector<16xf32>
      %add3A_1078 = arith.constant 39 : i32
      %add3A_1079 = arith.addi %mul3A_653, %add3A_1078 : i32
      %get3A_1080 = arith.constant 0 : i32
      %get3A_1081 = arith.constant 0 : i32
      %get3A_1082 = tpu.memref_slice %arg6[%scan3A_618, %get3A_1080, %get3A_1081] : memref<2x1600x16xf32, #tpu.memory_space<vmem>> -> memref<1x1600x16xf32, #tpu.memory_space<vmem>>
      %get3A_1083 = tpu.memref_squeeze %get3A_1082 : memref<1x1600x16xf32, #tpu.memory_space<vmem>> -> memref<1600x16xf32, #tpu.memory_space<vmem>>
      %get3A_1084 = arith.index_cast %add3A_1079 : i32 to index
      %get3A_1085 = arith.constant 0 : index
      %get3A_1086 = tpu.vector_load %get3A_1083[%get3A_1084, %get3A_1085] {strides = array<i32>} : memref<1600x16xf32, #tpu.memory_space<vmem>>, vector<1x16xf32>,
      %get3A_1087 = vector.shape_cast %get3A_1086 : vector<1x16xf32> to vector<16xf32>
      %add3A_1088 = arith.addf %add3A_1044, %get3A_1087 : vector<16xf32>
      %add3A_1089 = arith.constant 40 : i32
      %add3A_1090 = arith.addi %mul3A_653, %add3A_1089 : i32
      %get3A_1091 = arith.constant 0 : i32
      %get3A_1092 = arith.constant 0 : i32
      %get3A_1093 = tpu.memref_slice %arg6[%scan3A_618, %get3A_1091, %get3A_1092] : memref<2x1600x16xf32, #tpu.memory_space<vmem>> -> memref<1x1600x16xf32, #tpu.memory_space<vmem>>
      %get3A_1094 = tpu.memref_squeeze %get3A_1093 : memref<1x1600x16xf32, #tpu.memory_space<vmem>> -> memref<1600x16xf32, #tpu.memory_space<vmem>>
      %get3A_1095 = arith.index_cast %add3A_1090 : i32 to index
      %get3A_1096 = arith.constant 0 : index
      %get3A_1097 = tpu.vector_load %get3A_1094[%get3A_1095, %get3A_1096] {strides = array<i32>} : memref<1600x16xf32, #tpu.memory_space<vmem>>, vector<1x16xf32>,
      %get3A_1098 = vector.shape_cast %get3A_1097 : vector<1x16xf32> to vector<16xf32>
      %add3A_1099 = arith.addf %add3A_1055, %get3A_1098 : vector<16xf32>
      %add3A_1100 = arith.constant 41 : i32
      %add3A_1101 = arith.addi %mul3A_653, %add3A_1100 : i32
      %get3A_1102 = arith.constant 0 : i32
      %get3A_1103 = arith.constant 0 : i32
      %get3A_1104 = tpu.memref_slice %arg6[%scan3A_618, %get3A_1102, %get3A_1103] : memref<2x1600x16xf32, #tpu.memory_space<vmem>> -> memref<1x1600x16xf32, #tpu.memory_space<vmem>>
      %get3A_1105 = tpu.memref_squeeze %get3A_1104 : memref<1x1600x16xf32, #tpu.memory_space<vmem>> -> memref<1600x16xf32, #tpu.memory_space<vmem>>
      %get3A_1106 = arith.index_cast %add3A_1101 : i32 to index
      %get3A_1107 = arith.constant 0 : index
      %get3A_1108 = tpu.vector_load %get3A_1105[%get3A_1106, %get3A_1107] {strides = array<i32>} : memref<1600x16xf32, #tpu.memory_space<vmem>>, vector<1x16xf32>,
      %get3A_1109 = vector.shape_cast %get3A_1108 : vector<1x16xf32> to vector<16xf32>
      %add3A_1110 = arith.addf %add3A_1066, %get3A_1109 : vector<16xf32>
      %add3A_1111 = arith.constant 42 : i32
      %add3A_1112 = arith.addi %mul3A_653, %add3A_1111 : i32
      %get3A_1113 = arith.constant 0 : i32
      %get3A_1114 = arith.constant 0 : i32
      %get3A_1115 = tpu.memref_slice %arg6[%scan3A_618, %get3A_1113, %get3A_1114] : memref<2x1600x16xf32, #tpu.memory_space<vmem>> -> memref<1x1600x16xf32, #tpu.memory_space<vmem>>
      %get3A_1116 = tpu.memref_squeeze %get3A_1115 : memref<1x1600x16xf32, #tpu.memory_space<vmem>> -> memref<1600x16xf32, #tpu.memory_space<vmem>>
      %get3A_1117 = arith.index_cast %add3A_1112 : i32 to index
      %get3A_1118 = arith.constant 0 : index
      %get3A_1119 = tpu.vector_load %get3A_1116[%get3A_1117, %get3A_1118] {strides = array<i32>} : memref<1600x16xf32, #tpu.memory_space<vmem>>, vector<1x16xf32>,
      %get3A_1120 = vector.shape_cast %get3A_1119 : vector<1x16xf32> to vector<16xf32>
      %add3A_1121 = arith.addf %add3A_1077, %get3A_1120 : vector<16xf32>
      %add3A_1122 = arith.constant 43 : i32
      %add3A_1123 = arith.addi %mul3A_653, %add3A_1122 : i32
      %get3A_1124 = arith.constant 0 : i32
      %get3A_1125 = arith.constant 0 : i32
      %get3A_1126 = tpu.memref_slice %arg6[%scan3A_618, %get3A_1124, %get3A_1125] : memref<2x1600x16xf32, #tpu.memory_space<vmem>> -> memref<1x1600x16xf32, #tpu.memory_space<vmem>>
      %get3A_1127 = tpu.memref_squeeze %get3A_1126 : memref<1x1600x16xf32, #tpu.memory_space<vmem>> -> memref<1600x16xf32, #tpu.memory_space<vmem>>
      %get3A_1128 = arith.index_cast %add3A_1123 : i32 to index
      %get3A_1129 = arith.constant 0 : index
      %get3A_1130 = tpu.vector_load %get3A_1127[%get3A_1128, %get3A_1129] {strides = array<i32>} : memref<1600x16xf32, #tpu.memory_space<vmem>>, vector<1x16xf32>,
      %get3A_1131 = vector.shape_cast %get3A_1130 : vector<1x16xf32> to vector<16xf32>
      %add3A_1132 = arith.addf %add3A_1088, %get3A_1131 : vector<16xf32>
      %add3A_1133 = arith.constant 44 : i32
      %add3A_1134 = arith.addi %mul3A_653, %add3A_1133 : i32
      %get3A_1135 = arith.constant 0 : i32
      %get3A_1136 = arith.constant 0 : i32
      %get3A_1137 = tpu.memref_slice %arg6[%scan3A_618, %get3A_1135, %get3A_1136] : memref<2x1600x16xf32, #tpu.memory_space<vmem>> -> memref<1x1600x16xf32, #tpu.memory_space<vmem>>
      %get3A_1138 = tpu.memref_squeeze %get3A_1137 : memref<1x1600x16xf32, #tpu.memory_space<vmem>> -> memref<1600x16xf32, #tpu.memory_space<vmem>>
      %get3A_1139 = arith.index_cast %add3A_1134 : i32 to index
      %get3A_1140 = arith.constant 0 : index
      %get3A_1141 = tpu.vector_load %get3A_1138[%get3A_1139, %get3A_1140] {strides = array<i32>} : memref<1600x16xf32, #tpu.memory_space<vmem>>, vector<1x16xf32>,
      %get3A_1142 = vector.shape_cast %get3A_1141 : vector<1x16xf32> to vector<16xf32>
      %add3A_1143 = arith.addf %add3A_1099, %get3A_1142 : vector<16xf32>
      %add3A_1144 = arith.constant 45 : i32
      %add3A_1145 = arith.addi %mul3A_653, %add3A_1144 : i32
      %get3A_1146 = arith.constant 0 : i32
      %get3A_1147 = arith.constant 0 : i32
      %get3A_1148 = tpu.memref_slice %arg6[%scan3A_618, %get3A_1146, %get3A_1147] : memref<2x1600x16xf32, #tpu.memory_space<vmem>> -> memref<1x1600x16xf32, #tpu.memory_space<vmem>>
      %get3A_1149 = tpu.memref_squeeze %get3A_1148 : memref<1x1600x16xf32, #tpu.memory_space<vmem>> -> memref<1600x16xf32, #tpu.memory_space<vmem>>
      %get3A_1150 = arith.index_cast %add3A_1145 : i32 to index
      %get3A_1151 = arith.constant 0 : index
      %get3A_1152 = tpu.vector_load %get3A_1149[%get3A_1150, %get3A_1151] {strides = array<i32>} : memref<1600x16xf32, #tpu.memory_space<vmem>>, vector<1x16xf32>,
      %get3A_1153 = vector.shape_cast %get3A_1152 : vector<1x16xf32> to vector<16xf32>
      %add3A_1154 = arith.addf %add3A_1110, %get3A_1153 : vector<16xf32>
      %add3A_1155 = arith.constant 46 : i32
      %add3A_1156 = arith.addi %mul3A_653, %add3A_1155 : i32
      %get3A_1157 = arith.constant 0 : i32
      %get3A_1158 = arith.constant 0 : i32
      %get3A_1159 = tpu.memref_slice %arg6[%scan3A_618, %get3A_1157, %get3A_1158] : memref<2x1600x16xf32, #tpu.memory_space<vmem>> -> memref<1x1600x16xf32, #tpu.memory_space<vmem>>
      %get3A_1160 = tpu.memref_squeeze %get3A_1159 : memref<1x1600x16xf32, #tpu.memory_space<vmem>> -> memref<1600x16xf32, #tpu.memory_space<vmem>>
      %get3A_1161 = arith.index_cast %add3A_1156 : i32 to index
      %get3A_1162 = arith.constant 0 : index
      %get3A_1163 = tpu.vector_load %get3A_1160[%get3A_1161, %get3A_1162] {strides = array<i32>} : memref<1600x16xf32, #tpu.memory_space<vmem>>, vector<1x16xf32>,
      %get3A_1164 = vector.shape_cast %get3A_1163 : vector<1x16xf32> to vector<16xf32>
      %add3A_1165 = arith.addf %add3A_1121, %get3A_1164 : vector<16xf32>
      %add3A_1166 = arith.constant 47 : i32
      %add3A_1167 = arith.addi %mul3A_653, %add3A_1166 : i32
      %get3A_1168 = arith.constant 0 : i32
      %get3A_1169 = arith.constant 0 : i32
      %get3A_1170 = tpu.memref_slice %arg6[%scan3A_618, %get3A_1168, %get3A_1169] : memref<2x1600x16xf32, #tpu.memory_space<vmem>> -> memref<1x1600x16xf32, #tpu.memory_space<vmem>>
      %get3A_1171 = tpu.memref_squeeze %get3A_1170 : memref<1x1600x16xf32, #tpu.memory_space<vmem>> -> memref<1600x16xf32, #tpu.memory_space<vmem>>
      %get3A_1172 = arith.index_cast %add3A_1167 : i32 to index
      %get3A_1173 = arith.constant 0 : index
      %get3A_1174 = tpu.vector_load %get3A_1171[%get3A_1172, %get3A_1173] {strides = array<i32>} : memref<1600x16xf32, #tpu.memory_space<vmem>>, vector<1x16xf32>,
      %get3A_1175 = vector.shape_cast %get3A_1174 : vector<1x16xf32> to vector<16xf32>
      %add3A_1176 = arith.addf %add3A_1132, %get3A_1175 : vector<16xf32>
      %add3A_1177 = arith.constant 48 : i32
      %add3A_1178 = arith.addi %mul3A_653, %add3A_1177 : i32
      %get3A_1179 = arith.constant 0 : i32
      %get3A_1180 = arith.constant 0 : i32
      %get3A_1181 = tpu.memref_slice %arg6[%scan3A_618, %get3A_1179, %get3A_1180] : memref<2x1600x16xf32, #tpu.memory_space<vmem>> -> memref<1x1600x16xf32, #tpu.memory_space<vmem>>
      %get3A_1182 = tpu.memref_squeeze %get3A_1181 : memref<1x1600x16xf32, #tpu.memory_space<vmem>> -> memref<1600x16xf32, #tpu.memory_space<vmem>>
      %get3A_1183 = arith.index_cast %add3A_1178 : i32 to index
      %get3A_1184 = arith.constant 0 : index
      %get3A_1185 = tpu.vector_load %get3A_1182[%get3A_1183, %get3A_1184] {strides = array<i32>} : memref<1600x16xf32, #tpu.memory_space<vmem>>, vector<1x16xf32>,
      %get3A_1186 = vector.shape_cast %get3A_1185 : vector<1x16xf32> to vector<16xf32>
      %add3A_1187 = arith.addf %add3A_1143, %get3A_1186 : vector<16xf32>
      %add3A_1188 = arith.constant 49 : i32
      %add3A_1189 = arith.addi %mul3A_653, %add3A_1188 : i32
      %get3A_1190 = arith.constant 0 : i32
      %get3A_1191 = arith.constant 0 : i32
      %get3A_1192 = tpu.memref_slice %arg6[%scan3A_618, %get3A_1190, %get3A_1191] : memref<2x1600x16xf32, #tpu.memory_space<vmem>> -> memref<1x1600x16xf32, #tpu.memory_space<vmem>>
      %get3A_1193 = tpu.memref_squeeze %get3A_1192 : memref<1x1600x16xf32, #tpu.memory_space<vmem>> -> memref<1600x16xf32, #tpu.memory_space<vmem>>
      %get3A_1194 = arith.index_cast %add3A_1189 : i32 to index
      %get3A_1195 = arith.constant 0 : index
      %get3A_1196 = tpu.vector_load %get3A_1193[%get3A_1194, %get3A_1195] {strides = array<i32>} : memref<1600x16xf32, #tpu.memory_space<vmem>>, vector<1x16xf32>,
      %get3A_1197 = vector.shape_cast %get3A_1196 : vector<1x16xf32> to vector<16xf32>
      %add3A_1198 = arith.addf %add3A_1154, %get3A_1197 : vector<16xf32>
      %add3A_1199 = arith.addf %add3A_1187, %add3A_1198 : vector<16xf32>
      %add3A_1200 = arith.addf %add3A_1165, %add3A_1176 : vector<16xf32>
      %add3A_1201 = arith.addf %add3A_1199, %add3A_1200 : vector<16xf32>
      %add3A_1202 = arith.constant 448 : i32
      %add3A_1203 = arith.addi %add3A_1202, %add3A_651 : i32
      %swap3A = arith.index_cast %add3A_1203 : i32 to index
      %swap3A_1204 = arith.constant 0 : index
      %swap3A_1205 = tpu.vector_load %arg7[%swap3A, %swap3A_1204] {strides = array<i32>} : memref<512x16xf32, #tpu.memory_space<vmem>>, vector<1x16xf32>,
      %swap3A_1206 = vector.shape_cast %swap3A_1205 : vector<1x16xf32> to vector<16xf32>
      %swap3A_1207 = vector.shape_cast %add3A_1201 : vector<16xf32> to vector<1x16xf32>
      tpu.vector_store %arg7[%swap3A, %swap3A_1204], %swap3A_1207 {strides = array<i32>} : memref<512x16xf32, #tpu.memory_space<vmem>>, vector<1x16xf32>,
    }
    %scan3A_623 = arith.constant 32 : i32
    %dma_wait3A_624 = arith.constant 1 : i32
    %dma_wait3A_625 = arith.constant 0 : i32
    %dma_wait3A_626 = arith.constant 0 : i32
    %dma_wait3A_627 = tpu.memref_slice %arg6[%dma_wait3A_624, %dma_wait3A_625, %dma_wait3A_626] : memref<2x1600x16xf32, #tpu.memory_space<vmem>> -> memref<1x1600x16xf32, #tpu.memory_space<vmem>>
    %dma_wait3A_628 = tpu.memref_squeeze %dma_wait3A_627 : memref<1x1600x16xf32, #tpu.memory_space<vmem>> -> memref<1600x16xf32, #tpu.memory_space<vmem>>
    %dma_wait3A_629 = arith.constant 0 : i32
    %dma_wait3A_630 = arith.constant 0 : i32
    %dma_wait3A_631 = tpu.memref_slice %arg3[%dma_wait3A_629, %dma_wait3A_630] : memref<1000000x16xf32, #tpu.memory_space<hbm>> -> memref<1600x16xf32, #tpu.memory_space<hbm>>
    %dma_wait3A_632 = arith.constant 0 : i32
    %dma_wait3A_633 = arith.constant 0 : i32
    %dma_wait3A_634 = tpu.memref_slice %arg6[%dma_wait3A_624, %dma_wait3A_632, %dma_wait3A_633] : memref<2x1600x16xf32, #tpu.memory_space<vmem>> -> memref<1x1600x16xf32, #tpu.memory_space<vmem>>
    %dma_wait3A_635 = tpu.memref_squeeze %dma_wait3A_634 : memref<1x1600x16xf32, #tpu.memory_space<vmem>> -> memref<1600x16xf32, #tpu.memory_space<vmem>>
    %dma_wait3A_636 = arith.constant 0 : i32
    %dma_wait3A_637 = arith.constant 0 : i32
    %dma_wait3A_638 = tpu.memref_slice %arg3[%dma_wait3A_636, %dma_wait3A_637] : memref<1000000x16xf32, #tpu.memory_space<hbm>> -> memref<1600x16xf32, #tpu.memory_space<hbm>>
    tpu.wait_dma2 semaphore(%arg9 : memref<!tpu.dma_semaphore, #tpu.memory_space<semaphore_mem>>) src(%dma_wait3A_638 : memref<1600x16xf32, #tpu.memory_space<hbm>>) dst(%dma_wait3A_635 : memref<1600x16xf32, #tpu.memory_space<vmem>>)
    %scan3A_639 = arith.constant 1 : i32
    %scan3A_640 = arith.constant 0 : i32
    %scan3A_641 = arith.constant 32 : i32
    %scan3A_642 = arith.addi %scan3A_640, %scan3A_641 : i32
    %scan3A_643 = arith.constant 1 : i32
    scf.for %scan3A_647 = %scan3A_640 to %scan3A_642 step %scan3A_643  : i32 {
      %mul3A_648 = arith.constant 1 : i32
      %mul3A_649 = arith.muli %scan3A_647, %mul3A_648 : i32
      %add3A_650 = arith.constant 0 : i32
      %add3A_651 = arith.addi %add3A_650, %mul3A_649 : i32
      %mul3A_652 = arith.constant 50 : i32
      %mul3A_653 = arith.muli %add3A_651, %mul3A_652 : i32
      %add3A_654 = arith.constant 0 : i32
      %add3A_655 = arith.addi %mul3A_653, %add3A_654 : i32
      %get3A = arith.constant 0 : i32
      %get3A_656 = arith.constant 0 : i32
      %get3A_657 = tpu.memref_slice %arg6[%scan3A_639, %get3A, %get3A_656] : memref<2x1600x16xf32, #tpu.memory_space<vmem>> -> memref<1x1600x16xf32, #tpu.memory_space<vmem>>
      %get3A_658 = tpu.memref_squeeze %get3A_657 : memref<1x1600x16xf32, #tpu.memory_space<vmem>> -> memref<1600x16xf32, #tpu.memory_space<vmem>>
      %get3A_659 = arith.index_cast %add3A_655 : i32 to index
      %get3A_660 = arith.constant 0 : index
      %get3A_661 = tpu.vector_load %get3A_658[%get3A_659, %get3A_660] {strides = array<i32>} : memref<1600x16xf32, #tpu.memory_space<vmem>>, vector<1x16xf32>,
      %get3A_662 = vector.shape_cast %get3A_661 : vector<1x16xf32> to vector<16xf32>
      %add3A_663 = arith.constant 1 : i32
      %add3A_664 = arith.addi %mul3A_653, %add3A_663 : i32
      %get3A_665 = arith.constant 0 : i32
      %get3A_666 = arith.constant 0 : i32
      %get3A_667 = tpu.memref_slice %arg6[%scan3A_639, %get3A_665, %get3A_666] : memref<2x1600x16xf32, #tpu.memory_space<vmem>> -> memref<1x1600x16xf32, #tpu.memory_space<vmem>>
      %get3A_668 = tpu.memref_squeeze %get3A_667 : memref<1x1600x16xf32, #tpu.memory_space<vmem>> -> memref<1600x16xf32, #tpu.memory_space<vmem>>
      %get3A_669 = arith.index_cast %add3A_664 : i32 to index
      %get3A_670 = arith.constant 0 : index
      %get3A_671 = tpu.vector_load %get3A_668[%get3A_669, %get3A_670] {strides = array<i32>} : memref<1600x16xf32, #tpu.memory_space<vmem>>, vector<1x16xf32>,
      %get3A_672 = vector.shape_cast %get3A_671 : vector<1x16xf32> to vector<16xf32>
      %add3A_673 = arith.constant 2 : i32
      %add3A_674 = arith.addi %mul3A_653, %add3A_673 : i32
      %get3A_675 = arith.constant 0 : i32
      %get3A_676 = arith.constant 0 : i32
      %get3A_677 = tpu.memref_slice %arg6[%scan3A_639, %get3A_675, %get3A_676] : memref<2x1600x16xf32, #tpu.memory_space<vmem>> -> memref<1x1600x16xf32, #tpu.memory_space<vmem>>
      %get3A_678 = tpu.memref_squeeze %get3A_677 : memref<1x1600x16xf32, #tpu.memory_space<vmem>> -> memref<1600x16xf32, #tpu.memory_space<vmem>>
      %get3A_679 = arith.index_cast %add3A_674 : i32 to index
      %get3A_680 = arith.constant 0 : index
      %get3A_681 = tpu.vector_load %get3A_678[%get3A_679, %get3A_680] {strides = array<i32>} : memref<1600x16xf32, #tpu.memory_space<vmem>>, vector<1x16xf32>,
      %get3A_682 = vector.shape_cast %get3A_681 : vector<1x16xf32> to vector<16xf32>
      %add3A_683 = arith.constant 3 : i32
      %add3A_684 = arith.addi %mul3A_653, %add3A_683 : i32
      %get3A_685 = arith.constant 0 : i32
      %get3A_686 = arith.constant 0 : i32
      %get3A_687 = tpu.memref_slice %arg6[%scan3A_639, %get3A_685, %get3A_686] : memref<2x1600x16xf32, #tpu.memory_space<vmem>> -> memref<1x1600x16xf32, #tpu.memory_space<vmem>>
      %get3A_688 = tpu.memref_squeeze %get3A_687 : memref<1x1600x16xf32, #tpu.memory_space<vmem>> -> memref<1600x16xf32, #tpu.memory_space<vmem>>
      %get3A_689 = arith.index_cast %add3A_684 : i32 to index
      %get3A_690 = arith.constant 0 : index
      %get3A_691 = tpu.vector_load %get3A_688[%get3A_689, %get3A_690] {strides = array<i32>} : memref<1600x16xf32, #tpu.memory_space<vmem>>, vector<1x16xf32>,
      %get3A_692 = vector.shape_cast %get3A_691 : vector<1x16xf32> to vector<16xf32>
      %add3A_693 = arith.constant 4 : i32
      %add3A_694 = arith.addi %mul3A_653, %add3A_693 : i32
      %get3A_695 = arith.constant 0 : i32
      %get3A_696 = arith.constant 0 : i32
      %get3A_697 = tpu.memref_slice %arg6[%scan3A_639, %get3A_695, %get3A_696] : memref<2x1600x16xf32, #tpu.memory_space<vmem>> -> memref<1x1600x16xf32, #tpu.memory_space<vmem>>
      %get3A_698 = tpu.memref_squeeze %get3A_697 : memref<1x1600x16xf32, #tpu.memory_space<vmem>> -> memref<1600x16xf32, #tpu.memory_space<vmem>>
      %get3A_699 = arith.index_cast %add3A_694 : i32 to index
      %get3A_700 = arith.constant 0 : index
      %get3A_701 = tpu.vector_load %get3A_698[%get3A_699, %get3A_700] {strides = array<i32>} : memref<1600x16xf32, #tpu.memory_space<vmem>>, vector<1x16xf32>,
      %get3A_702 = vector.shape_cast %get3A_701 : vector<1x16xf32> to vector<16xf32>
      %add3A_703 = arith.addf %get3A_662, %get3A_702 : vector<16xf32>
      %add3A_704 = arith.constant 5 : i32
      %add3A_705 = arith.addi %mul3A_653, %add3A_704 : i32
      %get3A_706 = arith.constant 0 : i32
      %get3A_707 = arith.constant 0 : i32
      %get3A_708 = tpu.memref_slice %arg6[%scan3A_639, %get3A_706, %get3A_707] : memref<2x1600x16xf32, #tpu.memory_space<vmem>> -> memref<1x1600x16xf32, #tpu.memory_space<vmem>>
      %get3A_709 = tpu.memref_squeeze %get3A_708 : memref<1x1600x16xf32, #tpu.memory_space<vmem>> -> memref<1600x16xf32, #tpu.memory_space<vmem>>
      %get3A_710 = arith.index_cast %add3A_705 : i32 to index
      %get3A_711 = arith.constant 0 : index
      %get3A_712 = tpu.vector_load %get3A_709[%get3A_710, %get3A_711] {strides = array<i32>} : memref<1600x16xf32, #tpu.memory_space<vmem>>, vector<1x16xf32>,
      %get3A_713 = vector.shape_cast %get3A_712 : vector<1x16xf32> to vector<16xf32>
      %add3A_714 = arith.addf %get3A_672, %get3A_713 : vector<16xf32>
      %add3A_715 = arith.constant 6 : i32
      %add3A_716 = arith.addi %mul3A_653, %add3A_715 : i32
      %get3A_717 = arith.constant 0 : i32
      %get3A_718 = arith.constant 0 : i32
      %get3A_719 = tpu.memref_slice %arg6[%scan3A_639, %get3A_717, %get3A_718] : memref<2x1600x16xf32, #tpu.memory_space<vmem>> -> memref<1x1600x16xf32, #tpu.memory_space<vmem>>
      %get3A_720 = tpu.memref_squeeze %get3A_719 : memref<1x1600x16xf32, #tpu.memory_space<vmem>> -> memref<1600x16xf32, #tpu.memory_space<vmem>>
      %get3A_721 = arith.index_cast %add3A_716 : i32 to index
      %get3A_722 = arith.constant 0 : index
      %get3A_723 = tpu.vector_load %get3A_720[%get3A_721, %get3A_722] {strides = array<i32>} : memref<1600x16xf32, #tpu.memory_space<vmem>>, vector<1x16xf32>,
      %get3A_724 = vector.shape_cast %get3A_723 : vector<1x16xf32> to vector<16xf32>
      %add3A_725 = arith.addf %get3A_682, %get3A_724 : vector<16xf32>
      %add3A_726 = arith.constant 7 : i32
      %add3A_727 = arith.addi %mul3A_653, %add3A_726 : i32
      %get3A_728 = arith.constant 0 : i32
      %get3A_729 = arith.constant 0 : i32
      %get3A_730 = tpu.memref_slice %arg6[%scan3A_639, %get3A_728, %get3A_729] : memref<2x1600x16xf32, #tpu.memory_space<vmem>> -> memref<1x1600x16xf32, #tpu.memory_space<vmem>>
      %get3A_731 = tpu.memref_squeeze %get3A_730 : memref<1x1600x16xf32, #tpu.memory_space<vmem>> -> memref<1600x16xf32, #tpu.memory_space<vmem>>
      %get3A_732 = arith.index_cast %add3A_727 : i32 to index
      %get3A_733 = arith.constant 0 : index
      %get3A_734 = tpu.vector_load %get3A_731[%get3A_732, %get3A_733] {strides = array<i32>} : memref<1600x16xf32, #tpu.memory_space<vmem>>, vector<1x16xf32>,
      %get3A_735 = vector.shape_cast %get3A_734 : vector<1x16xf32> to vector<16xf32>
      %add3A_736 = arith.addf %get3A_692, %get3A_735 : vector<16xf32>
      %add3A_737 = arith.constant 8 : i32
      %add3A_738 = arith.addi %mul3A_653, %add3A_737 : i32
      %get3A_739 = arith.constant 0 : i32
      %get3A_740 = arith.constant 0 : i32
      %get3A_741 = tpu.memref_slice %arg6[%scan3A_639, %get3A_739, %get3A_740] : memref<2x1600x16xf32, #tpu.memory_space<vmem>> -> memref<1x1600x16xf32, #tpu.memory_space<vmem>>
      %get3A_742 = tpu.memref_squeeze %get3A_741 : memref<1x1600x16xf32, #tpu.memory_space<vmem>> -> memref<1600x16xf32, #tpu.memory_space<vmem>>
      %get3A_743 = arith.index_cast %add3A_738 : i32 to index
      %get3A_744 = arith.constant 0 : index
      %get3A_745 = tpu.vector_load %get3A_742[%get3A_743, %get3A_744] {strides = array<i32>} : memref<1600x16xf32, #tpu.memory_space<vmem>>, vector<1x16xf32>,
      %get3A_746 = vector.shape_cast %get3A_745 : vector<1x16xf32> to vector<16xf32>
      %add3A_747 = arith.addf %add3A_703, %get3A_746 : vector<16xf32>
      %add3A_748 = arith.constant 9 : i32
      %add3A_749 = arith.addi %mul3A_653, %add3A_748 : i32
      %get3A_750 = arith.constant 0 : i32
      %get3A_751 = arith.constant 0 : i32
      %get3A_752 = tpu.memref_slice %arg6[%scan3A_639, %get3A_750, %get3A_751] : memref<2x1600x16xf32, #tpu.memory_space<vmem>> -> memref<1x1600x16xf32, #tpu.memory_space<vmem>>
      %get3A_753 = tpu.memref_squeeze %get3A_752 : memref<1x1600x16xf32, #tpu.memory_space<vmem>> -> memref<1600x16xf32, #tpu.memory_space<vmem>>
      %get3A_754 = arith.index_cast %add3A_749 : i32 to index
      %get3A_755 = arith.constant 0 : index
      %get3A_756 = tpu.vector_load %get3A_753[%get3A_754, %get3A_755] {strides = array<i32>} : memref<1600x16xf32, #tpu.memory_space<vmem>>, vector<1x16xf32>,
      %get3A_757 = vector.shape_cast %get3A_756 : vector<1x16xf32> to vector<16xf32>
      %add3A_758 = arith.addf %add3A_714, %get3A_757 : vector<16xf32>
      %add3A_759 = arith.constant 10 : i32
      %add3A_760 = arith.addi %mul3A_653, %add3A_759 : i32
      %get3A_761 = arith.constant 0 : i32
      %get3A_762 = arith.constant 0 : i32
      %get3A_763 = tpu.memref_slice %arg6[%scan3A_639, %get3A_761, %get3A_762] : memref<2x1600x16xf32, #tpu.memory_space<vmem>> -> memref<1x1600x16xf32, #tpu.memory_space<vmem>>
      %get3A_764 = tpu.memref_squeeze %get3A_763 : memref<1x1600x16xf32, #tpu.memory_space<vmem>> -> memref<1600x16xf32, #tpu.memory_space<vmem>>
      %get3A_765 = arith.index_cast %add3A_760 : i32 to index
      %get3A_766 = arith.constant 0 : index
      %get3A_767 = tpu.vector_load %get3A_764[%get3A_765, %get3A_766] {strides = array<i32>} : memref<1600x16xf32, #tpu.memory_space<vmem>>, vector<1x16xf32>,
      %get3A_768 = vector.shape_cast %get3A_767 : vector<1x16xf32> to vector<16xf32>
      %add3A_769 = arith.addf %add3A_725, %get3A_768 : vector<16xf32>
      %add3A_770 = arith.constant 11 : i32
      %add3A_771 = arith.addi %mul3A_653, %add3A_770 : i32
      %get3A_772 = arith.constant 0 : i32
      %get3A_773 = arith.constant 0 : i32
      %get3A_774 = tpu.memref_slice %arg6[%scan3A_639, %get3A_772, %get3A_773] : memref<2x1600x16xf32, #tpu.memory_space<vmem>> -> memref<1x1600x16xf32, #tpu.memory_space<vmem>>
      %get3A_775 = tpu.memref_squeeze %get3A_774 : memref<1x1600x16xf32, #tpu.memory_space<vmem>> -> memref<1600x16xf32, #tpu.memory_space<vmem>>
      %get3A_776 = arith.index_cast %add3A_771 : i32 to index
      %get3A_777 = arith.constant 0 : index
      %get3A_778 = tpu.vector_load %get3A_775[%get3A_776, %get3A_777] {strides = array<i32>} : memref<1600x16xf32, #tpu.memory_space<vmem>>, vector<1x16xf32>,
      %get3A_779 = vector.shape_cast %get3A_778 : vector<1x16xf32> to vector<16xf32>
      %add3A_780 = arith.addf %add3A_736, %get3A_779 : vector<16xf32>
      %add3A_781 = arith.constant 12 : i32
      %add3A_782 = arith.addi %mul3A_653, %add3A_781 : i32
      %get3A_783 = arith.constant 0 : i32
      %get3A_784 = arith.constant 0 : i32
      %get3A_785 = tpu.memref_slice %arg6[%scan3A_639, %get3A_783, %get3A_784] : memref<2x1600x16xf32, #tpu.memory_space<vmem>> -> memref<1x1600x16xf32, #tpu.memory_space<vmem>>
      %get3A_786 = tpu.memref_squeeze %get3A_785 : memref<1x1600x16xf32, #tpu.memory_space<vmem>> -> memref<1600x16xf32, #tpu.memory_space<vmem>>
      %get3A_787 = arith.index_cast %add3A_782 : i32 to index
      %get3A_788 = arith.constant 0 : index
      %get3A_789 = tpu.vector_load %get3A_786[%get3A_787, %get3A_788] {strides = array<i32>} : memref<1600x16xf32, #tpu.memory_space<vmem>>, vector<1x16xf32>,
      %get3A_790 = vector.shape_cast %get3A_789 : vector<1x16xf32> to vector<16xf32>
      %add3A_791 = arith.addf %add3A_747, %get3A_790 : vector<16xf32>
      %add3A_792 = arith.constant 13 : i32
      %add3A_793 = arith.addi %mul3A_653, %add3A_792 : i32
      %get3A_794 = arith.constant 0 : i32
      %get3A_795 = arith.constant 0 : i32
      %get3A_796 = tpu.memref_slice %arg6[%scan3A_639, %get3A_794, %get3A_795] : memref<2x1600x16xf32, #tpu.memory_space<vmem>> -> memref<1x1600x16xf32, #tpu.memory_space<vmem>>
      %get3A_797 = tpu.memref_squeeze %get3A_796 : memref<1x1600x16xf32, #tpu.memory_space<vmem>> -> memref<1600x16xf32, #tpu.memory_space<vmem>>
      %get3A_798 = arith.index_cast %add3A_793 : i32 to index
      %get3A_799 = arith.constant 0 : index
      %get3A_800 = tpu.vector_load %get3A_797[%get3A_798, %get3A_799] {strides = array<i32>} : memref<1600x16xf32, #tpu.memory_space<vmem>>, vector<1x16xf32>,
      %get3A_801 = vector.shape_cast %get3A_800 : vector<1x16xf32> to vector<16xf32>
      %add3A_802 = arith.addf %add3A_758, %get3A_801 : vector<16xf32>
      %add3A_803 = arith.constant 14 : i32
      %add3A_804 = arith.addi %mul3A_653, %add3A_803 : i32
      %get3A_805 = arith.constant 0 : i32
      %get3A_806 = arith.constant 0 : i32
      %get3A_807 = tpu.memref_slice %arg6[%scan3A_639, %get3A_805, %get3A_806] : memref<2x1600x16xf32, #tpu.memory_space<vmem>> -> memref<1x1600x16xf32, #tpu.memory_space<vmem>>
      %get3A_808 = tpu.memref_squeeze %get3A_807 : memref<1x1600x16xf32, #tpu.memory_space<vmem>> -> memref<1600x16xf32, #tpu.memory_space<vmem>>
      %get3A_809 = arith.index_cast %add3A_804 : i32 to index
      %get3A_810 = arith.constant 0 : index
      %get3A_811 = tpu.vector_load %get3A_808[%get3A_809, %get3A_810] {strides = array<i32>} : memref<1600x16xf32, #tpu.memory_space<vmem>>, vector<1x16xf32>,
      %get3A_812 = vector.shape_cast %get3A_811 : vector<1x16xf32> to vector<16xf32>
      %add3A_813 = arith.addf %add3A_769, %get3A_812 : vector<16xf32>
      %add3A_814 = arith.constant 15 : i32
      %add3A_815 = arith.addi %mul3A_653, %add3A_814 : i32
      %get3A_816 = arith.constant 0 : i32
      %get3A_817 = arith.constant 0 : i32
      %get3A_818 = tpu.memref_slice %arg6[%scan3A_639, %get3A_816, %get3A_817] : memref<2x1600x16xf32, #tpu.memory_space<vmem>> -> memref<1x1600x16xf32, #tpu.memory_space<vmem>>
      %get3A_819 = tpu.memref_squeeze %get3A_818 : memref<1x1600x16xf32, #tpu.memory_space<vmem>> -> memref<1600x16xf32, #tpu.memory_space<vmem>>
      %get3A_820 = arith.index_cast %add3A_815 : i32 to index
      %get3A_821 = arith.constant 0 : index
      %get3A_822 = tpu.vector_load %get3A_819[%get3A_820, %get3A_821] {strides = array<i32>} : memref<1600x16xf32, #tpu.memory_space<vmem>>, vector<1x16xf32>,
      %get3A_823 = vector.shape_cast %get3A_822 : vector<1x16xf32> to vector<16xf32>
      %add3A_824 = arith.addf %add3A_780, %get3A_823 : vector<16xf32>
      %add3A_825 = arith.constant 16 : i32
      %add3A_826 = arith.addi %mul3A_653, %add3A_825 : i32
      %get3A_827 = arith.constant 0 : i32
      %get3A_828 = arith.constant 0 : i32
      %get3A_829 = tpu.memref_slice %arg6[%scan3A_639, %get3A_827, %get3A_828] : memref<2x1600x16xf32, #tpu.memory_space<vmem>> -> memref<1x1600x16xf32, #tpu.memory_space<vmem>>
      %get3A_830 = tpu.memref_squeeze %get3A_829 : memref<1x1600x16xf32, #tpu.memory_space<vmem>> -> memref<1600x16xf32, #tpu.memory_space<vmem>>
      %get3A_831 = arith.index_cast %add3A_826 : i32 to index
      %get3A_832 = arith.constant 0 : index
      %get3A_833 = tpu.vector_load %get3A_830[%get3A_831, %get3A_832] {strides = array<i32>} : memref<1600x16xf32, #tpu.memory_space<vmem>>, vector<1x16xf32>,
      %get3A_834 = vector.shape_cast %get3A_833 : vector<1x16xf32> to vector<16xf32>
      %add3A_835 = arith.addf %add3A_791, %get3A_834 : vector<16xf32>
      %add3A_836 = arith.constant 17 : i32
      %add3A_837 = arith.addi %mul3A_653, %add3A_836 : i32
      %get3A_838 = arith.constant 0 : i32
      %get3A_839 = arith.constant 0 : i32
      %get3A_840 = tpu.memref_slice %arg6[%scan3A_639, %get3A_838, %get3A_839] : memref<2x1600x16xf32, #tpu.memory_space<vmem>> -> memref<1x1600x16xf32, #tpu.memory_space<vmem>>
      %get3A_841 = tpu.memref_squeeze %get3A_840 : memref<1x1600x16xf32, #tpu.memory_space<vmem>> -> memref<1600x16xf32, #tpu.memory_space<vmem>>
      %get3A_842 = arith.index_cast %add3A_837 : i32 to index
      %get3A_843 = arith.constant 0 : index
      %get3A_844 = tpu.vector_load %get3A_841[%get3A_842, %get3A_843] {strides = array<i32>} : memref<1600x16xf32, #tpu.memory_space<vmem>>, vector<1x16xf32>,
      %get3A_845 = vector.shape_cast %get3A_844 : vector<1x16xf32> to vector<16xf32>
      %add3A_846 = arith.addf %add3A_802, %get3A_845 : vector<16xf32>
      %add3A_847 = arith.constant 18 : i32
      %add3A_848 = arith.addi %mul3A_653, %add3A_847 : i32
      %get3A_849 = arith.constant 0 : i32
      %get3A_850 = arith.constant 0 : i32
      %get3A_851 = tpu.memref_slice %arg6[%scan3A_639, %get3A_849, %get3A_850] : memref<2x1600x16xf32, #tpu.memory_space<vmem>> -> memref<1x1600x16xf32, #tpu.memory_space<vmem>>
      %get3A_852 = tpu.memref_squeeze %get3A_851 : memref<1x1600x16xf32, #tpu.memory_space<vmem>> -> memref<1600x16xf32, #tpu.memory_space<vmem>>
      %get3A_853 = arith.index_cast %add3A_848 : i32 to index
      %get3A_854 = arith.constant 0 : index
      %get3A_855 = tpu.vector_load %get3A_852[%get3A_853, %get3A_854] {strides = array<i32>} : memref<1600x16xf32, #tpu.memory_space<vmem>>, vector<1x16xf32>,
      %get3A_856 = vector.shape_cast %get3A_855 : vector<1x16xf32> to vector<16xf32>
      %add3A_857 = arith.addf %add3A_813, %get3A_856 : vector<16xf32>
      %add3A_858 = arith.constant 19 : i32
      %add3A_859 = arith.addi %mul3A_653, %add3A_858 : i32
      %get3A_860 = arith.constant 0 : i32
      %get3A_861 = arith.constant 0 : i32
      %get3A_862 = tpu.memref_slice %arg6[%scan3A_639, %get3A_860, %get3A_861] : memref<2x1600x16xf32, #tpu.memory_space<vmem>> -> memref<1x1600x16xf32, #tpu.memory_space<vmem>>
      %get3A_863 = tpu.memref_squeeze %get3A_862 : memref<1x1600x16xf32, #tpu.memory_space<vmem>> -> memref<1600x16xf32, #tpu.memory_space<vmem>>
      %get3A_864 = arith.index_cast %add3A_859 : i32 to index
      %get3A_865 = arith.constant 0 : index
      %get3A_866 = tpu.vector_load %get3A_863[%get3A_864, %get3A_865] {strides = array<i32>} : memref<1600x16xf32, #tpu.memory_space<vmem>>, vector<1x16xf32>,
      %get3A_867 = vector.shape_cast %get3A_866 : vector<1x16xf32> to vector<16xf32>
      %add3A_868 = arith.addf %add3A_824, %get3A_867 : vector<16xf32>
      %add3A_869 = arith.constant 20 : i32
      %add3A_870 = arith.addi %mul3A_653, %add3A_869 : i32
      %get3A_871 = arith.constant 0 : i32
      %get3A_872 = arith.constant 0 : i32
      %get3A_873 = tpu.memref_slice %arg6[%scan3A_639, %get3A_871, %get3A_872] : memref<2x1600x16xf32, #tpu.memory_space<vmem>> -> memref<1x1600x16xf32, #tpu.memory_space<vmem>>
      %get3A_874 = tpu.memref_squeeze %get3A_873 : memref<1x1600x16xf32, #tpu.memory_space<vmem>> -> memref<1600x16xf32, #tpu.memory_space<vmem>>
      %get3A_875 = arith.index_cast %add3A_870 : i32 to index
      %get3A_876 = arith.constant 0 : index
      %get3A_877 = tpu.vector_load %get3A_874[%get3A_875, %get3A_876] {strides = array<i32>} : memref<1600x16xf32, #tpu.memory_space<vmem>>, vector<1x16xf32>,
      %get3A_878 = vector.shape_cast %get3A_877 : vector<1x16xf32> to vector<16xf32>
      %add3A_879 = arith.addf %add3A_835, %get3A_878 : vector<16xf32>
      %add3A_880 = arith.constant 21 : i32
      %add3A_881 = arith.addi %mul3A_653, %add3A_880 : i32
      %get3A_882 = arith.constant 0 : i32
      %get3A_883 = arith.constant 0 : i32
      %get3A_884 = tpu.memref_slice %arg6[%scan3A_639, %get3A_882, %get3A_883] : memref<2x1600x16xf32, #tpu.memory_space<vmem>> -> memref<1x1600x16xf32, #tpu.memory_space<vmem>>
      %get3A_885 = tpu.memref_squeeze %get3A_884 : memref<1x1600x16xf32, #tpu.memory_space<vmem>> -> memref<1600x16xf32, #tpu.memory_space<vmem>>
      %get3A_886 = arith.index_cast %add3A_881 : i32 to index
      %get3A_887 = arith.constant 0 : index
      %get3A_888 = tpu.vector_load %get3A_885[%get3A_886, %get3A_887] {strides = array<i32>} : memref<1600x16xf32, #tpu.memory_space<vmem>>, vector<1x16xf32>,
      %get3A_889 = vector.shape_cast %get3A_888 : vector<1x16xf32> to vector<16xf32>
      %add3A_890 = arith.addf %add3A_846, %get3A_889 : vector<16xf32>
      %add3A_891 = arith.constant 22 : i32
      %add3A_892 = arith.addi %mul3A_653, %add3A_891 : i32
      %get3A_893 = arith.constant 0 : i32
      %get3A_894 = arith.constant 0 : i32
      %get3A_895 = tpu.memref_slice %arg6[%scan3A_639, %get3A_893, %get3A_894] : memref<2x1600x16xf32, #tpu.memory_space<vmem>> -> memref<1x1600x16xf32, #tpu.memory_space<vmem>>
      %get3A_896 = tpu.memref_squeeze %get3A_895 : memref<1x1600x16xf32, #tpu.memory_space<vmem>> -> memref<1600x16xf32, #tpu.memory_space<vmem>>
      %get3A_897 = arith.index_cast %add3A_892 : i32 to index
      %get3A_898 = arith.constant 0 : index
      %get3A_899 = tpu.vector_load %get3A_896[%get3A_897, %get3A_898] {strides = array<i32>} : memref<1600x16xf32, #tpu.memory_space<vmem>>, vector<1x16xf32>,
      %get3A_900 = vector.shape_cast %get3A_899 : vector<1x16xf32> to vector<16xf32>
      %add3A_901 = arith.addf %add3A_857, %get3A_900 : vector<16xf32>
      %add3A_902 = arith.constant 23 : i32
      %add3A_903 = arith.addi %mul3A_653, %add3A_902 : i32
      %get3A_904 = arith.constant 0 : i32
      %get3A_905 = arith.constant 0 : i32
      %get3A_906 = tpu.memref_slice %arg6[%scan3A_639, %get3A_904, %get3A_905] : memref<2x1600x16xf32, #tpu.memory_space<vmem>> -> memref<1x1600x16xf32, #tpu.memory_space<vmem>>
      %get3A_907 = tpu.memref_squeeze %get3A_906 : memref<1x1600x16xf32, #tpu.memory_space<vmem>> -> memref<1600x16xf32, #tpu.memory_space<vmem>>
      %get3A_908 = arith.index_cast %add3A_903 : i32 to index
      %get3A_909 = arith.constant 0 : index
      %get3A_910 = tpu.vector_load %get3A_907[%get3A_908, %get3A_909] {strides = array<i32>} : memref<1600x16xf32, #tpu.memory_space<vmem>>, vector<1x16xf32>,
      %get3A_911 = vector.shape_cast %get3A_910 : vector<1x16xf32> to vector<16xf32>
      %add3A_912 = arith.addf %add3A_868, %get3A_911 : vector<16xf32>
      %add3A_913 = arith.constant 24 : i32
      %add3A_914 = arith.addi %mul3A_653, %add3A_913 : i32
      %get3A_915 = arith.constant 0 : i32
      %get3A_916 = arith.constant 0 : i32
      %get3A_917 = tpu.memref_slice %arg6[%scan3A_639, %get3A_915, %get3A_916] : memref<2x1600x16xf32, #tpu.memory_space<vmem>> -> memref<1x1600x16xf32, #tpu.memory_space<vmem>>
      %get3A_918 = tpu.memref_squeeze %get3A_917 : memref<1x1600x16xf32, #tpu.memory_space<vmem>> -> memref<1600x16xf32, #tpu.memory_space<vmem>>
      %get3A_919 = arith.index_cast %add3A_914 : i32 to index
      %get3A_920 = arith.constant 0 : index
      %get3A_921 = tpu.vector_load %get3A_918[%get3A_919, %get3A_920] {strides = array<i32>} : memref<1600x16xf32, #tpu.memory_space<vmem>>, vector<1x16xf32>,
      %get3A_922 = vector.shape_cast %get3A_921 : vector<1x16xf32> to vector<16xf32>
      %add3A_923 = arith.addf %add3A_879, %get3A_922 : vector<16xf32>
      %add3A_924 = arith.constant 25 : i32
      %add3A_925 = arith.addi %mul3A_653, %add3A_924 : i32
      %get3A_926 = arith.constant 0 : i32
      %get3A_927 = arith.constant 0 : i32
      %get3A_928 = tpu.memref_slice %arg6[%scan3A_639, %get3A_926, %get3A_927] : memref<2x1600x16xf32, #tpu.memory_space<vmem>> -> memref<1x1600x16xf32, #tpu.memory_space<vmem>>
      %get3A_929 = tpu.memref_squeeze %get3A_928 : memref<1x1600x16xf32, #tpu.memory_space<vmem>> -> memref<1600x16xf32, #tpu.memory_space<vmem>>
      %get3A_930 = arith.index_cast %add3A_925 : i32 to index
      %get3A_931 = arith.constant 0 : index
      %get3A_932 = tpu.vector_load %get3A_929[%get3A_930, %get3A_931] {strides = array<i32>} : memref<1600x16xf32, #tpu.memory_space<vmem>>, vector<1x16xf32>,
      %get3A_933 = vector.shape_cast %get3A_932 : vector<1x16xf32> to vector<16xf32>
      %add3A_934 = arith.addf %add3A_890, %get3A_933 : vector<16xf32>
      %add3A_935 = arith.constant 26 : i32
      %add3A_936 = arith.addi %mul3A_653, %add3A_935 : i32
      %get3A_937 = arith.constant 0 : i32
      %get3A_938 = arith.constant 0 : i32
      %get3A_939 = tpu.memref_slice %arg6[%scan3A_639, %get3A_937, %get3A_938] : memref<2x1600x16xf32, #tpu.memory_space<vmem>> -> memref<1x1600x16xf32, #tpu.memory_space<vmem>>
      %get3A_940 = tpu.memref_squeeze %get3A_939 : memref<1x1600x16xf32, #tpu.memory_space<vmem>> -> memref<1600x16xf32, #tpu.memory_space<vmem>>
      %get3A_941 = arith.index_cast %add3A_936 : i32 to index
      %get3A_942 = arith.constant 0 : index
      %get3A_943 = tpu.vector_load %get3A_940[%get3A_941, %get3A_942] {strides = array<i32>} : memref<1600x16xf32, #tpu.memory_space<vmem>>, vector<1x16xf32>,
      %get3A_944 = vector.shape_cast %get3A_943 : vector<1x16xf32> to vector<16xf32>
      %add3A_945 = arith.addf %add3A_901, %get3A_944 : vector<16xf32>
      %add3A_946 = arith.constant 27 : i32
      %add3A_947 = arith.addi %mul3A_653, %add3A_946 : i32
      %get3A_948 = arith.constant 0 : i32
      %get3A_949 = arith.constant 0 : i32
      %get3A_950 = tpu.memref_slice %arg6[%scan3A_639, %get3A_948, %get3A_949] : memref<2x1600x16xf32, #tpu.memory_space<vmem>> -> memref<1x1600x16xf32, #tpu.memory_space<vmem>>
      %get3A_951 = tpu.memref_squeeze %get3A_950 : memref<1x1600x16xf32, #tpu.memory_space<vmem>> -> memref<1600x16xf32, #tpu.memory_space<vmem>>
      %get3A_952 = arith.index_cast %add3A_947 : i32 to index
      %get3A_953 = arith.constant 0 : index
      %get3A_954 = tpu.vector_load %get3A_951[%get3A_952, %get3A_953] {strides = array<i32>} : memref<1600x16xf32, #tpu.memory_space<vmem>>, vector<1x16xf32>,
      %get3A_955 = vector.shape_cast %get3A_954 : vector<1x16xf32> to vector<16xf32>
      %add3A_956 = arith.addf %add3A_912, %get3A_955 : vector<16xf32>
      %add3A_957 = arith.constant 28 : i32
      %add3A_958 = arith.addi %mul3A_653, %add3A_957 : i32
      %get3A_959 = arith.constant 0 : i32
      %get3A_960 = arith.constant 0 : i32
      %get3A_961 = tpu.memref_slice %arg6[%scan3A_639, %get3A_959, %get3A_960] : memref<2x1600x16xf32, #tpu.memory_space<vmem>> -> memref<1x1600x16xf32, #tpu.memory_space<vmem>>
      %get3A_962 = tpu.memref_squeeze %get3A_961 : memref<1x1600x16xf32, #tpu.memory_space<vmem>> -> memref<1600x16xf32, #tpu.memory_space<vmem>>
      %get3A_963 = arith.index_cast %add3A_958 : i32 to index
      %get3A_964 = arith.constant 0 : index
      %get3A_965 = tpu.vector_load %get3A_962[%get3A_963, %get3A_964] {strides = array<i32>} : memref<1600x16xf32, #tpu.memory_space<vmem>>, vector<1x16xf32>,
      %get3A_966 = vector.shape_cast %get3A_965 : vector<1x16xf32> to vector<16xf32>
      %add3A_967 = arith.addf %add3A_923, %get3A_966 : vector<16xf32>
      %add3A_968 = arith.constant 29 : i32
      %add3A_969 = arith.addi %mul3A_653, %add3A_968 : i32
      %get3A_970 = arith.constant 0 : i32
      %get3A_971 = arith.constant 0 : i32
      %get3A_972 = tpu.memref_slice %arg6[%scan3A_639, %get3A_970, %get3A_971] : memref<2x1600x16xf32, #tpu.memory_space<vmem>> -> memref<1x1600x16xf32, #tpu.memory_space<vmem>>
      %get3A_973 = tpu.memref_squeeze %get3A_972 : memref<1x1600x16xf32, #tpu.memory_space<vmem>> -> memref<1600x16xf32, #tpu.memory_space<vmem>>
      %get3A_974 = arith.index_cast %add3A_969 : i32 to index
      %get3A_975 = arith.constant 0 : index
      %get3A_976 = tpu.vector_load %get3A_973[%get3A_974, %get3A_975] {strides = array<i32>} : memref<1600x16xf32, #tpu.memory_space<vmem>>, vector<1x16xf32>,
      %get3A_977 = vector.shape_cast %get3A_976 : vector<1x16xf32> to vector<16xf32>
      %add3A_978 = arith.addf %add3A_934, %get3A_977 : vector<16xf32>
      %add3A_979 = arith.constant 30 : i32
      %add3A_980 = arith.addi %mul3A_653, %add3A_979 : i32
      %get3A_981 = arith.constant 0 : i32
      %get3A_982 = arith.constant 0 : i32
      %get3A_983 = tpu.memref_slice %arg6[%scan3A_639, %get3A_981, %get3A_982] : memref<2x1600x16xf32, #tpu.memory_space<vmem>> -> memref<1x1600x16xf32, #tpu.memory_space<vmem>>
      %get3A_984 = tpu.memref_squeeze %get3A_983 : memref<1x1600x16xf32, #tpu.memory_space<vmem>> -> memref<1600x16xf32, #tpu.memory_space<vmem>>
      %get3A_985 = arith.index_cast %add3A_980 : i32 to index
      %get3A_986 = arith.constant 0 : index
      %get3A_987 = tpu.vector_load %get3A_984[%get3A_985, %get3A_986] {strides = array<i32>} : memref<1600x16xf32, #tpu.memory_space<vmem>>, vector<1x16xf32>,
      %get3A_988 = vector.shape_cast %get3A_987 : vector<1x16xf32> to vector<16xf32>
      %add3A_989 = arith.addf %add3A_945, %get3A_988 : vector<16xf32>
      %add3A_990 = arith.constant 31 : i32
      %add3A_991 = arith.addi %mul3A_653, %add3A_990 : i32
      %get3A_992 = arith.constant 0 : i32
      %get3A_993 = arith.constant 0 : i32
      %get3A_994 = tpu.memref_slice %arg6[%scan3A_639, %get3A_992, %get3A_993] : memref<2x1600x16xf32, #tpu.memory_space<vmem>> -> memref<1x1600x16xf32, #tpu.memory_space<vmem>>
      %get3A_995 = tpu.memref_squeeze %get3A_994 : memref<1x1600x16xf32, #tpu.memory_space<vmem>> -> memref<1600x16xf32, #tpu.memory_space<vmem>>
      %get3A_996 = arith.index_cast %add3A_991 : i32 to index
      %get3A_997 = arith.constant 0 : index
      %get3A_998 = tpu.vector_load %get3A_995[%get3A_996, %get3A_997] {strides = array<i32>} : memref<1600x16xf32, #tpu.memory_space<vmem>>, vector<1x16xf32>,
      %get3A_999 = vector.shape_cast %get3A_998 : vector<1x16xf32> to vector<16xf32>
      %add3A_1000 = arith.addf %add3A_956, %get3A_999 : vector<16xf32>
      %add3A_1001 = arith.constant 32 : i32
      %add3A_1002 = arith.addi %mul3A_653, %add3A_1001 : i32
      %get3A_1003 = arith.constant 0 : i32
      %get3A_1004 = arith.constant 0 : i32
      %get3A_1005 = tpu.memref_slice %arg6[%scan3A_639, %get3A_1003, %get3A_1004] : memref<2x1600x16xf32, #tpu.memory_space<vmem>> -> memref<1x1600x16xf32, #tpu.memory_space<vmem>>
      %get3A_1006 = tpu.memref_squeeze %get3A_1005 : memref<1x1600x16xf32, #tpu.memory_space<vmem>> -> memref<1600x16xf32, #tpu.memory_space<vmem>>
      %get3A_1007 = arith.index_cast %add3A_1002 : i32 to index
      %get3A_1008 = arith.constant 0 : index
      %get3A_1009 = tpu.vector_load %get3A_1006[%get3A_1007, %get3A_1008] {strides = array<i32>} : memref<1600x16xf32, #tpu.memory_space<vmem>>, vector<1x16xf32>,
      %get3A_1010 = vector.shape_cast %get3A_1009 : vector<1x16xf32> to vector<16xf32>
      %add3A_1011 = arith.addf %add3A_967, %get3A_1010 : vector<16xf32>
      %add3A_1012 = arith.constant 33 : i32
      %add3A_1013 = arith.addi %mul3A_653, %add3A_1012 : i32
      %get3A_1014 = arith.constant 0 : i32
      %get3A_1015 = arith.constant 0 : i32
      %get3A_1016 = tpu.memref_slice %arg6[%scan3A_639, %get3A_1014, %get3A_1015] : memref<2x1600x16xf32, #tpu.memory_space<vmem>> -> memref<1x1600x16xf32, #tpu.memory_space<vmem>>
      %get3A_1017 = tpu.memref_squeeze %get3A_1016 : memref<1x1600x16xf32, #tpu.memory_space<vmem>> -> memref<1600x16xf32, #tpu.memory_space<vmem>>
      %get3A_1018 = arith.index_cast %add3A_1013 : i32 to index
      %get3A_1019 = arith.constant 0 : index
      %get3A_1020 = tpu.vector_load %get3A_1017[%get3A_1018, %get3A_1019] {strides = array<i32>} : memref<1600x16xf32, #tpu.memory_space<vmem>>, vector<1x16xf32>,
      %get3A_1021 = vector.shape_cast %get3A_1020 : vector<1x16xf32> to vector<16xf32>
      %add3A_1022 = arith.addf %add3A_978, %get3A_1021 : vector<16xf32>
      %add3A_1023 = arith.constant 34 : i32
      %add3A_1024 = arith.addi %mul3A_653, %add3A_1023 : i32
      %get3A_1025 = arith.constant 0 : i32
      %get3A_1026 = arith.constant 0 : i32
      %get3A_1027 = tpu.memref_slice %arg6[%scan3A_639, %get3A_1025, %get3A_1026] : memref<2x1600x16xf32, #tpu.memory_space<vmem>> -> memref<1x1600x16xf32, #tpu.memory_space<vmem>>
      %get3A_1028 = tpu.memref_squeeze %get3A_1027 : memref<1x1600x16xf32, #tpu.memory_space<vmem>> -> memref<1600x16xf32, #tpu.memory_space<vmem>>
      %get3A_1029 = arith.index_cast %add3A_1024 : i32 to index
      %get3A_1030 = arith.constant 0 : index
      %get3A_1031 = tpu.vector_load %get3A_1028[%get3A_1029, %get3A_1030] {strides = array<i32>} : memref<1600x16xf32, #tpu.memory_space<vmem>>, vector<1x16xf32>,
      %get3A_1032 = vector.shape_cast %get3A_1031 : vector<1x16xf32> to vector<16xf32>
      %add3A_1033 = arith.addf %add3A_989, %get3A_1032 : vector<16xf32>
      %add3A_1034 = arith.constant 35 : i32
      %add3A_1035 = arith.addi %mul3A_653, %add3A_1034 : i32
      %get3A_1036 = arith.constant 0 : i32
      %get3A_1037 = arith.constant 0 : i32
      %get3A_1038 = tpu.memref_slice %arg6[%scan3A_639, %get3A_1036, %get3A_1037] : memref<2x1600x16xf32, #tpu.memory_space<vmem>> -> memref<1x1600x16xf32, #tpu.memory_space<vmem>>
      %get3A_1039 = tpu.memref_squeeze %get3A_1038 : memref<1x1600x16xf32, #tpu.memory_space<vmem>> -> memref<1600x16xf32, #tpu.memory_space<vmem>>
      %get3A_1040 = arith.index_cast %add3A_1035 : i32 to index
      %get3A_1041 = arith.constant 0 : index
      %get3A_1042 = tpu.vector_load %get3A_1039[%get3A_1040, %get3A_1041] {strides = array<i32>} : memref<1600x16xf32, #tpu.memory_space<vmem>>, vector<1x16xf32>,
      %get3A_1043 = vector.shape_cast %get3A_1042 : vector<1x16xf32> to vector<16xf32>
      %add3A_1044 = arith.addf %add3A_1000, %get3A_1043 : vector<16xf32>
      %add3A_1045 = arith.constant 36 : i32
      %add3A_1046 = arith.addi %mul3A_653, %add3A_1045 : i32
      %get3A_1047 = arith.constant 0 : i32
      %get3A_1048 = arith.constant 0 : i32
      %get3A_1049 = tpu.memref_slice %arg6[%scan3A_639, %get3A_1047, %get3A_1048] : memref<2x1600x16xf32, #tpu.memory_space<vmem>> -> memref<1x1600x16xf32, #tpu.memory_space<vmem>>
      %get3A_1050 = tpu.memref_squeeze %get3A_1049 : memref<1x1600x16xf32, #tpu.memory_space<vmem>> -> memref<1600x16xf32, #tpu.memory_space<vmem>>
      %get3A_1051 = arith.index_cast %add3A_1046 : i32 to index
      %get3A_1052 = arith.constant 0 : index
      %get3A_1053 = tpu.vector_load %get3A_1050[%get3A_1051, %get3A_1052] {strides = array<i32>} : memref<1600x16xf32, #tpu.memory_space<vmem>>, vector<1x16xf32>,
      %get3A_1054 = vector.shape_cast %get3A_1053 : vector<1x16xf32> to vector<16xf32>
      %add3A_1055 = arith.addf %add3A_1011, %get3A_1054 : vector<16xf32>
      %add3A_1056 = arith.constant 37 : i32
      %add3A_1057 = arith.addi %mul3A_653, %add3A_1056 : i32
      %get3A_1058 = arith.constant 0 : i32
      %get3A_1059 = arith.constant 0 : i32
      %get3A_1060 = tpu.memref_slice %arg6[%scan3A_639, %get3A_1058, %get3A_1059] : memref<2x1600x16xf32, #tpu.memory_space<vmem>> -> memref<1x1600x16xf32, #tpu.memory_space<vmem>>
      %get3A_1061 = tpu.memref_squeeze %get3A_1060 : memref<1x1600x16xf32, #tpu.memory_space<vmem>> -> memref<1600x16xf32, #tpu.memory_space<vmem>>
      %get3A_1062 = arith.index_cast %add3A_1057 : i32 to index
      %get3A_1063 = arith.constant 0 : index
      %get3A_1064 = tpu.vector_load %get3A_1061[%get3A_1062, %get3A_1063] {strides = array<i32>} : memref<1600x16xf32, #tpu.memory_space<vmem>>, vector<1x16xf32>,
      %get3A_1065 = vector.shape_cast %get3A_1064 : vector<1x16xf32> to vector<16xf32>
      %add3A_1066 = arith.addf %add3A_1022, %get3A_1065 : vector<16xf32>
      %add3A_1067 = arith.constant 38 : i32
      %add3A_1068 = arith.addi %mul3A_653, %add3A_1067 : i32
      %get3A_1069 = arith.constant 0 : i32
      %get3A_1070 = arith.constant 0 : i32
      %get3A_1071 = tpu.memref_slice %arg6[%scan3A_639, %get3A_1069, %get3A_1070] : memref<2x1600x16xf32, #tpu.memory_space<vmem>> -> memref<1x1600x16xf32, #tpu.memory_space<vmem>>
      %get3A_1072 = tpu.memref_squeeze %get3A_1071 : memref<1x1600x16xf32, #tpu.memory_space<vmem>> -> memref<1600x16xf32, #tpu.memory_space<vmem>>
      %get3A_1073 = arith.index_cast %add3A_1068 : i32 to index
      %get3A_1074 = arith.constant 0 : index
      %get3A_1075 = tpu.vector_load %get3A_1072[%get3A_1073, %get3A_1074] {strides = array<i32>} : memref<1600x16xf32, #tpu.memory_space<vmem>>, vector<1x16xf32>,
      %get3A_1076 = vector.shape_cast %get3A_1075 : vector<1x16xf32> to vector<16xf32>
      %add3A_1077 = arith.addf %add3A_1033, %get3A_1076 : vector<16xf32>
      %add3A_1078 = arith.constant 39 : i32
      %add3A_1079 = arith.addi %mul3A_653, %add3A_1078 : i32
      %get3A_1080 = arith.constant 0 : i32
      %get3A_1081 = arith.constant 0 : i32
      %get3A_1082 = tpu.memref_slice %arg6[%scan3A_639, %get3A_1080, %get3A_1081] : memref<2x1600x16xf32, #tpu.memory_space<vmem>> -> memref<1x1600x16xf32, #tpu.memory_space<vmem>>
      %get3A_1083 = tpu.memref_squeeze %get3A_1082 : memref<1x1600x16xf32, #tpu.memory_space<vmem>> -> memref<1600x16xf32, #tpu.memory_space<vmem>>
      %get3A_1084 = arith.index_cast %add3A_1079 : i32 to index
      %get3A_1085 = arith.constant 0 : index
      %get3A_1086 = tpu.vector_load %get3A_1083[%get3A_1084, %get3A_1085] {strides = array<i32>} : memref<1600x16xf32, #tpu.memory_space<vmem>>, vector<1x16xf32>,
      %get3A_1087 = vector.shape_cast %get3A_1086 : vector<1x16xf32> to vector<16xf32>
      %add3A_1088 = arith.addf %add3A_1044, %get3A_1087 : vector<16xf32>
      %add3A_1089 = arith.constant 40 : i32
      %add3A_1090 = arith.addi %mul3A_653, %add3A_1089 : i32
      %get3A_1091 = arith.constant 0 : i32
      %get3A_1092 = arith.constant 0 : i32
      %get3A_1093 = tpu.memref_slice %arg6[%scan3A_639, %get3A_1091, %get3A_1092] : memref<2x1600x16xf32, #tpu.memory_space<vmem>> -> memref<1x1600x16xf32, #tpu.memory_space<vmem>>
      %get3A_1094 = tpu.memref_squeeze %get3A_1093 : memref<1x1600x16xf32, #tpu.memory_space<vmem>> -> memref<1600x16xf32, #tpu.memory_space<vmem>>
      %get3A_1095 = arith.index_cast %add3A_1090 : i32 to index
      %get3A_1096 = arith.constant 0 : index
      %get3A_1097 = tpu.vector_load %get3A_1094[%get3A_1095, %get3A_1096] {strides = array<i32>} : memref<1600x16xf32, #tpu.memory_space<vmem>>, vector<1x16xf32>,
      %get3A_1098 = vector.shape_cast %get3A_1097 : vector<1x16xf32> to vector<16xf32>
      %add3A_1099 = arith.addf %add3A_1055, %get3A_1098 : vector<16xf32>
      %add3A_1100 = arith.constant 41 : i32
      %add3A_1101 = arith.addi %mul3A_653, %add3A_1100 : i32
      %get3A_1102 = arith.constant 0 : i32
      %get3A_1103 = arith.constant 0 : i32
      %get3A_1104 = tpu.memref_slice %arg6[%scan3A_639, %get3A_1102, %get3A_1103] : memref<2x1600x16xf32, #tpu.memory_space<vmem>> -> memref<1x1600x16xf32, #tpu.memory_space<vmem>>
      %get3A_1105 = tpu.memref_squeeze %get3A_1104 : memref<1x1600x16xf32, #tpu.memory_space<vmem>> -> memref<1600x16xf32, #tpu.memory_space<vmem>>
      %get3A_1106 = arith.index_cast %add3A_1101 : i32 to index
      %get3A_1107 = arith.constant 0 : index
      %get3A_1108 = tpu.vector_load %get3A_1105[%get3A_1106, %get3A_1107] {strides = array<i32>} : memref<1600x16xf32, #tpu.memory_space<vmem>>, vector<1x16xf32>,
      %get3A_1109 = vector.shape_cast %get3A_1108 : vector<1x16xf32> to vector<16xf32>
      %add3A_1110 = arith.addf %add3A_1066, %get3A_1109 : vector<16xf32>
      %add3A_1111 = arith.constant 42 : i32
      %add3A_1112 = arith.addi %mul3A_653, %add3A_1111 : i32
      %get3A_1113 = arith.constant 0 : i32
      %get3A_1114 = arith.constant 0 : i32
      %get3A_1115 = tpu.memref_slice %arg6[%scan3A_639, %get3A_1113, %get3A_1114] : memref<2x1600x16xf32, #tpu.memory_space<vmem>> -> memref<1x1600x16xf32, #tpu.memory_space<vmem>>
      %get3A_1116 = tpu.memref_squeeze %get3A_1115 : memref<1x1600x16xf32, #tpu.memory_space<vmem>> -> memref<1600x16xf32, #tpu.memory_space<vmem>>
      %get3A_1117 = arith.index_cast %add3A_1112 : i32 to index
      %get3A_1118 = arith.constant 0 : index
      %get3A_1119 = tpu.vector_load %get3A_1116[%get3A_1117, %get3A_1118] {strides = array<i32>} : memref<1600x16xf32, #tpu.memory_space<vmem>>, vector<1x16xf32>,
      %get3A_1120 = vector.shape_cast %get3A_1119 : vector<1x16xf32> to vector<16xf32>
      %add3A_1121 = arith.addf %add3A_1077, %get3A_1120 : vector<16xf32>
      %add3A_1122 = arith.constant 43 : i32
      %add3A_1123 = arith.addi %mul3A_653, %add3A_1122 : i32
      %get3A_1124 = arith.constant 0 : i32
      %get3A_1125 = arith.constant 0 : i32
      %get3A_1126 = tpu.memref_slice %arg6[%scan3A_639, %get3A_1124, %get3A_1125] : memref<2x1600x16xf32, #tpu.memory_space<vmem>> -> memref<1x1600x16xf32, #tpu.memory_space<vmem>>
      %get3A_1127 = tpu.memref_squeeze %get3A_1126 : memref<1x1600x16xf32, #tpu.memory_space<vmem>> -> memref<1600x16xf32, #tpu.memory_space<vmem>>
      %get3A_1128 = arith.index_cast %add3A_1123 : i32 to index
      %get3A_1129 = arith.constant 0 : index
      %get3A_1130 = tpu.vector_load %get3A_1127[%get3A_1128, %get3A_1129] {strides = array<i32>} : memref<1600x16xf32, #tpu.memory_space<vmem>>, vector<1x16xf32>,
      %get3A_1131 = vector.shape_cast %get3A_1130 : vector<1x16xf32> to vector<16xf32>
      %add3A_1132 = arith.addf %add3A_1088, %get3A_1131 : vector<16xf32>
      %add3A_1133 = arith.constant 44 : i32
      %add3A_1134 = arith.addi %mul3A_653, %add3A_1133 : i32
      %get3A_1135 = arith.constant 0 : i32
      %get3A_1136 = arith.constant 0 : i32
      %get3A_1137 = tpu.memref_slice %arg6[%scan3A_639, %get3A_1135, %get3A_1136] : memref<2x1600x16xf32, #tpu.memory_space<vmem>> -> memref<1x1600x16xf32, #tpu.memory_space<vmem>>
      %get3A_1138 = tpu.memref_squeeze %get3A_1137 : memref<1x1600x16xf32, #tpu.memory_space<vmem>> -> memref<1600x16xf32, #tpu.memory_space<vmem>>
      %get3A_1139 = arith.index_cast %add3A_1134 : i32 to index
      %get3A_1140 = arith.constant 0 : index
      %get3A_1141 = tpu.vector_load %get3A_1138[%get3A_1139, %get3A_1140] {strides = array<i32>} : memref<1600x16xf32, #tpu.memory_space<vmem>>, vector<1x16xf32>,
      %get3A_1142 = vector.shape_cast %get3A_1141 : vector<1x16xf32> to vector<16xf32>
      %add3A_1143 = arith.addf %add3A_1099, %get3A_1142 : vector<16xf32>
      %add3A_1144 = arith.constant 45 : i32
      %add3A_1145 = arith.addi %mul3A_653, %add3A_1144 : i32
      %get3A_1146 = arith.constant 0 : i32
      %get3A_1147 = arith.constant 0 : i32
      %get3A_1148 = tpu.memref_slice %arg6[%scan3A_639, %get3A_1146, %get3A_1147] : memref<2x1600x16xf32, #tpu.memory_space<vmem>> -> memref<1x1600x16xf32, #tpu.memory_space<vmem>>
      %get3A_1149 = tpu.memref_squeeze %get3A_1148 : memref<1x1600x16xf32, #tpu.memory_space<vmem>> -> memref<1600x16xf32, #tpu.memory_space<vmem>>
      %get3A_1150 = arith.index_cast %add3A_1145 : i32 to index
      %get3A_1151 = arith.constant 0 : index
      %get3A_1152 = tpu.vector_load %get3A_1149[%get3A_1150, %get3A_1151] {strides = array<i32>} : memref<1600x16xf32, #tpu.memory_space<vmem>>, vector<1x16xf32>,
      %get3A_1153 = vector.shape_cast %get3A_1152 : vector<1x16xf32> to vector<16xf32>
      %add3A_1154 = arith.addf %add3A_1110, %get3A_1153 : vector<16xf32>
      %add3A_1155 = arith.constant 46 : i32
      %add3A_1156 = arith.addi %mul3A_653, %add3A_1155 : i32
      %get3A_1157 = arith.constant 0 : i32
      %get3A_1158 = arith.constant 0 : i32
      %get3A_1159 = tpu.memref_slice %arg6[%scan3A_639, %get3A_1157, %get3A_1158] : memref<2x1600x16xf32, #tpu.memory_space<vmem>> -> memref<1x1600x16xf32, #tpu.memory_space<vmem>>
      %get3A_1160 = tpu.memref_squeeze %get3A_1159 : memref<1x1600x16xf32, #tpu.memory_space<vmem>> -> memref<1600x16xf32, #tpu.memory_space<vmem>>
      %get3A_1161 = arith.index_cast %add3A_1156 : i32 to index
      %get3A_1162 = arith.constant 0 : index
      %get3A_1163 = tpu.vector_load %get3A_1160[%get3A_1161, %get3A_1162] {strides = array<i32>} : memref<1600x16xf32, #tpu.memory_space<vmem>>, vector<1x16xf32>,
      %get3A_1164 = vector.shape_cast %get3A_1163 : vector<1x16xf32> to vector<16xf32>
      %add3A_1165 = arith.addf %add3A_1121, %get3A_1164 : vector<16xf32>
      %add3A_1166 = arith.constant 47 : i32
      %add3A_1167 = arith.addi %mul3A_653, %add3A_1166 : i32
      %get3A_1168 = arith.constant 0 : i32
      %get3A_1169 = arith.constant 0 : i32
      %get3A_1170 = tpu.memref_slice %arg6[%scan3A_639, %get3A_1168, %get3A_1169] : memref<2x1600x16xf32, #tpu.memory_space<vmem>> -> memref<1x1600x16xf32, #tpu.memory_space<vmem>>
      %get3A_1171 = tpu.memref_squeeze %get3A_1170 : memref<1x1600x16xf32, #tpu.memory_space<vmem>> -> memref<1600x16xf32, #tpu.memory_space<vmem>>
      %get3A_1172 = arith.index_cast %add3A_1167 : i32 to index
      %get3A_1173 = arith.constant 0 : index
      %get3A_1174 = tpu.vector_load %get3A_1171[%get3A_1172, %get3A_1173] {strides = array<i32>} : memref<1600x16xf32, #tpu.memory_space<vmem>>, vector<1x16xf32>,
      %get3A_1175 = vector.shape_cast %get3A_1174 : vector<1x16xf32> to vector<16xf32>
      %add3A_1176 = arith.addf %add3A_1132, %get3A_1175 : vector<16xf32>
      %add3A_1177 = arith.constant 48 : i32
      %add3A_1178 = arith.addi %mul3A_653, %add3A_1177 : i32
      %get3A_1179 = arith.constant 0 : i32
      %get3A_1180 = arith.constant 0 : i32
      %get3A_1181 = tpu.memref_slice %arg6[%scan3A_639, %get3A_1179, %get3A_1180] : memref<2x1600x16xf32, #tpu.memory_space<vmem>> -> memref<1x1600x16xf32, #tpu.memory_space<vmem>>
      %get3A_1182 = tpu.memref_squeeze %get3A_1181 : memref<1x1600x16xf32, #tpu.memory_space<vmem>> -> memref<1600x16xf32, #tpu.memory_space<vmem>>
      %get3A_1183 = arith.index_cast %add3A_1178 : i32 to index
      %get3A_1184 = arith.constant 0 : index
      %get3A_1185 = tpu.vector_load %get3A_1182[%get3A_1183, %get3A_1184] {strides = array<i32>} : memref<1600x16xf32, #tpu.memory_space<vmem>>, vector<1x16xf32>,
      %get3A_1186 = vector.shape_cast %get3A_1185 : vector<1x16xf32> to vector<16xf32>
      %add3A_1187 = arith.addf %add3A_1143, %get3A_1186 : vector<16xf32>
      %add3A_1188 = arith.constant 49 : i32
      %add3A_1189 = arith.addi %mul3A_653, %add3A_1188 : i32
      %get3A_1190 = arith.constant 0 : i32
      %get3A_1191 = arith.constant 0 : i32
      %get3A_1192 = tpu.memref_slice %arg6[%scan3A_639, %get3A_1190, %get3A_1191] : memref<2x1600x16xf32, #tpu.memory_space<vmem>> -> memref<1x1600x16xf32, #tpu.memory_space<vmem>>
      %get3A_1193 = tpu.memref_squeeze %get3A_1192 : memref<1x1600x16xf32, #tpu.memory_space<vmem>> -> memref<1600x16xf32, #tpu.memory_space<vmem>>
      %get3A_1194 = arith.index_cast %add3A_1189 : i32 to index
      %get3A_1195 = arith.constant 0 : index
      %get3A_1196 = tpu.vector_load %get3A_1193[%get3A_1194, %get3A_1195] {strides = array<i32>} : memref<1600x16xf32, #tpu.memory_space<vmem>>, vector<1x16xf32>,
      %get3A_1197 = vector.shape_cast %get3A_1196 : vector<1x16xf32> to vector<16xf32>
      %add3A_1198 = arith.addf %add3A_1154, %get3A_1197 : vector<16xf32>
      %add3A_1199 = arith.addf %add3A_1187, %add3A_1198 : vector<16xf32>
      %add3A_1200 = arith.addf %add3A_1165, %add3A_1176 : vector<16xf32>
      %add3A_1201 = arith.addf %add3A_1199, %add3A_1200 : vector<16xf32>
      %add3A_1202 = arith.constant 480 : i32
      %add3A_1203 = arith.addi %add3A_1202, %add3A_651 : i32
      %swap3A = arith.index_cast %add3A_1203 : i32 to index
      %swap3A_1204 = arith.constant 0 : index
      %swap3A_1205 = tpu.vector_load %arg7[%swap3A, %swap3A_1204] {strides = array<i32>} : memref<512x16xf32, #tpu.memory_space<vmem>>, vector<1x16xf32>,
      %swap3A_1206 = vector.shape_cast %swap3A_1205 : vector<1x16xf32> to vector<16xf32>
      %swap3A_1207 = vector.shape_cast %add3A_1201 : vector<16xf32> to vector<1x16xf32>
      tpu.vector_store %arg7[%swap3A, %swap3A_1204], %swap3A_1207 {strides = array<i32>} : memref<512x16xf32, #tpu.memory_space<vmem>>, vector<1x16xf32>,
    }
    %scan3A_644 = arith.constant 32 : i32
    %mul3A_645 = arith.constant 512 : i32
    %mul3A_646 = arith.muli %add3A, %mul3A_645 : i32
    "tpu.region"() ({
      %run_scoped3A = tpu.sem_alloc : memref<!tpu.dma_semaphore, #tpu.memory_space<semaphore_mem>>
      %dma_start3A_647 = arith.constant 0 : i32
      %dma_start3A_648 = tpu.memref_slice %arg4[%mul3A_646, %dma_start3A_647] : memref<16384x16xf32, #tpu.memory_space<hbm>> -> memref<512x16xf32, #tpu.memory_space<hbm>>
      %dma_start3A_649 = arith.constant 0 : i32
      %dma_start3A_650 = tpu.memref_slice %arg4[%mul3A_646, %dma_start3A_649] : memref<16384x16xf32, #tpu.memory_space<hbm>> -> memref<512x16xf32, #tpu.memory_space<hbm>>
      tpu.enqueue_dma source(%arg7 : memref<512x16xf32, #tpu.memory_space<vmem>>) target(%dma_start3A_650 : memref<512x16xf32, #tpu.memory_space<hbm>>) target_semaphore(%run_scoped3A : memref<!tpu.dma_semaphore, #tpu.memory_space<semaphore_mem>>)
      %dma_wait3A_651 = arith.constant 0 : i32
      %dma_wait3A_652 = tpu.memref_slice %arg4[%mul3A_646, %dma_wait3A_651] : memref<16384x16xf32, #tpu.memory_space<hbm>> -> memref<512x16xf32, #tpu.memory_space<hbm>>
      %dma_wait3A_653 = arith.constant 0 : i32
      %dma_wait3A_654 = tpu.memref_slice %arg4[%mul3A_646, %dma_wait3A_653] : memref<16384x16xf32, #tpu.memory_space<hbm>> -> memref<512x16xf32, #tpu.memory_space<hbm>>
      tpu.wait_dma2 semaphore(%run_scoped3A : memref<!tpu.dma_semaphore, #tpu.memory_space<semaphore_mem>>) src(%arg7 : memref<512x16xf32, #tpu.memory_space<vmem>>) dst(%dma_wait3A_654 : memref<512x16xf32, #tpu.memory_space<hbm>>)
      tpu.yield
    }) : () -> ()
    return
  }
}

module attributes {stable_mosaic.version = 14 : i64} {
  func.func @body(%arg0: i32, %arg1: memref<32x32768xf32, #tpu.memory_space<vmem>>, %arg2: memref<32x128xf32, #tpu.memory_space<vmem>>, %arg3: memref<4096x128xf32, #tpu.memory_space<vmem>>, %arg4: memref<32768x128xf32, #tpu.memory_space<vmem>>) attributes {dimension_semantics = [#tpu.dimension_semantics<arbitrary>], iteration_bounds = array<i64: 31>, scalar_prefetch = 0 : i64, scratch_operands = 1 : i64, tpu.core_type = #tpu.core_type<tc>, window_params = [{transform_indices = @transform_0, window_bounds = array<i64: 32, 32768>}, {pipeline_mode = #tpu.pipeline_mode<synchronous>, transform_indices = @transform_1, window_bounds = array<i64: 32, 128>}, {transform_indices = @transform_2, window_bounds = array<i64: 4096, 128>}]} {
    %get3A = arith.constant 0 : index
    %get3A_0 = arith.constant 0 : index
    %get3A_1 = vector.load %arg1[%get3A, %get3A_0] : memref<32x32768xf32, #tpu.memory_space<vmem>>, vector<32x32768xf32>
    %convert_element_type3A = arith.truncf %get3A_1 : vector<32x32768xf32> to vector<32x32768xbf16>
    %get3A_2 = arith.constant 0 : index
    %get3A_3 = arith.constant 0 : index
    %get3A_4 = vector.load %arg2[%get3A_2, %get3A_3] : memref<32x128xf32, #tpu.memory_space<vmem>>, vector<32x128xf32>
    %convert_element_type3A_5 = arith.truncf %get3A_4 : vector<32x128xf32> to vector<32x128xbf16>
    %dot_general3A = arith.constant dense<0.000000e+00> : vector<32768x128xf32>
    %dot_general3A_6 = tpu.matmul %convert_element_type3A, %convert_element_type3A_5, %dot_general3A {dimension_numbers = #tpu.dot_dimension_numbers<[0], [0], [1], [1], [0, 1, 1, 1], [], []>, transpose_lhs_hint = false} : vector<32x32768xbf16>, vector<32x128xbf16>, vector<32768x128xf32> -> vector<32768x128xf32>
    %swap3A = arith.constant 0 : index
    %swap3A_7 = arith.constant 0 : index
    %swap3A_8 = vector.load %arg4[%swap3A, %swap3A_7] : memref<32768x128xf32, #tpu.memory_space<vmem>>, vector<32768x128xf32>
    tpu.vector_store %arg4[%swap3A, %swap3A_7], %dot_general3A_6 {strides = array<i32>} : memref<32768x128xf32, #tpu.memory_space<vmem>>, vector<32768x128xf32>,
    %iota3A = tpu.iota {dimensions = array<i32: 1>} : vector<4096x128xi32>
    %jit3A = arith.constant 16 : i32
    %div3A = vector.broadcast %jit3A : i32 to vector<4096x128xi32>
    %div3A_9 = arith.divsi %iota3A, %div3A : vector<4096x128xi32>
    %sign3A = arith.constant 0 : i32
    %sign3A_10 = vector.broadcast %sign3A : i32 to vector<4096x128xi32>
    %sign3A_11 = arith.cmpi sgt, %iota3A, %sign3A_10 : vector<4096x128xi32>
    %sign3A_12 = arith.extui %sign3A_11 : vector<4096x128xi1> to vector<4096x128xi32>
    %sign3A_13 = arith.constant 0 : i32
    %sign3A_14 = vector.broadcast %sign3A_13 : i32 to vector<4096x128xi32>
    %sign3A_15 = arith.cmpi slt, %iota3A, %sign3A_14 : vector<4096x128xi32>
    %sign3A_16 = arith.extui %sign3A_15 : vector<4096x128xi1> to vector<4096x128xi32>
    %sign3A_17 = arith.subi %sign3A_12, %sign3A_16 : vector<4096x128xi32>
    %sign3A_18 = arith.constant 0 : i32
    %sign3A_19 = arith.cmpi sgt, %jit3A, %sign3A_18 : i32
    %sign3A_20 = arith.extui %sign3A_19 : i1 to i32
    %sign3A_21 = arith.constant 0 : i32
    %sign3A_22 = arith.cmpi slt, %jit3A, %sign3A_21 : i32
    %sign3A_23 = arith.extui %sign3A_22 : i1 to i32
    %sign3A_24 = arith.subi %sign3A_20, %sign3A_23 : i32
    %ne3A = vector.broadcast %sign3A_24 : i32 to vector<4096x128xi32>
    %ne3A_25 = arith.cmpi ne, %sign3A_17, %ne3A : vector<4096x128xi32>
    %rem3A = vector.broadcast %jit3A : i32 to vector<4096x128xi32>
    %rem3A_26 = arith.remsi %iota3A, %rem3A : vector<4096x128xi32>
    %ne3A_27 = arith.constant 0 : i32
    %ne3A_28 = vector.broadcast %ne3A_27 : i32 to vector<4096x128xi32>
    %ne3A_29 = arith.cmpi ne, %rem3A_26, %ne3A_28 : vector<4096x128xi32>
    %and3A = arith.andi %ne3A_25, %ne3A_29 : vector<4096x128xi1>
    %sub3A = arith.constant 1 : i32
    %sub3A_30 = vector.broadcast %sub3A : i32 to vector<4096x128xi32>
    %sub3A_31 = arith.subi %div3A_9, %sub3A_30 : vector<4096x128xi32>
    %select_n3A = arith.select %and3A, %sub3A_31, %div3A_9 : vector<4096x128xi1>, vector<4096x128xi32>
    %get3A_32 = arith.constant 0 : index
    %get3A_33 = arith.constant 0 : index
    %get3A_34 = tpu.strided_load %arg4[%get3A_32, %get3A_33] {strides = array<i32: 8, 1>} : memref<32768x128xf32, #tpu.memory_space<vmem>>, vector<4096x128xf32>
    %eq3A = arith.constant 1 : i32
    %eq3A_35 = vector.broadcast %eq3A : i32 to vector<4096x128xi32>
    %eq3A_36 = arith.cmpi eq, %select_n3A, %eq3A_35 : vector<4096x128xi32>
    %get3A_37 = arith.constant 1 : index
    %get3A_38 = arith.constant 0 : index
    %get3A_39 = tpu.strided_load %arg4[%get3A_37, %get3A_38] {strides = array<i32: 8, 1>} : memref<32768x128xf32, #tpu.memory_space<vmem>>, vector<4096x128xf32>
    %select_n3A_40 = arith.select %eq3A_36, %get3A_39, %get3A_34 : vector<4096x128xi1>, vector<4096x128xf32>
    %eq3A_41 = arith.constant 2 : i32
    %eq3A_42 = vector.broadcast %eq3A_41 : i32 to vector<4096x128xi32>
    %eq3A_43 = arith.cmpi eq, %select_n3A, %eq3A_42 : vector<4096x128xi32>
    %get3A_44 = arith.constant 2 : index
    %get3A_45 = arith.constant 0 : index
    %get3A_46 = tpu.strided_load %arg4[%get3A_44, %get3A_45] {strides = array<i32: 8, 1>} : memref<32768x128xf32, #tpu.memory_space<vmem>>, vector<4096x128xf32>
    %select_n3A_47 = arith.select %eq3A_43, %get3A_46, %select_n3A_40 : vector<4096x128xi1>, vector<4096x128xf32>
    %eq3A_48 = arith.constant 3 : i32
    %eq3A_49 = vector.broadcast %eq3A_48 : i32 to vector<4096x128xi32>
    %eq3A_50 = arith.cmpi eq, %select_n3A, %eq3A_49 : vector<4096x128xi32>
    %get3A_51 = arith.constant 3 : index
    %get3A_52 = arith.constant 0 : index
    %get3A_53 = tpu.strided_load %arg4[%get3A_51, %get3A_52] {strides = array<i32: 8, 1>} : memref<32768x128xf32, #tpu.memory_space<vmem>>, vector<4096x128xf32>
    %select_n3A_54 = arith.select %eq3A_50, %get3A_53, %select_n3A_47 : vector<4096x128xi1>, vector<4096x128xf32>
    %eq3A_55 = arith.constant 4 : i32
    %eq3A_56 = vector.broadcast %eq3A_55 : i32 to vector<4096x128xi32>
    %eq3A_57 = arith.cmpi eq, %select_n3A, %eq3A_56 : vector<4096x128xi32>
    %get3A_58 = arith.constant 4 : index
    %get3A_59 = arith.constant 0 : index
    %get3A_60 = tpu.strided_load %arg4[%get3A_58, %get3A_59] {strides = array<i32: 8, 1>} : memref<32768x128xf32, #tpu.memory_space<vmem>>, vector<4096x128xf32>
    %select_n3A_61 = arith.select %eq3A_57, %get3A_60, %select_n3A_54 : vector<4096x128xi1>, vector<4096x128xf32>
    %eq3A_62 = arith.constant 5 : i32
    %eq3A_63 = vector.broadcast %eq3A_62 : i32 to vector<4096x128xi32>
    %eq3A_64 = arith.cmpi eq, %select_n3A, %eq3A_63 : vector<4096x128xi32>
    %get3A_65 = arith.constant 5 : index
    %get3A_66 = arith.constant 0 : index
    %get3A_67 = tpu.strided_load %arg4[%get3A_65, %get3A_66] {strides = array<i32: 8, 1>} : memref<32768x128xf32, #tpu.memory_space<vmem>>, vector<4096x128xf32>
    %select_n3A_68 = arith.select %eq3A_64, %get3A_67, %select_n3A_61 : vector<4096x128xi1>, vector<4096x128xf32>
    %eq3A_69 = arith.constant 6 : i32
    %eq3A_70 = vector.broadcast %eq3A_69 : i32 to vector<4096x128xi32>
    %eq3A_71 = arith.cmpi eq, %select_n3A, %eq3A_70 : vector<4096x128xi32>
    %get3A_72 = arith.constant 6 : index
    %get3A_73 = arith.constant 0 : index
    %get3A_74 = tpu.strided_load %arg4[%get3A_72, %get3A_73] {strides = array<i32: 8, 1>} : memref<32768x128xf32, #tpu.memory_space<vmem>>, vector<4096x128xf32>
    %select_n3A_75 = arith.select %eq3A_71, %get3A_74, %select_n3A_68 : vector<4096x128xi1>, vector<4096x128xf32>
    %eq3A_76 = arith.constant 7 : i32
    %eq3A_77 = vector.broadcast %eq3A_76 : i32 to vector<4096x128xi32>
    %eq3A_78 = arith.cmpi eq, %select_n3A, %eq3A_77 : vector<4096x128xi32>
    %get3A_79 = arith.constant 7 : index
    %get3A_80 = arith.constant 0 : index
    %get3A_81 = tpu.strided_load %arg4[%get3A_79, %get3A_80] {strides = array<i32: 8, 1>} : memref<32768x128xf32, #tpu.memory_space<vmem>>, vector<4096x128xf32>
    %select_n3A_82 = arith.select %eq3A_78, %get3A_81, %select_n3A_75 : vector<4096x128xi1>, vector<4096x128xf32>
    %swap3A_83 = arith.constant 0 : index
    %swap3A_84 = arith.constant 0 : index
    %swap3A_85 = vector.load %arg3[%swap3A_83, %swap3A_84] : memref<4096x128xf32, #tpu.memory_space<vmem>>, vector<4096x128xf32>
    tpu.vector_store %arg3[%swap3A_83, %swap3A_84], %select_n3A_82 {strides = array<i32>} : memref<4096x128xf32, #tpu.memory_space<vmem>>, vector<4096x128xf32>,
    return
  }
  func.func @transform_0(%arg0: i32) -> (i32, i32) {
    %c0_i32 = arith.constant 0 : i32
    %c0_i32_0 = arith.constant 0 : i32
    return %c0_i32, %arg0 : i32, i32
  }
  func.func @transform_1(%arg0: i32) -> (i32, i32) {
    %c0_i32 = arith.constant 0 : i32
    %c0_i32_0 = arith.constant 0 : i32
    %c0_i32_1 = arith.constant 0 : i32
    return %c0_i32, %c0_i32_0 : i32, i32
  }
  func.func @transform_2(%arg0: i32) -> (i32, i32) {
    %c0_i32 = arith.constant 0 : i32
    %c0_i32_0 = arith.constant 0 : i32
    return %arg0, %c0_i32 : i32, i32
  }
}

</mosaic_0001>

<sc_bundles>
// kernel: kernel.4.cloned.1.call-start
scs
__scs_entry_jumppad:
0x0: {  	(pc) =	sbr.rel $0x88, $3  }
0x1: {  	(tag) =	ssettag $0x0;
	lr =	simm.s32 $0x1  }
0x2: {  	[smem:$0x3F9E] =	sst lr;
	_ =	strace $0xD0000000  }
0x3: {  	_ = 	snop  }
0x4: {  	_ = 	snop  }
0x5: {  	_ = 	snop  }
0x6: {  	_ = 	snop  }
0x7: {  	_ = 	snop  }
__scs_overlays_trampoline_lowered:
0x8: {  	[smem:$0x3FAD] =	sst s0  }
0x9: {  	[smem:$0x3FAE] =	sst s1  }
0xa: {  	[smem:$0x3FAF] =	sst s2  }
0xb: {  	[smem:$0x3FB0] =	sst s3  }
0xc: {  	[smem:$0x3FB1] =	sst s4  }
0xd: {  	[smem:$0x3FB2] =	sst s5  }
0xe: {  	[smem:$0x3FB3] =	sst s6  }
0xf: {  	[smem:$0x3FB4] =	sst s7  }
0x10: {  	[smem:$0x3FB5] =	sst s8  }
0x11: {  	[smem:$0x3FB6] =	sst s9;
	s0 =	simm.s32 @!p0 $0x0  }
0x12: {  	s1 =	sld [smem:$0x3F9C];
	s0 =	simm.s32 @p0 $0x1  }
0x13: {  	[smem:$0x3FB7] =	sst s0;
	s0 =	simm.s32 @!p1 $0x0  }
0x14: {  	s2 =	sld [smem:$0x3F9B];
	s0 =	simm.s32 @p1 $0x1  }
0x15: {  	[smem:$0x3FB8] =	sst s0;
	s0 =	simm.s32 @!p2 $0x0  }
0x16: {  	s3 =	sld [smem:$0x3FDB];
	s0 =	simm.s32 @p2 $0x1  }
0x17: {  	s4 =	simm.s32 $0x1BF5;
	[smem:$0x3FBA] =	sst s0  }
0x18: {  	s0 =	sld [smem:$0x3F9D];
	_ =	swait.ge [sflag:s4], $0x0  }
0x19: {  	s7 =	sld [smem:$0x3F9E]  }
0x1a: {  	s8 =	sadd.s32 $0xFFFFE003, lr  }
0x1b: {  	s9 =	sadd.s32 $0xFFFFFEF7, lr;
	s5 =	simm.s32 $0xFFFFFFFF;
	p2 =	slt.u32 s8, $0xFFFFF086  }
0x1c: {  	p1 =	slt.u32 s9, $0xF7A;
	s5 =	simm.s32 @!p2 $0x0  }
0x1d: {  	s5 =	simm.s32 @p1 $0x1;
	p0 =	seq.s32 s7, s2  }
0x1e: {  	s7 =	smul.u32 @!p0 $0xF7A, s2;
	p2 =	seq.s32 @!p0 s5, $0x0  }
0x1f: {  	s9 =	smul.u32 $0xF7A, s1;
	s8 =	simm.s32 @!p0 $0x1BF5;
	p2 =	por !p2, p0  }
0x20: {  	[sflag:s8] =	ssyncset.s32 @!p0 $0xFFFFF086;
	s6 =	sadd.s32 @!p0 s3, s7;
	s7 =	simm.s32 @!p0 $0x108  }
0x21: {  	s3 =	sadd.s32 s3, s9;
	s6 =	sadd.s32 @!p0 $0x88, s6;
	s7 =	simm.s32 @p2 $0x1082  }
0x22: {  	[simem:s7], [sflag:s8] =	dma.local @!p0 [hbm:s6], $0xF7A  }
0x23: {  	s9 =	sor.u32 $0xD0000000, s2;
	s6 =	simm.s32 $0x108;
	_ =	swait.ge @!p0 [sflag:s8], $0x0  }
0x24: {  	s3 =	sadd.s32 $0x88, s3;
	s6 =	simm.s32 @!p1 $0x1082;
	[sflag:s4] =	ssyncset.s32 $0xFFFFF086  }
0x25: {  	[simem:s6], [sflag:s4] =	dma.local [hbm:s3], $0xF7A  }
0x26: {  	[smem:$0x3F9E] =	sst s1;
	(tag) =	ssettag s2;
	_ =	strace s9  }
0x27: {  	s1 =	sld [smem:$0x3FAE]  }
0x28: {  	s2 =	sld [smem:$0x3FAF]  }
0x29: {  	s4 =	sld [smem:$0x3FB1]  }
0x2a: {  	p0 =	seq.s32 s5, $0x0;
	s5 =	sld [smem:$0x3FB2]  }
0x2b: {  	s6 =	sld [smem:$0x3FB3]  }
0x2c: {  	s7 =	sld [smem:$0x3FB4]  }
0x2d: {  	s3 =	simm.s32 $0x108;
	s8 =	sld [smem:$0x3FB5]  }
0x2e: {  	s3 =	simm.s32 @!p0 $0x1082;
	s9 =	sld [smem:$0x3FB6]  }
0x2f: {  	lr =	sadd.s32 s0, s3;
	s0 =	sld [smem:$0x3FAD]  }
0x30: {  	s3 =	sld [smem:$0x3FB0]  }
0x31: {  	[smem:$0x3FB9] =	sst s10  }
0x32: {  	s10 =	sld [smem:$0x3FB7];
	_ =	sdelay $0x3  }
0x33: {  	p0 =	seq.s32 s10, $0x1;
	s10 =	sld [smem:$0x3FB9];
	_ =	sdelay $0x3  }
0x34: {  	[smem:$0x3FB9] =	sst s10  }
0x35: {  	s10 =	sld [smem:$0x3FB8];
	_ =	sdelay $0x3  }
0x36: {  	p1 =	seq.s32 s10, $0x1;
	s10 =	sld [smem:$0x3FB9];
	_ =	sdelay $0x3  }
0x37: {  	[smem:$0x3FB9] =	sst s10  }
0x38: {  	s10 =	sld [smem:$0x3FBA]  }
0x39: {  	_ = 	snop;
	(pc) =	sbr.ind lr, $3  }
0x3a: {  	_ = 	snop  }
0x3b: {  	_ = 	snop  }
0x3c: {  	p2 =	seq.s32 s10, $0x1;
	s10 =	sld [smem:$0x3FB9]  }
0x3d: {  	_ =	shalt  }
0x3e: {  	_ =	shalt  }
0x3f: {  	_ =	shalt  }
0x40: {  	_ =	shalt  }
0x41: {  	_ =	shalt  }
0x42: {  	_ =	shalt  }
0x43: {  	_ =	shalt  }
0x44: {  	_ =	shalt  }
0x45: {  	_ =	shalt  }
0x46: {  	_ =	shalt  }
0x47: {  	_ =	shalt  }
0x48: {  	_ =	shalt  }
0x49: {  	_ =	shalt  }
0x4a: {  	_ =	shalt  }
0x4b: {  	_ =	shalt  }
0x4c: {  	_ =	shalt  }
0x4d: {  	_ =	shalt  }
0x4e: {  	_ =	shalt  }
0x4f: {  	_ =	shalt  }
0x50: {  	_ =	shalt  }
0x51: {  	_ =	shalt  }
0x52: {  	_ =	shalt  }
0x53: {  	_ =	shalt  }
0x54: {  	_ =	shalt  }
0x55: {  	_ =	shalt  }
0x56: {  	_ =	shalt  }
0x57: {  	_ =	shalt  }
0x58: {  	_ =	shalt  }
0x59: {  	_ =	shalt  }
0x5a: {  	_ =	shalt  }
0x5b: {  	_ =	shalt  }
0x5c: {  	_ =	shalt  }
0x5d: {  	_ =	shalt  }
0x5e: {  	_ =	shalt  }
0x5f: {  	_ =	shalt  }
0x60: {  	_ =	shalt  }
0x61: {  	_ =	shalt  }
0x62: {  	_ =	shalt  }
0x63: {  	_ =	shalt  }
0x64: {  	_ =	shalt  }
0x65: {  	_ =	shalt  }
0x66: {  	_ =	shalt  }
0x67: {  	_ =	shalt  }
0x68: {  	_ =	shalt  }
0x69: {  	_ =	shalt  }
0x6a: {  	_ =	shalt  }
0x6b: {  	_ =	shalt  }
0x6c: {  	_ =	shalt  }
0x6d: {  	_ =	shalt  }
0x6e: {  	_ =	shalt  }
0x6f: {  	_ =	shalt  }
0x70: {  	_ =	shalt  }
0x71: {  	_ =	shalt  }
0x72: {  	_ =	shalt  }
0x73: {  	_ =	shalt  }
0x74: {  	_ =	shalt  }
0x75: {  	_ =	shalt  }
0x76: {  	_ =	shalt  }
0x77: {  	_ =	shalt  }
0x78: {  	_ =	shalt  }
0x79: {  	_ =	shalt  }
0x7a: {  	_ =	shalt  }
0x7b: {  	_ =	shalt  }
0x7c: {  	_ =	shalt  }
0x7d: {  	_ =	shalt  }
0x7e: {  	_ =	shalt  }
0x7f: {  	_ =	shalt  }
0x80: {  	_ =	shalt  }
0x81: {  	_ =	shalt  }
0x82: {  	_ =	shalt  }
0x83: {  	_ =	shalt  }
0x84: {  	_ =	shalt  }
0x85: {  	_ =	shalt  }
0x86: {  	_ =	shalt  }
0x87: {  	_ =	shalt  }
.Lfunc_end0:
.L_simem_size_0:
called_computation_lowered:
.L_overlay_start_0:
0x88: {  	s2 =	sld [smem:$0x3FD9]  }
0x89: {  	s3 =	sld [smem:$0x3FFE];
	_ =	sdelay $0x1  }
0x8a: {  	s1 =	srdreg.scid  }
0x8b: {  	s0 =	sand.u32 $0x1, s1  }
0x8c: {  	s17 =	sshll.u32 s0, $0xA;
	s2 =	sadd.s32 s3, s2  }
0x8d: {  	s2 =	sadd.s32 s2, s17  }
0x8e: {  	[smem:$0x3FC5] =	sst s2  }
0x8f: {  	_ = 	snop  }
0x90: {  	s2 =	sld [smem:$0x3FD0];
	(tm) =	ssettm $0x1  }
0x91: {  	s18 =	sld [smem:$0x3FFB];
	_ =	sdelay $0x3  }
0x92: {  	_ =	strace s18  }
0x93: {  	s3 =	sld [smem:$0x3FFC];
	_ =	sdelay $0x3  }
0x94: {  	_ =	strace s3  }
0x95: {  	s3 =	sld [smem:$0x3FFD];
	_ =	sdelay $0x3  }
0x96: {  	_ =	strace s3  }
0x97: {  	_ =	strace $0x8FFFFFFF  }
0x98: {  	s19 =	sld [smem:$0x3FDB];
	_ =	sdelay $0x1  }
0x99: {  	s4 =	simm.s32 $_scs_section_size  }
0x9a: {  	s5 =	simm.s32 $_size__tile_overlayer_lowered;
	s6 =	simm.s32 $_tile_overlayer_lowered  }
0x9b: {  	s22 =	simm.s32 $0x1BFF;
	s21 =	sshll.u32 s6, $0x1;
	s3 =	sadd.s32 s4, s19  }
0x9c: {  	s7 =	simm.s32 $0x0;
	s20 =	sshll.u32 s5, $0x1;
	s5 =	sadd.s32 s21, s3  }
0x9d: {  	[timem:s7], [sflag:s22] =	dma.local [hbm:s5], s20  }
0x9e: {  	_ =	swait.ge [sflag:s22], s20  }
0x9f: {  	s4 =	ssub.s32 $0x0, s20;
	[sflag:s22] =	ssyncset.done $0x0  }
0xa0: {  	[sflag:s22] =	ssyncadd.s32 s4;
	_ =	sdelay $0x1  }
0xa1: {  	s23 =	simm.s32 $0x1B8B  }
0xa2: {  	_ =	swait.ge [sflag:s23], $0x1  }
0xa3: {  	[sflag:s23] =	ssyncset.done $0x0  }
0xa4: {  	s25 =	simm.s32 $0x1B8E;
	s24 =	sld [smem:$0x3FFE];
	[sflag:s23] =	ssyncadd.s32 $0xFFFFFFFF  }
0xa5: {  	s26 =	simm.s32 $execute0_lowered;
	[smem:$0x3FD2] =	sst s25  }
0xa6: {  	s5 =	sshll.u32 s26, $0x1;
	_ =	strace $0x80000046;
	[dreg:$0x1] =	wrdreg $0xFFFFFFFF  }
0xa7: {  	s28 =	simm.s32 $_size_execute0_lowered;
	s3 =	sadd.s32 s3, s5;
	[dreg:$0x0] =	wrdreg $0x0  }
0xa8: {  	s5 =	sshll.u32 s28, $0x1;
	[dreg:$0x2] =	wrdreg s3  }
0xa9: {  	[dreg:$0x3] =	wrdreg s5  }
0xaa: {  	[dreg:$0x4] =	wrdreg $0xC0  }
0xab: {  	_ =	task [dreg:s7], $0x5FFFF  }
0xac: {  	[dreg:$0x1] =	wrdreg $0xFFFFFFFF  }
0xad: {  	[dreg:$0x0] =	wrdreg $0x60  }
0xae: {  	[dreg:$0x2] =	wrdreg s24  }
0xaf: {  	[dreg:$0x3] =	wrdreg s2  }
0xb0: {  	[dreg:$0x4] =	wrdreg $0x9  }
0xb1: {  	_ =	task.clear_ibuf [dreg:s7], $0x5FFFF;
	_ =	strace $0x90000046  }
0xb2: {  	s29 =	simm.s32 $0x9;
	_ =	strace $0x80000048  }
0xb3: {  	_ =	swait.ge [sflag:s29], $0x1  }
0xb4: {  	[sflag:s29] =	ssyncadd.s32 $0xFFFFFFFF  }
0xb5: {  	_ =	strace $0x90000048  }
0xb6: {  	_ =	sfence  }
0xb7: {  	s30 =	sld [smem:$0x0];
	_ =	sdelay $0x2  }
0xb8: {  	s31 =	sshll.u32 s1, $0xD;
	s1 =	sshrl.u32 s1, $0x2  }
0xb9: {  	s3 =	sand.u32 $0x4000, s31;
	s1 =	sadd.s32 s1, s30  }
0xba: {  	s0 =	sor.u32 s3, s0;
	s1 =	sshll.u32 s1, $0x11  }
0xbb: {  	s0 =	sor.u32 s1, s0  }
0xbc: {  	s0 =	sadd.s32 $0x8F2B, s0  }
0xbd: {  	[sflag:s0] =	ssyncadd.remote.s32 $0x1  }
0xbe: {  	_ =	sfence.sel $0xFFFF  }
0xbf: {  	[dreg:$0x0] =	wrdreg $0xFFFFFFFF;
	(pc) =	sbr.abs _section_cstart, $3  }
0xc0: {  	[dreg:$0x1] =	wrdreg $0xFFFFFFFF  }
0xc1: {  	_ =	task.clear_ibuf [dreg:s7], $0x2FFFF;
	_ =	strace $0x9FFFFFFF  }
0xc2: {  	(tm) =	ssettm $0x7FFFFFFF  }
0xc3: {  	_ =	shalt  }
tec
execute0_lowered:
.L_overlay_start_1:
0x0: {  	(tag) =	ssettag $0x1  }
0x1: {  	s0 =	srdreg.scid  }
0x2: {  	s2 =	stileid.u32;
	s1 =	rddreg [dreg:$0x0]  }
0x3: {  	s4 =	rddreg [dreg:$0x1];
	s11 =	simm.s32 $0x0;
	s17 =	simm.s32 $0x3  }
0x4: {  	s8 =	simm.s32 $0x50;
	s23 =	simm.s32 $0xC800;
	s28 =	simm.s32 $0xCD00  }
0x5: {  	s15 =	simm.s32 $0xD700;
	s7 =	simm.s32 $0xF000;
	s9 =	simm.s32 $0xF500  }
0x6: {  	s10 =	simm.s32 $0xFA00;
	s12 =	simm.s32 $0xFF00;
	s14 =	simm.s32 $0x10400  }
0x7: {  	s16 =	simm.s32 $0x10900;
	s18 =	simm.s32 $0x10E00;
	s20 =	simm.s32 $0x11300  }
0x8: {  	s22 =	simm.s32 $0x11800;
	s24 =	simm.s32 $0x11D00;
	s29 =	simm.s32 $0x12700  }
0x9: {  	s31 =	simm.s32 $0x1;
	s0 =	sand.u32 $0x1, s0;
	s2 =	sshll.u32 s2, $0x1  }
0xa: {  	s19 =	simm.s32 $0x0;
	[smem:$0x7FF] =	sst s11;
	s2 =	sor.u32 s0, s2  }
0xb: {  	s0 =	ssub.s32 $0x2, s0;
	_ =	strace $0x80000047;
	s3 =	smul.u32 $0xC80, s2  }
0xc: {  	s6 =	sshrl.u32 s0, $0x1;
	s26 =	sshll.u32 s2, $0xA;
	s2 =	simm.s32 $0xEB00  }
0xd: {  	s0 =	ssub.s32 s0, s6;
	s6 =	simm.s32 $0xE600;
	s5 =	sadd.s32 s3, s1  }
0xe: {  	s3 =	sadd.s32 $0x19400, s1;
	s1 =	sadd.s32 s4, s26;
	s0 =	smax.u32 s0, $0x1  }
0xf: {  	s4 =	simm.s32 $0xDC00;
	s26 =	simm.s32 $0x12200;
	[dreg:$0x4] =	wrdreg s1  }
0x10: {  	s30 =	sadd.s32 $0x400, s5;
	[dreg:$0x5] =	wrdreg s0;
	s1 =	simm.s32 $0xD200  }
0x11: {  	s5 =	simm.s32 $0xE100;
	s0 =	simm.s32 $0x2;
	[dreg:$0x3] =	wrdreg s30  }
.LBB2_1:
0x12: {  	[dreg:$0x6] =	wrdreg s19  }
0x13: {  	s13 =	rddreg [dreg:$0x3]  }
0x14: {  	[tilespmem:s11], [sflag:$0x3] =	stream.linear.gather [hbm4b:s13+s11], $0x6400, $0x38;
	[tilespmem:$0x14C00] =	vst v63  }
0x15: {  	_ =	swait.ge [sflag:s17], $0x6400  }
0x16: {  	[sflag:s17] =	ssyncset.done $0x0  }
0x17: {  	s25 =	simm.s32 $0x6400;
	[sflag:s17] =	ssyncadd.s32 $0xFFFF9C00  }
0x18: {  	[tilespmem:s25], [sflag:$0x1] =	stream.indirect.gather [hbm4b:s3+s8], $0x10, s11, s8, $0xb8;
	[tilespmem:$0x14C00] =	vst v63  }
0x19: {  	s30 =	simm.s32 $0x6900  }
0x1a: {  	[tilespmem:s30], [sflag:$0x1] =	stream.indirect.gather [hbm4b:s3+s8], $0x10, s8, s8, $0xb8;
	[tilespmem:$0x14C00] =	vst v63  }
0x1b: {  	s13 =	simm.s32 $0xA0;
	s17 =	simm.s32 $0x6E00  }
0x1c: {  	[tilespmem:s17], [sflag:$0x1] =	stream.indirect.gather [hbm4b:s3+s8], $0x10, s13, s8, $0xb8;
	[tilespmem:$0x14C00] =	vst v63  }
0x1d: {  	s19 =	simm.s32 $0xF0;
	s21 =	simm.s32 $0x7300  }
0x1e: {  	[tilespmem:s21], [sflag:$0x1] =	stream.indirect.gather [hbm4b:s3+s8], $0x10, s19, s8, $0xb8;
	[tilespmem:$0x14C00] =	vst v63  }
0x1f: {  	s25 =	simm.s32 $0x140;
	s30 =	simm.s32 $0x7800  }
0x20: {  	[tilespmem:s30], [sflag:$0x1] =	stream.indirect.gather [hbm4b:s3+s8], $0x10, s25, s8, $0xb8;
	[tilespmem:$0x14C00] =	vst v63  }
0x21: {  	s13 =	simm.s32 $0x190;
	s17 =	simm.s32 $0x7D00  }
0x22: {  	[tilespmem:s17], [sflag:$0x1] =	stream.indirect.gather [hbm4b:s3+s8], $0x10, s13, s8, $0xb8;
	[tilespmem:$0x14C00] =	vst v63  }
0x23: {  	s19 =	simm.s32 $0x1E0;
	s21 =	simm.s32 $0x8200  }
0x24: {  	[tilespmem:s21], [sflag:$0x1] =	stream.indirect.gather [hbm4b:s3+s8], $0x10, s19, s8, $0xb8;
	[tilespmem:$0x14C00] =	vst v63  }
0x25: {  	s25 =	simm.s32 $0x230;
	s30 =	simm.s32 $0x8700  }
0x26: {  	[tilespmem:s30], [sflag:$0x1] =	stream.indirect.gather [hbm4b:s3+s8], $0x10, s25, s8, $0xb8;
	[tilespmem:$0x14C00] =	vst v63  }
0x27: {  	s13 =	simm.s32 $0x280;
	s17 =	simm.s32 $0x8C00  }
0x28: {  	[tilespmem:s17], [sflag:$0x1] =	stream.indirect.gather [hbm4b:s3+s8], $0x10, s13, s8, $0xb8;
	[tilespmem:$0x14C00] =	vst v63  }
0x29: {  	s19 =	simm.s32 $0x2D0;
	s21 =	simm.s32 $0x9100  }
0x2a: {  	[tilespmem:s21], [sflag:$0x1] =	stream.indirect.gather [hbm4b:s3+s8], $0x10, s19, s8, $0xb8;
	[tilespmem:$0x14C00] =	vst v63  }
0x2b: {  	s25 =	simm.s32 $0x320;
	s30 =	simm.s32 $0x9600  }
0x2c: {  	[tilespmem:s30], [sflag:$0x1] =	stream.indirect.gather [hbm4b:s3+s8], $0x10, s25, s8, $0xb8;
	[tilespmem:$0x14C00] =	vst v63  }
0x2d: {  	s13 =	simm.s32 $0x370;
	s17 =	simm.s32 $0x9B00  }
0x2e: {  	[tilespmem:s17], [sflag:$0x1] =	stream.indirect.gather [hbm4b:s3+s8], $0x10, s13, s8, $0xb8;
	[tilespmem:$0x14C00] =	vst v63  }
0x2f: {  	s19 =	simm.s32 $0x3C0;
	s21 =	simm.s32 $0xA000  }
0x30: {  	[tilespmem:s21], [sflag:$0x1] =	stream.indirect.gather [hbm4b:s3+s8], $0x10, s19, s8, $0xb8;
	[tilespmem:$0x14C00] =	vst v63  }
0x31: {  	s25 =	simm.s32 $0x410;
	s30 =	simm.s32 $0xA500  }
0x32: {  	[tilespmem:s30], [sflag:$0x1] =	stream.indirect.gather [hbm4b:s3+s8], $0x10, s25, s8, $0xb8;
	[tilespmem:$0x14C00] =	vst v63  }
0x33: {  	s13 =	simm.s32 $0x460;
	s17 =	simm.s32 $0xAA00  }
0x34: {  	[tilespmem:s17], [sflag:$0x1] =	stream.indirect.gather [hbm4b:s3+s8], $0x10, s13, s8, $0xb8;
	[tilespmem:$0x14C00] =	vst v63  }
0x35: {  	s19 =	simm.s32 $0x4B0;
	s21 =	simm.s32 $0xAF00  }
0x36: {  	[tilespmem:s21], [sflag:$0x1] =	stream.indirect.gather [hbm4b:s3+s8], $0x10, s19, s8, $0xb8;
	[tilespmem:$0x14C00] =	vst v63  }
0x37: {  	s25 =	simm.s32 $0x500;
	s30 =	simm.s32 $0xB400  }
0x38: {  	[tilespmem:s30], [sflag:$0x1] =	stream.indirect.gather [hbm4b:s3+s8], $0x10, s25, s8, $0xb8;
	[tilespmem:$0x14C00] =	vst v63  }
0x39: {  	s13 =	simm.s32 $0x550;
	s17 =	simm.s32 $0xB900;
	s19 =	simm.s32 $0x5A0  }
0x3a: {  	[tilespmem:s17], [sflag:$0x1] =	stream.indirect.gather [hbm4b:s3+s8], $0x10, s13, s8, $0xb8;
	[tilespmem:$0x14C00] =	vst v63  }
0x3b: {  	s21 =	simm.s32 $0xBE00;
	s25 =	simm.s32 $0x5F0;
	s30 =	simm.s32 $0xC300  }
0x3c: {  	[tilespmem:s21], [sflag:$0x1] =	stream.indirect.gather [hbm4b:s3+s8], $0x10, s19, s8, $0xb8;
	[tilespmem:$0x14C00] =	vst v63  }
0x3d: {  	s13 =	simm.s32 $0x12E00;
	s17 =	simm.s32 $0x12C00;
	s21 =	simm.s32 $0x0  }
0x3e: {  	[tilespmem:s30], [sflag:$0x1] =	stream.indirect.gather [hbm4b:s3+s8], $0x10, s25, s8, $0xb8;
	[tilespmem:$0x14C00] =	vst v63  }
.LBB2_2:
0x3f: {  	s11 =	sshllo.u32 s21, $0x1  }
0x40: {  	s11 =	smul.u32 $0x1900, s11;
	_ =	sdelay $0x1  }
0x41: {  	s11 =	sshra.s32 s11, $0x2  }
0x42: {  	[tilespmem:s23], [sflag:$0x2] =	stream.indirect.gather [hbm4b:s3+s8], $0x10, s11, s8, $0xb8;
	[tilespmem:$0x14C00] =	vst v63  }
0x43: {  	s25 =	sadd.s32 $0x50, s11  }
0x44: {  	[tilespmem:s28], [sflag:$0x2] =	stream.indirect.gather [hbm4b:s3+s8], $0x10, s25, s8, $0xb8;
	[tilespmem:$0x14C00] =	vst v63  }
0x45: {  	s19 =	sadd.s32 $0xA0, s11  }
0x46: {  	[tilespmem:s1], [sflag:$0x2] =	stream.indirect.gather [hbm4b:s3+s8], $0x10, s19, s8, $0xb8;
	[tilespmem:$0x14C00] =	vst v63  }
0x47: {  	s19 =	sadd.s32 $0xF0, s11  }
0x48: {  	[tilespmem:s15], [sflag:$0x2] =	stream.indirect.gather [hbm4b:s3+s8], $0x10, s19, s8, $0xb8;
	[tilespmem:$0x14C00] =	vst v63  }
0x49: {  	s19 =	sadd.s32 $0x140, s11  }
0x4a: {  	[tilespmem:s4], [sflag:$0x2] =	stream.indirect.gather [hbm4b:s3+s8], $0x10, s19, s8, $0xb8;
	[tilespmem:$0x14C00] =	vst v63  }
0x4b: {  	s19 =	sadd.s32 $0x190, s11  }
0x4c: {  	[tilespmem:s5], [sflag:$0x2] =	stream.indirect.gather [hbm4b:s3+s8], $0x10, s19, s8, $0xb8;
	[tilespmem:$0x14C00] =	vst v63  }
0x4d: {  	s19 =	sadd.s32 $0x1E0, s11  }
0x4e: {  	[tilespmem:s6], [sflag:$0x2] =	stream.indirect.gather [hbm4b:s3+s8], $0x10, s19, s8, $0xb8;
	[tilespmem:$0x14C00] =	vst v63  }
0x4f: {  	s19 =	sadd.s32 $0x230, s11  }
0x50: {  	[tilespmem:s2], [sflag:$0x2] =	stream.indirect.gather [hbm4b:s3+s8], $0x10, s19, s8, $0xb8;
	[tilespmem:$0x14C00] =	vst v63  }
0x51: {  	s19 =	sadd.s32 $0x280, s11  }
0x52: {  	[tilespmem:s7], [sflag:$0x2] =	stream.indirect.gather [hbm4b:s3+s8], $0x10, s19, s8, $0xb8;
	[tilespmem:$0x14C00] =	vst v63  }
0x53: {  	s19 =	sadd.s32 $0x2D0, s11  }
0x54: {  	[tilespmem:s9], [sflag:$0x2] =	stream.indirect.gather [hbm4b:s3+s8], $0x10, s19, s8, $0xb8;
	[tilespmem:$0x14C00] =	vst v63  }
0x55: {  	s19 =	sadd.s32 $0x320, s11  }
0x56: {  	[tilespmem:s10], [sflag:$0x2] =	stream.indirect.gather [hbm4b:s3+s8], $0x10, s19, s8, $0xb8;
	[tilespmem:$0x14C00] =	vst v63  }
0x57: {  	s19 =	sadd.s32 $0x370, s11  }
0x58: {  	[tilespmem:s12], [sflag:$0x2] =	stream.indirect.gather [hbm4b:s3+s8], $0x10, s19, s8, $0xb8;
	[tilespmem:$0x14C00] =	vst v63  }
0x59: {  	s19 =	sadd.s32 $0x3C0, s11  }
0x5a: {  	[tilespmem:s14], [sflag:$0x2] =	stream.indirect.gather [hbm4b:s3+s8], $0x10, s19, s8, $0xb8;
	[tilespmem:$0x14C00] =	vst v63  }
0x5b: {  	s19 =	sadd.s32 $0x410, s11  }
0x5c: {  	[tilespmem:s16], [sflag:$0x2] =	stream.indirect.gather [hbm4b:s3+s8], $0x10, s19, s8, $0xb8;
	[tilespmem:$0x14C00] =	vst v63  }
0x5d: {  	s19 =	sadd.s32 $0x460, s11  }
0x5e: {  	[tilespmem:s18], [sflag:$0x2] =	stream.indirect.gather [hbm4b:s3+s8], $0x10, s19, s8, $0xb8;
	[tilespmem:$0x14C00] =	vst v63  }
0x5f: {  	s19 =	sadd.s32 $0x4B0, s11  }
0x60: {  	[tilespmem:s20], [sflag:$0x2] =	stream.indirect.gather [hbm4b:s3+s8], $0x10, s19, s8, $0xb8;
	[tilespmem:$0x14C00] =	vst v63  }
0x61: {  	s19 =	sadd.s32 $0x500, s11  }
0x62: {  	[tilespmem:s22], [sflag:$0x2] =	stream.indirect.gather [hbm4b:s3+s8], $0x10, s19, s8, $0xb8;
	[tilespmem:$0x14C00] =	vst v63  }
0x63: {  	s19 =	sadd.s32 $0x550, s11  }
0x64: {  	[tilespmem:s24], [sflag:$0x2] =	stream.indirect.gather [hbm4b:s3+s8], $0x10, s19, s8, $0xb8;
	[tilespmem:$0x14C00] =	vst v63  }
0x65: {  	s19 =	sadd.s32 $0x5A0, s11  }
0x66: {  	[tilespmem:s26], [sflag:$0x2] =	stream.indirect.gather [hbm4b:s3+s8], $0x10, s19, s8, $0xb8;
	[tilespmem:$0x14C00] =	vst v63  }
0x67: {  	s11 =	sadd.s32 $0x5F0, s11  }
0x68: {  	[tilespmem:s29], [sflag:$0x2] =	stream.indirect.gather [hbm4b:s3+s8], $0x10, s11, s8, $0xb8;
	[tilespmem:$0x14C00] =	vst v63  }
0x69: {  	_ =	swait.ge [sflag:s31], $0x6400  }
0x6a: {  	[sflag:s31] =	ssyncset.done $0x0  }
0x6b: {  	s25 =	simm.s32 $0x6590;
	[sflag:s31] =	ssyncadd.s32 $0xFFFF9C00  }
0x6c: {  	v0 =	vld [tilespmem:s25+$0x170]  }
0x6d: {  	v2 =	vld [tilespmem:s25+$0x150]  }
0x6e: {  	v3 =	vld [tilespmem:s25+$0x130]  }
0x6f: {  	v4 =	vld [tilespmem:s25+$0x110]  }
0x70: {  	v5 =	vld [tilespmem:s25+$0xF0]  }
0x71: {  	v6 =	vld [tilespmem:s25+$0xD0]  }
0x72: {  	v7 =	vld [tilespmem:s25+$0xB0]  }
0x73: {  	v8 =	vld [tilespmem:s25+$0x90]  }
0x74: {  	v9 =	vld [tilespmem:s25+$0x70]  }
0x75: {  	v10 =	vld [tilespmem:s25+$0x50]  }
0x76: {  	v11 =	vld [tilespmem:s25+$0x30]  }
0x77: {  	v12 =	vld [tilespmem:s25+$0x10]  }
0x78: {  	v13 =	vld [tilespmem:s25+$0xFFFFFFF0]  }
0x79: {  	v14 =	vld [tilespmem:s25+$0xFFFFFFD0]  }
0x7a: {  	v15 =	vld [tilespmem:s25+$0xFFFFFFB0]  }
0x7b: {  	v16 =	vld [tilespmem:s25+$0xFFFFFF90]  }
0x7c: {  	v17 =	vld [tilespmem:s25+$0xFFFFFF70]  }
0x7d: {  	v18 =	vld [tilespmem:s25+$0xFFFFFF50]  }
0x7e: {  	v19 =	vld [tilespmem:s25+$0xFFFFFF30]  }
0x7f: {  	v20 =	vld [tilespmem:s25+$0xFFFFFF10]  }
0x80: {  	v21 =	vld [tilespmem:s25+$0xFFFFFEF0]  }
0x81: {  	v22 =	vld [tilespmem:s25+$0xFFFFFE90]  }
0x82: {  	v23 =	vld [tilespmem:s25+$0xFFFFFED0]  }
0x83: {  	v24 =	vld [tilespmem:s25+$0xFFFFFEA0]  }
0x84: {  	v25 =	vld [tilespmem:s25+$0xFFFFFEB0]  }
0x85: {  	v26 =	vld [tilespmem:s25+$0xFFFFFE70]  }
0x86: {  	v27 =	vld [tilespmem:s25+$0xFFFFFE80]  }
0x87: {  	s30 =	simm.s32 $0x0;
	v1 =	vmov s17;
	s11 =	simm.s32 $0x40;
	v28 =	vld [tilespmem:s25+$0xFFFFFEC0]  }
.LBB2_3:
0x88: {  	p0 =	sne.s32 s11, $0x7C0;
	v29 =	vld [tilespmem:s25+$0xFFFFFEE0]  }
0x89: {  	v30 =	vld [tilespmem:s25+$0xFFFFFF00]  }
0x8a: {  	v31 =	vld [tilespmem:s25+$0xFFFFFF20]  }
0x8b: {  	v32 =	vld [tilespmem:s25+$0xFFFFFF40]  }
0x8c: {  	v25 =	vadd.f32 v25, v26;
	v26 =	vadd.f32 v28, v27;
	v27 =	vld [tilespmem:s25+$0xFFFFFF60]  }
0x8d: {  	v22 =	vadd.f32 v23, v22;
	v23 =	vadd.f32 v29, v24;
	v24 =	vld [tilespmem:s25+$0xFFFFFF80]  }
0x8e: {  	v21 =	vadd.f32 v21, v25;
	v25 =	vadd.f32 v30, v26;
	v26 =	vld [tilespmem:s25+$0xFFFFFFA0]  }
0x8f: {  	v20 =	vadd.f32 v20, v22;
	v22 =	vadd.f32 v31, v23;
	v23 =	vld [tilespmem:s25+$0xFFFFFFC0]  }
0x90: {  	v19 =	vadd.f32 v19, v21;
	v21 =	vadd.f32 v32, v25;
	v25 =	vld [tilespmem:s25+$0xFFFFFFE0]  }
0x91: {  	v18 =	vadd.f32 v18, v20;
	v20 =	vadd.f32 v27, v22;
	v22 =	vld [tilespmem:s25+$0x0]  }
0x92: {  	v17 =	vadd.f32 v17, v19;
	v19 =	vadd.f32 v24, v21;
	v21 =	vld [tilespmem:s25+$0x20]  }
0x93: {  	v16 =	vadd.f32 v16, v18;
	v18 =	vadd.f32 v26, v20;
	v20 =	vld [tilespmem:s25+$0x40]  }
0x94: {  	v15 =	vadd.f32 v15, v17;
	v17 =	vadd.f32 v23, v19;
	v19 =	vld [tilespmem:s25+$0x60]  }
0x95: {  	v14 =	vadd.f32 v14, v16;
	v16 =	vadd.f32 v25, v18;
	v18 =	vld [tilespmem:s25+$0x80]  }
0x96: {  	v13 =	vadd.f32 v13, v15;
	v15 =	vadd.f32 v22, v17;
	v17 =	vld [tilespmem:s25+$0xA0]  }
0x97: {  	v12 =	vadd.f32 v12, v14;
	v14 =	vadd.f32 v21, v16;
	v16 =	vld [tilespmem:s25+$0xC0]  }
0x98: {  	v11 =	vadd.f32 v11, v13;
	v13 =	vadd.f32 v20, v15;
	v15 =	vld [tilespmem:s25+$0xE0]  }
0x99: {  	v10 =	vadd.f32 v10, v12;
	v12 =	vadd.f32 v19, v14;
	v14 =	vld [tilespmem:s25+$0x100]  }
0x9a: {  	v9 =	vadd.f32 v9, v11;
	v11 =	vadd.f32 v18, v13;
	v13 =	vld [tilespmem:s25+$0x120]  }
0x9b: {  	v8 =	vadd.f32 v8, v10;
	v10 =	vadd.f32 v17, v12;
	v12 =	vld [tilespmem:s25+$0x140]  }
0x9c: {  	v7 =	vadd.f32 v7, v9;
	v9 =	vadd.f32 v16, v11;
	v11 =	vld [tilespmem:s25+$0x160]  }
0x9d: {  	v6 =	vadd.f32 v6, v8;
	v8 =	vadd.f32 v15, v10;
	v10 =	vld [tilespmem:s25+$0x180]  }
0x9e: {  	v5 =	vadd.f32 v5, v7;
	v7 =	vadd.f32 v14, v9  }
0x9f: {  	v4 =	vadd.f32 v4, v6;
	v6 =	vadd.f32 v13, v8  }
0xa0: {  	v3 =	vadd.f32 v3, v5;
	v5 =	vadd.f32 v12, v7  }
0xa1: {  	v2 =	vadd.f32 v2, v4;
	v4 =	vadd.f32 v11, v6  }
0xa2: {  	v0 =	vadd.f32 v0, v3;
	v3 =	vadd.f32 v10, v5;
	_ =	sdelay $0x1  }
0xa3: {  	v2 =	vadd.f32 v4, v2;
	v0 =	vadd.f32 v3, v0;
	_ =	sdelay $0x1  }
0xa4: {  	v0 =	vadd.f32 v0, v2  }
0xa5: {  	s19 =	sshra.s32 s30, $0x2;
	s30 =	smov.u32 s11  }
0xa6: {  	s25 =	sadd.s32 $0x320, s25;
	[tilespmem:v1+s19+$0x0 ss:$0x1] =	vst.idx.msk $0xffff, v0  }
0xa7: {  	v0 =	vld [tilespmem:s25+$0x170]  }
0xa8: {  	v2 =	vld [tilespmem:s25+$0x150]  }
0xa9: {  	v3 =	vld [tilespmem:s25+$0x130]  }
0xaa: {  	v4 =	vld [tilespmem:s25+$0x110]  }
0xab: {  	v5 =	vld [tilespmem:s25+$0xF0]  }
0xac: {  	v6 =	vld [tilespmem:s25+$0xD0]  }
0xad: {  	v7 =	vld [tilespmem:s25+$0xB0]  }
0xae: {  	v8 =	vld [tilespmem:s25+$0x90]  }
0xaf: {  	v9 =	vld [tilespmem:s25+$0x70]  }
0xb0: {  	v10 =	vld [tilespmem:s25+$0x50]  }
0xb1: {  	v11 =	vld [tilespmem:s25+$0x30]  }
0xb2: {  	v12 =	vld [tilespmem:s25+$0x10]  }
0xb3: {  	v13 =	vld [tilespmem:s25+$0xFFFFFFF0]  }
0xb4: {  	v14 =	vld [tilespmem:s25+$0xFFFFFFD0]  }
0xb5: {  	v15 =	vld [tilespmem:s25+$0xFFFFFFB0]  }
0xb6: {  	v16 =	vld [tilespmem:s25+$0xFFFFFF90]  }
0xb7: {  	v17 =	vld [tilespmem:s25+$0xFFFFFF70]  }
0xb8: {  	v18 =	vld [tilespmem:s25+$0xFFFFFF50]  }
0xb9: {  	v19 =	vld [tilespmem:s25+$0xFFFFFF30]  }
0xba: {  	v20 =	vld [tilespmem:s25+$0xFFFFFF10]  }
0xbb: {  	v21 =	vld [tilespmem:s25+$0xFFFFFEF0]  }
0xbc: {  	v22 =	vld [tilespmem:s25+$0xFFFFFE90]  }
0xbd: {  	v23 =	vld [tilespmem:s25+$0xFFFFFED0]  }
.Ltmp0:
0xbe: {  	v24 =	vld [tilespmem:s25+$0xFFFFFEA0];
	(pc) =	sbr.rel @p0 .LBB2_3-.Ltmp0, $4  }
0xbf: {  	v25 =	vld [tilespmem:s25+$0xFFFFFEB0]  }
0xc0: {  	v26 =	vld [tilespmem:s25+$0xFFFFFE70]  }
0xc1: {  	v27 =	vld [tilespmem:s25+$0xFFFFFE80]  }
0xc2: {  	s11 =	sadd.s32 $0x40, s11;
	v28 =	vld [tilespmem:s25+$0xFFFFFEC0]  }
0xc3: {  	v29 =	vld [tilespmem:s25+$0xFFFFFEE0]  }
0xc4: {  	v30 =	vld [tilespmem:s25+$0xFFFFFF00]  }
0xc5: {  	v31 =	vld [tilespmem:s25+$0xFFFFFF20]  }
0xc6: {  	v32 =	vld [tilespmem:s25+$0xFFFFFF40];
	v25 =	vadd.f32 v25, v26  }
0xc7: {  	v22 =	vadd.f32 v23, v22;
	v26 =	vadd.f32 v28, v27;
	v27 =	vld [tilespmem:s25+$0xFFFFFF60]  }
0xc8: {  	v21 =	vadd.f32 v21, v25;
	v23 =	vadd.f32 v29, v24;
	v24 =	vld [tilespmem:s25+$0xFFFFFF80]  }
0xc9: {  	v20 =	vadd.f32 v20, v22;
	v25 =	vadd.f32 v30, v26;
	v26 =	vld [tilespmem:s25+$0xFFFFFFA0]  }
0xca: {  	v19 =	vadd.f32 v19, v21;
	v22 =	vadd.f32 v31, v23;
	v23 =	vld [tilespmem:s25+$0xFFFFFFC0]  }
0xcb: {  	v18 =	vadd.f32 v18, v20;
	v21 =	vadd.f32 v32, v25;
	v25 =	vld [tilespmem:s25+$0xFFFFFFE0]  }
0xcc: {  	v17 =	vadd.f32 v17, v19;
	v20 =	vadd.f32 v27, v22;
	v22 =	vld [tilespmem:s25+$0x0]  }
0xcd: {  	v16 =	vadd.f32 v16, v18;
	v19 =	vadd.f32 v24, v21;
	v21 =	vld [tilespmem:s25+$0x20]  }
0xce: {  	v15 =	vadd.f32 v15, v17;
	v18 =	vadd.f32 v26, v20;
	v20 =	vld [tilespmem:s25+$0x40]  }
0xcf: {  	v14 =	vadd.f32 v14, v16;
	v17 =	vadd.f32 v23, v19;
	v19 =	vld [tilespmem:s25+$0x60]  }
0xd0: {  	v13 =	vadd.f32 v13, v15;
	v16 =	vadd.f32 v25, v18;
	v18 =	vld [tilespmem:s25+$0x80]  }
0xd1: {  	v12 =	vadd.f32 v12, v14;
	v15 =	vadd.f32 v22, v17;
	v17 =	vld [tilespmem:s25+$0xA0]  }
0xd2: {  	v11 =	vadd.f32 v11, v13;
	v14 =	vadd.f32 v21, v16;
	v16 =	vld [tilespmem:s25+$0xC0]  }
0xd3: {  	v10 =	vadd.f32 v10, v12;
	v13 =	vadd.f32 v20, v15;
	v15 =	vld [tilespmem:s25+$0xE0]  }
0xd4: {  	v9 =	vadd.f32 v9, v11;
	v12 =	vadd.f32 v19, v14;
	v14 =	vld [tilespmem:s25+$0x100]  }
0xd5: {  	v8 =	vadd.f32 v8, v10;
	v11 =	vadd.f32 v18, v13;
	v13 =	vld [tilespmem:s25+$0x120]  }
0xd6: {  	v7 =	vadd.f32 v7, v9;
	v10 =	vadd.f32 v17, v12;
	v12 =	vld [tilespmem:s25+$0x140]  }
0xd7: {  	v6 =	vadd.f32 v6, v8;
	v9 =	vadd.f32 v16, v11;
	v11 =	vld [tilespmem:s25+$0x160]  }
0xd8: {  	v5 =	vadd.f32 v5, v7;
	v8 =	vadd.f32 v15, v10;
	v10 =	vld [tilespmem:s25+$0x180]  }
0xd9: {  	v7 =	vadd.f32 v14, v9  }
0xda: {  	v4 =	vadd.f32 v4, v6;
	v3 =	vadd.f32 v3, v5  }
0xdb: {  	v6 =	vadd.f32 v13, v8;
	v5 =	vadd.f32 v12, v7  }
0xdc: {  	v2 =	vadd.f32 v2, v4;
	v0 =	vadd.f32 v0, v3  }
0xdd: {  	v4 =	vadd.f32 v11, v6;
	v3 =	vadd.f32 v10, v5;
	_ =	sdelay $0x1  }
0xde: {  	v2 =	vadd.f32 v4, v2;
	v0 =	vadd.f32 v3, v0  }
0xdf: {  	s11 =	smul.u32 $0x3200, s21  }
0xe0: {  	v0 =	vadd.f32 v0, v2  }
0xe1: {  	s19 =	sshra.s32 s30, $0x2;
	s11 =	sshra.s32 s11, $0x2  }
0xe2: {  	s25 =	simm.s32 $0x6400;
	[tilespmem:v1+s19+$0x0 ss:$0x1] =	vst.idx.msk $0xffff, v0;
	s19 =	sadd.s32 $0xC80, s11  }
0xe3: {  	[tilespmem:s25], [sflag:$0x1] =	stream.indirect.gather [hbm4b:s3+s8], $0x10, s19, s8, $0xb8;
	[tilespmem:$0x14C00] =	vst v63  }
0xe4: {  	s19 =	sadd.s32 $0xCD0, s11;
	s25 =	simm.s32 $0x6900  }
0xe5: {  	[tilespmem:s25], [sflag:$0x1] =	stream.indirect.gather [hbm4b:s3+s8], $0x10, s19, s8, $0xb8;
	[tilespmem:$0x14C00] =	vst v63  }
0xe6: {  	s19 =	sadd.s32 $0xD20, s11;
	s25 =	simm.s32 $0x6E00  }
0xe7: {  	[tilespmem:s25], [sflag:$0x1] =	stream.indirect.gather [hbm4b:s3+s8], $0x10, s19, s8, $0xb8;
	[tilespmem:$0x14C00] =	vst v63  }
0xe8: {  	s19 =	sadd.s32 $0xD70, s11;
	s25 =	simm.s32 $0x7300  }
0xe9: {  	[tilespmem:s25], [sflag:$0x1] =	stream.indirect.gather [hbm4b:s3+s8], $0x10, s19, s8, $0xb8;
	[tilespmem:$0x14C00] =	vst v63  }
0xea: {  	s19 =	sadd.s32 $0xDC0, s11;
	s25 =	simm.s32 $0x7800  }
0xeb: {  	[tilespmem:s25], [sflag:$0x1] =	stream.indirect.gather [hbm4b:s3+s8], $0x10, s19, s8, $0xb8;
	[tilespmem:$0x14C00] =	vst v63  }
0xec: {  	s19 =	sadd.s32 $0xE10, s11;
	s25 =	simm.s32 $0x7D00  }
0xed: {  	[tilespmem:s25], [sflag:$0x1] =	stream.indirect.gather [hbm4b:s3+s8], $0x10, s19, s8, $0xb8;
	[tilespmem:$0x14C00] =	vst v63  }
0xee: {  	s19 =	sadd.s32 $0xE60, s11;
	s25 =	simm.s32 $0x8200  }
0xef: {  	[tilespmem:s25], [sflag:$0x1] =	stream.indirect.gather [hbm4b:s3+s8], $0x10, s19, s8, $0xb8;
	[tilespmem:$0x14C00] =	vst v63  }
0xf0: {  	s19 =	sadd.s32 $0xEB0, s11;
	s25 =	simm.s32 $0x8700  }
0xf1: {  	[tilespmem:s25], [sflag:$0x1] =	stream.indirect.gather [hbm4b:s3+s8], $0x10, s19, s8, $0xb8;
	[tilespmem:$0x14C00] =	vst v63  }
0xf2: {  	s19 =	sadd.s32 $0xF00, s11;
	s25 =	simm.s32 $0x8C00  }
0xf3: {  	[tilespmem:s25], [sflag:$0x1] =	stream.indirect.gather [hbm4b:s3+s8], $0x10, s19, s8, $0xb8;
	[tilespmem:$0x14C00] =	vst v63  }
0xf4: {  	s19 =	sadd.s32 $0xF50, s11;
	s25 =	simm.s32 $0x9100  }
0xf5: {  	[tilespmem:s25], [sflag:$0x1] =	stream.indirect.gather [hbm4b:s3+s8], $0x10, s19, s8, $0xb8;
	[tilespmem:$0x14C00] =	vst v63  }
0xf6: {  	s19 =	sadd.s32 $0xFA0, s11;
	s25 =	simm.s32 $0x9600  }
0xf7: {  	[tilespmem:s25], [sflag:$0x1] =	stream.indirect.gather [hbm4b:s3+s8], $0x10, s19, s8, $0xb8;
	[tilespmem:$0x14C00] =	vst v63  }
0xf8: {  	s19 =	sadd.s32 $0xFF0, s11;
	s25 =	simm.s32 $0x9B00  }
0xf9: {  	[tilespmem:s25], [sflag:$0x1] =	stream.indirect.gather [hbm4b:s3+s8], $0x10, s19, s8, $0xb8;
	[tilespmem:$0x14C00] =	vst v63  }
0xfa: {  	s19 =	sadd.s32 $0x1040, s11;
	s25 =	simm.s32 $0xA000  }
0xfb: {  	[tilespmem:s25], [sflag:$0x1] =	stream.indirect.gather [hbm4b:s3+s8], $0x10, s19, s8, $0xb8;
	[tilespmem:$0x14C00] =	vst v63  }
0xfc: {  	s19 =	sadd.s32 $0x1090, s11;
	s25 =	simm.s32 $0xA500  }
0xfd: {  	[tilespmem:s25], [sflag:$0x1] =	stream.indirect.gather [hbm4b:s3+s8], $0x10, s19, s8, $0xb8;
	[tilespmem:$0x14C00] =	vst v63  }
0xfe: {  	s19 =	sadd.s32 $0x10E0, s11;
	s25 =	simm.s32 $0xAA00  }
0xff: {  	[tilespmem:s25], [sflag:$0x1] =	stream.indirect.gather [hbm4b:s3+s8], $0x10, s19, s8, $0xb8;
	[tilespmem:$0x14C00] =	vst v63  }
0x100: {  	s19 =	sadd.s32 $0x1130, s11;
	s25 =	simm.s32 $0xAF00  }
0x101: {  	[tilespmem:s25], [sflag:$0x1] =	stream.indirect.gather [hbm4b:s3+s8], $0x10, s19, s8, $0xb8;
	[tilespmem:$0x14C00] =	vst v63  }
0x102: {  	s19 =	sadd.s32 $0x1180, s11;
	s25 =	simm.s32 $0xB400  }
0x103: {  	[tilespmem:s25], [sflag:$0x1] =	stream.indirect.gather [hbm4b:s3+s8], $0x10, s19, s8, $0xb8;
	[tilespmem:$0x14C00] =	vst v63  }
0x104: {  	s19 =	sadd.s32 $0x11D0, s11;
	s25 =	simm.s32 $0xB900  }
0x105: {  	[tilespmem:s25], [sflag:$0x1] =	stream.indirect.gather [hbm4b:s3+s8], $0x10, s19, s8, $0xb8;
	[tilespmem:$0x14C00] =	vst v63  }
0x106: {  	s19 =	sadd.s32 $0x1220, s11;
	s25 =	simm.s32 $0xBE00  }
0x107: {  	[tilespmem:s25], [sflag:$0x1] =	stream.indirect.gather [hbm4b:s3+s8], $0x10, s19, s8, $0xb8;
	[tilespmem:$0x14C00] =	vst v63  }
0x108: {  	s11 =	sadd.s32 $0x1270, s11;
	s25 =	simm.s32 $0xC300  }
0x109: {  	[tilespmem:s25], [sflag:$0x1] =	stream.indirect.gather [hbm4b:s3+s8], $0x10, s11, s8, $0xb8;
	[tilespmem:$0x14C00] =	vst v63  }
0x10a: {  	_ =	swait.ge [sflag:s0], $0x6400  }
0x10b: {  	[sflag:s0] =	ssyncset.done $0x0  }
0x10c: {  	s25 =	simm.s32 $0x0;
	[sflag:s0] =	ssyncadd.s32 $0xFFFF9C00  }
0x10d: {  	v0 =	vld [tilespmem:s25+$0xCB00]  }
0x10e: {  	v1 =	vld [tilespmem:s25+$0xCAE0]  }
0x10f: {  	v2 =	vld [tilespmem:s25+$0xCAC0]  }
0x110: {  	v3 =	vld [tilespmem:s25+$0xCAA0]  }
0x111: {  	v4 =	vld [tilespmem:s25+$0xCA80]  }
0x112: {  	v5 =	vld [tilespmem:s25+$0xCA60]  }
0x113: {  	v6 =	vld [tilespmem:s25+$0xCA40]  }
0x114: {  	v7 =	vld [tilespmem:s25+$0xCA20]  }
0x115: {  	v8 =	vld [tilespmem:s25+$0xCA00]  }
0x116: {  	v9 =	vld [tilespmem:s25+$0xC9E0]  }
0x117: {  	v10 =	vld [tilespmem:s25+$0xC9C0]  }
0x118: {  	v11 =	vld [tilespmem:s25+$0xC9A0]  }
0x119: {  	v12 =	vld [tilespmem:s25+$0xC980]  }
0x11a: {  	v13 =	vld [tilespmem:s25+$0xC960]  }
0x11b: {  	v14 =	vld [tilespmem:s25+$0xC940]  }
0x11c: {  	v15 =	vld [tilespmem:s25+$0xC920]  }
0x11d: {  	v16 =	vld [tilespmem:s25+$0xC900]  }
0x11e: {  	v17 =	vld [tilespmem:s25+$0xC8E0]  }
0x11f: {  	v18 =	vld [tilespmem:s25+$0xC8C0]  }
0x120: {  	v19 =	vld [tilespmem:s25+$0xC8A0]  }
0x121: {  	v20 =	vld [tilespmem:s25+$0xC880]  }
0x122: {  	v21 =	vld [tilespmem:s25+$0xC820]  }
0x123: {  	v22 =	vld [tilespmem:s25+$0xC860]  }
0x124: {  	v23 =	vld [tilespmem:s25+$0xC830]  }
0x125: {  	v24 =	vld [tilespmem:s25+$0xC840]  }
0x126: {  	v25 =	vld [tilespmem:s25+$0xC800]  }
0x127: {  	v26 =	vld [tilespmem:s25+$0xC810]  }
0x128: {  	v27 =	vld [tilespmem:s25+$0xC850]  }
0x129: {  	v60 =	vld [tilespmem:s25+$0xC870]  }
0x12a: {  	v61 =	vld [tilespmem:s25+$0xC890]  }
0x12b: {  	v62 =	vld [tilespmem:s25+$0xC8B0]  }
0x12c: {  	v63 =	vld [tilespmem:s25+$0xC8D0]  }
0x12d: {  	v24 =	vadd.f32 v24, v25;
	v25 =	vadd.f32 v27, v26;
	v26 =	vld [tilespmem:s25+$0xC8F0]  }
0x12e: {  	v21 =	vadd.f32 v22, v21;
	v22 =	vadd.f32 v60, v23;
	v23 =	vld [tilespmem:s25+$0xC910]  }
0x12f: {  	v20 =	vadd.f32 v20, v24;
	v24 =	vadd.f32 v61, v25;
	v25 =	vld [tilespmem:s25+$0xC930]  }
0x130: {  	v19 =	vadd.f32 v19, v21;
	v21 =	vadd.f32 v62, v22;
	v22 =	vld [tilespmem:s25+$0xC950]  }
0x131: {  	v18 =	vadd.f32 v18, v20;
	v20 =	vadd.f32 v63, v24;
	v24 =	vld [tilespmem:s25+$0xC970]  }
0x132: {  	v17 =	vadd.f32 v17, v19;
	v19 =	vadd.f32 v26, v21;
	v21 =	vld [tilespmem:s25+$0xC990]  }
0x133: {  	v16 =	vadd.f32 v16, v18;
	v18 =	vadd.f32 v23, v20;
	v20 =	vld [tilespmem:s25+$0xC9B0]  }
0x134: {  	v15 =	vadd.f32 v15, v17;
	v17 =	vadd.f32 v25, v19;
	v19 =	vld [tilespmem:s25+$0xC9D0]  }
0x135: {  	v14 =	vadd.f32 v14, v16;
	v16 =	vadd.f32 v22, v18;
	v18 =	vld [tilespmem:s25+$0xC9F0]  }
0x136: {  	v13 =	vadd.f32 v13, v15;
	v15 =	vadd.f32 v24, v17;
	v17 =	vld [tilespmem:s25+$0xCA10]  }
0x137: {  	v12 =	vadd.f32 v12, v14;
	v14 =	vadd.f32 v21, v16;
	v16 =	vld [tilespmem:s25+$0xCA30]  }
0x138: {  	v11 =	vadd.f32 v11, v13;
	v13 =	vadd.f32 v20, v15;
	v15 =	vld [tilespmem:s25+$0xCA50]  }
0x139: {  	v10 =	vadd.f32 v10, v12;
	v12 =	vadd.f32 v19, v14;
	v14 =	vld [tilespmem:s25+$0xCA70]  }
0x13a: {  	v9 =	vadd.f32 v9, v11;
	v11 =	vadd.f32 v18, v13;
	v13 =	vld [tilespmem:s25+$0xCA90]  }
0x13b: {  	v8 =	vadd.f32 v8, v10;
	v10 =	vadd.f32 v17, v12;
	v12 =	vld [tilespmem:s25+$0xCAB0]  }
0x13c: {  	v7 =	vadd.f32 v7, v9;
	v9 =	vadd.f32 v16, v11;
	v11 =	vld [tilespmem:s25+$0xCAD0]  }
0x13d: {  	v6 =	vadd.f32 v6, v8;
	v8 =	vadd.f32 v15, v10;
	v10 =	vld [tilespmem:s25+$0xCAF0]  }
0x13e: {  	v5 =	vadd.f32 v5, v7;
	v7 =	vadd.f32 v14, v9;
	v9 =	vld [tilespmem:s25+$0xCB10]  }
0x13f: {  	v4 =	vadd.f32 v4, v6;
	v6 =	vadd.f32 v13, v8  }
0x140: {  	v3 =	vadd.f32 v3, v5;
	v5 =	vadd.f32 v12, v7  }
0x141: {  	v2 =	vadd.f32 v2, v4;
	v4 =	vadd.f32 v11, v6  }
0x142: {  	v1 =	vadd.f32 v1, v3;
	v3 =	vadd.f32 v10, v5  }
0x143: {  	v0 =	vadd.f32 v0, v2;
	v2 =	vadd.f32 v9, v4;
	_ =	sdelay $0x1  }
0x144: {  	v1 =	vadd.f32 v3, v1;
	v0 =	vadd.f32 v2, v0;
	_ =	sdelay $0x1  }
0x145: {  	v0 =	vadd.f32 v0, v1;
	_ =	sdelay $0x1  }
0x146: {  	s30 =	simm.s32 $0x320;
	[tilespmem:s13+$0x0] =	vst v0  }
0x147: {  	v0 =	vld [tilespmem:s30+$0xCB00]  }
0x148: {  	v1 =	vld [tilespmem:s30+$0xCAE0]  }
0x149: {  	v2 =	vld [tilespmem:s30+$0xCAC0]  }
0x14a: {  	v3 =	vld [tilespmem:s30+$0xCAA0]  }
0x14b: {  	v4 =	vld [tilespmem:s30+$0xCA80]  }
0x14c: {  	v5 =	vld [tilespmem:s30+$0xCA60]  }
0x14d: {  	v6 =	vld [tilespmem:s30+$0xCA40]  }
0x14e: {  	v7 =	vld [tilespmem:s30+$0xCA20]  }
0x14f: {  	v8 =	vld [tilespmem:s30+$0xCA00]  }
0x150: {  	v9 =	vld [tilespmem:s30+$0xC9E0]  }
0x151: {  	v10 =	vld [tilespmem:s30+$0xC9C0]  }
0x152: {  	v11 =	vld [tilespmem:s30+$0xC9A0]  }
0x153: {  	v12 =	vld [tilespmem:s30+$0xC980]  }
0x154: {  	v13 =	vld [tilespmem:s30+$0xC960]  }
0x155: {  	v14 =	vld [tilespmem:s30+$0xC940]  }
0x156: {  	v15 =	vld [tilespmem:s30+$0xC920]  }
0x157: {  	v16 =	vld [tilespmem:s30+$0xC900]  }
0x158: {  	v17 =	vld [tilespmem:s30+$0xC8E0]  }
0x159: {  	v18 =	vld [tilespmem:s30+$0xC8C0]  }
0x15a: {  	v19 =	vld [tilespmem:s30+$0xC8A0]  }
0x15b: {  	v20 =	vld [tilespmem:s30+$0xC880]  }
0x15c: {  	v21 =	vld [tilespmem:s30+$0xC820]  }
0x15d: {  	v22 =	vld [tilespmem:s30+$0xC860]  }
0x15e: {  	v23 =	vld [tilespmem:s30+$0xC830]  }
0x15f: {  	v24 =	vld [tilespmem:s30+$0xC840]  }
0x160: {  	v25 =	vld [tilespmem:s30+$0xC800]  }
0x161: {  	s11 =	simm.s32 $0x1900;
	s25 =	smov.u32 s13;
	v26 =	vld [tilespmem:s30+$0xC810]  }
.LBB2_5:
0x162: {  	p0 =	sne.s32 s11, $0x18380;
	v27 =	vld [tilespmem:s30+$0xC850]  }
0x163: {  	v28 =	vld [tilespmem:s30+$0xC870]  }
0x164: {  	v29 =	vld [tilespmem:s30+$0xC890]  }
0x165: {  	v30 =	vld [tilespmem:s30+$0xC8B0]  }
0x166: {  	v31 =	vld [tilespmem:s30+$0xC8D0]  }
0x167: {  	v24 =	vadd.f32 v24, v25;
	v25 =	vadd.f32 v27, v26;
	v26 =	vld [tilespmem:s30+$0xC8F0]  }
0x168: {  	v21 =	vadd.f32 v22, v21;
	v22 =	vadd.f32 v28, v23;
	v23 =	vld [tilespmem:s30+$0xC910]  }
0x169: {  	v20 =	vadd.f32 v20, v24;
	v24 =	vadd.f32 v29, v25;
	v25 =	vld [tilespmem:s30+$0xC930]  }
0x16a: {  	v19 =	vadd.f32 v19, v21;
	v21 =	vadd.f32 v30, v22;
	v22 =	vld [tilespmem:s30+$0xC950]  }
0x16b: {  	v18 =	vadd.f32 v18, v20;
	v20 =	vadd.f32 v31, v24;
	v24 =	vld [tilespmem:s30+$0xC970]  }
0x16c: {  	v17 =	vadd.f32 v17, v19;
	v19 =	vadd.f32 v26, v21;
	v21 =	vld [tilespmem:s30+$0xC990]  }
0x16d: {  	v16 =	vadd.f32 v16, v18;
	v18 =	vadd.f32 v23, v20;
	v20 =	vld [tilespmem:s30+$0xC9B0]  }
0x16e: {  	v15 =	vadd.f32 v15, v17;
	v17 =	vadd.f32 v25, v19;
	v19 =	vld [tilespmem:s30+$0xC9D0]  }
0x16f: {  	v14 =	vadd.f32 v14, v16;
	v16 =	vadd.f32 v22, v18;
	v18 =	vld [tilespmem:s30+$0xC9F0]  }
0x170: {  	v13 =	vadd.f32 v13, v15;
	v15 =	vadd.f32 v24, v17;
	v17 =	vld [tilespmem:s30+$0xCA10]  }
0x171: {  	v12 =	vadd.f32 v12, v14;
	v14 =	vadd.f32 v21, v16;
	v16 =	vld [tilespmem:s30+$0xCA30]  }
0x172: {  	v11 =	vadd.f32 v11, v13;
	v13 =	vadd.f32 v20, v15;
	v15 =	vld [tilespmem:s30+$0xCA50]  }
0x173: {  	v10 =	vadd.f32 v10, v12;
	v12 =	vadd.f32 v19, v14;
	v14 =	vld [tilespmem:s30+$0xCA70]  }
0x174: {  	v9 =	vadd.f32 v9, v11;
	v11 =	vadd.f32 v18, v13;
	v13 =	vld [tilespmem:s30+$0xCA90]  }
0x175: {  	v8 =	vadd.f32 v8, v10;
	v10 =	vadd.f32 v17, v12;
	v12 =	vld [tilespmem:s30+$0xCAB0]  }
0x176: {  	v7 =	vadd.f32 v7, v9;
	v9 =	vadd.f32 v16, v11;
	v11 =	vld [tilespmem:s30+$0xCAD0]  }
0x177: {  	v6 =	vadd.f32 v6, v8;
	v8 =	vadd.f32 v15, v10;
	v10 =	vld [tilespmem:s30+$0xCAF0]  }
0x178: {  	v5 =	vadd.f32 v5, v7;
	v7 =	vadd.f32 v14, v9;
	v9 =	vld [tilespmem:s30+$0xCB10]  }
0x179: {  	v4 =	vadd.f32 v4, v6;
	v6 =	vadd.f32 v13, v8  }
0x17a: {  	v3 =	vadd.f32 v3, v5;
	v5 =	vadd.f32 v12, v7  }
0x17b: {  	v2 =	vadd.f32 v2, v4;
	v4 =	vadd.f32 v11, v6  }
0x17c: {  	v1 =	vadd.f32 v1, v3;
	v3 =	vadd.f32 v10, v5  }
0x17d: {  	v0 =	vadd.f32 v0, v2;
	v2 =	vadd.f32 v9, v4;
	_ =	sdelay $0x1  }
0x17e: {  	v1 =	vadd.f32 v3, v1;
	v0 =	vadd.f32 v2, v0;
	_ =	sdelay $0x1  }
0x17f: {  	v0 =	vadd.f32 v0, v1  }
0x180: {  	s25 =	sadd.s32 $0x10, s25  }
0x181: {  	s30 =	sshra.s32 s11, $0x2;
	[tilespmem:s25+$0x0] =	vst v0  }
0x182: {  	v0 =	vld [tilespmem:s30+$0xCB00]  }
0x183: {  	v1 =	vld [tilespmem:s30+$0xCAE0]  }
0x184: {  	v2 =	vld [tilespmem:s30+$0xCAC0]  }
0x185: {  	v3 =	vld [tilespmem:s30+$0xCAA0]  }
0x186: {  	v4 =	vld [tilespmem:s30+$0xCA80]  }
0x187: {  	v5 =	vld [tilespmem:s30+$0xCA60]  }
0x188: {  	v6 =	vld [tilespmem:s30+$0xCA40]  }
0x189: {  	v7 =	vld [tilespmem:s30+$0xCA20]  }
0x18a: {  	v8 =	vld [tilespmem:s30+$0xCA00]  }
0x18b: {  	v9 =	vld [tilespmem:s30+$0xC9E0]  }
0x18c: {  	v10 =	vld [tilespmem:s30+$0xC9C0]  }
0x18d: {  	v11 =	vld [tilespmem:s30+$0xC9A0]  }
0x18e: {  	v12 =	vld [tilespmem:s30+$0xC980]  }
0x18f: {  	v13 =	vld [tilespmem:s30+$0xC960]  }
0x190: {  	v14 =	vld [tilespmem:s30+$0xC940]  }
0x191: {  	v15 =	vld [tilespmem:s30+$0xC920]  }
0x192: {  	v16 =	vld [tilespmem:s30+$0xC900]  }
0x193: {  	v17 =	vld [tilespmem:s30+$0xC8E0]  }
0x194: {  	v18 =	vld [tilespmem:s30+$0xC8C0]  }
0x195: {  	v19 =	vld [tilespmem:s30+$0xC8A0]  }
0x196: {  	v20 =	vld [tilespmem:s30+$0xC880]  }
0x197: {  	v21 =	vld [tilespmem:s30+$0xC820]  }
.Ltmp1:
0x198: {  	v22 =	vld [tilespmem:s30+$0xC860];
	(pc) =	sbr.rel @p0 .LBB2_5-.Ltmp1, $4  }
0x199: {  	v23 =	vld [tilespmem:s30+$0xC830]  }
0x19a: {  	v24 =	vld [tilespmem:s30+$0xC840]  }
0x19b: {  	v25 =	vld [tilespmem:s30+$0xC800]  }
0x19c: {  	s11 =	sadd.s32 $0xC80, s11;
	v26 =	vld [tilespmem:s30+$0xC810]  }
0x19d: {  	v27 =	vld [tilespmem:s30+$0xC850]  }
0x19e: {  	v28 =	vld [tilespmem:s30+$0xC870]  }
0x19f: {  	v29 =	vld [tilespmem:s30+$0xC890]  }
0x1a0: {  	v30 =	vld [tilespmem:s30+$0xC8B0]  }
0x1a1: {  	v31 =	vld [tilespmem:s30+$0xC8D0]  }
0x1a2: {  	v60 =	vld [tilespmem:s30+$0xC8F0];
	v24 =	vadd.f32 v24, v25;
	v59 =	vadd.f32 v27, v26  }
0x1a3: {  	v21 =	vadd.f32 v22, v21;
	v62 =	vld [tilespmem:s30+$0xC910];
	v61 =	vadd.f32 v28, v23  }
0x1a4: {  	v20 =	vadd.f32 v20, v24;
	v28 =	vld [tilespmem:s30+$0xC930];
	v63 =	vadd.f32 v29, v59  }
0x1a5: {  	v19 =	vadd.f32 v19, v21;
	v29 =	vadd.f32 v30, v61;
	v30 =	vld [tilespmem:s30+$0xC950]  }
0x1a6: {  	v32 =	vld [tilespmem:s30+$0xC970];
	v18 =	vadd.f32 v18, v20;
	v31 =	vadd.f32 v31, v63  }
0x1a7: {  	v34 =	vld [tilespmem:s30+$0xC990];
	v17 =	vadd.f32 v17, v19;
	v33 =	vadd.f32 v60, v29  }
0x1a8: {  	v36 =	vld [tilespmem:s30+$0xC9B0];
	v16 =	vadd.f32 v16, v18;
	v35 =	vadd.f32 v62, v31  }
0x1a9: {  	v38 =	vld [tilespmem:s30+$0xC9D0];
	v15 =	vadd.f32 v15, v17;
	v37 =	vadd.f32 v28, v33  }
0x1aa: {  	v40 =	vld [tilespmem:s30+$0xC9F0];
	v14 =	vadd.f32 v14, v16;
	v39 =	vadd.f32 v30, v35  }
0x1ab: {  	v42 =	vld [tilespmem:s30+$0xCA10];
	v13 =	vadd.f32 v13, v15;
	v41 =	vadd.f32 v32, v37  }
0x1ac: {  	v44 =	vld [tilespmem:s30+$0xCA30];
	v12 =	vadd.f32 v12, v14;
	v43 =	vadd.f32 v34, v39  }
0x1ad: {  	v46 =	vld [tilespmem:s30+$0xCA50];
	v11 =	vadd.f32 v11, v13;
	v45 =	vadd.f32 v36, v41  }
0x1ae: {  	v48 =	vld [tilespmem:s30+$0xCA70];
	v10 =	vadd.f32 v10, v12;
	v47 =	vadd.f32 v38, v43  }
0x1af: {  	v50 =	vld [tilespmem:s30+$0xCA90];
	v9 =	vadd.f32 v9, v11;
	v49 =	vadd.f32 v40, v45  }
0x1b0: {  	v52 =	vld [tilespmem:s30+$0xCAB0];
	v8 =	vadd.f32 v8, v10;
	v51 =	vadd.f32 v42, v47  }
0x1b1: {  	v54 =	vld [tilespmem:s30+$0xCAD0];
	v7 =	vadd.f32 v7, v9;
	v53 =	vadd.f32 v44, v49  }
0x1b2: {  	v56 =	vld [tilespmem:s30+$0xCAF0];
	v6 =	vadd.f32 v6, v8;
	v55 =	vadd.f32 v46, v51  }
0x1b3: {  	v58 =	vld [tilespmem:s30+$0xCB10];
	v5 =	vadd.f32 v5, v7;
	v57 =	vadd.f32 v48, v53  }
0x1b4: {  	v4 =	vadd.f32 v4, v6;
	v59 =	vadd.f32 v50, v55  }
0x1b5: {  	v3 =	vadd.f32 v3, v5;
	v60 =	vadd.f32 v52, v57  }
0x1b6: {  	v2 =	vadd.f32 v2, v4;
	v61 =	vadd.f32 v54, v59  }
0x1b7: {  	v1 =	vadd.f32 v1, v3;
	v62 =	vadd.f32 v56, v60  }
0x1b8: {  	s21 =	sadd.s32 $0x1, s21;
	v0 =	vadd.f32 v0, v2;
	v63 =	vadd.f32 v58, v61  }
0x1b9: {  	p0 =	sne.s32 s21, $0x7  }
.Ltmp2:
0x1ba: {  	v1 =	vadd.f32 v62, v1;
	v0 =	vadd.f32 v63, v0;
	(pc) =	sbr.rel @p0 .LBB2_2-.Ltmp2, $4  }
0x1bb: {  	_ = 	snop  }
0x1bc: {  	v0 =	vadd.f32 v0, v1  }
0x1bd: {  	s11 =	sadd.s32 $0x10, s25  }
0x1be: {  	s17 =	sadd.s32 $0x400, s17;
	s13 =	sadd.s32 $0x400, s13;
	[tilespmem:s11+$0x0] =	vst v0  }
0x1bf: {  	s11 =	simm.s32 $0x5DC0  }
0x1c0: {  	[tilespmem:s23], [sflag:$0x2] =	stream.indirect.gather [hbm4b:s3+s8], $0x10, s11, s8, $0xb8;
	[tilespmem:$0x14C00] =	vst v63  }
0x1c1: {  	s30 =	simm.s32 $0x5E10  }
0x1c2: {  	[tilespmem:s28], [sflag:$0x2] =	stream.indirect.gather [hbm4b:s3+s8], $0x10, s30, s8, $0xb8;
	[tilespmem:$0x14C00] =	vst v63  }
0x1c3: {  	s13 =	simm.s32 $0x5E60  }
0x1c4: {  	[tilespmem:s1], [sflag:$0x2] =	stream.indirect.gather [hbm4b:s3+s8], $0x10, s13, s8, $0xb8;
	[tilespmem:$0x14C00] =	vst v63  }
0x1c5: {  	s17 =	simm.s32 $0x5EB0  }
0x1c6: {  	[tilespmem:s15], [sflag:$0x2] =	stream.indirect.gather [hbm4b:s3+s8], $0x10, s17, s8, $0xb8;
	[tilespmem:$0x14C00] =	vst v63  }
0x1c7: {  	s19 =	simm.s32 $0x5F00  }
0x1c8: {  	[tilespmem:s4], [sflag:$0x2] =	stream.indirect.gather [hbm4b:s3+s8], $0x10, s19, s8, $0xb8;
	[tilespmem:$0x14C00] =	vst v63  }
0x1c9: {  	s21 =	simm.s32 $0x5F50  }
0x1ca: {  	[tilespmem:s5], [sflag:$0x2] =	stream.indirect.gather [hbm4b:s3+s8], $0x10, s21, s8, $0xb8;
	[tilespmem:$0x14C00] =	vst v63  }
0x1cb: {  	s25 =	simm.s32 $0x5FA0  }
0x1cc: {  	[tilespmem:s6], [sflag:$0x2] =	stream.indirect.gather [hbm4b:s3+s8], $0x10, s25, s8, $0xb8;
	[tilespmem:$0x14C00] =	vst v63  }
0x1cd: {  	s30 =	simm.s32 $0x5FF0  }
0x1ce: {  	[tilespmem:s2], [sflag:$0x2] =	stream.indirect.gather [hbm4b:s3+s8], $0x10, s30, s8, $0xb8;
	[tilespmem:$0x14C00] =	vst v63  }
0x1cf: {  	s13 =	simm.s32 $0x6040  }
0x1d0: {  	[tilespmem:s7], [sflag:$0x2] =	stream.indirect.gather [hbm4b:s3+s8], $0x10, s13, s8, $0xb8;
	[tilespmem:$0x14C00] =	vst v63  }
0x1d1: {  	s17 =	simm.s32 $0x6090  }
0x1d2: {  	[tilespmem:s9], [sflag:$0x2] =	stream.indirect.gather [hbm4b:s3+s8], $0x10, s17, s8, $0xb8;
	[tilespmem:$0x14C00] =	vst v63  }
0x1d3: {  	s19 =	simm.s32 $0x60E0  }
0x1d4: {  	[tilespmem:s10], [sflag:$0x2] =	stream.indirect.gather [hbm4b:s3+s8], $0x10, s19, s8, $0xb8;
	[tilespmem:$0x14C00] =	vst v63  }
0x1d5: {  	s21 =	simm.s32 $0x6130  }
0x1d6: {  	[tilespmem:s12], [sflag:$0x2] =	stream.indirect.gather [hbm4b:s3+s8], $0x10, s21, s8, $0xb8;
	[tilespmem:$0x14C00] =	vst v63  }
0x1d7: {  	s25 =	simm.s32 $0x6180  }
0x1d8: {  	[tilespmem:s14], [sflag:$0x2] =	stream.indirect.gather [hbm4b:s3+s8], $0x10, s25, s8, $0xb8;
	[tilespmem:$0x14C00] =	vst v63  }
0x1d9: {  	s30 =	simm.s32 $0x61D0  }
0x1da: {  	[tilespmem:s16], [sflag:$0x2] =	stream.indirect.gather [hbm4b:s3+s8], $0x10, s30, s8, $0xb8;
	[tilespmem:$0x14C00] =	vst v63  }
0x1db: {  	s13 =	simm.s32 $0x6220  }
0x1dc: {  	[tilespmem:s18], [sflag:$0x2] =	stream.indirect.gather [hbm4b:s3+s8], $0x10, s13, s8, $0xb8;
	[tilespmem:$0x14C00] =	vst v63  }
0x1dd: {  	s17 =	simm.s32 $0x6270  }
0x1de: {  	[tilespmem:s20], [sflag:$0x2] =	stream.indirect.gather [hbm4b:s3+s8], $0x10, s17, s8, $0xb8;
	[tilespmem:$0x14C00] =	vst v63  }
0x1df: {  	s19 =	simm.s32 $0x62C0  }
0x1e0: {  	[tilespmem:s22], [sflag:$0x2] =	stream.indirect.gather [hbm4b:s3+s8], $0x10, s19, s8, $0xb8;
	[tilespmem:$0x14C00] =	vst v63  }
0x1e1: {  	s21 =	simm.s32 $0x6310  }
0x1e2: {  	[tilespmem:s24], [sflag:$0x2] =	stream.indirect.gather [hbm4b:s3+s8], $0x10, s21, s8, $0xb8;
	[tilespmem:$0x14C00] =	vst v63  }
0x1e3: {  	s25 =	simm.s32 $0x6360  }
0x1e4: {  	[tilespmem:s26], [sflag:$0x2] =	stream.indirect.gather [hbm4b:s3+s8], $0x10, s25, s8, $0xb8;
	[tilespmem:$0x14C00] =	vst v63  }
0x1e5: {  	s30 =	simm.s32 $0x63B0  }
0x1e6: {  	[tilespmem:s29], [sflag:$0x2] =	stream.indirect.gather [hbm4b:s3+s8], $0x10, s30, s8, $0xb8;
	[tilespmem:$0x14C00] =	vst v63  }
0x1e7: {  	_ =	swait.ge [sflag:s31], $0x6400  }
0x1e8: {  	[sflag:s31] =	ssyncset.done $0x0  }
0x1e9: {  	s13 =	simm.s32 $0x6590;
	[sflag:s31] =	ssyncadd.s32 $0xFFFF9C00  }
0x1ea: {  	v0 =	vld [tilespmem:s13+$0x170]  }
0x1eb: {  	v1 =	vld [tilespmem:s13+$0x150]  }
0x1ec: {  	v2 =	vld [tilespmem:s13+$0x130]  }
0x1ed: {  	v3 =	vld [tilespmem:s13+$0x110]  }
0x1ee: {  	v4 =	vld [tilespmem:s13+$0xF0]  }
0x1ef: {  	v5 =	vld [tilespmem:s13+$0xD0]  }
0x1f0: {  	v6 =	vld [tilespmem:s13+$0xB0]  }
0x1f1: {  	v7 =	vld [tilespmem:s13+$0x90]  }
0x1f2: {  	v8 =	vld [tilespmem:s13+$0x70]  }
0x1f3: {  	v9 =	vld [tilespmem:s13+$0x50]  }
0x1f4: {  	v10 =	vld [tilespmem:s13+$0x30]  }
0x1f5: {  	v11 =	vld [tilespmem:s13+$0x10]  }
0x1f6: {  	v12 =	vld [tilespmem:s13+$0xFFFFFFF0]  }
0x1f7: {  	v13 =	vld [tilespmem:s13+$0xFFFFFFD0]  }
0x1f8: {  	v14 =	vld [tilespmem:s13+$0xFFFFFFB0]  }
0x1f9: {  	v15 =	vld [tilespmem:s13+$0xFFFFFF90]  }
0x1fa: {  	v16 =	vld [tilespmem:s13+$0xFFFFFF70]  }
0x1fb: {  	v17 =	vld [tilespmem:s13+$0xFFFFFF50]  }
0x1fc: {  	v18 =	vld [tilespmem:s13+$0xFFFFFF30]  }
0x1fd: {  	v19 =	vld [tilespmem:s13+$0xFFFFFF10]  }
0x1fe: {  	v20 =	vld [tilespmem:s13+$0xFFFFFEF0]  }
0x1ff: {  	v21 =	vld [tilespmem:s13+$0xFFFFFE90]  }
0x200: {  	v22 =	vld [tilespmem:s13+$0xFFFFFED0]  }
0x201: {  	v23 =	vld [tilespmem:s13+$0xFFFFFEA0]  }
0x202: {  	v24 =	vld [tilespmem:s13+$0xFFFFFEB0]  }
0x203: {  	v25 =	vld [tilespmem:s13+$0xFFFFFE70]  }
0x204: {  	v26 =	vld [tilespmem:s13+$0xFFFFFE80]  }
0x205: {  	s11 =	simm.s32 $0x40;
	s17 =	simm.s32 $0x0;
	v27 =	vld [tilespmem:s13+$0xFFFFFEC0]  }
.LBB2_8:
0x206: {  	p0 =	sne.s32 s11, $0x7C0;
	v28 =	vld [tilespmem:s13+$0xFFFFFEE0]  }
0x207: {  	v29 =	vld [tilespmem:s13+$0xFFFFFF00]  }
0x208: {  	v30 =	vld [tilespmem:s13+$0xFFFFFF20]  }
0x209: {  	v31 =	vld [tilespmem:s13+$0xFFFFFF40]  }
0x20a: {  	v24 =	vadd.f32 v24, v25;
	v25 =	vadd.f32 v27, v26;
	v26 =	vld [tilespmem:s13+$0xFFFFFF60]  }
0x20b: {  	v21 =	vadd.f32 v22, v21;
	v22 =	vadd.f32 v28, v23;
	v23 =	vld [tilespmem:s13+$0xFFFFFF80]  }
0x20c: {  	v20 =	vadd.f32 v20, v24;
	v24 =	vadd.f32 v29, v25;
	v25 =	vld [tilespmem:s13+$0xFFFFFFA0]  }
0x20d: {  	v19 =	vadd.f32 v19, v21;
	v21 =	vadd.f32 v30, v22;
	v22 =	vld [tilespmem:s13+$0xFFFFFFC0]  }
0x20e: {  	v18 =	vadd.f32 v18, v20;
	v20 =	vadd.f32 v31, v24;
	v24 =	vld [tilespmem:s13+$0xFFFFFFE0]  }
0x20f: {  	v17 =	vadd.f32 v17, v19;
	v19 =	vadd.f32 v26, v21;
	v21 =	vld [tilespmem:s13+$0x0]  }
0x210: {  	v16 =	vadd.f32 v16, v18;
	v18 =	vadd.f32 v23, v20;
	v20 =	vld [tilespmem:s13+$0x20]  }
0x211: {  	v15 =	vadd.f32 v15, v17;
	v17 =	vadd.f32 v25, v19;
	v19 =	vld [tilespmem:s13+$0x40]  }
0x212: {  	v14 =	vadd.f32 v14, v16;
	v16 =	vadd.f32 v22, v18;
	v18 =	vld [tilespmem:s13+$0x60]  }
0x213: {  	v13 =	vadd.f32 v13, v15;
	v15 =	vadd.f32 v24, v17;
	v17 =	vld [tilespmem:s13+$0x80]  }
0x214: {  	v12 =	vadd.f32 v12, v14;
	v14 =	vadd.f32 v21, v16;
	v16 =	vld [tilespmem:s13+$0xA0]  }
0x215: {  	v11 =	vadd.f32 v11, v13;
	v13 =	vadd.f32 v20, v15;
	v15 =	vld [tilespmem:s13+$0xC0]  }
0x216: {  	v10 =	vadd.f32 v10, v12;
	v12 =	vadd.f32 v19, v14;
	v14 =	vld [tilespmem:s13+$0xE0]  }
0x217: {  	v9 =	vadd.f32 v9, v11;
	v11 =	vadd.f32 v18, v13;
	v13 =	vld [tilespmem:s13+$0x100]  }
0x218: {  	v8 =	vadd.f32 v8, v10;
	v10 =	vadd.f32 v17, v12;
	v12 =	vld [tilespmem:s13+$0x120]  }
0x219: {  	v7 =	vadd.f32 v7, v9;
	v9 =	vadd.f32 v16, v11;
	v11 =	vld [tilespmem:s13+$0x140]  }
0x21a: {  	v6 =	vadd.f32 v6, v8;
	v8 =	vadd.f32 v15, v10;
	v10 =	vld [tilespmem:s13+$0x160]  }
0x21b: {  	v5 =	vadd.f32 v5, v7;
	v7 =	vadd.f32 v14, v9;
	v9 =	vld [tilespmem:s13+$0x180]  }
0x21c: {  	v4 =	vadd.f32 v4, v6;
	v6 =	vadd.f32 v13, v8  }
0x21d: {  	v3 =	vadd.f32 v3, v5;
	v5 =	vadd.f32 v12, v7  }
0x21e: {  	v2 =	vadd.f32 v2, v4;
	v4 =	vadd.f32 v11, v6  }
0x21f: {  	v1 =	vadd.f32 v1, v3;
	v3 =	vadd.f32 v10, v5  }
0x220: {  	v0 =	vadd.f32 v0, v2;
	v2 =	vadd.f32 v9, v4;
	_ =	sdelay $0x1  }
0x221: {  	v1 =	vadd.f32 v3, v1;
	v0 =	vadd.f32 v2, v0;
	_ =	sdelay $0x1  }
0x222: {  	v0 =	vadd.f32 v0, v1  }
0x223: {  	s19 =	sshra.s32 s17, $0x2;
	s17 =	smov.u32 s11  }
0x224: {  	s13 =	sadd.s32 $0x320, s13;
	[tilespmem:s19+$0x14800] =	vst v0  }
0x225: {  	v0 =	vld [tilespmem:s13+$0x170]  }
0x226: {  	v1 =	vld [tilespmem:s13+$0x150]  }
0x227: {  	v2 =	vld [tilespmem:s13+$0x130]  }
0x228: {  	v3 =	vld [tilespmem:s13+$0x110]  }
0x229: {  	v4 =	vld [tilespmem:s13+$0xF0]  }
0x22a: {  	v5 =	vld [tilespmem:s13+$0xD0]  }
0x22b: {  	v6 =	vld [tilespmem:s13+$0xB0]  }
0x22c: {  	v7 =	vld [tilespmem:s13+$0x90]  }
0x22d: {  	v8 =	vld [tilespmem:s13+$0x70]  }
0x22e: {  	v9 =	vld [tilespmem:s13+$0x50]  }
0x22f: {  	v10 =	vld [tilespmem:s13+$0x30]  }
0x230: {  	v11 =	vld [tilespmem:s13+$0x10]  }
0x231: {  	v12 =	vld [tilespmem:s13+$0xFFFFFFF0]  }
0x232: {  	v13 =	vld [tilespmem:s13+$0xFFFFFFD0]  }
0x233: {  	v14 =	vld [tilespmem:s13+$0xFFFFFFB0]  }
0x234: {  	v15 =	vld [tilespmem:s13+$0xFFFFFF90]  }
0x235: {  	v16 =	vld [tilespmem:s13+$0xFFFFFF70]  }
0x236: {  	v17 =	vld [tilespmem:s13+$0xFFFFFF50]  }
0x237: {  	v18 =	vld [tilespmem:s13+$0xFFFFFF30]  }
0x238: {  	v19 =	vld [tilespmem:s13+$0xFFFFFF10]  }
0x239: {  	v20 =	vld [tilespmem:s13+$0xFFFFFEF0]  }
0x23a: {  	v21 =	vld [tilespmem:s13+$0xFFFFFE90]  }
0x23b: {  	v22 =	vld [tilespmem:s13+$0xFFFFFED0]  }
.Ltmp3:
0x23c: {  	v23 =	vld [tilespmem:s13+$0xFFFFFEA0];
	(pc) =	sbr.rel @p0 .LBB2_8-.Ltmp3, $4  }
0x23d: {  	v24 =	vld [tilespmem:s13+$0xFFFFFEB0]  }
0x23e: {  	v25 =	vld [tilespmem:s13+$0xFFFFFE70]  }
0x23f: {  	v26 =	vld [tilespmem:s13+$0xFFFFFE80]  }
0x240: {  	s11 =	sadd.s32 $0x40, s11;
	v27 =	vld [tilespmem:s13+$0xFFFFFEC0]  }
0x241: {  	v28 =	vld [tilespmem:s13+$0xFFFFFEE0]  }
0x242: {  	v29 =	vld [tilespmem:s13+$0xFFFFFF00]  }
0x243: {  	v30 =	vld [tilespmem:s13+$0xFFFFFF20]  }
0x244: {  	v31 =	vld [tilespmem:s13+$0xFFFFFF40];
	v24 =	vadd.f32 v24, v25  }
0x245: {  	v21 =	vadd.f32 v22, v21;
	v25 =	vadd.f32 v27, v26;
	v26 =	vld [tilespmem:s13+$0xFFFFFF60]  }
0x246: {  	v20 =	vadd.f32 v20, v24;
	v22 =	vadd.f32 v28, v23;
	v23 =	vld [tilespmem:s13+$0xFFFFFF80]  }
0x247: {  	v19 =	vadd.f32 v19, v21;
	v24 =	vadd.f32 v29, v25;
	v25 =	vld [tilespmem:s13+$0xFFFFFFA0]  }
0x248: {  	v18 =	vadd.f32 v18, v20;
	v21 =	vadd.f32 v30, v22;
	v22 =	vld [tilespmem:s13+$0xFFFFFFC0]  }
0x249: {  	v17 =	vadd.f32 v17, v19;
	v20 =	vadd.f32 v31, v24;
	v24 =	vld [tilespmem:s13+$0xFFFFFFE0]  }
0x24a: {  	v16 =	vadd.f32 v16, v18;
	v19 =	vadd.f32 v26, v21;
	v21 =	vld [tilespmem:s13+$0x0]  }
0x24b: {  	v15 =	vadd.f32 v15, v17;
	v18 =	vadd.f32 v23, v20;
	v20 =	vld [tilespmem:s13+$0x20]  }
0x24c: {  	v14 =	vadd.f32 v14, v16;
	v17 =	vadd.f32 v25, v19;
	v19 =	vld [tilespmem:s13+$0x40]  }
0x24d: {  	v13 =	vadd.f32 v13, v15;
	v16 =	vadd.f32 v22, v18;
	v18 =	vld [tilespmem:s13+$0x60]  }
0x24e: {  	v12 =	vadd.f32 v12, v14;
	v15 =	vadd.f32 v24, v17;
	v17 =	vld [tilespmem:s13+$0x80]  }
0x24f: {  	v11 =	vadd.f32 v11, v13;
	v14 =	vadd.f32 v21, v16;
	v16 =	vld [tilespmem:s13+$0xA0]  }
0x250: {  	v10 =	vadd.f32 v10, v12;
	v13 =	vadd.f32 v20, v15;
	v15 =	vld [tilespmem:s13+$0xC0]  }
0x251: {  	v9 =	vadd.f32 v9, v11;
	v12 =	vadd.f32 v19, v14;
	v14 =	vld [tilespmem:s13+$0xE0]  }
0x252: {  	v8 =	vadd.f32 v8, v10;
	v11 =	vadd.f32 v18, v13;
	v13 =	vld [tilespmem:s13+$0x100]  }
0x253: {  	v7 =	vadd.f32 v7, v9;
	v10 =	vadd.f32 v17, v12;
	v12 =	vld [tilespmem:s13+$0x120]  }
0x254: {  	v6 =	vadd.f32 v6, v8;
	v9 =	vadd.f32 v16, v11;
	v11 =	vld [tilespmem:s13+$0x140]  }
0x255: {  	v5 =	vadd.f32 v5, v7;
	v8 =	vadd.f32 v15, v10;
	v10 =	vld [tilespmem:s13+$0x160]  }
0x256: {  	v4 =	vadd.f32 v4, v6;
	v7 =	vadd.f32 v14, v9;
	v9 =	vld [tilespmem:s13+$0x180]  }
0x257: {  	v6 =	vadd.f32 v13, v8  }
0x258: {  	v3 =	vadd.f32 v3, v5;
	v2 =	vadd.f32 v2, v4  }
0x259: {  	v5 =	vadd.f32 v12, v7;
	v4 =	vadd.f32 v11, v6  }
0x25a: {  	v1 =	vadd.f32 v1, v3;
	v0 =	vadd.f32 v0, v2  }
0x25b: {  	v3 =	vadd.f32 v10, v5;
	v2 =	vadd.f32 v9, v4;
	_ =	sdelay $0x1  }
0x25c: {  	v1 =	vadd.f32 v3, v1;
	v0 =	vadd.f32 v2, v0;
	_ =	sdelay $0x1  }
0x25d: {  	v0 =	vadd.f32 v0, v1  }
0x25e: {  	s11 =	sshra.s32 s17, $0x2  }
0x25f: {  	[tilespmem:s11+$0x14800] =	vst v0  }
0x260: {  	_ =	swait.ge [sflag:s0], $0x6400  }
0x261: {  	[sflag:s0] =	ssyncset.done $0x0  }
0x262: {  	s30 =	simm.s32 $0x0;
	[sflag:s0] =	ssyncadd.s32 $0xFFFF9C00  }
0x263: {  	v0 =	vld [tilespmem:s30+$0xCB00]  }
0x264: {  	v1 =	vld [tilespmem:s30+$0xCAE0]  }
0x265: {  	v2 =	vld [tilespmem:s30+$0xCAC0]  }
0x266: {  	v3 =	vld [tilespmem:s30+$0xCAA0]  }
0x267: {  	v4 =	vld [tilespmem:s30+$0xCA80]  }
0x268: {  	v5 =	vld [tilespmem:s30+$0xCA60]  }
0x269: {  	v6 =	vld [tilespmem:s30+$0xCA40]  }
0x26a: {  	v7 =	vld [tilespmem:s30+$0xCA20]  }
0x26b: {  	v8 =	vld [tilespmem:s30+$0xCA00]  }
0x26c: {  	v9 =	vld [tilespmem:s30+$0xC9E0]  }
0x26d: {  	v10 =	vld [tilespmem:s30+$0xC9C0]  }
0x26e: {  	v11 =	vld [tilespmem:s30+$0xC9A0]  }
0x26f: {  	v12 =	vld [tilespmem:s30+$0xC980]  }
0x270: {  	v13 =	vld [tilespmem:s30+$0xC960]  }
0x271: {  	v14 =	vld [tilespmem:s30+$0xC940]  }
0x272: {  	v15 =	vld [tilespmem:s30+$0xC920]  }
0x273: {  	v16 =	vld [tilespmem:s30+$0xC900]  }
0x274: {  	v17 =	vld [tilespmem:s30+$0xC8E0]  }
0x275: {  	v18 =	vld [tilespmem:s30+$0xC8C0]  }
0x276: {  	v19 =	vld [tilespmem:s30+$0xC8A0]  }
0x277: {  	v20 =	vld [tilespmem:s30+$0xC880]  }
0x278: {  	v21 =	vld [tilespmem:s30+$0xC820]  }
0x279: {  	v22 =	vld [tilespmem:s30+$0xC860]  }
0x27a: {  	v23 =	vld [tilespmem:s30+$0xC830]  }
0x27b: {  	v24 =	vld [tilespmem:s30+$0xC840]  }
0x27c: {  	v25 =	vld [tilespmem:s30+$0xC800]  }
0x27d: {  	v26 =	vld [tilespmem:s30+$0xC810]  }
0x27e: {  	v27 =	vld [tilespmem:s30+$0xC850]  }
0x27f: {  	v60 =	vld [tilespmem:s30+$0xC870]  }
0x280: {  	v61 =	vld [tilespmem:s30+$0xC890]  }
0x281: {  	v62 =	vld [tilespmem:s30+$0xC8B0]  }
0x282: {  	v63 =	vld [tilespmem:s30+$0xC8D0]  }
0x283: {  	v24 =	vadd.f32 v24, v25;
	v25 =	vadd.f32 v27, v26;
	v26 =	vld [tilespmem:s30+$0xC8F0]  }
0x284: {  	v21 =	vadd.f32 v22, v21;
	v22 =	vadd.f32 v60, v23;
	v23 =	vld [tilespmem:s30+$0xC910]  }
0x285: {  	v20 =	vadd.f32 v20, v24;
	v24 =	vadd.f32 v61, v25;
	v25 =	vld [tilespmem:s30+$0xC930]  }
0x286: {  	v19 =	vadd.f32 v19, v21;
	v21 =	vadd.f32 v62, v22;
	v22 =	vld [tilespmem:s30+$0xC950]  }
0x287: {  	v18 =	vadd.f32 v18, v20;
	v20 =	vadd.f32 v63, v24;
	v24 =	vld [tilespmem:s30+$0xC970]  }
0x288: {  	v17 =	vadd.f32 v17, v19;
	v19 =	vadd.f32 v26, v21;
	v21 =	vld [tilespmem:s30+$0xC990]  }
0x289: {  	v16 =	vadd.f32 v16, v18;
	v18 =	vadd.f32 v23, v20;
	v20 =	vld [tilespmem:s30+$0xC9B0]  }
0x28a: {  	v15 =	vadd.f32 v15, v17;
	v17 =	vadd.f32 v25, v19;
	v19 =	vld [tilespmem:s30+$0xC9D0]  }
0x28b: {  	v14 =	vadd.f32 v14, v16;
	v16 =	vadd.f32 v22, v18;
	v18 =	vld [tilespmem:s30+$0xC9F0]  }
0x28c: {  	v13 =	vadd.f32 v13, v15;
	v15 =	vadd.f32 v24, v17;
	v17 =	vld [tilespmem:s30+$0xCA10]  }
0x28d: {  	v12 =	vadd.f32 v12, v14;
	v14 =	vadd.f32 v21, v16;
	v16 =	vld [tilespmem:s30+$0xCA30]  }
0x28e: {  	v11 =	vadd.f32 v11, v13;
	v13 =	vadd.f32 v20, v15;
	v15 =	vld [tilespmem:s30+$0xCA50]  }
0x28f: {  	v10 =	vadd.f32 v10, v12;
	v12 =	vadd.f32 v19, v14;
	v14 =	vld [tilespmem:s30+$0xCA70]  }
0x290: {  	v9 =	vadd.f32 v9, v11;
	v11 =	vadd.f32 v18, v13;
	v13 =	vld [tilespmem:s30+$0xCA90]  }
0x291: {  	v8 =	vadd.f32 v8, v10;
	v10 =	vadd.f32 v17, v12;
	v12 =	vld [tilespmem:s30+$0xCAB0]  }
0x292: {  	v7 =	vadd.f32 v7, v9;
	v9 =	vadd.f32 v16, v11;
	v11 =	vld [tilespmem:s30+$0xCAD0]  }
0x293: {  	v6 =	vadd.f32 v6, v8;
	v8 =	vadd.f32 v15, v10;
	v10 =	vld [tilespmem:s30+$0xCAF0]  }
0x294: {  	v5 =	vadd.f32 v5, v7;
	v7 =	vadd.f32 v14, v9;
	v9 =	vld [tilespmem:s30+$0xCB10]  }
0x295: {  	v4 =	vadd.f32 v4, v6;
	v6 =	vadd.f32 v13, v8  }
0x296: {  	v3 =	vadd.f32 v3, v5;
	v5 =	vadd.f32 v12, v7  }
0x297: {  	v2 =	vadd.f32 v2, v4;
	v4 =	vadd.f32 v11, v6  }
0x298: {  	v1 =	vadd.f32 v1, v3;
	v3 =	vadd.f32 v10, v5  }
0x299: {  	v0 =	vadd.f32 v0, v2;
	v2 =	vadd.f32 v9, v4;
	_ =	sdelay $0x1  }
0x29a: {  	v1 =	vadd.f32 v3, v1;
	v0 =	vadd.f32 v2, v0;
	_ =	sdelay $0x1  }
0x29b: {  	v0 =	vadd.f32 v0, v1  }
0x29c: {  	s13 =	simm.s32 $0x14A00  }
0x29d: {  	s17 =	simm.s32 $0x320;
	[tilespmem:s13+$0x0] =	vst v0  }
0x29e: {  	v0 =	vld [tilespmem:s17+$0xCB00]  }
0x29f: {  	v1 =	vld [tilespmem:s17+$0xCAE0]  }
0x2a0: {  	v2 =	vld [tilespmem:s17+$0xCAC0]  }
0x2a1: {  	v3 =	vld [tilespmem:s17+$0xCAA0]  }
0x2a2: {  	v4 =	vld [tilespmem:s17+$0xCA80]  }
0x2a3: {  	v5 =	vld [tilespmem:s17+$0xCA60]  }
0x2a4: {  	v6 =	vld [tilespmem:s17+$0xCA40]  }
0x2a5: {  	v7 =	vld [tilespmem:s17+$0xCA20]  }
0x2a6: {  	v8 =	vld [tilespmem:s17+$0xCA00]  }
0x2a7: {  	v9 =	vld [tilespmem:s17+$0xC9E0]  }
0x2a8: {  	v10 =	vld [tilespmem:s17+$0xC9C0]  }
0x2a9: {  	v11 =	vld [tilespmem:s17+$0xC9A0]  }
0x2aa: {  	v12 =	vld [tilespmem:s17+$0xC980]  }
0x2ab: {  	v13 =	vld [tilespmem:s17+$0xC960]  }
0x2ac: {  	v14 =	vld [tilespmem:s17+$0xC940]  }
0x2ad: {  	v15 =	vld [tilespmem:s17+$0xC920]  }
0x2ae: {  	v16 =	vld [tilespmem:s17+$0xC900]  }
0x2af: {  	v17 =	vld [tilespmem:s17+$0xC8E0]  }
0x2b0: {  	v18 =	vld [tilespmem:s17+$0xC8C0]  }
0x2b1: {  	v19 =	vld [tilespmem:s17+$0xC8A0]  }
0x2b2: {  	v20 =	vld [tilespmem:s17+$0xC880]  }
0x2b3: {  	v21 =	vld [tilespmem:s17+$0xC820]  }
0x2b4: {  	v22 =	vld [tilespmem:s17+$0xC860]  }
0x2b5: {  	v23 =	vld [tilespmem:s17+$0xC830]  }
0x2b6: {  	v24 =	vld [tilespmem:s17+$0xC840]  }
0x2b7: {  	v25 =	vld [tilespmem:s17+$0xC800]  }
0x2b8: {  	s11 =	simm.s32 $0x1900;
	v26 =	vld [tilespmem:s17+$0xC810]  }
.LBB2_10:
0x2b9: {  	p0 =	sne.s32 s11, $0x18380;
	v27 =	vld [tilespmem:s17+$0xC850]  }
0x2ba: {  	v28 =	vld [tilespmem:s17+$0xC870]  }
0x2bb: {  	v29 =	vld [tilespmem:s17+$0xC890]  }
0x2bc: {  	v30 =	vld [tilespmem:s17+$0xC8B0]  }
0x2bd: {  	v31 =	vld [tilespmem:s17+$0xC8D0]  }
0x2be: {  	v24 =	vadd.f32 v24, v25;
	v25 =	vadd.f32 v27, v26;
	v26 =	vld [tilespmem:s17+$0xC8F0]  }
0x2bf: {  	v21 =	vadd.f32 v22, v21;
	v22 =	vadd.f32 v28, v23;
	v23 =	vld [tilespmem:s17+$0xC910]  }
0x2c0: {  	v20 =	vadd.f32 v20, v24;
	v24 =	vadd.f32 v29, v25;
	v25 =	vld [tilespmem:s17+$0xC930]  }
0x2c1: {  	v19 =	vadd.f32 v19, v21;
	v21 =	vadd.f32 v30, v22;
	v22 =	vld [tilespmem:s17+$0xC950]  }
0x2c2: {  	v18 =	vadd.f32 v18, v20;
	v20 =	vadd.f32 v31, v24;
	v24 =	vld [tilespmem:s17+$0xC970]  }
0x2c3: {  	v17 =	vadd.f32 v17, v19;
	v19 =	vadd.f32 v26, v21;
	v21 =	vld [tilespmem:s17+$0xC990]  }
0x2c4: {  	v16 =	vadd.f32 v16, v18;
	v18 =	vadd.f32 v23, v20;
	v20 =	vld [tilespmem:s17+$0xC9B0]  }
0x2c5: {  	v15 =	vadd.f32 v15, v17;
	v17 =	vadd.f32 v25, v19;
	v19 =	vld [tilespmem:s17+$0xC9D0]  }
0x2c6: {  	v14 =	vadd.f32 v14, v16;
	v16 =	vadd.f32 v22, v18;
	v18 =	vld [tilespmem:s17+$0xC9F0]  }
0x2c7: {  	v13 =	vadd.f32 v13, v15;
	v15 =	vadd.f32 v24, v17;
	v17 =	vld [tilespmem:s17+$0xCA10]  }
0x2c8: {  	v12 =	vadd.f32 v12, v14;
	v14 =	vadd.f32 v21, v16;
	v16 =	vld [tilespmem:s17+$0xCA30]  }
0x2c9: {  	v11 =	vadd.f32 v11, v13;
	v13 =	vadd.f32 v20, v15;
	v15 =	vld [tilespmem:s17+$0xCA50]  }
0x2ca: {  	v10 =	vadd.f32 v10, v12;
	v12 =	vadd.f32 v19, v14;
	v14 =	vld [tilespmem:s17+$0xCA70]  }
0x2cb: {  	v9 =	vadd.f32 v9, v11;
	v11 =	vadd.f32 v18, v13;
	v13 =	vld [tilespmem:s17+$0xCA90]  }
0x2cc: {  	v8 =	vadd.f32 v8, v10;
	v10 =	vadd.f32 v17, v12;
	v12 =	vld [tilespmem:s17+$0xCAB0]  }
0x2cd: {  	v7 =	vadd.f32 v7, v9;
	v9 =	vadd.f32 v16, v11;
	v11 =	vld [tilespmem:s17+$0xCAD0]  }
0x2ce: {  	v6 =	vadd.f32 v6, v8;
	v8 =	vadd.f32 v15, v10;
	v10 =	vld [tilespmem:s17+$0xCAF0]  }
0x2cf: {  	v5 =	vadd.f32 v5, v7;
	v7 =	vadd.f32 v14, v9;
	v9 =	vld [tilespmem:s17+$0xCB10]  }
0x2d0: {  	v4 =	vadd.f32 v4, v6;
	v6 =	vadd.f32 v13, v8  }
0x2d1: {  	v3 =	vadd.f32 v3, v5;
	v5 =	vadd.f32 v12, v7  }
0x2d2: {  	v2 =	vadd.f32 v2, v4;
	v4 =	vadd.f32 v11, v6  }
0x2d3: {  	v1 =	vadd.f32 v1, v3;
	v3 =	vadd.f32 v10, v5  }
0x2d4: {  	v0 =	vadd.f32 v0, v2;
	v2 =	vadd.f32 v9, v4;
	_ =	sdelay $0x1  }
0x2d5: {  	v1 =	vadd.f32 v3, v1;
	v0 =	vadd.f32 v2, v0;
	_ =	sdelay $0x1  }
0x2d6: {  	v0 =	vadd.f32 v0, v1  }
0x2d7: {  	s13 =	sadd.s32 $0x10, s13  }
0x2d8: {  	s17 =	sshra.s32 s11, $0x2;
	[tilespmem:s13+$0x0] =	vst v0  }
0x2d9: {  	v0 =	vld [tilespmem:s17+$0xCB00]  }
0x2da: {  	v1 =	vld [tilespmem:s17+$0xCAE0]  }
0x2db: {  	v2 =	vld [tilespmem:s17+$0xCAC0]  }
0x2dc: {  	v3 =	vld [tilespmem:s17+$0xCAA0]  }
0x2dd: {  	v4 =	vld [tilespmem:s17+$0xCA80]  }
0x2de: {  	v5 =	vld [tilespmem:s17+$0xCA60]  }
0x2df: {  	v6 =	vld [tilespmem:s17+$0xCA40]  }
0x2e0: {  	v7 =	vld [tilespmem:s17+$0xCA20]  }
0x2e1: {  	v8 =	vld [tilespmem:s17+$0xCA00]  }
0x2e2: {  	v9 =	vld [tilespmem:s17+$0xC9E0]  }
0x2e3: {  	v10 =	vld [tilespmem:s17+$0xC9C0]  }
0x2e4: {  	v11 =	vld [tilespmem:s17+$0xC9A0]  }
0x2e5: {  	v12 =	vld [tilespmem:s17+$0xC980]  }
0x2e6: {  	v13 =	vld [tilespmem:s17+$0xC960]  }
0x2e7: {  	v14 =	vld [tilespmem:s17+$0xC940]  }
0x2e8: {  	v15 =	vld [tilespmem:s17+$0xC920]  }
0x2e9: {  	v16 =	vld [tilespmem:s17+$0xC900]  }
0x2ea: {  	v17 =	vld [tilespmem:s17+$0xC8E0]  }
0x2eb: {  	v18 =	vld [tilespmem:s17+$0xC8C0]  }
0x2ec: {  	v19 =	vld [tilespmem:s17+$0xC8A0]  }
0x2ed: {  	v20 =	vld [tilespmem:s17+$0xC880]  }
0x2ee: {  	v21 =	vld [tilespmem:s17+$0xC820]  }
.Ltmp4:
0x2ef: {  	v22 =	vld [tilespmem:s17+$0xC860];
	(pc) =	sbr.rel @p0 .LBB2_10-.Ltmp4, $4  }
0x2f0: {  	v23 =	vld [tilespmem:s17+$0xC830]  }
0x2f1: {  	v24 =	vld [tilespmem:s17+$0xC840]  }
0x2f2: {  	v25 =	vld [tilespmem:s17+$0xC800]  }
0x2f3: {  	s11 =	sadd.s32 $0xC80, s11;
	v26 =	vld [tilespmem:s17+$0xC810]  }
0x2f4: {  	v27 =	vld [tilespmem:s17+$0xC850]  }
0x2f5: {  	v28 =	vld [tilespmem:s17+$0xC870]  }
0x2f6: {  	v29 =	vld [tilespmem:s17+$0xC890]  }
0x2f7: {  	v30 =	vld [tilespmem:s17+$0xC8B0]  }
0x2f8: {  	v31 =	vld [tilespmem:s17+$0xC8D0]  }
0x2f9: {  	v60 =	vld [tilespmem:s17+$0xC8F0];
	v24 =	vadd.f32 v24, v25;
	v59 =	vadd.f32 v27, v26  }
0x2fa: {  	v21 =	vadd.f32 v22, v21;
	v62 =	vld [tilespmem:s17+$0xC910];
	v61 =	vadd.f32 v28, v23  }
0x2fb: {  	v20 =	vadd.f32 v20, v24;
	v28 =	vld [tilespmem:s17+$0xC930];
	v63 =	vadd.f32 v29, v59  }
0x2fc: {  	v19 =	vadd.f32 v19, v21;
	v29 =	vadd.f32 v30, v61;
	v30 =	vld [tilespmem:s17+$0xC950]  }
0x2fd: {  	v32 =	vld [tilespmem:s17+$0xC970];
	v18 =	vadd.f32 v18, v20;
	v31 =	vadd.f32 v31, v63  }
0x2fe: {  	v34 =	vld [tilespmem:s17+$0xC990];
	v17 =	vadd.f32 v17, v19;
	v33 =	vadd.f32 v60, v29  }
0x2ff: {  	v36 =	vld [tilespmem:s17+$0xC9B0];
	v16 =	vadd.f32 v16, v18;
	v35 =	vadd.f32 v62, v31  }
0x300: {  	v38 =	vld [tilespmem:s17+$0xC9D0];
	v15 =	vadd.f32 v15, v17;
	v37 =	vadd.f32 v28, v33  }
0x301: {  	v40 =	vld [tilespmem:s17+$0xC9F0];
	v14 =	vadd.f32 v14, v16;
	v39 =	vadd.f32 v30, v35  }
0x302: {  	v42 =	vld [tilespmem:s17+$0xCA10];
	v13 =	vadd.f32 v13, v15;
	v41 =	vadd.f32 v32, v37  }
0x303: {  	v44 =	vld [tilespmem:s17+$0xCA30];
	v12 =	vadd.f32 v12, v14;
	v43 =	vadd.f32 v34, v39  }
0x304: {  	v46 =	vld [tilespmem:s17+$0xCA50];
	v11 =	vadd.f32 v11, v13;
	v45 =	vadd.f32 v36, v41  }
0x305: {  	v48 =	vld [tilespmem:s17+$0xCA70];
	v10 =	vadd.f32 v10, v12;
	v47 =	vadd.f32 v38, v43  }
0x306: {  	v50 =	vld [tilespmem:s17+$0xCA90];
	v9 =	vadd.f32 v9, v11;
	v49 =	vadd.f32 v40, v45  }
0x307: {  	v52 =	vld [tilespmem:s17+$0xCAB0];
	v8 =	vadd.f32 v8, v10;
	v51 =	vadd.f32 v42, v47  }
0x308: {  	v54 =	vld [tilespmem:s17+$0xCAD0];
	v7 =	vadd.f32 v7, v9;
	v53 =	vadd.f32 v44, v49  }
0x309: {  	v56 =	vld [tilespmem:s17+$0xCAF0];
	v6 =	vadd.f32 v6, v8;
	v55 =	vadd.f32 v46, v51  }
0x30a: {  	v58 =	vld [tilespmem:s17+$0xCB10];
	v5 =	vadd.f32 v5, v7;
	v57 =	vadd.f32 v48, v53  }
0x30b: {  	v4 =	vadd.f32 v4, v6;
	v59 =	vadd.f32 v50, v55  }
0x30c: {  	v3 =	vadd.f32 v3, v5;
	v60 =	vadd.f32 v52, v57  }
0x30d: {  	v2 =	vadd.f32 v2, v4;
	v61 =	vadd.f32 v54, v59  }
0x30e: {  	v1 =	vadd.f32 v1, v3;
	v62 =	vadd.f32 v56, v60  }
0x30f: {  	v0 =	vadd.f32 v0, v2;
	v63 =	vadd.f32 v58, v61;
	_ =	sdelay $0x1  }
0x310: {  	v1 =	vadd.f32 v62, v1;
	v0 =	vadd.f32 v63, v0;
	_ =	sdelay $0x1  }
0x311: {  	v0 =	vadd.f32 v0, v1  }
0x312: {  	s11 =	sadd.s32 $0x10, s13;
	s21 =	rddreg [dreg:$0x4]  }
0x313: {  	s25 =	simm.s32 $0x12C00;
	s17 =	simm.s32 $0x3;
	[tilespmem:s11+$0x0] =	vst v0;
	s11 =	simm.s32 $0x0  }
0x314: {  	[hbm4b:s21+s11] =	stream.linear.scatter [tilespmem:s25], [sflag:$0x3], $0x2000, $0x38;
	[tilespmem:$0x14C00] =	vst v63  }
0x315: {  	_ =	swait.ge [sflag:s17], $0x2000  }
0x316: {  	s19 =	rddreg [dreg:$0x6]  }
0x317: {  	s30 =	rddreg [dreg:$0x5];
	s19 =	sadd.s32 $0x1, s19  }
0x318: {  	p0 =	sne.s32 s19, s30  }
.Ltmp5:
0x319: {  	_ = 	snop;
	(pc) =	sbr.rel @p0 .LBB2_1-.Ltmp5, $3  }
0x31a: {  	_ =	sdelay $0x1  }
0x31b: {  	[sflag:s17] =	ssyncset.done $0x0  }
0x31c: {  	[sflag:s17] =	ssyncadd.s32 $0xFFFFE000  }
0x31d: {  	_ =	sfence.sel $0x180000  }
0x31e: {  	[bflag:$0x0] =	sbarrier.arrive $0xFFFF  }
0x31f: {  	_ =	strace $0x90000047  }
0x320: {  	s0 =	stileid.u32;
	[bflag:$0x2] =	sbarrier.arrive $0xFFFF  }
0x321: {  	p0 =	sne.s32 s0, $0x0;
	s0 =	rddreg [dreg:$0x2]  }
0x322: {  	s0 =	sadd.s32 @!p0 $0x100000, s0  }
0x323: {  	[sflag:s0] =	ssyncadd.tile.s32 @!p0 $0x1;
	_ =	shalt  }
.Lfunc_end2:
_tile_overlayer_lowered:
.L_overlay_start_2:
0x324: {  	(tag) =	ssettag $0x2  }
0x325: {  	s0 =	rddreg [dreg:$0x0];
	s2 =	stileid.u32  }
0x326: {  	s1 =	rddreg [dreg:$0x1];
	p0 =	sne.s32 s2, $0x0  }
0x327: {  	s3 =	rddreg [dreg:$0x2];
	[bflag:$0x3] =	sbarrier.arrive $0xFFFF;
	s2 =	simm.s32 @!p0 $0x1C03  }
0x328: {  	[timem:s3], [sflag:s2] =	dma.local @!p0 [hbm:s0], s1  }
0x329: {  	s0 =	simm.s32 @!p0 $0x3  }
0x32a: {  	_ =	swait.ge @!p0 [sflag:s0], s1  }
0x32b: {  	s1 =	ssub.s32 @!p0 $0x0, s1;
	[sflag:s0] =	ssyncset.done @!p0 $0x0  }
0x32c: {  	[sflag:s0] =	ssyncadd.s32 @!p0 s1  }
0x32d: {  	[bflag:$0x3] =	sbarrier.arrive $0xFFFF  }
0x32e: {  	_ =	shalt  }

</sc_bundles>
